<compile_context>
chip_gen: v7x
topology: tpu7x:2x2x1
jax: 0.10.2.dev20260603
libtpu: 0.0.44.dev20260713+nightly
codegen_flags: <defaults>
</compile_context>

<pallas_src>
import functools

import jax
import jax.numpy as jnp
from jax import lax
from jax.experimental import pallas as pl
from jax.experimental.pallas import tpu as pltpu
from jax.experimental.pallas import tpu_sc as plsc

_C = 81
_N = 20000
_CB = 128
_MAIN = _N // _CB
_NCH = _MAIN + 1
_TAIL = _N - _MAIN * _CB
_NP = _NCH * _CB
_TCB = 10240
_K1G = -(-_N // _TCB)


def _k1a_argmax(cls_ref, label_ref):
    x = cls_ref[...]
    m = jnp.max(x, axis=0, keepdims=True)
    rows = lax.broadcasted_iota(jnp.int32, x.shape, 0)
    cand = jnp.where(x == m, rows, _C)
    label_ref[...] = jnp.min(cand, axis=0).reshape(1, 1, _TCB)


def _k1b_softmax(cls_ref, score_ref):
    x = cls_ref[...]
    m = jnp.max(x, axis=0, keepdims=True)
    e = jnp.exp(x - m)
    s = jnp.sum(e, axis=0, keepdims=True)
    score_ref[...] = e / s


def _k2_gather(reg_t, label3, deltas, label1d,
               buf0, buf1, tbuf, labv5, dv5, sem0, sem1, seml, semw):
    wid = lax.axis_index("s") * 2 + lax.axis_index("c")
    lanes = lax.iota(jnp.int32, 16)
    bufs = (buf0, buf1)
    sems = (sem0, sem1)

    def lab_src(c):
        return label3.at[c // (_TCB // _CB), 0,
                         pl.ds(_CB * (c % (_TCB // _CB)), _CB)]

    def fetch(k):
        c = wid + 32 * k

        @pl.when(c < _MAIN)
        def _():
            pltpu.async_copy(reg_t.at[:, pl.ds(_CB * c, _CB)],
                             bufs[k % 2], sems[k % 2])

    fetch(0)
    for k in range(5):
        c = wid + 32 * k

        @pl.when(c < _MAIN)
        def _():
            pltpu.async_copy(lab_src(c), labv5.at[k], seml)

    for k in range(5):
        c = wid + 32 * k

        @pl.when(c < _MAIN)
        def _():
            pltpu.make_async_copy(lab_src(c), labv5.at[k], seml).wait()

    for k in range(5):
        c = wid + 32 * k
        if k + 1 < 5:
            fetch(k + 1)

        @pl.when(c < _MAIN)
        def _():
            pltpu.make_async_copy(reg_t.at[:, pl.ds(_CB * c, _CB)],
                                  bufs[k % 2], sems[k % 2]).wait()
            buf = bufs[k % 2]
            for g in range(_CB // 16):
                ln = g * 16 + lanes
                lab = labv5[k, pl.ds(g * 16, 16)]
                for j in range(4):
                    vals = plsc.load_gather(buf, [lab + j * _C, ln])
                    dv5[k, j, pl.ds(g * 16, 16)] = vals
            pltpu.async_copy(dv5.at[k], deltas.at[:, pl.ds(_CB * c, _CB)],
                             semw)
            pltpu.async_copy(labv5.at[k, pl.ds(0, _CB)],
                             label1d.at[pl.ds(_CB * c, _CB)], semw)

    @pl.when(wid == 28)
    def _():
        pltpu.sync_copy(reg_t.at[:, pl.ds(_CB * _MAIN, _TAIL)], tbuf)
        pltpu.sync_copy(lab_src(_MAIN), labv5.at[5, pl.ds(0, _CB)])
        for g in range(_TAIL // 16):
            ln = g * 16 + lanes
            lab = labv5[5, pl.ds(g * 16, 16)]
            for j in range(4):
                vals = plsc.load_gather(tbuf, [lab + j * _C, ln])
                dv5[5, j, pl.ds(g * 16, 16)] = vals
        pltpu.sync_copy(dv5.at[5], deltas.at[:, pl.ds(_CB * _MAIN, _CB)])
        pltpu.sync_copy(labv5.at[5, pl.ds(0, _TAIL)],
                        label1d.at[pl.ds(_CB * _MAIN, _TAIL)])

    for k in range(5):
        c = wid + 32 * k

        @pl.when(c < _MAIN)
        def _():
            pltpu.make_async_copy(dv5.at[k],
                                  deltas.at[:, pl.ds(_CB * c, _CB)],
                                  semw).wait()
            pltpu.make_async_copy(labv5.at[k, pl.ds(0, _CB)],
                                  label1d.at[pl.ds(_CB * c, _CB)],
                                  semw).wait()


@functools.partial(
    pl.kernel,
    mesh=plsc.VectorSubcoreMesh(core_axis_name="c", subcore_axis_name="s"),
    compiler_params=pltpu.CompilerParams(needs_layout_passes=False),
    out_type=[
        jax.ShapeDtypeStruct((4, _NP), jnp.float32),
        jax.ShapeDtypeStruct((_N,), jnp.int32),
    ],
    scratch_types=[
        pltpu.VMEM((4 * _C, _CB), jnp.float32),
        pltpu.VMEM((4 * _C, _CB), jnp.float32),
        pltpu.VMEM((4 * _C, _TAIL), jnp.float32),
        pltpu.VMEM((6, _CB), jnp.int32),
        pltpu.VMEM((6, 4, _CB), jnp.float32),
        pltpu.SemaphoreType.DMA,
        pltpu.SemaphoreType.DMA,
        pltpu.SemaphoreType.DMA,
        pltpu.SemaphoreType.DMA,
    ],
)
def _k2(*refs):
    _k2_gather(*refs)


def _k3_decode(deltas_ref, props_ref, preds_ref):
    d = deltas_ref[:, :_N]
    p = props_ref[...]
    dx = d[0:1] * 0.1
    dy = d[1:2] * 0.1
    dw = d[2:3] * 0.2
    dh = d[3:4] * 0.2
    x1, y1, x2, y2 = p[0:1], p[1:2], p[2:3], p[3:4]
    cx = (x1 + x2) * 0.5
    cy = (y1 + y2) * 0.5
    pw = x2 - x1 + 1.0
    ph = y2 - y1 + 1.0
    gx = cx + pw * dx
    gy = cy + ph * dy
    gw = pw * jnp.exp(dw)
    gh = ph * jnp.exp(dh)
    hw = (gw - 1.0) * 0.5
    hh = (gh - 1.0) * 0.5
    preds_ref[...] = jnp.concatenate(
        [gx - hw, gy - hh, gx + hw, gy + hh], axis=0)


def kernel(props, cls_out, reg_out):
    cls_t = cls_out.T
    label3 = pl.pallas_call(
        _k1a_argmax,
        grid=(_K1G,),
        in_specs=[pl.BlockSpec((_C, _TCB), lambda i: (0, i))],
        out_specs=pl.BlockSpec((1, 1, _TCB), lambda i: (i, 0, 0)),
        out_shape=jax.ShapeDtypeStruct((_K1G, 1, _TCB), jnp.int32),
    )(cls_t)
    score_t = pl.pallas_call(
        _k1b_softmax,
        grid=(_K1G,),
        in_specs=[pl.BlockSpec((_C, _TCB), lambda i: (0, i))],
        out_specs=pl.BlockSpec((_C, _TCB), lambda i: (0, i)),
        out_shape=jax.ShapeDtypeStruct((_C, _N), jnp.float32),
    )(cls_t)

    reg_t = reg_out.T
    deltas, label1d = _k2(reg_t, label3)

    preds = pl.pallas_call(
        _k3_decode,
        in_specs=[
            pl.BlockSpec((4, _NP), lambda: (0, 0)),
            pl.BlockSpec((4, _N), lambda: (0, 0)),
        ],
        out_specs=pl.BlockSpec((4, _N), lambda: (0, 0)),
        out_shape=jax.ShapeDtypeStruct((4, _N), jnp.float32),
    )(deltas, props)

    return (preds, score_t.T, label1d)

# --- scband reference (transcript-rebuilt; emitter-appended) ---
"""Pipeline reference for scband-bbox-head-48679159333306 (READ-ONLY COPY).

The authoritative reference and input builder live on the scoring server;
editing this copy changes nothing except your own understanding.
"""

import jax, jax.numpy as jnp
import numpy as np

NUM_CLASSES = 81
TARGET_MEANS = (0.0, 0.0, 0.0, 0.0)
TARGET_STDS = (0.1, 0.1, 0.2, 0.2)


def setup_inputs(seed: int = 0) -> dict:
    key = jax.random.key(seed)
    k1, k2, k3 = jax.random.split(key, 3)
    N = 20000
    props = jax.random.uniform(k1, (4, N), dtype=jnp.float32)
    cls_out = jax.random.normal(k2, (N, NUM_CLASSES), dtype=jnp.float32)
    reg_out = jax.random.normal(k3, (N, 4 * NUM_CLASSES), dtype=jnp.float32)
    return {"props": props, "cls_out": cls_out, "reg_out": reg_out}


def _param2bbox(props, deltas, means, stds):
    # props: [4, N] as (x1, y1, x2, y2); deltas: [4, N] as (dx, dy, dw, dh)
    means = jnp.asarray(means, dtype=props.dtype).reshape(4, 1)
    stds = jnp.asarray(stds, dtype=props.dtype).reshape(4, 1)
    deltas = deltas * stds + means
    x1, y1, x2, y2 = props[0], props[1], props[2], props[3]
    px = (x1 + x2) * 0.5
    py = (y1 + y2) * 0.5
    pw = x2 - x1 + 1.0
    ph = y2 - y1 + 1.0
    dx, dy, dw, dh = deltas[0], deltas[1], deltas[2], deltas[3]
    gx = px + pw * dx
    gy = py + ph * dy
    gw = pw * jnp.exp(dw)
    gh = ph * jnp.exp(dh)
    nx1 = gx - (gw - 1.0) * 0.5
    ny1 = gy - (gh - 1.0) * 0.5
    nx2 = gx + (gw - 1.0) * 0.5
    ny2 = gy + (gh - 1.0) * 0.5
    return jnp.stack([nx1, ny1, nx2, ny2], axis=0)


def reference(props, cls_out, reg_out):
    # Faithful translation of BBoxHead.predict_bboxes_single_image with
    # img_size=None, cfg=None (no NMS branch), use_sigmoid=False,
    # reg_class_agnostic=False.
    n_props = cls_out.shape[0]
    score = jax.nn.softmax(cls_out, axis=1)          # [N, C]
    label = jnp.argmax(score, axis=1)                # [N]
    reg = reg_out.reshape(-1, 4, NUM_CLASSES)        # [N, 4, C]
    reg = reg[jnp.arange(n_props), :, label]         # [N, 4] class-specific gather
    preds = _param2bbox(props, reg.T, TARGET_MEANS, TARGET_STDS)  # [4, N]
    return (preds, score, label)

if __name__ == "__main__":
    import jax
    _d = setup_inputs()
    print(jax.jit(kernel)(*tuple(_d.values())))

</pallas_src>

<mosaic_0001>
#map = affine_map<(d0, d1) -> (0, 0)>
#map1 = affine_map<(d0, d1) -> (0, 0, 0)>
#map2 = affine_map<(d0, d1) -> (0)>
module attributes {stable_mosaic.version = 14 : i64} {
  func.func @_k2(%arg0: i32, %arg1: i32, %arg2: memref<324x20000xf32, #tpu.memory_space<hbm>>, %arg3: memref<2x1x10240xi32, #tpu.memory_space<hbm>>, %arg4: memref<4x20096xf32, #tpu.memory_space<hbm>>, %arg5: memref<20000xi32, #tpu.memory_space<hbm>>, %arg6: memref<324x128xf32, #tpu.memory_space<vmem>>, %arg7: memref<324x128xf32, #tpu.memory_space<vmem>>, %arg8: memref<324x32xf32, #tpu.memory_space<vmem>>, %arg9: memref<6x128xi32, #tpu.memory_space<vmem>>, %arg10: memref<6x4x128xf32, #tpu.memory_space<vmem>>, %arg11: memref<!tpu.dma_semaphore, #tpu.memory_space<semaphore_mem>>, %arg12: memref<!tpu.dma_semaphore, #tpu.memory_space<semaphore_mem>>, %arg13: memref<!tpu.dma_semaphore, #tpu.memory_space<semaphore_mem>>, %arg14: memref<!tpu.dma_semaphore, #tpu.memory_space<semaphore_mem>>) attributes {dimension_semantics = [#tpu.dimension_semantics<core_parallel>, #tpu.dimension_semantics<subcore_parallel>], iteration_bounds = array<i64: 2, 16>, scalar_prefetch = 0 : i64, scratch_operands = 9 : i64, tpu.core_type = #tpu.core_type<sc_vector_subcore>, window_params = [{transform_indices = #map}, {transform_indices = #map1}, {transform_indices = #map}, {transform_indices = #map2}]} {
    %mul3A = arith.constant 2 : i32
    %mul3A_0 = arith.muli %arg1, %mul3A : i32
    %add3A = arith.addi %mul3A_0, %arg0 : i32
    %iota3A = tpu.iota {dimensions = array<i32: 0>} : vector<16xi32>
    %add3A_1 = arith.constant 0 : i32
    %add3A_2 = arith.addi %add3A, %add3A_1 : i32
    %lt3A = arith.constant 156 : i32
    %lt3A_3 = arith.cmpi slt, %add3A_2, %lt3A : i32
    %convert_element_type3A = arith.extui %lt3A_3 : i1 to i32
    %cond3A = arith.constant 0 : i32
    %cond3A_4 = arith.cmpi ne, %convert_element_type3A, %cond3A : i32
    scf.if %cond3A_4 {
      %mul3A_177 = arith.constant 128 : i32
      %mul3A_178 = arith.muli %mul3A_177, %add3A_2 : i32
      %dma_start3A = arith.constant 0 : i32
      %dma_start3A_179 = tpu.memref_slice %arg2[%dma_start3A, %mul3A_178] : memref<324x20000xf32, #tpu.memory_space<hbm>> -> memref<324x128xf32, #tpu.memory_space<hbm>>
      %dma_start3A_180 = arith.constant 0 : i32
      %dma_start3A_181 = tpu.memref_slice %arg2[%dma_start3A_180, %mul3A_178] : memref<324x20000xf32, #tpu.memory_space<hbm>> -> memref<324x128xf32, #tpu.memory_space<hbm>>
      tpu.enqueue_dma source(%dma_start3A_181 : memref<324x128xf32, #tpu.memory_space<hbm>>) target(%arg6 : memref<324x128xf32, #tpu.memory_space<vmem>>) target_semaphore(%arg11 : memref<!tpu.dma_semaphore, #tpu.memory_space<semaphore_mem>>)
    } else {
    }
    %add3A_5 = arith.constant 0 : i32
    %add3A_6 = arith.addi %add3A, %add3A_5 : i32
    %lt3A_7 = arith.constant 156 : i32
    %lt3A_8 = arith.cmpi slt, %add3A_6, %lt3A_7 : i32
    %convert_element_type3A_9 = arith.extui %lt3A_8 : i1 to i32
    %cond3A_10 = arith.constant 0 : i32
    %cond3A_11 = arith.cmpi ne, %convert_element_type3A_9, %cond3A_10 : i32
    scf.if %cond3A_11 {
      %jit3A = arith.constant 80 : i32
      %div3A = arith.divsi %add3A_6, %jit3A : i32
      %sign3A = arith.constant 0 : i32
      %sign3A_177 = arith.cmpi sgt, %add3A_6, %sign3A : i32
      %sign3A_178 = arith.extui %sign3A_177 : i1 to i32
      %sign3A_179 = arith.constant 0 : i32
      %sign3A_180 = arith.cmpi slt, %add3A_6, %sign3A_179 : i32
      %sign3A_181 = arith.extui %sign3A_180 : i1 to i32
      %sign3A_182 = arith.subi %sign3A_178, %sign3A_181 : i32
      %sign3A_183 = arith.constant 0 : i32
      %sign3A_184 = arith.cmpi sgt, %jit3A, %sign3A_183 : i32
      %sign3A_185 = arith.extui %sign3A_184 : i1 to i32
      %sign3A_186 = arith.constant 0 : i32
      %sign3A_187 = arith.cmpi slt, %jit3A, %sign3A_186 : i32
      %sign3A_188 = arith.extui %sign3A_187 : i1 to i32
      %sign3A_189 = arith.subi %sign3A_185, %sign3A_188 : i32
      %ne3A = arith.cmpi ne, %sign3A_182, %sign3A_189 : i32
      %rem3A = arith.remsi %add3A_6, %jit3A : i32
      %ne3A_190 = arith.constant 0 : i32
      %ne3A_191 = arith.cmpi ne, %rem3A, %ne3A_190 : i32
      %and3A = arith.andi %ne3A, %ne3A_191 : i1
      %sub3A = arith.constant 1 : i32
      %sub3A_192 = arith.subi %div3A, %sub3A : i32
      %select_n3A = arith.select %and3A, %sub3A_192, %div3A : i32
      %jit3A_193 = arith.constant 80 : i32
      %eq3A_194 = arith.constant 0 : i32
      %eq3A_195 = arith.cmpi eq, %jit3A_193, %eq3A_194 : i32
      %jit3A_196 = arith.constant 1 : i32
      %select_n3A_197 = arith.select %eq3A_195, %jit3A_196, %jit3A_193 : i32
      %rem3A_198 = arith.remsi %add3A_6, %select_n3A_197 : i32
      %ne3A_199 = arith.constant 0 : i32
      %ne3A_200 = arith.cmpi ne, %rem3A_198, %ne3A_199 : i32
      %lt3A_201 = arith.constant 0 : i32
      %lt3A_202 = arith.cmpi slt, %rem3A_198, %lt3A_201 : i32
      %lt3A_203 = arith.constant 0 : i32
      %lt3A_204 = arith.cmpi slt, %select_n3A_197, %lt3A_203 : i32
      %ne3A_205 = arith.xori %lt3A_202, %lt3A_204 : i1
      %and3A_206 = arith.andi %ne3A_205, %ne3A_200 : i1
      %add3A_207 = arith.addi %rem3A_198, %select_n3A_197 : i32
      %select_n3A_208 = arith.select %and3A_206, %add3A_207, %rem3A_198 : i32
      %mul3A_209 = arith.constant 128 : i32
      %mul3A_210 = arith.muli %mul3A_209, %select_n3A_208 : i32
      %dma_start3A = arith.constant 0 : i32
      %dma_start3A_211 = arith.constant 0 : i32
      %dma_start3A_212 = arith.constant 0 : i32
      %dma_start3A_213 = tpu.memref_slice %arg9[%dma_start3A_211, %dma_start3A_212] : memref<6x128xi32, #tpu.memory_space<vmem>> -> memref<1x128xi32, #tpu.memory_space<vmem>>
      %dma_start3A_214 = tpu.memref_squeeze %dma_start3A_213 : memref<1x128xi32, #tpu.memory_space<vmem>> -> memref<128xi32, #tpu.memory_space<vmem>>
      %dma_start3A_215 = tpu.memref_slice %arg3[%select_n3A, %dma_start3A, %mul3A_210] : memref<2x1x10240xi32, #tpu.memory_space<hbm>> -> memref<1x1x128xi32, #tpu.memory_space<hbm>>
      %dma_start3A_216 = tpu.memref_squeeze %dma_start3A_215 : memref<1x1x128xi32, #tpu.memory_space<hbm>> -> memref<128xi32, #tpu.memory_space<hbm>>
      %dma_start3A_217 = arith.constant 0 : i32
      %dma_start3A_218 = tpu.memref_slice %arg9[%dma_start3A_211, %dma_start3A_217] : memref<6x128xi32, #tpu.memory_space<vmem>> -> memref<1x128xi32, #tpu.memory_space<vmem>>
      %dma_start3A_219 = tpu.memref_squeeze %dma_start3A_218 : memref<1x128xi32, #tpu.memory_space<vmem>> -> memref<128xi32, #tpu.memory_space<vmem>>
      %dma_start3A_220 = tpu.memref_slice %arg3[%select_n3A, %dma_start3A, %mul3A_210] : memref<2x1x10240xi32, #tpu.memory_space<hbm>> -> memref<1x1x128xi32, #tpu.memory_space<hbm>>
      %dma_start3A_221 = tpu.memref_squeeze %dma_start3A_220 : memref<1x1x128xi32, #tpu.memory_space<hbm>> -> memref<128xi32, #tpu.memory_space<hbm>>
      tpu.enqueue_dma source(%dma_start3A_221 : memref<128xi32, #tpu.memory_space<hbm>>) target(%dma_start3A_219 : memref<128xi32, #tpu.memory_space<vmem>>) target_semaphore(%arg13 : memref<!tpu.dma_semaphore, #tpu.memory_space<semaphore_mem>>)
    } else {
    }
    %add3A_12 = arith.constant 32 : i32
    %add3A_13 = arith.addi %add3A, %add3A_12 : i32
    %lt3A_14 = arith.constant 156 : i32
    %lt3A_15 = arith.cmpi slt, %add3A_13, %lt3A_14 : i32
    %convert_element_type3A_16 = arith.extui %lt3A_15 : i1 to i32
    %cond3A_17 = arith.constant 0 : i32
    %cond3A_18 = arith.cmpi ne, %convert_element_type3A_16, %cond3A_17 : i32
    scf.if %cond3A_18 {
      %jit3A = arith.constant 80 : i32
      %div3A = arith.divsi %add3A_13, %jit3A : i32
      %sign3A = arith.constant 0 : i32
      %sign3A_177 = arith.cmpi sgt, %add3A_13, %sign3A : i32
      %sign3A_178 = arith.extui %sign3A_177 : i1 to i32
      %sign3A_179 = arith.constant 0 : i32
      %sign3A_180 = arith.cmpi slt, %add3A_13, %sign3A_179 : i32
      %sign3A_181 = arith.extui %sign3A_180 : i1 to i32
      %sign3A_182 = arith.subi %sign3A_178, %sign3A_181 : i32
      %sign3A_183 = arith.constant 0 : i32
      %sign3A_184 = arith.cmpi sgt, %jit3A, %sign3A_183 : i32
      %sign3A_185 = arith.extui %sign3A_184 : i1 to i32
      %sign3A_186 = arith.constant 0 : i32
      %sign3A_187 = arith.cmpi slt, %jit3A, %sign3A_186 : i32
      %sign3A_188 = arith.extui %sign3A_187 : i1 to i32
      %sign3A_189 = arith.subi %sign3A_185, %sign3A_188 : i32
      %ne3A = arith.cmpi ne, %sign3A_182, %sign3A_189 : i32
      %rem3A = arith.remsi %add3A_13, %jit3A : i32
      %ne3A_190 = arith.constant 0 : i32
      %ne3A_191 = arith.cmpi ne, %rem3A, %ne3A_190 : i32
      %and3A = arith.andi %ne3A, %ne3A_191 : i1
      %sub3A = arith.constant 1 : i32
      %sub3A_192 = arith.subi %div3A, %sub3A : i32
      %select_n3A = arith.select %and3A, %sub3A_192, %div3A : i32
      %jit3A_193 = arith.constant 80 : i32
      %eq3A_194 = arith.constant 0 : i32
      %eq3A_195 = arith.cmpi eq, %jit3A_193, %eq3A_194 : i32
      %jit3A_196 = arith.constant 1 : i32
      %select_n3A_197 = arith.select %eq3A_195, %jit3A_196, %jit3A_193 : i32
      %rem3A_198 = arith.remsi %add3A_13, %select_n3A_197 : i32
      %ne3A_199 = arith.constant 0 : i32
      %ne3A_200 = arith.cmpi ne, %rem3A_198, %ne3A_199 : i32
      %lt3A_201 = arith.constant 0 : i32
      %lt3A_202 = arith.cmpi slt, %rem3A_198, %lt3A_201 : i32
      %lt3A_203 = arith.constant 0 : i32
      %lt3A_204 = arith.cmpi slt, %select_n3A_197, %lt3A_203 : i32
      %ne3A_205 = arith.xori %lt3A_202, %lt3A_204 : i1
      %and3A_206 = arith.andi %ne3A_205, %ne3A_200 : i1
      %add3A_207 = arith.addi %rem3A_198, %select_n3A_197 : i32
      %select_n3A_208 = arith.select %and3A_206, %add3A_207, %rem3A_198 : i32
      %mul3A_209 = arith.constant 128 : i32
      %mul3A_210 = arith.muli %mul3A_209, %select_n3A_208 : i32
      %dma_start3A = arith.constant 0 : i32
      %dma_start3A_211 = arith.constant 1 : i32
      %dma_start3A_212 = arith.constant 0 : i32
      %dma_start3A_213 = tpu.memref_slice %arg9[%dma_start3A_211, %dma_start3A_212] : memref<6x128xi32, #tpu.memory_space<vmem>> -> memref<1x128xi32, #tpu.memory_space<vmem>>
      %dma_start3A_214 = tpu.memref_squeeze %dma_start3A_213 : memref<1x128xi32, #tpu.memory_space<vmem>> -> memref<128xi32, #tpu.memory_space<vmem>>
      %dma_start3A_215 = tpu.memref_slice %arg3[%select_n3A, %dma_start3A, %mul3A_210] : memref<2x1x10240xi32, #tpu.memory_space<hbm>> -> memref<1x1x128xi32, #tpu.memory_space<hbm>>
      %dma_start3A_216 = tpu.memref_squeeze %dma_start3A_215 : memref<1x1x128xi32, #tpu.memory_space<hbm>> -> memref<128xi32, #tpu.memory_space<hbm>>
      %dma_start3A_217 = arith.constant 0 : i32
      %dma_start3A_218 = tpu.memref_slice %arg9[%dma_start3A_211, %dma_start3A_217] : memref<6x128xi32, #tpu.memory_space<vmem>> -> memref<1x128xi32, #tpu.memory_space<vmem>>
      %dma_start3A_219 = tpu.memref_squeeze %dma_start3A_218 : memref<1x128xi32, #tpu.memory_space<vmem>> -> memref<128xi32, #tpu.memory_space<vmem>>
      %dma_start3A_220 = tpu.memref_slice %arg3[%select_n3A, %dma_start3A, %mul3A_210] : memref<2x1x10240xi32, #tpu.memory_space<hbm>> -> memref<1x1x128xi32, #tpu.memory_space<hbm>>
      %dma_start3A_221 = tpu.memref_squeeze %dma_start3A_220 : memref<1x1x128xi32, #tpu.memory_space<hbm>> -> memref<128xi32, #tpu.memory_space<hbm>>
      tpu.enqueue_dma source(%dma_start3A_221 : memref<128xi32, #tpu.memory_space<hbm>>) target(%dma_start3A_219 : memref<128xi32, #tpu.memory_space<vmem>>) target_semaphore(%arg13 : memref<!tpu.dma_semaphore, #tpu.memory_space<semaphore_mem>>)
    } else {
    }
    %add3A_19 = arith.constant 64 : i32
    %add3A_20 = arith.addi %add3A, %add3A_19 : i32
    %lt3A_21 = arith.constant 156 : i32
    %lt3A_22 = arith.cmpi slt, %add3A_20, %lt3A_21 : i32
    %convert_element_type3A_23 = arith.extui %lt3A_22 : i1 to i32
    %cond3A_24 = arith.constant 0 : i32
    %cond3A_25 = arith.cmpi ne, %convert_element_type3A_23, %cond3A_24 : i32
    scf.if %cond3A_25 {
      %jit3A = arith.constant 80 : i32
      %div3A = arith.divsi %add3A_20, %jit3A : i32
      %sign3A = arith.constant 0 : i32
      %sign3A_177 = arith.cmpi sgt, %add3A_20, %sign3A : i32
      %sign3A_178 = arith.extui %sign3A_177 : i1 to i32
      %sign3A_179 = arith.constant 0 : i32
      %sign3A_180 = arith.cmpi slt, %add3A_20, %sign3A_179 : i32
      %sign3A_181 = arith.extui %sign3A_180 : i1 to i32
      %sign3A_182 = arith.subi %sign3A_178, %sign3A_181 : i32
      %sign3A_183 = arith.constant 0 : i32
      %sign3A_184 = arith.cmpi sgt, %jit3A, %sign3A_183 : i32
      %sign3A_185 = arith.extui %sign3A_184 : i1 to i32
      %sign3A_186 = arith.constant 0 : i32
      %sign3A_187 = arith.cmpi slt, %jit3A, %sign3A_186 : i32
      %sign3A_188 = arith.extui %sign3A_187 : i1 to i32
      %sign3A_189 = arith.subi %sign3A_185, %sign3A_188 : i32
      %ne3A = arith.cmpi ne, %sign3A_182, %sign3A_189 : i32
      %rem3A = arith.remsi %add3A_20, %jit3A : i32
      %ne3A_190 = arith.constant 0 : i32
      %ne3A_191 = arith.cmpi ne, %rem3A, %ne3A_190 : i32
      %and3A = arith.andi %ne3A, %ne3A_191 : i1
      %sub3A = arith.constant 1 : i32
      %sub3A_192 = arith.subi %div3A, %sub3A : i32
      %select_n3A = arith.select %and3A, %sub3A_192, %div3A : i32
      %jit3A_193 = arith.constant 80 : i32
      %eq3A_194 = arith.constant 0 : i32
      %eq3A_195 = arith.cmpi eq, %jit3A_193, %eq3A_194 : i32
      %jit3A_196 = arith.constant 1 : i32
      %select_n3A_197 = arith.select %eq3A_195, %jit3A_196, %jit3A_193 : i32
      %rem3A_198 = arith.remsi %add3A_20, %select_n3A_197 : i32
      %ne3A_199 = arith.constant 0 : i32
      %ne3A_200 = arith.cmpi ne, %rem3A_198, %ne3A_199 : i32
      %lt3A_201 = arith.constant 0 : i32
      %lt3A_202 = arith.cmpi slt, %rem3A_198, %lt3A_201 : i32
      %lt3A_203 = arith.constant 0 : i32
      %lt3A_204 = arith.cmpi slt, %select_n3A_197, %lt3A_203 : i32
      %ne3A_205 = arith.xori %lt3A_202, %lt3A_204 : i1
      %and3A_206 = arith.andi %ne3A_205, %ne3A_200 : i1
      %add3A_207 = arith.addi %rem3A_198, %select_n3A_197 : i32
      %select_n3A_208 = arith.select %and3A_206, %add3A_207, %rem3A_198 : i32
      %mul3A_209 = arith.constant 128 : i32
      %mul3A_210 = arith.muli %mul3A_209, %select_n3A_208 : i32
      %dma_start3A = arith.constant 0 : i32
      %dma_start3A_211 = arith.constant 2 : i32
      %dma_start3A_212 = arith.constant 0 : i32
      %dma_start3A_213 = tpu.memref_slice %arg9[%dma_start3A_211, %dma_start3A_212] : memref<6x128xi32, #tpu.memory_space<vmem>> -> memref<1x128xi32, #tpu.memory_space<vmem>>
      %dma_start3A_214 = tpu.memref_squeeze %dma_start3A_213 : memref<1x128xi32, #tpu.memory_space<vmem>> -> memref<128xi32, #tpu.memory_space<vmem>>
      %dma_start3A_215 = tpu.memref_slice %arg3[%select_n3A, %dma_start3A, %mul3A_210] : memref<2x1x10240xi32, #tpu.memory_space<hbm>> -> memref<1x1x128xi32, #tpu.memory_space<hbm>>
      %dma_start3A_216 = tpu.memref_squeeze %dma_start3A_215 : memref<1x1x128xi32, #tpu.memory_space<hbm>> -> memref<128xi32, #tpu.memory_space<hbm>>
      %dma_start3A_217 = arith.constant 0 : i32
      %dma_start3A_218 = tpu.memref_slice %arg9[%dma_start3A_211, %dma_start3A_217] : memref<6x128xi32, #tpu.memory_space<vmem>> -> memref<1x128xi32, #tpu.memory_space<vmem>>
      %dma_start3A_219 = tpu.memref_squeeze %dma_start3A_218 : memref<1x128xi32, #tpu.memory_space<vmem>> -> memref<128xi32, #tpu.memory_space<vmem>>
      %dma_start3A_220 = tpu.memref_slice %arg3[%select_n3A, %dma_start3A, %mul3A_210] : memref<2x1x10240xi32, #tpu.memory_space<hbm>> -> memref<1x1x128xi32, #tpu.memory_space<hbm>>
      %dma_start3A_221 = tpu.memref_squeeze %dma_start3A_220 : memref<1x1x128xi32, #tpu.memory_space<hbm>> -> memref<128xi32, #tpu.memory_space<hbm>>
      tpu.enqueue_dma source(%dma_start3A_221 : memref<128xi32, #tpu.memory_space<hbm>>) target(%dma_start3A_219 : memref<128xi32, #tpu.memory_space<vmem>>) target_semaphore(%arg13 : memref<!tpu.dma_semaphore, #tpu.memory_space<semaphore_mem>>)
    } else {
    }
    %add3A_26 = arith.constant 96 : i32
    %add3A_27 = arith.addi %add3A, %add3A_26 : i32
    %lt3A_28 = arith.constant 156 : i32
    %lt3A_29 = arith.cmpi slt, %add3A_27, %lt3A_28 : i32
    %convert_element_type3A_30 = arith.extui %lt3A_29 : i1 to i32
    %cond3A_31 = arith.constant 0 : i32
    %cond3A_32 = arith.cmpi ne, %convert_element_type3A_30, %cond3A_31 : i32
    scf.if %cond3A_32 {
      %jit3A = arith.constant 80 : i32
      %div3A = arith.divsi %add3A_27, %jit3A : i32
      %sign3A = arith.constant 0 : i32
      %sign3A_177 = arith.cmpi sgt, %add3A_27, %sign3A : i32
      %sign3A_178 = arith.extui %sign3A_177 : i1 to i32
      %sign3A_179 = arith.constant 0 : i32
      %sign3A_180 = arith.cmpi slt, %add3A_27, %sign3A_179 : i32
      %sign3A_181 = arith.extui %sign3A_180 : i1 to i32
      %sign3A_182 = arith.subi %sign3A_178, %sign3A_181 : i32
      %sign3A_183 = arith.constant 0 : i32
      %sign3A_184 = arith.cmpi sgt, %jit3A, %sign3A_183 : i32
      %sign3A_185 = arith.extui %sign3A_184 : i1 to i32
      %sign3A_186 = arith.constant 0 : i32
      %sign3A_187 = arith.cmpi slt, %jit3A, %sign3A_186 : i32
      %sign3A_188 = arith.extui %sign3A_187 : i1 to i32
      %sign3A_189 = arith.subi %sign3A_185, %sign3A_188 : i32
      %ne3A = arith.cmpi ne, %sign3A_182, %sign3A_189 : i32
      %rem3A = arith.remsi %add3A_27, %jit3A : i32
      %ne3A_190 = arith.constant 0 : i32
      %ne3A_191 = arith.cmpi ne, %rem3A, %ne3A_190 : i32
      %and3A = arith.andi %ne3A, %ne3A_191 : i1
      %sub3A = arith.constant 1 : i32
      %sub3A_192 = arith.subi %div3A, %sub3A : i32
      %select_n3A = arith.select %and3A, %sub3A_192, %div3A : i32
      %jit3A_193 = arith.constant 80 : i32
      %eq3A_194 = arith.constant 0 : i32
      %eq3A_195 = arith.cmpi eq, %jit3A_193, %eq3A_194 : i32
      %jit3A_196 = arith.constant 1 : i32
      %select_n3A_197 = arith.select %eq3A_195, %jit3A_196, %jit3A_193 : i32
      %rem3A_198 = arith.remsi %add3A_27, %select_n3A_197 : i32
      %ne3A_199 = arith.constant 0 : i32
      %ne3A_200 = arith.cmpi ne, %rem3A_198, %ne3A_199 : i32
      %lt3A_201 = arith.constant 0 : i32
      %lt3A_202 = arith.cmpi slt, %rem3A_198, %lt3A_201 : i32
      %lt3A_203 = arith.constant 0 : i32
      %lt3A_204 = arith.cmpi slt, %select_n3A_197, %lt3A_203 : i32
      %ne3A_205 = arith.xori %lt3A_202, %lt3A_204 : i1
      %and3A_206 = arith.andi %ne3A_205, %ne3A_200 : i1
      %add3A_207 = arith.addi %rem3A_198, %select_n3A_197 : i32
      %select_n3A_208 = arith.select %and3A_206, %add3A_207, %rem3A_198 : i32
      %mul3A_209 = arith.constant 128 : i32
      %mul3A_210 = arith.muli %mul3A_209, %select_n3A_208 : i32
      %dma_start3A = arith.constant 0 : i32
      %dma_start3A_211 = arith.constant 3 : i32
      %dma_start3A_212 = arith.constant 0 : i32
      %dma_start3A_213 = tpu.memref_slice %arg9[%dma_start3A_211, %dma_start3A_212] : memref<6x128xi32, #tpu.memory_space<vmem>> -> memref<1x128xi32, #tpu.memory_space<vmem>>
      %dma_start3A_214 = tpu.memref_squeeze %dma_start3A_213 : memref<1x128xi32, #tpu.memory_space<vmem>> -> memref<128xi32, #tpu.memory_space<vmem>>
      %dma_start3A_215 = tpu.memref_slice %arg3[%select_n3A, %dma_start3A, %mul3A_210] : memref<2x1x10240xi32, #tpu.memory_space<hbm>> -> memref<1x1x128xi32, #tpu.memory_space<hbm>>
      %dma_start3A_216 = tpu.memref_squeeze %dma_start3A_215 : memref<1x1x128xi32, #tpu.memory_space<hbm>> -> memref<128xi32, #tpu.memory_space<hbm>>
      %dma_start3A_217 = arith.constant 0 : i32
      %dma_start3A_218 = tpu.memref_slice %arg9[%dma_start3A_211, %dma_start3A_217] : memref<6x128xi32, #tpu.memory_space<vmem>> -> memref<1x128xi32, #tpu.memory_space<vmem>>
      %dma_start3A_219 = tpu.memref_squeeze %dma_start3A_218 : memref<1x128xi32, #tpu.memory_space<vmem>> -> memref<128xi32, #tpu.memory_space<vmem>>
      %dma_start3A_220 = tpu.memref_slice %arg3[%select_n3A, %dma_start3A, %mul3A_210] : memref<2x1x10240xi32, #tpu.memory_space<hbm>> -> memref<1x1x128xi32, #tpu.memory_space<hbm>>
      %dma_start3A_221 = tpu.memref_squeeze %dma_start3A_220 : memref<1x1x128xi32, #tpu.memory_space<hbm>> -> memref<128xi32, #tpu.memory_space<hbm>>
      tpu.enqueue_dma source(%dma_start3A_221 : memref<128xi32, #tpu.memory_space<hbm>>) target(%dma_start3A_219 : memref<128xi32, #tpu.memory_space<vmem>>) target_semaphore(%arg13 : memref<!tpu.dma_semaphore, #tpu.memory_space<semaphore_mem>>)
    } else {
    }
    %add3A_33 = arith.constant 128 : i32
    %add3A_34 = arith.addi %add3A, %add3A_33 : i32
    %lt3A_35 = arith.constant 156 : i32
    %lt3A_36 = arith.cmpi slt, %add3A_34, %lt3A_35 : i32
    %convert_element_type3A_37 = arith.extui %lt3A_36 : i1 to i32
    %cond3A_38 = arith.constant 0 : i32
    %cond3A_39 = arith.cmpi ne, %convert_element_type3A_37, %cond3A_38 : i32
    scf.if %cond3A_39 {
      %jit3A = arith.constant 80 : i32
      %div3A = arith.divsi %add3A_34, %jit3A : i32
      %sign3A = arith.constant 0 : i32
      %sign3A_177 = arith.cmpi sgt, %add3A_34, %sign3A : i32
      %sign3A_178 = arith.extui %sign3A_177 : i1 to i32
      %sign3A_179 = arith.constant 0 : i32
      %sign3A_180 = arith.cmpi slt, %add3A_34, %sign3A_179 : i32
      %sign3A_181 = arith.extui %sign3A_180 : i1 to i32
      %sign3A_182 = arith.subi %sign3A_178, %sign3A_181 : i32
      %sign3A_183 = arith.constant 0 : i32
      %sign3A_184 = arith.cmpi sgt, %jit3A, %sign3A_183 : i32
      %sign3A_185 = arith.extui %sign3A_184 : i1 to i32
      %sign3A_186 = arith.constant 0 : i32
      %sign3A_187 = arith.cmpi slt, %jit3A, %sign3A_186 : i32
      %sign3A_188 = arith.extui %sign3A_187 : i1 to i32
      %sign3A_189 = arith.subi %sign3A_185, %sign3A_188 : i32
      %ne3A = arith.cmpi ne, %sign3A_182, %sign3A_189 : i32
      %rem3A = arith.remsi %add3A_34, %jit3A : i32
      %ne3A_190 = arith.constant 0 : i32
      %ne3A_191 = arith.cmpi ne, %rem3A, %ne3A_190 : i32
      %and3A = arith.andi %ne3A, %ne3A_191 : i1
      %sub3A = arith.constant 1 : i32
      %sub3A_192 = arith.subi %div3A, %sub3A : i32
      %select_n3A = arith.select %and3A, %sub3A_192, %div3A : i32
      %jit3A_193 = arith.constant 80 : i32
      %eq3A_194 = arith.constant 0 : i32
      %eq3A_195 = arith.cmpi eq, %jit3A_193, %eq3A_194 : i32
      %jit3A_196 = arith.constant 1 : i32
      %select_n3A_197 = arith.select %eq3A_195, %jit3A_196, %jit3A_193 : i32
      %rem3A_198 = arith.remsi %add3A_34, %select_n3A_197 : i32
      %ne3A_199 = arith.constant 0 : i32
      %ne3A_200 = arith.cmpi ne, %rem3A_198, %ne3A_199 : i32
      %lt3A_201 = arith.constant 0 : i32
      %lt3A_202 = arith.cmpi slt, %rem3A_198, %lt3A_201 : i32
      %lt3A_203 = arith.constant 0 : i32
      %lt3A_204 = arith.cmpi slt, %select_n3A_197, %lt3A_203 : i32
      %ne3A_205 = arith.xori %lt3A_202, %lt3A_204 : i1
      %and3A_206 = arith.andi %ne3A_205, %ne3A_200 : i1
      %add3A_207 = arith.addi %rem3A_198, %select_n3A_197 : i32
      %select_n3A_208 = arith.select %and3A_206, %add3A_207, %rem3A_198 : i32
      %mul3A_209 = arith.constant 128 : i32
      %mul3A_210 = arith.muli %mul3A_209, %select_n3A_208 : i32
      %dma_start3A = arith.constant 0 : i32
      %dma_start3A_211 = arith.constant 4 : i32
      %dma_start3A_212 = arith.constant 0 : i32
      %dma_start3A_213 = tpu.memref_slice %arg9[%dma_start3A_211, %dma_start3A_212] : memref<6x128xi32, #tpu.memory_space<vmem>> -> memref<1x128xi32, #tpu.memory_space<vmem>>
      %dma_start3A_214 = tpu.memref_squeeze %dma_start3A_213 : memref<1x128xi32, #tpu.memory_space<vmem>> -> memref<128xi32, #tpu.memory_space<vmem>>
      %dma_start3A_215 = tpu.memref_slice %arg3[%select_n3A, %dma_start3A, %mul3A_210] : memref<2x1x10240xi32, #tpu.memory_space<hbm>> -> memref<1x1x128xi32, #tpu.memory_space<hbm>>
      %dma_start3A_216 = tpu.memref_squeeze %dma_start3A_215 : memref<1x1x128xi32, #tpu.memory_space<hbm>> -> memref<128xi32, #tpu.memory_space<hbm>>
      %dma_start3A_217 = arith.constant 0 : i32
      %dma_start3A_218 = tpu.memref_slice %arg9[%dma_start3A_211, %dma_start3A_217] : memref<6x128xi32, #tpu.memory_space<vmem>> -> memref<1x128xi32, #tpu.memory_space<vmem>>
      %dma_start3A_219 = tpu.memref_squeeze %dma_start3A_218 : memref<1x128xi32, #tpu.memory_space<vmem>> -> memref<128xi32, #tpu.memory_space<vmem>>
      %dma_start3A_220 = tpu.memref_slice %arg3[%select_n3A, %dma_start3A, %mul3A_210] : memref<2x1x10240xi32, #tpu.memory_space<hbm>> -> memref<1x1x128xi32, #tpu.memory_space<hbm>>
      %dma_start3A_221 = tpu.memref_squeeze %dma_start3A_220 : memref<1x1x128xi32, #tpu.memory_space<hbm>> -> memref<128xi32, #tpu.memory_space<hbm>>
      tpu.enqueue_dma source(%dma_start3A_221 : memref<128xi32, #tpu.memory_space<hbm>>) target(%dma_start3A_219 : memref<128xi32, #tpu.memory_space<vmem>>) target_semaphore(%arg13 : memref<!tpu.dma_semaphore, #tpu.memory_space<semaphore_mem>>)
    } else {
    }
    %add3A_40 = arith.constant 0 : i32
    %add3A_41 = arith.addi %add3A, %add3A_40 : i32
    %lt3A_42 = arith.constant 156 : i32
    %lt3A_43 = arith.cmpi slt, %add3A_41, %lt3A_42 : i32
    %convert_element_type3A_44 = arith.extui %lt3A_43 : i1 to i32
    %cond3A_45 = arith.constant 0 : i32
    %cond3A_46 = arith.cmpi ne, %convert_element_type3A_44, %cond3A_45 : i32
    scf.if %cond3A_46 {
      %jit3A = arith.constant 80 : i32
      %div3A = arith.divsi %add3A_41, %jit3A : i32
      %sign3A = arith.constant 0 : i32
      %sign3A_177 = arith.cmpi sgt, %add3A_41, %sign3A : i32
      %sign3A_178 = arith.extui %sign3A_177 : i1 to i32
      %sign3A_179 = arith.constant 0 : i32
      %sign3A_180 = arith.cmpi slt, %add3A_41, %sign3A_179 : i32
      %sign3A_181 = arith.extui %sign3A_180 : i1 to i32
      %sign3A_182 = arith.subi %sign3A_178, %sign3A_181 : i32
      %sign3A_183 = arith.constant 0 : i32
      %sign3A_184 = arith.cmpi sgt, %jit3A, %sign3A_183 : i32
      %sign3A_185 = arith.extui %sign3A_184 : i1 to i32
      %sign3A_186 = arith.constant 0 : i32
      %sign3A_187 = arith.cmpi slt, %jit3A, %sign3A_186 : i32
      %sign3A_188 = arith.extui %sign3A_187 : i1 to i32
      %sign3A_189 = arith.subi %sign3A_185, %sign3A_188 : i32
      %ne3A = arith.cmpi ne, %sign3A_182, %sign3A_189 : i32
      %rem3A = arith.remsi %add3A_41, %jit3A : i32
      %ne3A_190 = arith.constant 0 : i32
      %ne3A_191 = arith.cmpi ne, %rem3A, %ne3A_190 : i32
      %and3A = arith.andi %ne3A, %ne3A_191 : i1
      %sub3A = arith.constant 1 : i32
      %sub3A_192 = arith.subi %div3A, %sub3A : i32
      %select_n3A = arith.select %and3A, %sub3A_192, %div3A : i32
      %jit3A_193 = arith.constant 80 : i32
      %eq3A_194 = arith.constant 0 : i32
      %eq3A_195 = arith.cmpi eq, %jit3A_193, %eq3A_194 : i32
      %jit3A_196 = arith.constant 1 : i32
      %select_n3A_197 = arith.select %eq3A_195, %jit3A_196, %jit3A_193 : i32
      %rem3A_198 = arith.remsi %add3A_41, %select_n3A_197 : i32
      %ne3A_199 = arith.constant 0 : i32
      %ne3A_200 = arith.cmpi ne, %rem3A_198, %ne3A_199 : i32
      %lt3A_201 = arith.constant 0 : i32
      %lt3A_202 = arith.cmpi slt, %rem3A_198, %lt3A_201 : i32
      %lt3A_203 = arith.constant 0 : i32
      %lt3A_204 = arith.cmpi slt, %select_n3A_197, %lt3A_203 : i32
      %ne3A_205 = arith.xori %lt3A_202, %lt3A_204 : i1
      %and3A_206 = arith.andi %ne3A_205, %ne3A_200 : i1
      %add3A_207 = arith.addi %rem3A_198, %select_n3A_197 : i32
      %select_n3A_208 = arith.select %and3A_206, %add3A_207, %rem3A_198 : i32
      %mul3A_209 = arith.constant 128 : i32
      %mul3A_210 = arith.muli %mul3A_209, %select_n3A_208 : i32
      %dma_wait3A = arith.constant 0 : i32
      %dma_wait3A_211 = arith.constant 0 : i32
      %dma_wait3A_212 = arith.constant 0 : i32
      %dma_wait3A_213 = tpu.memref_slice %arg9[%dma_wait3A_211, %dma_wait3A_212] : memref<6x128xi32, #tpu.memory_space<vmem>> -> memref<1x128xi32, #tpu.memory_space<vmem>>
      %dma_wait3A_214 = tpu.memref_squeeze %dma_wait3A_213 : memref<1x128xi32, #tpu.memory_space<vmem>> -> memref<128xi32, #tpu.memory_space<vmem>>
      %dma_wait3A_215 = tpu.memref_slice %arg3[%select_n3A, %dma_wait3A, %mul3A_210] : memref<2x1x10240xi32, #tpu.memory_space<hbm>> -> memref<1x1x128xi32, #tpu.memory_space<hbm>>
      %dma_wait3A_216 = tpu.memref_squeeze %dma_wait3A_215 : memref<1x1x128xi32, #tpu.memory_space<hbm>> -> memref<128xi32, #tpu.memory_space<hbm>>
      %dma_wait3A_217 = arith.constant 0 : i32
      %dma_wait3A_218 = tpu.memref_slice %arg9[%dma_wait3A_211, %dma_wait3A_217] : memref<6x128xi32, #tpu.memory_space<vmem>> -> memref<1x128xi32, #tpu.memory_space<vmem>>
      %dma_wait3A_219 = tpu.memref_squeeze %dma_wait3A_218 : memref<1x128xi32, #tpu.memory_space<vmem>> -> memref<128xi32, #tpu.memory_space<vmem>>
      %dma_wait3A_220 = tpu.memref_slice %arg3[%select_n3A, %dma_wait3A, %mul3A_210] : memref<2x1x10240xi32, #tpu.memory_space<hbm>> -> memref<1x1x128xi32, #tpu.memory_space<hbm>>
      %dma_wait3A_221 = tpu.memref_squeeze %dma_wait3A_220 : memref<1x1x128xi32, #tpu.memory_space<hbm>> -> memref<128xi32, #tpu.memory_space<hbm>>
      tpu.wait_dma2 semaphore(%arg13 : memref<!tpu.dma_semaphore, #tpu.memory_space<semaphore_mem>>) src(%dma_wait3A_221 : memref<128xi32, #tpu.memory_space<hbm>>) dst(%dma_wait3A_219 : memref<128xi32, #tpu.memory_space<vmem>>)
    } else {
    }
    %add3A_47 = arith.constant 32 : i32
    %add3A_48 = arith.addi %add3A, %add3A_47 : i32
    %lt3A_49 = arith.constant 156 : i32
    %lt3A_50 = arith.cmpi slt, %add3A_48, %lt3A_49 : i32
    %convert_element_type3A_51 = arith.extui %lt3A_50 : i1 to i32
    %cond3A_52 = arith.constant 0 : i32
    %cond3A_53 = arith.cmpi ne, %convert_element_type3A_51, %cond3A_52 : i32
    scf.if %cond3A_53 {
      %jit3A = arith.constant 80 : i32
      %div3A = arith.divsi %add3A_48, %jit3A : i32
      %sign3A = arith.constant 0 : i32
      %sign3A_177 = arith.cmpi sgt, %add3A_48, %sign3A : i32
      %sign3A_178 = arith.extui %sign3A_177 : i1 to i32
      %sign3A_179 = arith.constant 0 : i32
      %sign3A_180 = arith.cmpi slt, %add3A_48, %sign3A_179 : i32
      %sign3A_181 = arith.extui %sign3A_180 : i1 to i32
      %sign3A_182 = arith.subi %sign3A_178, %sign3A_181 : i32
      %sign3A_183 = arith.constant 0 : i32
      %sign3A_184 = arith.cmpi sgt, %jit3A, %sign3A_183 : i32
      %sign3A_185 = arith.extui %sign3A_184 : i1 to i32
      %sign3A_186 = arith.constant 0 : i32
      %sign3A_187 = arith.cmpi slt, %jit3A, %sign3A_186 : i32
      %sign3A_188 = arith.extui %sign3A_187 : i1 to i32
      %sign3A_189 = arith.subi %sign3A_185, %sign3A_188 : i32
      %ne3A = arith.cmpi ne, %sign3A_182, %sign3A_189 : i32
      %rem3A = arith.remsi %add3A_48, %jit3A : i32
      %ne3A_190 = arith.constant 0 : i32
      %ne3A_191 = arith.cmpi ne, %rem3A, %ne3A_190 : i32
      %and3A = arith.andi %ne3A, %ne3A_191 : i1
      %sub3A = arith.constant 1 : i32
      %sub3A_192 = arith.subi %div3A, %sub3A : i32
      %select_n3A = arith.select %and3A, %sub3A_192, %div3A : i32
      %jit3A_193 = arith.constant 80 : i32
      %eq3A_194 = arith.constant 0 : i32
      %eq3A_195 = arith.cmpi eq, %jit3A_193, %eq3A_194 : i32
      %jit3A_196 = arith.constant 1 : i32
      %select_n3A_197 = arith.select %eq3A_195, %jit3A_196, %jit3A_193 : i32
      %rem3A_198 = arith.remsi %add3A_48, %select_n3A_197 : i32
      %ne3A_199 = arith.constant 0 : i32
      %ne3A_200 = arith.cmpi ne, %rem3A_198, %ne3A_199 : i32
      %lt3A_201 = arith.constant 0 : i32
      %lt3A_202 = arith.cmpi slt, %rem3A_198, %lt3A_201 : i32
      %lt3A_203 = arith.constant 0 : i32
      %lt3A_204 = arith.cmpi slt, %select_n3A_197, %lt3A_203 : i32
      %ne3A_205 = arith.xori %lt3A_202, %lt3A_204 : i1
      %and3A_206 = arith.andi %ne3A_205, %ne3A_200 : i1
      %add3A_207 = arith.addi %rem3A_198, %select_n3A_197 : i32
      %select_n3A_208 = arith.select %and3A_206, %add3A_207, %rem3A_198 : i32
      %mul3A_209 = arith.constant 128 : i32
      %mul3A_210 = arith.muli %mul3A_209, %select_n3A_208 : i32
      %dma_wait3A = arith.constant 0 : i32
      %dma_wait3A_211 = arith.constant 1 : i32
      %dma_wait3A_212 = arith.constant 0 : i32
      %dma_wait3A_213 = tpu.memref_slice %arg9[%dma_wait3A_211, %dma_wait3A_212] : memref<6x128xi32, #tpu.memory_space<vmem>> -> memref<1x128xi32, #tpu.memory_space<vmem>>
      %dma_wait3A_214 = tpu.memref_squeeze %dma_wait3A_213 : memref<1x128xi32, #tpu.memory_space<vmem>> -> memref<128xi32, #tpu.memory_space<vmem>>
      %dma_wait3A_215 = tpu.memref_slice %arg3[%select_n3A, %dma_wait3A, %mul3A_210] : memref<2x1x10240xi32, #tpu.memory_space<hbm>> -> memref<1x1x128xi32, #tpu.memory_space<hbm>>
      %dma_wait3A_216 = tpu.memref_squeeze %dma_wait3A_215 : memref<1x1x128xi32, #tpu.memory_space<hbm>> -> memref<128xi32, #tpu.memory_space<hbm>>
      %dma_wait3A_217 = arith.constant 0 : i32
      %dma_wait3A_218 = tpu.memref_slice %arg9[%dma_wait3A_211, %dma_wait3A_217] : memref<6x128xi32, #tpu.memory_space<vmem>> -> memref<1x128xi32, #tpu.memory_space<vmem>>
      %dma_wait3A_219 = tpu.memref_squeeze %dma_wait3A_218 : memref<1x128xi32, #tpu.memory_space<vmem>> -> memref<128xi32, #tpu.memory_space<vmem>>
      %dma_wait3A_220 = tpu.memref_slice %arg3[%select_n3A, %dma_wait3A, %mul3A_210] : memref<2x1x10240xi32, #tpu.memory_space<hbm>> -> memref<1x1x128xi32, #tpu.memory_space<hbm>>
      %dma_wait3A_221 = tpu.memref_squeeze %dma_wait3A_220 : memref<1x1x128xi32, #tpu.memory_space<hbm>> -> memref<128xi32, #tpu.memory_space<hbm>>
      tpu.wait_dma2 semaphore(%arg13 : memref<!tpu.dma_semaphore, #tpu.memory_space<semaphore_mem>>) src(%dma_wait3A_221 : memref<128xi32, #tpu.memory_space<hbm>>) dst(%dma_wait3A_219 : memref<128xi32, #tpu.memory_space<vmem>>)
    } else {
    }
    %add3A_54 = arith.constant 64 : i32
    %add3A_55 = arith.addi %add3A, %add3A_54 : i32
    %lt3A_56 = arith.constant 156 : i32
    %lt3A_57 = arith.cmpi slt, %add3A_55, %lt3A_56 : i32
    %convert_element_type3A_58 = arith.extui %lt3A_57 : i1 to i32
    %cond3A_59 = arith.constant 0 : i32
    %cond3A_60 = arith.cmpi ne, %convert_element_type3A_58, %cond3A_59 : i32
    scf.if %cond3A_60 {
      %jit3A = arith.constant 80 : i32
      %div3A = arith.divsi %add3A_55, %jit3A : i32
      %sign3A = arith.constant 0 : i32
      %sign3A_177 = arith.cmpi sgt, %add3A_55, %sign3A : i32
      %sign3A_178 = arith.extui %sign3A_177 : i1 to i32
      %sign3A_179 = arith.constant 0 : i32
      %sign3A_180 = arith.cmpi slt, %add3A_55, %sign3A_179 : i32
      %sign3A_181 = arith.extui %sign3A_180 : i1 to i32
      %sign3A_182 = arith.subi %sign3A_178, %sign3A_181 : i32
      %sign3A_183 = arith.constant 0 : i32
      %sign3A_184 = arith.cmpi sgt, %jit3A, %sign3A_183 : i32
      %sign3A_185 = arith.extui %sign3A_184 : i1 to i32
      %sign3A_186 = arith.constant 0 : i32
      %sign3A_187 = arith.cmpi slt, %jit3A, %sign3A_186 : i32
      %sign3A_188 = arith.extui %sign3A_187 : i1 to i32
      %sign3A_189 = arith.subi %sign3A_185, %sign3A_188 : i32
      %ne3A = arith.cmpi ne, %sign3A_182, %sign3A_189 : i32
      %rem3A = arith.remsi %add3A_55, %jit3A : i32
      %ne3A_190 = arith.constant 0 : i32
      %ne3A_191 = arith.cmpi ne, %rem3A, %ne3A_190 : i32
      %and3A = arith.andi %ne3A, %ne3A_191 : i1
      %sub3A = arith.constant 1 : i32
      %sub3A_192 = arith.subi %div3A, %sub3A : i32
      %select_n3A = arith.select %and3A, %sub3A_192, %div3A : i32
      %jit3A_193 = arith.constant 80 : i32
      %eq3A_194 = arith.constant 0 : i32
      %eq3A_195 = arith.cmpi eq, %jit3A_193, %eq3A_194 : i32
      %jit3A_196 = arith.constant 1 : i32
      %select_n3A_197 = arith.select %eq3A_195, %jit3A_196, %jit3A_193 : i32
      %rem3A_198 = arith.remsi %add3A_55, %select_n3A_197 : i32
      %ne3A_199 = arith.constant 0 : i32
      %ne3A_200 = arith.cmpi ne, %rem3A_198, %ne3A_199 : i32
      %lt3A_201 = arith.constant 0 : i32
      %lt3A_202 = arith.cmpi slt, %rem3A_198, %lt3A_201 : i32
      %lt3A_203 = arith.constant 0 : i32
      %lt3A_204 = arith.cmpi slt, %select_n3A_197, %lt3A_203 : i32
      %ne3A_205 = arith.xori %lt3A_202, %lt3A_204 : i1
      %and3A_206 = arith.andi %ne3A_205, %ne3A_200 : i1
      %add3A_207 = arith.addi %rem3A_198, %select_n3A_197 : i32
      %select_n3A_208 = arith.select %and3A_206, %add3A_207, %rem3A_198 : i32
      %mul3A_209 = arith.constant 128 : i32
      %mul3A_210 = arith.muli %mul3A_209, %select_n3A_208 : i32
      %dma_wait3A = arith.constant 0 : i32
      %dma_wait3A_211 = arith.constant 2 : i32
      %dma_wait3A_212 = arith.constant 0 : i32
      %dma_wait3A_213 = tpu.memref_slice %arg9[%dma_wait3A_211, %dma_wait3A_212] : memref<6x128xi32, #tpu.memory_space<vmem>> -> memref<1x128xi32, #tpu.memory_space<vmem>>
      %dma_wait3A_214 = tpu.memref_squeeze %dma_wait3A_213 : memref<1x128xi32, #tpu.memory_space<vmem>> -> memref<128xi32, #tpu.memory_space<vmem>>
      %dma_wait3A_215 = tpu.memref_slice %arg3[%select_n3A, %dma_wait3A, %mul3A_210] : memref<2x1x10240xi32, #tpu.memory_space<hbm>> -> memref<1x1x128xi32, #tpu.memory_space<hbm>>
      %dma_wait3A_216 = tpu.memref_squeeze %dma_wait3A_215 : memref<1x1x128xi32, #tpu.memory_space<hbm>> -> memref<128xi32, #tpu.memory_space<hbm>>
      %dma_wait3A_217 = arith.constant 0 : i32
      %dma_wait3A_218 = tpu.memref_slice %arg9[%dma_wait3A_211, %dma_wait3A_217] : memref<6x128xi32, #tpu.memory_space<vmem>> -> memref<1x128xi32, #tpu.memory_space<vmem>>
      %dma_wait3A_219 = tpu.memref_squeeze %dma_wait3A_218 : memref<1x128xi32, #tpu.memory_space<vmem>> -> memref<128xi32, #tpu.memory_space<vmem>>
      %dma_wait3A_220 = tpu.memref_slice %arg3[%select_n3A, %dma_wait3A, %mul3A_210] : memref<2x1x10240xi32, #tpu.memory_space<hbm>> -> memref<1x1x128xi32, #tpu.memory_space<hbm>>
      %dma_wait3A_221 = tpu.memref_squeeze %dma_wait3A_220 : memref<1x1x128xi32, #tpu.memory_space<hbm>> -> memref<128xi32, #tpu.memory_space<hbm>>
      tpu.wait_dma2 semaphore(%arg13 : memref<!tpu.dma_semaphore, #tpu.memory_space<semaphore_mem>>) src(%dma_wait3A_221 : memref<128xi32, #tpu.memory_space<hbm>>) dst(%dma_wait3A_219 : memref<128xi32, #tpu.memory_space<vmem>>)
    } else {
    }
    %add3A_61 = arith.constant 96 : i32
    %add3A_62 = arith.addi %add3A, %add3A_61 : i32
    %lt3A_63 = arith.constant 156 : i32
    %lt3A_64 = arith.cmpi slt, %add3A_62, %lt3A_63 : i32
    %convert_element_type3A_65 = arith.extui %lt3A_64 : i1 to i32
    %cond3A_66 = arith.constant 0 : i32
    %cond3A_67 = arith.cmpi ne, %convert_element_type3A_65, %cond3A_66 : i32
    scf.if %cond3A_67 {
      %jit3A = arith.constant 80 : i32
      %div3A = arith.divsi %add3A_62, %jit3A : i32
      %sign3A = arith.constant 0 : i32
      %sign3A_177 = arith.cmpi sgt, %add3A_62, %sign3A : i32
      %sign3A_178 = arith.extui %sign3A_177 : i1 to i32
      %sign3A_179 = arith.constant 0 : i32
      %sign3A_180 = arith.cmpi slt, %add3A_62, %sign3A_179 : i32
      %sign3A_181 = arith.extui %sign3A_180 : i1 to i32
      %sign3A_182 = arith.subi %sign3A_178, %sign3A_181 : i32
      %sign3A_183 = arith.constant 0 : i32
      %sign3A_184 = arith.cmpi sgt, %jit3A, %sign3A_183 : i32
      %sign3A_185 = arith.extui %sign3A_184 : i1 to i32
      %sign3A_186 = arith.constant 0 : i32
      %sign3A_187 = arith.cmpi slt, %jit3A, %sign3A_186 : i32
      %sign3A_188 = arith.extui %sign3A_187 : i1 to i32
      %sign3A_189 = arith.subi %sign3A_185, %sign3A_188 : i32
      %ne3A = arith.cmpi ne, %sign3A_182, %sign3A_189 : i32
      %rem3A = arith.remsi %add3A_62, %jit3A : i32
      %ne3A_190 = arith.constant 0 : i32
      %ne3A_191 = arith.cmpi ne, %rem3A, %ne3A_190 : i32
      %and3A = arith.andi %ne3A, %ne3A_191 : i1
      %sub3A = arith.constant 1 : i32
      %sub3A_192 = arith.subi %div3A, %sub3A : i32
      %select_n3A = arith.select %and3A, %sub3A_192, %div3A : i32
      %jit3A_193 = arith.constant 80 : i32
      %eq3A_194 = arith.constant 0 : i32
      %eq3A_195 = arith.cmpi eq, %jit3A_193, %eq3A_194 : i32
      %jit3A_196 = arith.constant 1 : i32
      %select_n3A_197 = arith.select %eq3A_195, %jit3A_196, %jit3A_193 : i32
      %rem3A_198 = arith.remsi %add3A_62, %select_n3A_197 : i32
      %ne3A_199 = arith.constant 0 : i32
      %ne3A_200 = arith.cmpi ne, %rem3A_198, %ne3A_199 : i32
      %lt3A_201 = arith.constant 0 : i32
      %lt3A_202 = arith.cmpi slt, %rem3A_198, %lt3A_201 : i32
      %lt3A_203 = arith.constant 0 : i32
      %lt3A_204 = arith.cmpi slt, %select_n3A_197, %lt3A_203 : i32
      %ne3A_205 = arith.xori %lt3A_202, %lt3A_204 : i1
      %and3A_206 = arith.andi %ne3A_205, %ne3A_200 : i1
      %add3A_207 = arith.addi %rem3A_198, %select_n3A_197 : i32
      %select_n3A_208 = arith.select %and3A_206, %add3A_207, %rem3A_198 : i32
      %mul3A_209 = arith.constant 128 : i32
      %mul3A_210 = arith.muli %mul3A_209, %select_n3A_208 : i32
      %dma_wait3A = arith.constant 0 : i32
      %dma_wait3A_211 = arith.constant 3 : i32
      %dma_wait3A_212 = arith.constant 0 : i32
      %dma_wait3A_213 = tpu.memref_slice %arg9[%dma_wait3A_211, %dma_wait3A_212] : memref<6x128xi32, #tpu.memory_space<vmem>> -> memref<1x128xi32, #tpu.memory_space<vmem>>
      %dma_wait3A_214 = tpu.memref_squeeze %dma_wait3A_213 : memref<1x128xi32, #tpu.memory_space<vmem>> -> memref<128xi32, #tpu.memory_space<vmem>>
      %dma_wait3A_215 = tpu.memref_slice %arg3[%select_n3A, %dma_wait3A, %mul3A_210] : memref<2x1x10240xi32, #tpu.memory_space<hbm>> -> memref<1x1x128xi32, #tpu.memory_space<hbm>>
      %dma_wait3A_216 = tpu.memref_squeeze %dma_wait3A_215 : memref<1x1x128xi32, #tpu.memory_space<hbm>> -> memref<128xi32, #tpu.memory_space<hbm>>
      %dma_wait3A_217 = arith.constant 0 : i32
      %dma_wait3A_218 = tpu.memref_slice %arg9[%dma_wait3A_211, %dma_wait3A_217] : memref<6x128xi32, #tpu.memory_space<vmem>> -> memref<1x128xi32, #tpu.memory_space<vmem>>
      %dma_wait3A_219 = tpu.memref_squeeze %dma_wait3A_218 : memref<1x128xi32, #tpu.memory_space<vmem>> -> memref<128xi32, #tpu.memory_space<vmem>>
      %dma_wait3A_220 = tpu.memref_slice %arg3[%select_n3A, %dma_wait3A, %mul3A_210] : memref<2x1x10240xi32, #tpu.memory_space<hbm>> -> memref<1x1x128xi32, #tpu.memory_space<hbm>>
      %dma_wait3A_221 = tpu.memref_squeeze %dma_wait3A_220 : memref<1x1x128xi32, #tpu.memory_space<hbm>> -> memref<128xi32, #tpu.memory_space<hbm>>
      tpu.wait_dma2 semaphore(%arg13 : memref<!tpu.dma_semaphore, #tpu.memory_space<semaphore_mem>>) src(%dma_wait3A_221 : memref<128xi32, #tpu.memory_space<hbm>>) dst(%dma_wait3A_219 : memref<128xi32, #tpu.memory_space<vmem>>)
    } else {
    }
    %add3A_68 = arith.constant 128 : i32
    %add3A_69 = arith.addi %add3A, %add3A_68 : i32
    %lt3A_70 = arith.constant 156 : i32
    %lt3A_71 = arith.cmpi slt, %add3A_69, %lt3A_70 : i32
    %convert_element_type3A_72 = arith.extui %lt3A_71 : i1 to i32
    %cond3A_73 = arith.constant 0 : i32
    %cond3A_74 = arith.cmpi ne, %convert_element_type3A_72, %cond3A_73 : i32
    scf.if %cond3A_74 {
      %jit3A = arith.constant 80 : i32
      %div3A = arith.divsi %add3A_69, %jit3A : i32
      %sign3A = arith.constant 0 : i32
      %sign3A_177 = arith.cmpi sgt, %add3A_69, %sign3A : i32
      %sign3A_178 = arith.extui %sign3A_177 : i1 to i32
      %sign3A_179 = arith.constant 0 : i32
      %sign3A_180 = arith.cmpi slt, %add3A_69, %sign3A_179 : i32
      %sign3A_181 = arith.extui %sign3A_180 : i1 to i32
      %sign3A_182 = arith.subi %sign3A_178, %sign3A_181 : i32
      %sign3A_183 = arith.constant 0 : i32
      %sign3A_184 = arith.cmpi sgt, %jit3A, %sign3A_183 : i32
      %sign3A_185 = arith.extui %sign3A_184 : i1 to i32
      %sign3A_186 = arith.constant 0 : i32
      %sign3A_187 = arith.cmpi slt, %jit3A, %sign3A_186 : i32
      %sign3A_188 = arith.extui %sign3A_187 : i1 to i32
      %sign3A_189 = arith.subi %sign3A_185, %sign3A_188 : i32
      %ne3A = arith.cmpi ne, %sign3A_182, %sign3A_189 : i32
      %rem3A = arith.remsi %add3A_69, %jit3A : i32
      %ne3A_190 = arith.constant 0 : i32
      %ne3A_191 = arith.cmpi ne, %rem3A, %ne3A_190 : i32
      %and3A = arith.andi %ne3A, %ne3A_191 : i1
      %sub3A = arith.constant 1 : i32
      %sub3A_192 = arith.subi %div3A, %sub3A : i32
      %select_n3A = arith.select %and3A, %sub3A_192, %div3A : i32
      %jit3A_193 = arith.constant 80 : i32
      %eq3A_194 = arith.constant 0 : i32
      %eq3A_195 = arith.cmpi eq, %jit3A_193, %eq3A_194 : i32
      %jit3A_196 = arith.constant 1 : i32
      %select_n3A_197 = arith.select %eq3A_195, %jit3A_196, %jit3A_193 : i32
      %rem3A_198 = arith.remsi %add3A_69, %select_n3A_197 : i32
      %ne3A_199 = arith.constant 0 : i32
      %ne3A_200 = arith.cmpi ne, %rem3A_198, %ne3A_199 : i32
      %lt3A_201 = arith.constant 0 : i32
      %lt3A_202 = arith.cmpi slt, %rem3A_198, %lt3A_201 : i32
      %lt3A_203 = arith.constant 0 : i32
      %lt3A_204 = arith.cmpi slt, %select_n3A_197, %lt3A_203 : i32
      %ne3A_205 = arith.xori %lt3A_202, %lt3A_204 : i1
      %and3A_206 = arith.andi %ne3A_205, %ne3A_200 : i1
      %add3A_207 = arith.addi %rem3A_198, %select_n3A_197 : i32
      %select_n3A_208 = arith.select %and3A_206, %add3A_207, %rem3A_198 : i32
      %mul3A_209 = arith.constant 128 : i32
      %mul3A_210 = arith.muli %mul3A_209, %select_n3A_208 : i32
      %dma_wait3A = arith.constant 0 : i32
      %dma_wait3A_211 = arith.constant 4 : i32
      %dma_wait3A_212 = arith.constant 0 : i32
      %dma_wait3A_213 = tpu.memref_slice %arg9[%dma_wait3A_211, %dma_wait3A_212] : memref<6x128xi32, #tpu.memory_space<vmem>> -> memref<1x128xi32, #tpu.memory_space<vmem>>
      %dma_wait3A_214 = tpu.memref_squeeze %dma_wait3A_213 : memref<1x128xi32, #tpu.memory_space<vmem>> -> memref<128xi32, #tpu.memory_space<vmem>>
      %dma_wait3A_215 = tpu.memref_slice %arg3[%select_n3A, %dma_wait3A, %mul3A_210] : memref<2x1x10240xi32, #tpu.memory_space<hbm>> -> memref<1x1x128xi32, #tpu.memory_space<hbm>>
      %dma_wait3A_216 = tpu.memref_squeeze %dma_wait3A_215 : memref<1x1x128xi32, #tpu.memory_space<hbm>> -> memref<128xi32, #tpu.memory_space<hbm>>
      %dma_wait3A_217 = arith.constant 0 : i32
      %dma_wait3A_218 = tpu.memref_slice %arg9[%dma_wait3A_211, %dma_wait3A_217] : memref<6x128xi32, #tpu.memory_space<vmem>> -> memref<1x128xi32, #tpu.memory_space<vmem>>
      %dma_wait3A_219 = tpu.memref_squeeze %dma_wait3A_218 : memref<1x128xi32, #tpu.memory_space<vmem>> -> memref<128xi32, #tpu.memory_space<vmem>>
      %dma_wait3A_220 = tpu.memref_slice %arg3[%select_n3A, %dma_wait3A, %mul3A_210] : memref<2x1x10240xi32, #tpu.memory_space<hbm>> -> memref<1x1x128xi32, #tpu.memory_space<hbm>>
      %dma_wait3A_221 = tpu.memref_squeeze %dma_wait3A_220 : memref<1x1x128xi32, #tpu.memory_space<hbm>> -> memref<128xi32, #tpu.memory_space<hbm>>
      tpu.wait_dma2 semaphore(%arg13 : memref<!tpu.dma_semaphore, #tpu.memory_space<semaphore_mem>>) src(%dma_wait3A_221 : memref<128xi32, #tpu.memory_space<hbm>>) dst(%dma_wait3A_219 : memref<128xi32, #tpu.memory_space<vmem>>)
    } else {
    }
    %add3A_75 = arith.constant 0 : i32
    %add3A_76 = arith.addi %add3A, %add3A_75 : i32
    %add3A_77 = arith.constant 32 : i32
    %add3A_78 = arith.addi %add3A, %add3A_77 : i32
    %lt3A_79 = arith.constant 156 : i32
    %lt3A_80 = arith.cmpi slt, %add3A_78, %lt3A_79 : i32
    %convert_element_type3A_81 = arith.extui %lt3A_80 : i1 to i32
    %cond3A_82 = arith.constant 0 : i32
    %cond3A_83 = arith.cmpi ne, %convert_element_type3A_81, %cond3A_82 : i32
    scf.if %cond3A_83 {
      %mul3A_177 = arith.constant 128 : i32
      %mul3A_178 = arith.muli %mul3A_177, %add3A_78 : i32
      %dma_start3A = arith.constant 0 : i32
      %dma_start3A_179 = tpu.memref_slice %arg2[%dma_start3A, %mul3A_178] : memref<324x20000xf32, #tpu.memory_space<hbm>> -> memref<324x128xf32, #tpu.memory_space<hbm>>
      %dma_start3A_180 = arith.constant 0 : i32
      %dma_start3A_181 = tpu.memref_slice %arg2[%dma_start3A_180, %mul3A_178] : memref<324x20000xf32, #tpu.memory_space<hbm>> -> memref<324x128xf32, #tpu.memory_space<hbm>>
      tpu.enqueue_dma source(%dma_start3A_181 : memref<324x128xf32, #tpu.memory_space<hbm>>) target(%arg7 : memref<324x128xf32, #tpu.memory_space<vmem>>) target_semaphore(%arg12 : memref<!tpu.dma_semaphore, #tpu.memory_space<semaphore_mem>>)
    } else {
    }
    %lt3A_84 = arith.constant 156 : i32
    %lt3A_85 = arith.cmpi slt, %add3A_76, %lt3A_84 : i32
    %convert_element_type3A_86 = arith.extui %lt3A_85 : i1 to i32
    %cond3A_87 = arith.constant 0 : i32
    %cond3A_88 = arith.cmpi ne, %convert_element_type3A_86, %cond3A_87 : i32
    scf.if %cond3A_88 {
      %mul3A_177 = arith.constant 128 : i32
      %mul3A_178 = arith.muli %mul3A_177, %add3A_76 : i32
      %dma_wait3A = arith.constant 0 : i32
      %dma_wait3A_179 = tpu.memref_slice %arg2[%dma_wait3A, %mul3A_178] : memref<324x20000xf32, #tpu.memory_space<hbm>> -> memref<324x128xf32, #tpu.memory_space<hbm>>
      %dma_wait3A_180 = arith.constant 0 : i32
      %dma_wait3A_181 = tpu.memref_slice %arg2[%dma_wait3A_180, %mul3A_178] : memref<324x20000xf32, #tpu.memory_space<hbm>> -> memref<324x128xf32, #tpu.memory_space<hbm>>
      tpu.wait_dma2 semaphore(%arg11 : memref<!tpu.dma_semaphore, #tpu.memory_space<semaphore_mem>>) src(%dma_wait3A_181 : memref<324x128xf32, #tpu.memory_space<hbm>>) dst(%arg6 : memref<324x128xf32, #tpu.memory_space<vmem>>)
      %add3A_182 = arith.constant 0 : i32
      %add3A_183 = vector.broadcast %add3A_182 : i32 to vector<16xi32>
      %add3A_184 = arith.addi %add3A_183, %iota3A : vector<16xi32>
      %get3A = arith.constant 0 : i32
      %get3A_185 = arith.index_cast %get3A : i32 to index
      %get3A_186 = arith.constant 0 : index
      %get3A_187 = tpu.vector_load %arg9[%get3A_185, %get3A_186] {strides = array<i32>} : memref<6x128xi32, #tpu.memory_space<vmem>>, vector<16xi32>,
      %add3A_188 = arith.constant 0 : i32
      %add3A_189 = vector.broadcast %add3A_188 : i32 to vector<16xi32>
      %add3A_190 = arith.addi %get3A_187, %add3A_189 : vector<16xi32>
      %gather3A = tpu.vector_load_idx %arg6[%add3A_190, %add3A_184] : memref<324x128xf32, #tpu.memory_space<vmem>>[vector<16xi32>, vector<16xi32>], vector<16xf32>,
      %swap3A = arith.constant 0 : i32
      %swap3A_191 = arith.constant 0 : i32
      %swap3A_192 = arith.index_cast %swap3A : i32 to index
      %swap3A_193 = arith.index_cast %swap3A_191 : i32 to index
      %swap3A_194 = arith.constant 0 : index
      %swap3A_195 = tpu.vector_load %arg10[%swap3A_192, %swap3A_193, %swap3A_194] {strides = array<i32>} : memref<6x4x128xf32, #tpu.memory_space<vmem>>, vector<16xf32>,
      tpu.vector_store %arg10[%swap3A_192, %swap3A_193, %swap3A_194], %gather3A {strides = array<i32>} : memref<6x4x128xf32, #tpu.memory_space<vmem>>, vector<16xf32>,
      %add3A_196 = arith.constant 81 : i32
      %add3A_197 = vector.broadcast %add3A_196 : i32 to vector<16xi32>
      %add3A_198 = arith.addi %get3A_187, %add3A_197 : vector<16xi32>
      %gather3A_199 = tpu.vector_load_idx %arg6[%add3A_198, %add3A_184] : memref<324x128xf32, #tpu.memory_space<vmem>>[vector<16xi32>, vector<16xi32>], vector<16xf32>,
      %swap3A_200 = arith.constant 0 : i32
      %swap3A_201 = arith.constant 1 : i32
      %swap3A_202 = arith.index_cast %swap3A_200 : i32 to index
      %swap3A_203 = arith.index_cast %swap3A_201 : i32 to index
      %swap3A_204 = arith.constant 0 : index
      %swap3A_205 = tpu.vector_load %arg10[%swap3A_202, %swap3A_203, %swap3A_204] {strides = array<i32>} : memref<6x4x128xf32, #tpu.memory_space<vmem>>, vector<16xf32>,
      tpu.vector_store %arg10[%swap3A_202, %swap3A_203, %swap3A_204], %gather3A_199 {strides = array<i32>} : memref<6x4x128xf32, #tpu.memory_space<vmem>>, vector<16xf32>,
      %add3A_206 = arith.constant 162 : i32
      %add3A_207 = vector.broadcast %add3A_206 : i32 to vector<16xi32>
      %add3A_208 = arith.addi %get3A_187, %add3A_207 : vector<16xi32>
      %gather3A_209 = tpu.vector_load_idx %arg6[%add3A_208, %add3A_184] : memref<324x128xf32, #tpu.memory_space<vmem>>[vector<16xi32>, vector<16xi32>], vector<16xf32>,
      %swap3A_210 = arith.constant 0 : i32
      %swap3A_211 = arith.constant 2 : i32
      %swap3A_212 = arith.index_cast %swap3A_210 : i32 to index
      %swap3A_213 = arith.index_cast %swap3A_211 : i32 to index
      %swap3A_214 = arith.constant 0 : index
      %swap3A_215 = tpu.vector_load %arg10[%swap3A_212, %swap3A_213, %swap3A_214] {strides = array<i32>} : memref<6x4x128xf32, #tpu.memory_space<vmem>>, vector<16xf32>,
      tpu.vector_store %arg10[%swap3A_212, %swap3A_213, %swap3A_214], %gather3A_209 {strides = array<i32>} : memref<6x4x128xf32, #tpu.memory_space<vmem>>, vector<16xf32>,
      %add3A_216 = arith.constant 243 : i32
      %add3A_217 = vector.broadcast %add3A_216 : i32 to vector<16xi32>
      %add3A_218 = arith.addi %get3A_187, %add3A_217 : vector<16xi32>
      %gather3A_219 = tpu.vector_load_idx %arg6[%add3A_218, %add3A_184] : memref<324x128xf32, #tpu.memory_space<vmem>>[vector<16xi32>, vector<16xi32>], vector<16xf32>,
      %swap3A_220 = arith.constant 0 : i32
      %swap3A_221 = arith.constant 3 : i32
      %swap3A_222 = arith.index_cast %swap3A_220 : i32 to index
      %swap3A_223 = arith.index_cast %swap3A_221 : i32 to index
      %swap3A_224 = arith.constant 0 : index
      %swap3A_225 = tpu.vector_load %arg10[%swap3A_222, %swap3A_223, %swap3A_224] {strides = array<i32>} : memref<6x4x128xf32, #tpu.memory_space<vmem>>, vector<16xf32>,
      tpu.vector_store %arg10[%swap3A_222, %swap3A_223, %swap3A_224], %gather3A_219 {strides = array<i32>} : memref<6x4x128xf32, #tpu.memory_space<vmem>>, vector<16xf32>,
      %add3A_226 = arith.constant 16 : i32
      %add3A_227 = vector.broadcast %add3A_226 : i32 to vector<16xi32>
      %add3A_228 = arith.addi %add3A_227, %iota3A : vector<16xi32>
      %get3A_229 = arith.constant 0 : i32
      %get3A_230 = arith.index_cast %get3A_229 : i32 to index
      %get3A_231 = arith.constant 16 : index
      %get3A_232 = tpu.vector_load %arg9[%get3A_230, %get3A_231] {strides = array<i32>} : memref<6x128xi32, #tpu.memory_space<vmem>>, vector<16xi32>,
      %add3A_233 = arith.constant 0 : i32
      %add3A_234 = vector.broadcast %add3A_233 : i32 to vector<16xi32>
      %add3A_235 = arith.addi %get3A_232, %add3A_234 : vector<16xi32>
      %gather3A_236 = tpu.vector_load_idx %arg6[%add3A_235, %add3A_228] : memref<324x128xf32, #tpu.memory_space<vmem>>[vector<16xi32>, vector<16xi32>], vector<16xf32>,
      %swap3A_237 = arith.constant 0 : i32
      %swap3A_238 = arith.constant 0 : i32
      %swap3A_239 = arith.index_cast %swap3A_237 : i32 to index
      %swap3A_240 = arith.index_cast %swap3A_238 : i32 to index
      %swap3A_241 = arith.constant 16 : index
      %swap3A_242 = tpu.vector_load %arg10[%swap3A_239, %swap3A_240, %swap3A_241] {strides = array<i32>} : memref<6x4x128xf32, #tpu.memory_space<vmem>>, vector<16xf32>,
      tpu.vector_store %arg10[%swap3A_239, %swap3A_240, %swap3A_241], %gather3A_236 {strides = array<i32>} : memref<6x4x128xf32, #tpu.memory_space<vmem>>, vector<16xf32>,
      %add3A_243 = arith.constant 81 : i32
      %add3A_244 = vector.broadcast %add3A_243 : i32 to vector<16xi32>
      %add3A_245 = arith.addi %get3A_232, %add3A_244 : vector<16xi32>
      %gather3A_246 = tpu.vector_load_idx %arg6[%add3A_245, %add3A_228] : memref<324x128xf32, #tpu.memory_space<vmem>>[vector<16xi32>, vector<16xi32>], vector<16xf32>,
      %swap3A_247 = arith.constant 0 : i32
      %swap3A_248 = arith.constant 1 : i32
      %swap3A_249 = arith.index_cast %swap3A_247 : i32 to index
      %swap3A_250 = arith.index_cast %swap3A_248 : i32 to index
      %swap3A_251 = arith.constant 16 : index
      %swap3A_252 = tpu.vector_load %arg10[%swap3A_249, %swap3A_250, %swap3A_251] {strides = array<i32>} : memref<6x4x128xf32, #tpu.memory_space<vmem>>, vector<16xf32>,
      tpu.vector_store %arg10[%swap3A_249, %swap3A_250, %swap3A_251], %gather3A_246 {strides = array<i32>} : memref<6x4x128xf32, #tpu.memory_space<vmem>>, vector<16xf32>,
      %add3A_253 = arith.constant 162 : i32
      %add3A_254 = vector.broadcast %add3A_253 : i32 to vector<16xi32>
      %add3A_255 = arith.addi %get3A_232, %add3A_254 : vector<16xi32>
      %gather3A_256 = tpu.vector_load_idx %arg6[%add3A_255, %add3A_228] : memref<324x128xf32, #tpu.memory_space<vmem>>[vector<16xi32>, vector<16xi32>], vector<16xf32>,
      %swap3A_257 = arith.constant 0 : i32
      %swap3A_258 = arith.constant 2 : i32
      %swap3A_259 = arith.index_cast %swap3A_257 : i32 to index
      %swap3A_260 = arith.index_cast %swap3A_258 : i32 to index
      %swap3A_261 = arith.constant 16 : index
      %swap3A_262 = tpu.vector_load %arg10[%swap3A_259, %swap3A_260, %swap3A_261] {strides = array<i32>} : memref<6x4x128xf32, #tpu.memory_space<vmem>>, vector<16xf32>,
      tpu.vector_store %arg10[%swap3A_259, %swap3A_260, %swap3A_261], %gather3A_256 {strides = array<i32>} : memref<6x4x128xf32, #tpu.memory_space<vmem>>, vector<16xf32>,
      %add3A_263 = arith.constant 243 : i32
      %add3A_264 = vector.broadcast %add3A_263 : i32 to vector<16xi32>
      %add3A_265 = arith.addi %get3A_232, %add3A_264 : vector<16xi32>
      %gather3A_266 = tpu.vector_load_idx %arg6[%add3A_265, %add3A_228] : memref<324x128xf32, #tpu.memory_space<vmem>>[vector<16xi32>, vector<16xi32>], vector<16xf32>,
      %swap3A_267 = arith.constant 0 : i32
      %swap3A_268 = arith.constant 3 : i32
      %swap3A_269 = arith.index_cast %swap3A_267 : i32 to index
      %swap3A_270 = arith.index_cast %swap3A_268 : i32 to index
      %swap3A_271 = arith.constant 16 : index
      %swap3A_272 = tpu.vector_load %arg10[%swap3A_269, %swap3A_270, %swap3A_271] {strides = array<i32>} : memref<6x4x128xf32, #tpu.memory_space<vmem>>, vector<16xf32>,
      tpu.vector_store %arg10[%swap3A_269, %swap3A_270, %swap3A_271], %gather3A_266 {strides = array<i32>} : memref<6x4x128xf32, #tpu.memory_space<vmem>>, vector<16xf32>,
      %add3A_273 = arith.constant 32 : i32
      %add3A_274 = vector.broadcast %add3A_273 : i32 to vector<16xi32>
      %add3A_275 = arith.addi %add3A_274, %iota3A : vector<16xi32>
      %get3A_276 = arith.constant 0 : i32
      %get3A_277 = arith.index_cast %get3A_276 : i32 to index
      %get3A_278 = arith.constant 32 : index
      %get3A_279 = tpu.vector_load %arg9[%get3A_277, %get3A_278] {strides = array<i32>} : memref<6x128xi32, #tpu.memory_space<vmem>>, vector<16xi32>,
      %add3A_280 = arith.constant 0 : i32
      %add3A_281 = vector.broadcast %add3A_280 : i32 to vector<16xi32>
      %add3A_282 = arith.addi %get3A_279, %add3A_281 : vector<16xi32>
      %gather3A_283 = tpu.vector_load_idx %arg6[%add3A_282, %add3A_275] : memref<324x128xf32, #tpu.memory_space<vmem>>[vector<16xi32>, vector<16xi32>], vector<16xf32>,
      %swap3A_284 = arith.constant 0 : i32
      %swap3A_285 = arith.constant 0 : i32
      %swap3A_286 = arith.index_cast %swap3A_284 : i32 to index
      %swap3A_287 = arith.index_cast %swap3A_285 : i32 to index
      %swap3A_288 = arith.constant 32 : index
      %swap3A_289 = tpu.vector_load %arg10[%swap3A_286, %swap3A_287, %swap3A_288] {strides = array<i32>} : memref<6x4x128xf32, #tpu.memory_space<vmem>>, vector<16xf32>,
      tpu.vector_store %arg10[%swap3A_286, %swap3A_287, %swap3A_288], %gather3A_283 {strides = array<i32>} : memref<6x4x128xf32, #tpu.memory_space<vmem>>, vector<16xf32>,
      %add3A_290 = arith.constant 81 : i32
      %add3A_291 = vector.broadcast %add3A_290 : i32 to vector<16xi32>
      %add3A_292 = arith.addi %get3A_279, %add3A_291 : vector<16xi32>
      %gather3A_293 = tpu.vector_load_idx %arg6[%add3A_292, %add3A_275] : memref<324x128xf32, #tpu.memory_space<vmem>>[vector<16xi32>, vector<16xi32>], vector<16xf32>,
      %swap3A_294 = arith.constant 0 : i32
      %swap3A_295 = arith.constant 1 : i32
      %swap3A_296 = arith.index_cast %swap3A_294 : i32 to index
      %swap3A_297 = arith.index_cast %swap3A_295 : i32 to index
      %swap3A_298 = arith.constant 32 : index
      %swap3A_299 = tpu.vector_load %arg10[%swap3A_296, %swap3A_297, %swap3A_298] {strides = array<i32>} : memref<6x4x128xf32, #tpu.memory_space<vmem>>, vector<16xf32>,
      tpu.vector_store %arg10[%swap3A_296, %swap3A_297, %swap3A_298], %gather3A_293 {strides = array<i32>} : memref<6x4x128xf32, #tpu.memory_space<vmem>>, vector<16xf32>,
      %add3A_300 = arith.constant 162 : i32
      %add3A_301 = vector.broadcast %add3A_300 : i32 to vector<16xi32>
      %add3A_302 = arith.addi %get3A_279, %add3A_301 : vector<16xi32>
      %gather3A_303 = tpu.vector_load_idx %arg6[%add3A_302, %add3A_275] : memref<324x128xf32, #tpu.memory_space<vmem>>[vector<16xi32>, vector<16xi32>], vector<16xf32>,
      %swap3A_304 = arith.constant 0 : i32
      %swap3A_305 = arith.constant 2 : i32
      %swap3A_306 = arith.index_cast %swap3A_304 : i32 to index
      %swap3A_307 = arith.index_cast %swap3A_305 : i32 to index
      %swap3A_308 = arith.constant 32 : index
      %swap3A_309 = tpu.vector_load %arg10[%swap3A_306, %swap3A_307, %swap3A_308] {strides = array<i32>} : memref<6x4x128xf32, #tpu.memory_space<vmem>>, vector<16xf32>,
      tpu.vector_store %arg10[%swap3A_306, %swap3A_307, %swap3A_308], %gather3A_303 {strides = array<i32>} : memref<6x4x128xf32, #tpu.memory_space<vmem>>, vector<16xf32>,
      %add3A_310 = arith.constant 243 : i32
      %add3A_311 = vector.broadcast %add3A_310 : i32 to vector<16xi32>
      %add3A_312 = arith.addi %get3A_279, %add3A_311 : vector<16xi32>
      %gather3A_313 = tpu.vector_load_idx %arg6[%add3A_312, %add3A_275] : memref<324x128xf32, #tpu.memory_space<vmem>>[vector<16xi32>, vector<16xi32>], vector<16xf32>,
      %swap3A_314 = arith.constant 0 : i32
      %swap3A_315 = arith.constant 3 : i32
      %swap3A_316 = arith.index_cast %swap3A_314 : i32 to index
      %swap3A_317 = arith.index_cast %swap3A_315 : i32 to index
      %swap3A_318 = arith.constant 32 : index
      %swap3A_319 = tpu.vector_load %arg10[%swap3A_316, %swap3A_317, %swap3A_318] {strides = array<i32>} : memref<6x4x128xf32, #tpu.memory_space<vmem>>, vector<16xf32>,
      tpu.vector_store %arg10[%swap3A_316, %swap3A_317, %swap3A_318], %gather3A_313 {strides = array<i32>} : memref<6x4x128xf32, #tpu.memory_space<vmem>>, vector<16xf32>,
      %add3A_320 = arith.constant 48 : i32
      %add3A_321 = vector.broadcast %add3A_320 : i32 to vector<16xi32>
      %add3A_322 = arith.addi %add3A_321, %iota3A : vector<16xi32>
      %get3A_323 = arith.constant 0 : i32
      %get3A_324 = arith.index_cast %get3A_323 : i32 to index
      %get3A_325 = arith.constant 48 : index
      %get3A_326 = tpu.vector_load %arg9[%get3A_324, %get3A_325] {strides = array<i32>} : memref<6x128xi32, #tpu.memory_space<vmem>>, vector<16xi32>,
      %add3A_327 = arith.constant 0 : i32
      %add3A_328 = vector.broadcast %add3A_327 : i32 to vector<16xi32>
      %add3A_329 = arith.addi %get3A_326, %add3A_328 : vector<16xi32>
      %gather3A_330 = tpu.vector_load_idx %arg6[%add3A_329, %add3A_322] : memref<324x128xf32, #tpu.memory_space<vmem>>[vector<16xi32>, vector<16xi32>], vector<16xf32>,
      %swap3A_331 = arith.constant 0 : i32
      %swap3A_332 = arith.constant 0 : i32
      %swap3A_333 = arith.index_cast %swap3A_331 : i32 to index
      %swap3A_334 = arith.index_cast %swap3A_332 : i32 to index
      %swap3A_335 = arith.constant 48 : index
      %swap3A_336 = tpu.vector_load %arg10[%swap3A_333, %swap3A_334, %swap3A_335] {strides = array<i32>} : memref<6x4x128xf32, #tpu.memory_space<vmem>>, vector<16xf32>,
      tpu.vector_store %arg10[%swap3A_333, %swap3A_334, %swap3A_335], %gather3A_330 {strides = array<i32>} : memref<6x4x128xf32, #tpu.memory_space<vmem>>, vector<16xf32>,
      %add3A_337 = arith.constant 81 : i32
      %add3A_338 = vector.broadcast %add3A_337 : i32 to vector<16xi32>
      %add3A_339 = arith.addi %get3A_326, %add3A_338 : vector<16xi32>
      %gather3A_340 = tpu.vector_load_idx %arg6[%add3A_339, %add3A_322] : memref<324x128xf32, #tpu.memory_space<vmem>>[vector<16xi32>, vector<16xi32>], vector<16xf32>,
      %swap3A_341 = arith.constant 0 : i32
      %swap3A_342 = arith.constant 1 : i32
      %swap3A_343 = arith.index_cast %swap3A_341 : i32 to index
      %swap3A_344 = arith.index_cast %swap3A_342 : i32 to index
      %swap3A_345 = arith.constant 48 : index
      %swap3A_346 = tpu.vector_load %arg10[%swap3A_343, %swap3A_344, %swap3A_345] {strides = array<i32>} : memref<6x4x128xf32, #tpu.memory_space<vmem>>, vector<16xf32>,
      tpu.vector_store %arg10[%swap3A_343, %swap3A_344, %swap3A_345], %gather3A_340 {strides = array<i32>} : memref<6x4x128xf32, #tpu.memory_space<vmem>>, vector<16xf32>,
      %add3A_347 = arith.constant 162 : i32
      %add3A_348 = vector.broadcast %add3A_347 : i32 to vector<16xi32>
      %add3A_349 = arith.addi %get3A_326, %add3A_348 : vector<16xi32>
      %gather3A_350 = tpu.vector_load_idx %arg6[%add3A_349, %add3A_322] : memref<324x128xf32, #tpu.memory_space<vmem>>[vector<16xi32>, vector<16xi32>], vector<16xf32>,
      %swap3A_351 = arith.constant 0 : i32
      %swap3A_352 = arith.constant 2 : i32
      %swap3A_353 = arith.index_cast %swap3A_351 : i32 to index
      %swap3A_354 = arith.index_cast %swap3A_352 : i32 to index
      %swap3A_355 = arith.constant 48 : index
      %swap3A_356 = tpu.vector_load %arg10[%swap3A_353, %swap3A_354, %swap3A_355] {strides = array<i32>} : memref<6x4x128xf32, #tpu.memory_space<vmem>>, vector<16xf32>,
      tpu.vector_store %arg10[%swap3A_353, %swap3A_354, %swap3A_355], %gather3A_350 {strides = array<i32>} : memref<6x4x128xf32, #tpu.memory_space<vmem>>, vector<16xf32>,
      %add3A_357 = arith.constant 243 : i32
      %add3A_358 = vector.broadcast %add3A_357 : i32 to vector<16xi32>
      %add3A_359 = arith.addi %get3A_326, %add3A_358 : vector<16xi32>
      %gather3A_360 = tpu.vector_load_idx %arg6[%add3A_359, %add3A_322] : memref<324x128xf32, #tpu.memory_space<vmem>>[vector<16xi32>, vector<16xi32>], vector<16xf32>,
      %swap3A_361 = arith.constant 0 : i32
      %swap3A_362 = arith.constant 3 : i32
      %swap3A_363 = arith.index_cast %swap3A_361 : i32 to index
      %swap3A_364 = arith.index_cast %swap3A_362 : i32 to index
      %swap3A_365 = arith.constant 48 : index
      %swap3A_366 = tpu.vector_load %arg10[%swap3A_363, %swap3A_364, %swap3A_365] {strides = array<i32>} : memref<6x4x128xf32, #tpu.memory_space<vmem>>, vector<16xf32>,
      tpu.vector_store %arg10[%swap3A_363, %swap3A_364, %swap3A_365], %gather3A_360 {strides = array<i32>} : memref<6x4x128xf32, #tpu.memory_space<vmem>>, vector<16xf32>,
      %add3A_367 = arith.constant 64 : i32
      %add3A_368 = vector.broadcast %add3A_367 : i32 to vector<16xi32>
      %add3A_369 = arith.addi %add3A_368, %iota3A : vector<16xi32>
      %get3A_370 = arith.constant 0 : i32
      %get3A_371 = arith.index_cast %get3A_370 : i32 to index
      %get3A_372 = arith.constant 64 : index
      %get3A_373 = tpu.vector_load %arg9[%get3A_371, %get3A_372] {strides = array<i32>} : memref<6x128xi32, #tpu.memory_space<vmem>>, vector<16xi32>,
      %add3A_374 = arith.constant 0 : i32
      %add3A_375 = vector.broadcast %add3A_374 : i32 to vector<16xi32>
      %add3A_376 = arith.addi %get3A_373, %add3A_375 : vector<16xi32>
      %gather3A_377 = tpu.vector_load_idx %arg6[%add3A_376, %add3A_369] : memref<324x128xf32, #tpu.memory_space<vmem>>[vector<16xi32>, vector<16xi32>], vector<16xf32>,
      %swap3A_378 = arith.constant 0 : i32
      %swap3A_379 = arith.constant 0 : i32
      %swap3A_380 = arith.index_cast %swap3A_378 : i32 to index
      %swap3A_381 = arith.index_cast %swap3A_379 : i32 to index
      %swap3A_382 = arith.constant 64 : index
      %swap3A_383 = tpu.vector_load %arg10[%swap3A_380, %swap3A_381, %swap3A_382] {strides = array<i32>} : memref<6x4x128xf32, #tpu.memory_space<vmem>>, vector<16xf32>,
      tpu.vector_store %arg10[%swap3A_380, %swap3A_381, %swap3A_382], %gather3A_377 {strides = array<i32>} : memref<6x4x128xf32, #tpu.memory_space<vmem>>, vector<16xf32>,
      %add3A_384 = arith.constant 81 : i32
      %add3A_385 = vector.broadcast %add3A_384 : i32 to vector<16xi32>
      %add3A_386 = arith.addi %get3A_373, %add3A_385 : vector<16xi32>
      %gather3A_387 = tpu.vector_load_idx %arg6[%add3A_386, %add3A_369] : memref<324x128xf32, #tpu.memory_space<vmem>>[vector<16xi32>, vector<16xi32>], vector<16xf32>,
      %swap3A_388 = arith.constant 0 : i32
      %swap3A_389 = arith.constant 1 : i32
      %swap3A_390 = arith.index_cast %swap3A_388 : i32 to index
      %swap3A_391 = arith.index_cast %swap3A_389 : i32 to index
      %swap3A_392 = arith.constant 64 : index
      %swap3A_393 = tpu.vector_load %arg10[%swap3A_390, %swap3A_391, %swap3A_392] {strides = array<i32>} : memref<6x4x128xf32, #tpu.memory_space<vmem>>, vector<16xf32>,
      tpu.vector_store %arg10[%swap3A_390, %swap3A_391, %swap3A_392], %gather3A_387 {strides = array<i32>} : memref<6x4x128xf32, #tpu.memory_space<vmem>>, vector<16xf32>,
      %add3A_394 = arith.constant 162 : i32
      %add3A_395 = vector.broadcast %add3A_394 : i32 to vector<16xi32>
      %add3A_396 = arith.addi %get3A_373, %add3A_395 : vector<16xi32>
      %gather3A_397 = tpu.vector_load_idx %arg6[%add3A_396, %add3A_369] : memref<324x128xf32, #tpu.memory_space<vmem>>[vector<16xi32>, vector<16xi32>], vector<16xf32>,
      %swap3A_398 = arith.constant 0 : i32
      %swap3A_399 = arith.constant 2 : i32
      %swap3A_400 = arith.index_cast %swap3A_398 : i32 to index
      %swap3A_401 = arith.index_cast %swap3A_399 : i32 to index
      %swap3A_402 = arith.constant 64 : index
      %swap3A_403 = tpu.vector_load %arg10[%swap3A_400, %swap3A_401, %swap3A_402] {strides = array<i32>} : memref<6x4x128xf32, #tpu.memory_space<vmem>>, vector<16xf32>,
      tpu.vector_store %arg10[%swap3A_400, %swap3A_401, %swap3A_402], %gather3A_397 {strides = array<i32>} : memref<6x4x128xf32, #tpu.memory_space<vmem>>, vector<16xf32>,
      %add3A_404 = arith.constant 243 : i32
      %add3A_405 = vector.broadcast %add3A_404 : i32 to vector<16xi32>
      %add3A_406 = arith.addi %get3A_373, %add3A_405 : vector<16xi32>
      %gather3A_407 = tpu.vector_load_idx %arg6[%add3A_406, %add3A_369] : memref<324x128xf32, #tpu.memory_space<vmem>>[vector<16xi32>, vector<16xi32>], vector<16xf32>,
      %swap3A_408 = arith.constant 0 : i32
      %swap3A_409 = arith.constant 3 : i32
      %swap3A_410 = arith.index_cast %swap3A_408 : i32 to index
      %swap3A_411 = arith.index_cast %swap3A_409 : i32 to index
      %swap3A_412 = arith.constant 64 : index
      %swap3A_413 = tpu.vector_load %arg10[%swap3A_410, %swap3A_411, %swap3A_412] {strides = array<i32>} : memref<6x4x128xf32, #tpu.memory_space<vmem>>, vector<16xf32>,
      tpu.vector_store %arg10[%swap3A_410, %swap3A_411, %swap3A_412], %gather3A_407 {strides = array<i32>} : memref<6x4x128xf32, #tpu.memory_space<vmem>>, vector<16xf32>,
      %add3A_414 = arith.constant 80 : i32
      %add3A_415 = vector.broadcast %add3A_414 : i32 to vector<16xi32>
      %add3A_416 = arith.addi %add3A_415, %iota3A : vector<16xi32>
      %get3A_417 = arith.constant 0 : i32
      %get3A_418 = arith.index_cast %get3A_417 : i32 to index
      %get3A_419 = arith.constant 80 : index
      %get3A_420 = tpu.vector_load %arg9[%get3A_418, %get3A_419] {strides = array<i32>} : memref<6x128xi32, #tpu.memory_space<vmem>>, vector<16xi32>,
      %add3A_421 = arith.constant 0 : i32
      %add3A_422 = vector.broadcast %add3A_421 : i32 to vector<16xi32>
      %add3A_423 = arith.addi %get3A_420, %add3A_422 : vector<16xi32>
      %gather3A_424 = tpu.vector_load_idx %arg6[%add3A_423, %add3A_416] : memref<324x128xf32, #tpu.memory_space<vmem>>[vector<16xi32>, vector<16xi32>], vector<16xf32>,
      %swap3A_425 = arith.constant 0 : i32
      %swap3A_426 = arith.constant 0 : i32
      %swap3A_427 = arith.index_cast %swap3A_425 : i32 to index
      %swap3A_428 = arith.index_cast %swap3A_426 : i32 to index
      %swap3A_429 = arith.constant 80 : index
      %swap3A_430 = tpu.vector_load %arg10[%swap3A_427, %swap3A_428, %swap3A_429] {strides = array<i32>} : memref<6x4x128xf32, #tpu.memory_space<vmem>>, vector<16xf32>,
      tpu.vector_store %arg10[%swap3A_427, %swap3A_428, %swap3A_429], %gather3A_424 {strides = array<i32>} : memref<6x4x128xf32, #tpu.memory_space<vmem>>, vector<16xf32>,
      %add3A_431 = arith.constant 81 : i32
      %add3A_432 = vector.broadcast %add3A_431 : i32 to vector<16xi32>
      %add3A_433 = arith.addi %get3A_420, %add3A_432 : vector<16xi32>
      %gather3A_434 = tpu.vector_load_idx %arg6[%add3A_433, %add3A_416] : memref<324x128xf32, #tpu.memory_space<vmem>>[vector<16xi32>, vector<16xi32>], vector<16xf32>,
      %swap3A_435 = arith.constant 0 : i32
      %swap3A_436 = arith.constant 1 : i32
      %swap3A_437 = arith.index_cast %swap3A_435 : i32 to index
      %swap3A_438 = arith.index_cast %swap3A_436 : i32 to index
      %swap3A_439 = arith.constant 80 : index
      %swap3A_440 = tpu.vector_load %arg10[%swap3A_437, %swap3A_438, %swap3A_439] {strides = array<i32>} : memref<6x4x128xf32, #tpu.memory_space<vmem>>, vector<16xf32>,
      tpu.vector_store %arg10[%swap3A_437, %swap3A_438, %swap3A_439], %gather3A_434 {strides = array<i32>} : memref<6x4x128xf32, #tpu.memory_space<vmem>>, vector<16xf32>,
      %add3A_441 = arith.constant 162 : i32
      %add3A_442 = vector.broadcast %add3A_441 : i32 to vector<16xi32>
      %add3A_443 = arith.addi %get3A_420, %add3A_442 : vector<16xi32>
      %gather3A_444 = tpu.vector_load_idx %arg6[%add3A_443, %add3A_416] : memref<324x128xf32, #tpu.memory_space<vmem>>[vector<16xi32>, vector<16xi32>], vector<16xf32>,
      %swap3A_445 = arith.constant 0 : i32
      %swap3A_446 = arith.constant 2 : i32
      %swap3A_447 = arith.index_cast %swap3A_445 : i32 to index
      %swap3A_448 = arith.index_cast %swap3A_446 : i32 to index
      %swap3A_449 = arith.constant 80 : index
      %swap3A_450 = tpu.vector_load %arg10[%swap3A_447, %swap3A_448, %swap3A_449] {strides = array<i32>} : memref<6x4x128xf32, #tpu.memory_space<vmem>>, vector<16xf32>,
      tpu.vector_store %arg10[%swap3A_447, %swap3A_448, %swap3A_449], %gather3A_444 {strides = array<i32>} : memref<6x4x128xf32, #tpu.memory_space<vmem>>, vector<16xf32>,
      %add3A_451 = arith.constant 243 : i32
      %add3A_452 = vector.broadcast %add3A_451 : i32 to vector<16xi32>
      %add3A_453 = arith.addi %get3A_420, %add3A_452 : vector<16xi32>
      %gather3A_454 = tpu.vector_load_idx %arg6[%add3A_453, %add3A_416] : memref<324x128xf32, #tpu.memory_space<vmem>>[vector<16xi32>, vector<16xi32>], vector<16xf32>,
      %swap3A_455 = arith.constant 0 : i32
      %swap3A_456 = arith.constant 3 : i32
      %swap3A_457 = arith.index_cast %swap3A_455 : i32 to index
      %swap3A_458 = arith.index_cast %swap3A_456 : i32 to index
      %swap3A_459 = arith.constant 80 : index
      %swap3A_460 = tpu.vector_load %arg10[%swap3A_457, %swap3A_458, %swap3A_459] {strides = array<i32>} : memref<6x4x128xf32, #tpu.memory_space<vmem>>, vector<16xf32>,
      tpu.vector_store %arg10[%swap3A_457, %swap3A_458, %swap3A_459], %gather3A_454 {strides = array<i32>} : memref<6x4x128xf32, #tpu.memory_space<vmem>>, vector<16xf32>,
      %add3A_461 = arith.constant 96 : i32
      %add3A_462 = vector.broadcast %add3A_461 : i32 to vector<16xi32>
      %add3A_463 = arith.addi %add3A_462, %iota3A : vector<16xi32>
      %get3A_464 = arith.constant 0 : i32
      %get3A_465 = arith.index_cast %get3A_464 : i32 to index
      %get3A_466 = arith.constant 96 : index
      %get3A_467 = tpu.vector_load %arg9[%get3A_465, %get3A_466] {strides = array<i32>} : memref<6x128xi32, #tpu.memory_space<vmem>>, vector<16xi32>,
      %add3A_468 = arith.constant 0 : i32
      %add3A_469 = vector.broadcast %add3A_468 : i32 to vector<16xi32>
      %add3A_470 = arith.addi %get3A_467, %add3A_469 : vector<16xi32>
      %gather3A_471 = tpu.vector_load_idx %arg6[%add3A_470, %add3A_463] : memref<324x128xf32, #tpu.memory_space<vmem>>[vector<16xi32>, vector<16xi32>], vector<16xf32>,
      %swap3A_472 = arith.constant 0 : i32
      %swap3A_473 = arith.constant 0 : i32
      %swap3A_474 = arith.index_cast %swap3A_472 : i32 to index
      %swap3A_475 = arith.index_cast %swap3A_473 : i32 to index
      %swap3A_476 = arith.constant 96 : index
      %swap3A_477 = tpu.vector_load %arg10[%swap3A_474, %swap3A_475, %swap3A_476] {strides = array<i32>} : memref<6x4x128xf32, #tpu.memory_space<vmem>>, vector<16xf32>,
      tpu.vector_store %arg10[%swap3A_474, %swap3A_475, %swap3A_476], %gather3A_471 {strides = array<i32>} : memref<6x4x128xf32, #tpu.memory_space<vmem>>, vector<16xf32>,
      %add3A_478 = arith.constant 81 : i32
      %add3A_479 = vector.broadcast %add3A_478 : i32 to vector<16xi32>
      %add3A_480 = arith.addi %get3A_467, %add3A_479 : vector<16xi32>
      %gather3A_481 = tpu.vector_load_idx %arg6[%add3A_480, %add3A_463] : memref<324x128xf32, #tpu.memory_space<vmem>>[vector<16xi32>, vector<16xi32>], vector<16xf32>,
      %swap3A_482 = arith.constant 0 : i32
      %swap3A_483 = arith.constant 1 : i32
      %swap3A_484 = arith.index_cast %swap3A_482 : i32 to index
      %swap3A_485 = arith.index_cast %swap3A_483 : i32 to index
      %swap3A_486 = arith.constant 96 : index
      %swap3A_487 = tpu.vector_load %arg10[%swap3A_484, %swap3A_485, %swap3A_486] {strides = array<i32>} : memref<6x4x128xf32, #tpu.memory_space<vmem>>, vector<16xf32>,
      tpu.vector_store %arg10[%swap3A_484, %swap3A_485, %swap3A_486], %gather3A_481 {strides = array<i32>} : memref<6x4x128xf32, #tpu.memory_space<vmem>>, vector<16xf32>,
      %add3A_488 = arith.constant 162 : i32
      %add3A_489 = vector.broadcast %add3A_488 : i32 to vector<16xi32>
      %add3A_490 = arith.addi %get3A_467, %add3A_489 : vector<16xi32>
      %gather3A_491 = tpu.vector_load_idx %arg6[%add3A_490, %add3A_463] : memref<324x128xf32, #tpu.memory_space<vmem>>[vector<16xi32>, vector<16xi32>], vector<16xf32>,
      %swap3A_492 = arith.constant 0 : i32
      %swap3A_493 = arith.constant 2 : i32
      %swap3A_494 = arith.index_cast %swap3A_492 : i32 to index
      %swap3A_495 = arith.index_cast %swap3A_493 : i32 to index
      %swap3A_496 = arith.constant 96 : index
      %swap3A_497 = tpu.vector_load %arg10[%swap3A_494, %swap3A_495, %swap3A_496] {strides = array<i32>} : memref<6x4x128xf32, #tpu.memory_space<vmem>>, vector<16xf32>,
      tpu.vector_store %arg10[%swap3A_494, %swap3A_495, %swap3A_496], %gather3A_491 {strides = array<i32>} : memref<6x4x128xf32, #tpu.memory_space<vmem>>, vector<16xf32>,
      %add3A_498 = arith.constant 243 : i32
      %add3A_499 = vector.broadcast %add3A_498 : i32 to vector<16xi32>
      %add3A_500 = arith.addi %get3A_467, %add3A_499 : vector<16xi32>
      %gather3A_501 = tpu.vector_load_idx %arg6[%add3A_500, %add3A_463] : memref<324x128xf32, #tpu.memory_space<vmem>>[vector<16xi32>, vector<16xi32>], vector<16xf32>,
      %swap3A_502 = arith.constant 0 : i32
      %swap3A_503 = arith.constant 3 : i32
      %swap3A_504 = arith.index_cast %swap3A_502 : i32 to index
      %swap3A_505 = arith.index_cast %swap3A_503 : i32 to index
      %swap3A_506 = arith.constant 96 : index
      %swap3A_507 = tpu.vector_load %arg10[%swap3A_504, %swap3A_505, %swap3A_506] {strides = array<i32>} : memref<6x4x128xf32, #tpu.memory_space<vmem>>, vector<16xf32>,
      tpu.vector_store %arg10[%swap3A_504, %swap3A_505, %swap3A_506], %gather3A_501 {strides = array<i32>} : memref<6x4x128xf32, #tpu.memory_space<vmem>>, vector<16xf32>,
      %add3A_508 = arith.constant 112 : i32
      %add3A_509 = vector.broadcast %add3A_508 : i32 to vector<16xi32>
      %add3A_510 = arith.addi %add3A_509, %iota3A : vector<16xi32>
      %get3A_511 = arith.constant 0 : i32
      %get3A_512 = arith.index_cast %get3A_511 : i32 to index
      %get3A_513 = arith.constant 112 : index
      %get3A_514 = tpu.vector_load %arg9[%get3A_512, %get3A_513] {strides = array<i32>} : memref<6x128xi32, #tpu.memory_space<vmem>>, vector<16xi32>,
      %add3A_515 = arith.constant 0 : i32
      %add3A_516 = vector.broadcast %add3A_515 : i32 to vector<16xi32>
      %add3A_517 = arith.addi %get3A_514, %add3A_516 : vector<16xi32>
      %gather3A_518 = tpu.vector_load_idx %arg6[%add3A_517, %add3A_510] : memref<324x128xf32, #tpu.memory_space<vmem>>[vector<16xi32>, vector<16xi32>], vector<16xf32>,
      %swap3A_519 = arith.constant 0 : i32
      %swap3A_520 = arith.constant 0 : i32
      %swap3A_521 = arith.index_cast %swap3A_519 : i32 to index
      %swap3A_522 = arith.index_cast %swap3A_520 : i32 to index
      %swap3A_523 = arith.constant 112 : index
      %swap3A_524 = tpu.vector_load %arg10[%swap3A_521, %swap3A_522, %swap3A_523] {strides = array<i32>} : memref<6x4x128xf32, #tpu.memory_space<vmem>>, vector<16xf32>,
      tpu.vector_store %arg10[%swap3A_521, %swap3A_522, %swap3A_523], %gather3A_518 {strides = array<i32>} : memref<6x4x128xf32, #tpu.memory_space<vmem>>, vector<16xf32>,
      %add3A_525 = arith.constant 81 : i32
      %add3A_526 = vector.broadcast %add3A_525 : i32 to vector<16xi32>
      %add3A_527 = arith.addi %get3A_514, %add3A_526 : vector<16xi32>
      %gather3A_528 = tpu.vector_load_idx %arg6[%add3A_527, %add3A_510] : memref<324x128xf32, #tpu.memory_space<vmem>>[vector<16xi32>, vector<16xi32>], vector<16xf32>,
      %swap3A_529 = arith.constant 0 : i32
      %swap3A_530 = arith.constant 1 : i32
      %swap3A_531 = arith.index_cast %swap3A_529 : i32 to index
      %swap3A_532 = arith.index_cast %swap3A_530 : i32 to index
      %swap3A_533 = arith.constant 112 : index
      %swap3A_534 = tpu.vector_load %arg10[%swap3A_531, %swap3A_532, %swap3A_533] {strides = array<i32>} : memref<6x4x128xf32, #tpu.memory_space<vmem>>, vector<16xf32>,
      tpu.vector_store %arg10[%swap3A_531, %swap3A_532, %swap3A_533], %gather3A_528 {strides = array<i32>} : memref<6x4x128xf32, #tpu.memory_space<vmem>>, vector<16xf32>,
      %add3A_535 = arith.constant 162 : i32
      %add3A_536 = vector.broadcast %add3A_535 : i32 to vector<16xi32>
      %add3A_537 = arith.addi %get3A_514, %add3A_536 : vector<16xi32>
      %gather3A_538 = tpu.vector_load_idx %arg6[%add3A_537, %add3A_510] : memref<324x128xf32, #tpu.memory_space<vmem>>[vector<16xi32>, vector<16xi32>], vector<16xf32>,
      %swap3A_539 = arith.constant 0 : i32
      %swap3A_540 = arith.constant 2 : i32
      %swap3A_541 = arith.index_cast %swap3A_539 : i32 to index
      %swap3A_542 = arith.index_cast %swap3A_540 : i32 to index
      %swap3A_543 = arith.constant 112 : index
      %swap3A_544 = tpu.vector_load %arg10[%swap3A_541, %swap3A_542, %swap3A_543] {strides = array<i32>} : memref<6x4x128xf32, #tpu.memory_space<vmem>>, vector<16xf32>,
      tpu.vector_store %arg10[%swap3A_541, %swap3A_542, %swap3A_543], %gather3A_538 {strides = array<i32>} : memref<6x4x128xf32, #tpu.memory_space<vmem>>, vector<16xf32>,
      %add3A_545 = arith.constant 243 : i32
      %add3A_546 = vector.broadcast %add3A_545 : i32 to vector<16xi32>
      %add3A_547 = arith.addi %get3A_514, %add3A_546 : vector<16xi32>
      %gather3A_548 = tpu.vector_load_idx %arg6[%add3A_547, %add3A_510] : memref<324x128xf32, #tpu.memory_space<vmem>>[vector<16xi32>, vector<16xi32>], vector<16xf32>,
      %swap3A_549 = arith.constant 0 : i32
      %swap3A_550 = arith.constant 3 : i32
      %swap3A_551 = arith.index_cast %swap3A_549 : i32 to index
      %swap3A_552 = arith.index_cast %swap3A_550 : i32 to index
      %swap3A_553 = arith.constant 112 : index
      %swap3A_554 = tpu.vector_load %arg10[%swap3A_551, %swap3A_552, %swap3A_553] {strides = array<i32>} : memref<6x4x128xf32, #tpu.memory_space<vmem>>, vector<16xf32>,
      tpu.vector_store %arg10[%swap3A_551, %swap3A_552, %swap3A_553], %gather3A_548 {strides = array<i32>} : memref<6x4x128xf32, #tpu.memory_space<vmem>>, vector<16xf32>,
      %mul3A_555 = arith.constant 128 : i32
      %mul3A_556 = arith.muli %mul3A_555, %add3A_76 : i32
      %dma_start3A = arith.constant 0 : i32
      %dma_start3A_557 = arith.constant 0 : i32
      %dma_start3A_558 = arith.constant 0 : i32
      %dma_start3A_559 = tpu.memref_slice %arg10[%dma_start3A, %dma_start3A_557, %dma_start3A_558] : memref<6x4x128xf32, #tpu.memory_space<vmem>> -> memref<1x4x128xf32, #tpu.memory_space<vmem>>
      %dma_start3A_560 = tpu.memref_squeeze %dma_start3A_559 : memref<1x4x128xf32, #tpu.memory_space<vmem>> -> memref<4x128xf32, #tpu.memory_space<vmem>>
      %dma_start3A_561 = arith.constant 0 : i32
      %dma_start3A_562 = tpu.memref_slice %arg4[%dma_start3A_561, %mul3A_556] : memref<4x20096xf32, #tpu.memory_space<hbm>> -> memref<4x128xf32, #tpu.memory_space<hbm>>
      %dma_start3A_563 = arith.constant 0 : i32
      %dma_start3A_564 = tpu.memref_slice %arg4[%dma_start3A_563, %mul3A_556] : memref<4x20096xf32, #tpu.memory_space<hbm>> -> memref<4x128xf32, #tpu.memory_space<hbm>>
      %dma_start3A_565 = arith.constant 0 : i32
      %dma_start3A_566 = arith.constant 0 : i32
      %dma_start3A_567 = tpu.memref_slice %arg10[%dma_start3A, %dma_start3A_565, %dma_start3A_566] : memref<6x4x128xf32, #tpu.memory_space<vmem>> -> memref<1x4x128xf32, #tpu.memory_space<vmem>>
      %dma_start3A_568 = tpu.memref_squeeze %dma_start3A_567 : memref<1x4x128xf32, #tpu.memory_space<vmem>> -> memref<4x128xf32, #tpu.memory_space<vmem>>
      tpu.enqueue_dma source(%dma_start3A_568 : memref<4x128xf32, #tpu.memory_space<vmem>>) target(%dma_start3A_564 : memref<4x128xf32, #tpu.memory_space<hbm>>) target_semaphore(%arg14 : memref<!tpu.dma_semaphore, #tpu.memory_space<semaphore_mem>>)
      %mul3A_569 = arith.constant 128 : i32
      %mul3A_570 = arith.muli %mul3A_569, %add3A_76 : i32
      %dma_start3A_571 = arith.constant 0 : i32
      %dma_start3A_572 = arith.constant 0 : i32
      %dma_start3A_573 = tpu.memref_slice %arg9[%dma_start3A_571, %dma_start3A_572] : memref<6x128xi32, #tpu.memory_space<vmem>> -> memref<1x128xi32, #tpu.memory_space<vmem>>
      %dma_start3A_574 = tpu.memref_squeeze %dma_start3A_573 : memref<1x128xi32, #tpu.memory_space<vmem>> -> memref<128xi32, #tpu.memory_space<vmem>>
      %dma_start3A_575 = tpu.memref_slice %arg5[%mul3A_570] : memref<20000xi32, #tpu.memory_space<hbm>> -> memref<128xi32, #tpu.memory_space<hbm>>
      %dma_start3A_576 = tpu.memref_slice %arg5[%mul3A_570] : memref<20000xi32, #tpu.memory_space<hbm>> -> memref<128xi32, #tpu.memory_space<hbm>>
      %dma_start3A_577 = arith.constant 0 : i32
      %dma_start3A_578 = tpu.memref_slice %arg9[%dma_start3A_571, %dma_start3A_577] : memref<6x128xi32, #tpu.memory_space<vmem>> -> memref<1x128xi32, #tpu.memory_space<vmem>>
      %dma_start3A_579 = tpu.memref_squeeze %dma_start3A_578 : memref<1x128xi32, #tpu.memory_space<vmem>> -> memref<128xi32, #tpu.memory_space<vmem>>
      tpu.enqueue_dma source(%dma_start3A_579 : memref<128xi32, #tpu.memory_space<vmem>>) target(%dma_start3A_576 : memref<128xi32, #tpu.memory_space<hbm>>) target_semaphore(%arg14 : memref<!tpu.dma_semaphore, #tpu.memory_space<semaphore_mem>>)
    } else {
    }
    %add3A_89 = arith.constant 32 : i32
    %add3A_90 = arith.addi %add3A, %add3A_89 : i32
    %add3A_91 = arith.constant 64 : i32
    %add3A_92 = arith.addi %add3A, %add3A_91 : i32
    %lt3A_93 = arith.constant 156 : i32
    %lt3A_94 = arith.cmpi slt, %add3A_92, %lt3A_93 : i32
    %convert_element_type3A_95 = arith.extui %lt3A_94 : i1 to i32
    %cond3A_96 = arith.constant 0 : i32
    %cond3A_97 = arith.cmpi ne, %convert_element_type3A_95, %cond3A_96 : i32
    scf.if %cond3A_97 {
      %mul3A_177 = arith.constant 128 : i32
      %mul3A_178 = arith.muli %mul3A_177, %add3A_92 : i32
      %dma_start3A = arith.constant 0 : i32
      %dma_start3A_179 = tpu.memref_slice %arg2[%dma_start3A, %mul3A_178] : memref<324x20000xf32, #tpu.memory_space<hbm>> -> memref<324x128xf32, #tpu.memory_space<hbm>>
      %dma_start3A_180 = arith.constant 0 : i32
      %dma_start3A_181 = tpu.memref_slice %arg2[%dma_start3A_180, %mul3A_178] : memref<324x20000xf32, #tpu.memory_space<hbm>> -> memref<324x128xf32, #tpu.memory_space<hbm>>
      tpu.enqueue_dma source(%dma_start3A_181 : memref<324x128xf32, #tpu.memory_space<hbm>>) target(%arg6 : memref<324x128xf32, #tpu.memory_space<vmem>>) target_semaphore(%arg11 : memref<!tpu.dma_semaphore, #tpu.memory_space<semaphore_mem>>)
    } else {
    }
    %lt3A_98 = arith.constant 156 : i32
    %lt3A_99 = arith.cmpi slt, %add3A_90, %lt3A_98 : i32
    %convert_element_type3A_100 = arith.extui %lt3A_99 : i1 to i32
    %cond3A_101 = arith.constant 0 : i32
    %cond3A_102 = arith.cmpi ne, %convert_element_type3A_100, %cond3A_101 : i32
    scf.if %cond3A_102 {
      %mul3A_177 = arith.constant 128 : i32
      %mul3A_178 = arith.muli %mul3A_177, %add3A_90 : i32
      %dma_wait3A = arith.constant 0 : i32
      %dma_wait3A_179 = tpu.memref_slice %arg2[%dma_wait3A, %mul3A_178] : memref<324x20000xf32, #tpu.memory_space<hbm>> -> memref<324x128xf32, #tpu.memory_space<hbm>>
      %dma_wait3A_180 = arith.constant 0 : i32
      %dma_wait3A_181 = tpu.memref_slice %arg2[%dma_wait3A_180, %mul3A_178] : memref<324x20000xf32, #tpu.memory_space<hbm>> -> memref<324x128xf32, #tpu.memory_space<hbm>>
      tpu.wait_dma2 semaphore(%arg12 : memref<!tpu.dma_semaphore, #tpu.memory_space<semaphore_mem>>) src(%dma_wait3A_181 : memref<324x128xf32, #tpu.memory_space<hbm>>) dst(%arg7 : memref<324x128xf32, #tpu.memory_space<vmem>>)
      %add3A_182 = arith.constant 0 : i32
      %add3A_183 = vector.broadcast %add3A_182 : i32 to vector<16xi32>
      %add3A_184 = arith.addi %add3A_183, %iota3A : vector<16xi32>
      %get3A = arith.constant 1 : i32
      %get3A_185 = arith.index_cast %get3A : i32 to index
      %get3A_186 = arith.constant 0 : index
      %get3A_187 = tpu.vector_load %arg9[%get3A_185, %get3A_186] {strides = array<i32>} : memref<6x128xi32, #tpu.memory_space<vmem>>, vector<16xi32>,
      %add3A_188 = arith.constant 0 : i32
      %add3A_189 = vector.broadcast %add3A_188 : i32 to vector<16xi32>
      %add3A_190 = arith.addi %get3A_187, %add3A_189 : vector<16xi32>
      %gather3A = tpu.vector_load_idx %arg7[%add3A_190, %add3A_184] : memref<324x128xf32, #tpu.memory_space<vmem>>[vector<16xi32>, vector<16xi32>], vector<16xf32>,
      %swap3A = arith.constant 1 : i32
      %swap3A_191 = arith.constant 0 : i32
      %swap3A_192 = arith.index_cast %swap3A : i32 to index
      %swap3A_193 = arith.index_cast %swap3A_191 : i32 to index
      %swap3A_194 = arith.constant 0 : index
      %swap3A_195 = tpu.vector_load %arg10[%swap3A_192, %swap3A_193, %swap3A_194] {strides = array<i32>} : memref<6x4x128xf32, #tpu.memory_space<vmem>>, vector<16xf32>,
      tpu.vector_store %arg10[%swap3A_192, %swap3A_193, %swap3A_194], %gather3A {strides = array<i32>} : memref<6x4x128xf32, #tpu.memory_space<vmem>>, vector<16xf32>,
      %add3A_196 = arith.constant 81 : i32
      %add3A_197 = vector.broadcast %add3A_196 : i32 to vector<16xi32>
      %add3A_198 = arith.addi %get3A_187, %add3A_197 : vector<16xi32>
      %gather3A_199 = tpu.vector_load_idx %arg7[%add3A_198, %add3A_184] : memref<324x128xf32, #tpu.memory_space<vmem>>[vector<16xi32>, vector<16xi32>], vector<16xf32>,
      %swap3A_200 = arith.constant 1 : i32
      %swap3A_201 = arith.constant 1 : i32
      %swap3A_202 = arith.index_cast %swap3A_200 : i32 to index
      %swap3A_203 = arith.index_cast %swap3A_201 : i32 to index
      %swap3A_204 = arith.constant 0 : index
      %swap3A_205 = tpu.vector_load %arg10[%swap3A_202, %swap3A_203, %swap3A_204] {strides = array<i32>} : memref<6x4x128xf32, #tpu.memory_space<vmem>>, vector<16xf32>,
      tpu.vector_store %arg10[%swap3A_202, %swap3A_203, %swap3A_204], %gather3A_199 {strides = array<i32>} : memref<6x4x128xf32, #tpu.memory_space<vmem>>, vector<16xf32>,
      %add3A_206 = arith.constant 162 : i32
      %add3A_207 = vector.broadcast %add3A_206 : i32 to vector<16xi32>
      %add3A_208 = arith.addi %get3A_187, %add3A_207 : vector<16xi32>
      %gather3A_209 = tpu.vector_load_idx %arg7[%add3A_208, %add3A_184] : memref<324x128xf32, #tpu.memory_space<vmem>>[vector<16xi32>, vector<16xi32>], vector<16xf32>,
      %swap3A_210 = arith.constant 1 : i32
      %swap3A_211 = arith.constant 2 : i32
      %swap3A_212 = arith.index_cast %swap3A_210 : i32 to index
      %swap3A_213 = arith.index_cast %swap3A_211 : i32 to index
      %swap3A_214 = arith.constant 0 : index
      %swap3A_215 = tpu.vector_load %arg10[%swap3A_212, %swap3A_213, %swap3A_214] {strides = array<i32>} : memref<6x4x128xf32, #tpu.memory_space<vmem>>, vector<16xf32>,
      tpu.vector_store %arg10[%swap3A_212, %swap3A_213, %swap3A_214], %gather3A_209 {strides = array<i32>} : memref<6x4x128xf32, #tpu.memory_space<vmem>>, vector<16xf32>,
      %add3A_216 = arith.constant 243 : i32
      %add3A_217 = vector.broadcast %add3A_216 : i32 to vector<16xi32>
      %add3A_218 = arith.addi %get3A_187, %add3A_217 : vector<16xi32>
      %gather3A_219 = tpu.vector_load_idx %arg7[%add3A_218, %add3A_184] : memref<324x128xf32, #tpu.memory_space<vmem>>[vector<16xi32>, vector<16xi32>], vector<16xf32>,
      %swap3A_220 = arith.constant 1 : i32
      %swap3A_221 = arith.constant 3 : i32
      %swap3A_222 = arith.index_cast %swap3A_220 : i32 to index
      %swap3A_223 = arith.index_cast %swap3A_221 : i32 to index
      %swap3A_224 = arith.constant 0 : index
      %swap3A_225 = tpu.vector_load %arg10[%swap3A_222, %swap3A_223, %swap3A_224] {strides = array<i32>} : memref<6x4x128xf32, #tpu.memory_space<vmem>>, vector<16xf32>,
      tpu.vector_store %arg10[%swap3A_222, %swap3A_223, %swap3A_224], %gather3A_219 {strides = array<i32>} : memref<6x4x128xf32, #tpu.memory_space<vmem>>, vector<16xf32>,
      %add3A_226 = arith.constant 16 : i32
      %add3A_227 = vector.broadcast %add3A_226 : i32 to vector<16xi32>
      %add3A_228 = arith.addi %add3A_227, %iota3A : vector<16xi32>
      %get3A_229 = arith.constant 1 : i32
      %get3A_230 = arith.index_cast %get3A_229 : i32 to index
      %get3A_231 = arith.constant 16 : index
      %get3A_232 = tpu.vector_load %arg9[%get3A_230, %get3A_231] {strides = array<i32>} : memref<6x128xi32, #tpu.memory_space<vmem>>, vector<16xi32>,
      %add3A_233 = arith.constant 0 : i32
      %add3A_234 = vector.broadcast %add3A_233 : i32 to vector<16xi32>
      %add3A_235 = arith.addi %get3A_232, %add3A_234 : vector<16xi32>
      %gather3A_236 = tpu.vector_load_idx %arg7[%add3A_235, %add3A_228] : memref<324x128xf32, #tpu.memory_space<vmem>>[vector<16xi32>, vector<16xi32>], vector<16xf32>,
      %swap3A_237 = arith.constant 1 : i32
      %swap3A_238 = arith.constant 0 : i32
      %swap3A_239 = arith.index_cast %swap3A_237 : i32 to index
      %swap3A_240 = arith.index_cast %swap3A_238 : i32 to index
      %swap3A_241 = arith.constant 16 : index
      %swap3A_242 = tpu.vector_load %arg10[%swap3A_239, %swap3A_240, %swap3A_241] {strides = array<i32>} : memref<6x4x128xf32, #tpu.memory_space<vmem>>, vector<16xf32>,
      tpu.vector_store %arg10[%swap3A_239, %swap3A_240, %swap3A_241], %gather3A_236 {strides = array<i32>} : memref<6x4x128xf32, #tpu.memory_space<vmem>>, vector<16xf32>,
      %add3A_243 = arith.constant 81 : i32
      %add3A_244 = vector.broadcast %add3A_243 : i32 to vector<16xi32>
      %add3A_245 = arith.addi %get3A_232, %add3A_244 : vector<16xi32>
      %gather3A_246 = tpu.vector_load_idx %arg7[%add3A_245, %add3A_228] : memref<324x128xf32, #tpu.memory_space<vmem>>[vector<16xi32>, vector<16xi32>], vector<16xf32>,
      %swap3A_247 = arith.constant 1 : i32
      %swap3A_248 = arith.constant 1 : i32
      %swap3A_249 = arith.index_cast %swap3A_247 : i32 to index
      %swap3A_250 = arith.index_cast %swap3A_248 : i32 to index
      %swap3A_251 = arith.constant 16 : index
      %swap3A_252 = tpu.vector_load %arg10[%swap3A_249, %swap3A_250, %swap3A_251] {strides = array<i32>} : memref<6x4x128xf32, #tpu.memory_space<vmem>>, vector<16xf32>,
      tpu.vector_store %arg10[%swap3A_249, %swap3A_250, %swap3A_251], %gather3A_246 {strides = array<i32>} : memref<6x4x128xf32, #tpu.memory_space<vmem>>, vector<16xf32>,
      %add3A_253 = arith.constant 162 : i32
      %add3A_254 = vector.broadcast %add3A_253 : i32 to vector<16xi32>
      %add3A_255 = arith.addi %get3A_232, %add3A_254 : vector<16xi32>
      %gather3A_256 = tpu.vector_load_idx %arg7[%add3A_255, %add3A_228] : memref<324x128xf32, #tpu.memory_space<vmem>>[vector<16xi32>, vector<16xi32>], vector<16xf32>,
      %swap3A_257 = arith.constant 1 : i32
      %swap3A_258 = arith.constant 2 : i32
      %swap3A_259 = arith.index_cast %swap3A_257 : i32 to index
      %swap3A_260 = arith.index_cast %swap3A_258 : i32 to index
      %swap3A_261 = arith.constant 16 : index
      %swap3A_262 = tpu.vector_load %arg10[%swap3A_259, %swap3A_260, %swap3A_261] {strides = array<i32>} : memref<6x4x128xf32, #tpu.memory_space<vmem>>, vector<16xf32>,
      tpu.vector_store %arg10[%swap3A_259, %swap3A_260, %swap3A_261], %gather3A_256 {strides = array<i32>} : memref<6x4x128xf32, #tpu.memory_space<vmem>>, vector<16xf32>,
      %add3A_263 = arith.constant 243 : i32
      %add3A_264 = vector.broadcast %add3A_263 : i32 to vector<16xi32>
      %add3A_265 = arith.addi %get3A_232, %add3A_264 : vector<16xi32>
      %gather3A_266 = tpu.vector_load_idx %arg7[%add3A_265, %add3A_228] : memref<324x128xf32, #tpu.memory_space<vmem>>[vector<16xi32>, vector<16xi32>], vector<16xf32>,
      %swap3A_267 = arith.constant 1 : i32
      %swap3A_268 = arith.constant 3 : i32
      %swap3A_269 = arith.index_cast %swap3A_267 : i32 to index
      %swap3A_270 = arith.index_cast %swap3A_268 : i32 to index
      %swap3A_271 = arith.constant 16 : index
      %swap3A_272 = tpu.vector_load %arg10[%swap3A_269, %swap3A_270, %swap3A_271] {strides = array<i32>} : memref<6x4x128xf32, #tpu.memory_space<vmem>>, vector<16xf32>,
      tpu.vector_store %arg10[%swap3A_269, %swap3A_270, %swap3A_271], %gather3A_266 {strides = array<i32>} : memref<6x4x128xf32, #tpu.memory_space<vmem>>, vector<16xf32>,
      %add3A_273 = arith.constant 32 : i32
      %add3A_274 = vector.broadcast %add3A_273 : i32 to vector<16xi32>
      %add3A_275 = arith.addi %add3A_274, %iota3A : vector<16xi32>
      %get3A_276 = arith.constant 1 : i32
      %get3A_277 = arith.index_cast %get3A_276 : i32 to index
      %get3A_278 = arith.constant 32 : index
      %get3A_279 = tpu.vector_load %arg9[%get3A_277, %get3A_278] {strides = array<i32>} : memref<6x128xi32, #tpu.memory_space<vmem>>, vector<16xi32>,
      %add3A_280 = arith.constant 0 : i32
      %add3A_281 = vector.broadcast %add3A_280 : i32 to vector<16xi32>
      %add3A_282 = arith.addi %get3A_279, %add3A_281 : vector<16xi32>
      %gather3A_283 = tpu.vector_load_idx %arg7[%add3A_282, %add3A_275] : memref<324x128xf32, #tpu.memory_space<vmem>>[vector<16xi32>, vector<16xi32>], vector<16xf32>,
      %swap3A_284 = arith.constant 1 : i32
      %swap3A_285 = arith.constant 0 : i32
      %swap3A_286 = arith.index_cast %swap3A_284 : i32 to index
      %swap3A_287 = arith.index_cast %swap3A_285 : i32 to index
      %swap3A_288 = arith.constant 32 : index
      %swap3A_289 = tpu.vector_load %arg10[%swap3A_286, %swap3A_287, %swap3A_288] {strides = array<i32>} : memref<6x4x128xf32, #tpu.memory_space<vmem>>, vector<16xf32>,
      tpu.vector_store %arg10[%swap3A_286, %swap3A_287, %swap3A_288], %gather3A_283 {strides = array<i32>} : memref<6x4x128xf32, #tpu.memory_space<vmem>>, vector<16xf32>,
      %add3A_290 = arith.constant 81 : i32
      %add3A_291 = vector.broadcast %add3A_290 : i32 to vector<16xi32>
      %add3A_292 = arith.addi %get3A_279, %add3A_291 : vector<16xi32>
      %gather3A_293 = tpu.vector_load_idx %arg7[%add3A_292, %add3A_275] : memref<324x128xf32, #tpu.memory_space<vmem>>[vector<16xi32>, vector<16xi32>], vector<16xf32>,
      %swap3A_294 = arith.constant 1 : i32
      %swap3A_295 = arith.constant 1 : i32
      %swap3A_296 = arith.index_cast %swap3A_294 : i32 to index
      %swap3A_297 = arith.index_cast %swap3A_295 : i32 to index
      %swap3A_298 = arith.constant 32 : index
      %swap3A_299 = tpu.vector_load %arg10[%swap3A_296, %swap3A_297, %swap3A_298] {strides = array<i32>} : memref<6x4x128xf32, #tpu.memory_space<vmem>>, vector<16xf32>,
      tpu.vector_store %arg10[%swap3A_296, %swap3A_297, %swap3A_298], %gather3A_293 {strides = array<i32>} : memref<6x4x128xf32, #tpu.memory_space<vmem>>, vector<16xf32>,
      %add3A_300 = arith.constant 162 : i32
      %add3A_301 = vector.broadcast %add3A_300 : i32 to vector<16xi32>
      %add3A_302 = arith.addi %get3A_279, %add3A_301 : vector<16xi32>
      %gather3A_303 = tpu.vector_load_idx %arg7[%add3A_302, %add3A_275] : memref<324x128xf32, #tpu.memory_space<vmem>>[vector<16xi32>, vector<16xi32>], vector<16xf32>,
      %swap3A_304 = arith.constant 1 : i32
      %swap3A_305 = arith.constant 2 : i32
      %swap3A_306 = arith.index_cast %swap3A_304 : i32 to index
      %swap3A_307 = arith.index_cast %swap3A_305 : i32 to index
      %swap3A_308 = arith.constant 32 : index
      %swap3A_309 = tpu.vector_load %arg10[%swap3A_306, %swap3A_307, %swap3A_308] {strides = array<i32>} : memref<6x4x128xf32, #tpu.memory_space<vmem>>, vector<16xf32>,
      tpu.vector_store %arg10[%swap3A_306, %swap3A_307, %swap3A_308], %gather3A_303 {strides = array<i32>} : memref<6x4x128xf32, #tpu.memory_space<vmem>>, vector<16xf32>,
      %add3A_310 = arith.constant 243 : i32
      %add3A_311 = vector.broadcast %add3A_310 : i32 to vector<16xi32>
      %add3A_312 = arith.addi %get3A_279, %add3A_311 : vector<16xi32>
      %gather3A_313 = tpu.vector_load_idx %arg7[%add3A_312, %add3A_275] : memref<324x128xf32, #tpu.memory_space<vmem>>[vector<16xi32>, vector<16xi32>], vector<16xf32>,
      %swap3A_314 = arith.constant 1 : i32
      %swap3A_315 = arith.constant 3 : i32
      %swap3A_316 = arith.index_cast %swap3A_314 : i32 to index
      %swap3A_317 = arith.index_cast %swap3A_315 : i32 to index
      %swap3A_318 = arith.constant 32 : index
      %swap3A_319 = tpu.vector_load %arg10[%swap3A_316, %swap3A_317, %swap3A_318] {strides = array<i32>} : memref<6x4x128xf32, #tpu.memory_space<vmem>>, vector<16xf32>,
      tpu.vector_store %arg10[%swap3A_316, %swap3A_317, %swap3A_318], %gather3A_313 {strides = array<i32>} : memref<6x4x128xf32, #tpu.memory_space<vmem>>, vector<16xf32>,
      %add3A_320 = arith.constant 48 : i32
      %add3A_321 = vector.broadcast %add3A_320 : i32 to vector<16xi32>
      %add3A_322 = arith.addi %add3A_321, %iota3A : vector<16xi32>
      %get3A_323 = arith.constant 1 : i32
      %get3A_324 = arith.index_cast %get3A_323 : i32 to index
      %get3A_325 = arith.constant 48 : index
      %get3A_326 = tpu.vector_load %arg9[%get3A_324, %get3A_325] {strides = array<i32>} : memref<6x128xi32, #tpu.memory_space<vmem>>, vector<16xi32>,
      %add3A_327 = arith.constant 0 : i32
      %add3A_328 = vector.broadcast %add3A_327 : i32 to vector<16xi32>
      %add3A_329 = arith.addi %get3A_326, %add3A_328 : vector<16xi32>
      %gather3A_330 = tpu.vector_load_idx %arg7[%add3A_329, %add3A_322] : memref<324x128xf32, #tpu.memory_space<vmem>>[vector<16xi32>, vector<16xi32>], vector<16xf32>,
      %swap3A_331 = arith.constant 1 : i32
      %swap3A_332 = arith.constant 0 : i32
      %swap3A_333 = arith.index_cast %swap3A_331 : i32 to index
      %swap3A_334 = arith.index_cast %swap3A_332 : i32 to index
      %swap3A_335 = arith.constant 48 : index
      %swap3A_336 = tpu.vector_load %arg10[%swap3A_333, %swap3A_334, %swap3A_335] {strides = array<i32>} : memref<6x4x128xf32, #tpu.memory_space<vmem>>, vector<16xf32>,
      tpu.vector_store %arg10[%swap3A_333, %swap3A_334, %swap3A_335], %gather3A_330 {strides = array<i32>} : memref<6x4x128xf32, #tpu.memory_space<vmem>>, vector<16xf32>,
      %add3A_337 = arith.constant 81 : i32
      %add3A_338 = vector.broadcast %add3A_337 : i32 to vector<16xi32>
      %add3A_339 = arith.addi %get3A_326, %add3A_338 : vector<16xi32>
      %gather3A_340 = tpu.vector_load_idx %arg7[%add3A_339, %add3A_322] : memref<324x128xf32, #tpu.memory_space<vmem>>[vector<16xi32>, vector<16xi32>], vector<16xf32>,
      %swap3A_341 = arith.constant 1 : i32
      %swap3A_342 = arith.constant 1 : i32
      %swap3A_343 = arith.index_cast %swap3A_341 : i32 to index
      %swap3A_344 = arith.index_cast %swap3A_342 : i32 to index
      %swap3A_345 = arith.constant 48 : index
      %swap3A_346 = tpu.vector_load %arg10[%swap3A_343, %swap3A_344, %swap3A_345] {strides = array<i32>} : memref<6x4x128xf32, #tpu.memory_space<vmem>>, vector<16xf32>,
      tpu.vector_store %arg10[%swap3A_343, %swap3A_344, %swap3A_345], %gather3A_340 {strides = array<i32>} : memref<6x4x128xf32, #tpu.memory_space<vmem>>, vector<16xf32>,
      %add3A_347 = arith.constant 162 : i32
      %add3A_348 = vector.broadcast %add3A_347 : i32 to vector<16xi32>
      %add3A_349 = arith.addi %get3A_326, %add3A_348 : vector<16xi32>
      %gather3A_350 = tpu.vector_load_idx %arg7[%add3A_349, %add3A_322] : memref<324x128xf32, #tpu.memory_space<vmem>>[vector<16xi32>, vector<16xi32>], vector<16xf32>,
      %swap3A_351 = arith.constant 1 : i32
      %swap3A_352 = arith.constant 2 : i32
      %swap3A_353 = arith.index_cast %swap3A_351 : i32 to index
      %swap3A_354 = arith.index_cast %swap3A_352 : i32 to index
      %swap3A_355 = arith.constant 48 : index
      %swap3A_356 = tpu.vector_load %arg10[%swap3A_353, %swap3A_354, %swap3A_355] {strides = array<i32>} : memref<6x4x128xf32, #tpu.memory_space<vmem>>, vector<16xf32>,
      tpu.vector_store %arg10[%swap3A_353, %swap3A_354, %swap3A_355], %gather3A_350 {strides = array<i32>} : memref<6x4x128xf32, #tpu.memory_space<vmem>>, vector<16xf32>,
      %add3A_357 = arith.constant 243 : i32
      %add3A_358 = vector.broadcast %add3A_357 : i32 to vector<16xi32>
      %add3A_359 = arith.addi %get3A_326, %add3A_358 : vector<16xi32>
      %gather3A_360 = tpu.vector_load_idx %arg7[%add3A_359, %add3A_322] : memref<324x128xf32, #tpu.memory_space<vmem>>[vector<16xi32>, vector<16xi32>], vector<16xf32>,
      %swap3A_361 = arith.constant 1 : i32
      %swap3A_362 = arith.constant 3 : i32
      %swap3A_363 = arith.index_cast %swap3A_361 : i32 to index
      %swap3A_364 = arith.index_cast %swap3A_362 : i32 to index
      %swap3A_365 = arith.constant 48 : index
      %swap3A_366 = tpu.vector_load %arg10[%swap3A_363, %swap3A_364, %swap3A_365] {strides = array<i32>} : memref<6x4x128xf32, #tpu.memory_space<vmem>>, vector<16xf32>,
      tpu.vector_store %arg10[%swap3A_363, %swap3A_364, %swap3A_365], %gather3A_360 {strides = array<i32>} : memref<6x4x128xf32, #tpu.memory_space<vmem>>, vector<16xf32>,
      %add3A_367 = arith.constant 64 : i32
      %add3A_368 = vector.broadcast %add3A_367 : i32 to vector<16xi32>
      %add3A_369 = arith.addi %add3A_368, %iota3A : vector<16xi32>
      %get3A_370 = arith.constant 1 : i32
      %get3A_371 = arith.index_cast %get3A_370 : i32 to index
      %get3A_372 = arith.constant 64 : index
      %get3A_373 = tpu.vector_load %arg9[%get3A_371, %get3A_372] {strides = array<i32>} : memref<6x128xi32, #tpu.memory_space<vmem>>, vector<16xi32>,
      %add3A_374 = arith.constant 0 : i32
      %add3A_375 = vector.broadcast %add3A_374 : i32 to vector<16xi32>
      %add3A_376 = arith.addi %get3A_373, %add3A_375 : vector<16xi32>
      %gather3A_377 = tpu.vector_load_idx %arg7[%add3A_376, %add3A_369] : memref<324x128xf32, #tpu.memory_space<vmem>>[vector<16xi32>, vector<16xi32>], vector<16xf32>,
      %swap3A_378 = arith.constant 1 : i32
      %swap3A_379 = arith.constant 0 : i32
      %swap3A_380 = arith.index_cast %swap3A_378 : i32 to index
      %swap3A_381 = arith.index_cast %swap3A_379 : i32 to index
      %swap3A_382 = arith.constant 64 : index
      %swap3A_383 = tpu.vector_load %arg10[%swap3A_380, %swap3A_381, %swap3A_382] {strides = array<i32>} : memref<6x4x128xf32, #tpu.memory_space<vmem>>, vector<16xf32>,
      tpu.vector_store %arg10[%swap3A_380, %swap3A_381, %swap3A_382], %gather3A_377 {strides = array<i32>} : memref<6x4x128xf32, #tpu.memory_space<vmem>>, vector<16xf32>,
      %add3A_384 = arith.constant 81 : i32
      %add3A_385 = vector.broadcast %add3A_384 : i32 to vector<16xi32>
      %add3A_386 = arith.addi %get3A_373, %add3A_385 : vector<16xi32>
      %gather3A_387 = tpu.vector_load_idx %arg7[%add3A_386, %add3A_369] : memref<324x128xf32, #tpu.memory_space<vmem>>[vector<16xi32>, vector<16xi32>], vector<16xf32>,
      %swap3A_388 = arith.constant 1 : i32
      %swap3A_389 = arith.constant 1 : i32
      %swap3A_390 = arith.index_cast %swap3A_388 : i32 to index
      %swap3A_391 = arith.index_cast %swap3A_389 : i32 to index
      %swap3A_392 = arith.constant 64 : index
      %swap3A_393 = tpu.vector_load %arg10[%swap3A_390, %swap3A_391, %swap3A_392] {strides = array<i32>} : memref<6x4x128xf32, #tpu.memory_space<vmem>>, vector<16xf32>,
      tpu.vector_store %arg10[%swap3A_390, %swap3A_391, %swap3A_392], %gather3A_387 {strides = array<i32>} : memref<6x4x128xf32, #tpu.memory_space<vmem>>, vector<16xf32>,
      %add3A_394 = arith.constant 162 : i32
      %add3A_395 = vector.broadcast %add3A_394 : i32 to vector<16xi32>
      %add3A_396 = arith.addi %get3A_373, %add3A_395 : vector<16xi32>
      %gather3A_397 = tpu.vector_load_idx %arg7[%add3A_396, %add3A_369] : memref<324x128xf32, #tpu.memory_space<vmem>>[vector<16xi32>, vector<16xi32>], vector<16xf32>,
      %swap3A_398 = arith.constant 1 : i32
      %swap3A_399 = arith.constant 2 : i32
      %swap3A_400 = arith.index_cast %swap3A_398 : i32 to index
      %swap3A_401 = arith.index_cast %swap3A_399 : i32 to index
      %swap3A_402 = arith.constant 64 : index
      %swap3A_403 = tpu.vector_load %arg10[%swap3A_400, %swap3A_401, %swap3A_402] {strides = array<i32>} : memref<6x4x128xf32, #tpu.memory_space<vmem>>, vector<16xf32>,
      tpu.vector_store %arg10[%swap3A_400, %swap3A_401, %swap3A_402], %gather3A_397 {strides = array<i32>} : memref<6x4x128xf32, #tpu.memory_space<vmem>>, vector<16xf32>,
      %add3A_404 = arith.constant 243 : i32
      %add3A_405 = vector.broadcast %add3A_404 : i32 to vector<16xi32>
      %add3A_406 = arith.addi %get3A_373, %add3A_405 : vector<16xi32>
      %gather3A_407 = tpu.vector_load_idx %arg7[%add3A_406, %add3A_369] : memref<324x128xf32, #tpu.memory_space<vmem>>[vector<16xi32>, vector<16xi32>], vector<16xf32>,
      %swap3A_408 = arith.constant 1 : i32
      %swap3A_409 = arith.constant 3 : i32
      %swap3A_410 = arith.index_cast %swap3A_408 : i32 to index
      %swap3A_411 = arith.index_cast %swap3A_409 : i32 to index
      %swap3A_412 = arith.constant 64 : index
      %swap3A_413 = tpu.vector_load %arg10[%swap3A_410, %swap3A_411, %swap3A_412] {strides = array<i32>} : memref<6x4x128xf32, #tpu.memory_space<vmem>>, vector<16xf32>,
      tpu.vector_store %arg10[%swap3A_410, %swap3A_411, %swap3A_412], %gather3A_407 {strides = array<i32>} : memref<6x4x128xf32, #tpu.memory_space<vmem>>, vector<16xf32>,
      %add3A_414 = arith.constant 80 : i32
      %add3A_415 = vector.broadcast %add3A_414 : i32 to vector<16xi32>
      %add3A_416 = arith.addi %add3A_415, %iota3A : vector<16xi32>
      %get3A_417 = arith.constant 1 : i32
      %get3A_418 = arith.index_cast %get3A_417 : i32 to index
      %get3A_419 = arith.constant 80 : index
      %get3A_420 = tpu.vector_load %arg9[%get3A_418, %get3A_419] {strides = array<i32>} : memref<6x128xi32, #tpu.memory_space<vmem>>, vector<16xi32>,
      %add3A_421 = arith.constant 0 : i32
      %add3A_422 = vector.broadcast %add3A_421 : i32 to vector<16xi32>
      %add3A_423 = arith.addi %get3A_420, %add3A_422 : vector<16xi32>
      %gather3A_424 = tpu.vector_load_idx %arg7[%add3A_423, %add3A_416] : memref<324x128xf32, #tpu.memory_space<vmem>>[vector<16xi32>, vector<16xi32>], vector<16xf32>,
      %swap3A_425 = arith.constant 1 : i32
      %swap3A_426 = arith.constant 0 : i32
      %swap3A_427 = arith.index_cast %swap3A_425 : i32 to index
      %swap3A_428 = arith.index_cast %swap3A_426 : i32 to index
      %swap3A_429 = arith.constant 80 : index
      %swap3A_430 = tpu.vector_load %arg10[%swap3A_427, %swap3A_428, %swap3A_429] {strides = array<i32>} : memref<6x4x128xf32, #tpu.memory_space<vmem>>, vector<16xf32>,
      tpu.vector_store %arg10[%swap3A_427, %swap3A_428, %swap3A_429], %gather3A_424 {strides = array<i32>} : memref<6x4x128xf32, #tpu.memory_space<vmem>>, vector<16xf32>,
      %add3A_431 = arith.constant 81 : i32
      %add3A_432 = vector.broadcast %add3A_431 : i32 to vector<16xi32>
      %add3A_433 = arith.addi %get3A_420, %add3A_432 : vector<16xi32>
      %gather3A_434 = tpu.vector_load_idx %arg7[%add3A_433, %add3A_416] : memref<324x128xf32, #tpu.memory_space<vmem>>[vector<16xi32>, vector<16xi32>], vector<16xf32>,
      %swap3A_435 = arith.constant 1 : i32
      %swap3A_436 = arith.constant 1 : i32
      %swap3A_437 = arith.index_cast %swap3A_435 : i32 to index
      %swap3A_438 = arith.index_cast %swap3A_436 : i32 to index
      %swap3A_439 = arith.constant 80 : index
      %swap3A_440 = tpu.vector_load %arg10[%swap3A_437, %swap3A_438, %swap3A_439] {strides = array<i32>} : memref<6x4x128xf32, #tpu.memory_space<vmem>>, vector<16xf32>,
      tpu.vector_store %arg10[%swap3A_437, %swap3A_438, %swap3A_439], %gather3A_434 {strides = array<i32>} : memref<6x4x128xf32, #tpu.memory_space<vmem>>, vector<16xf32>,
      %add3A_441 = arith.constant 162 : i32
      %add3A_442 = vector.broadcast %add3A_441 : i32 to vector<16xi32>
      %add3A_443 = arith.addi %get3A_420, %add3A_442 : vector<16xi32>
      %gather3A_444 = tpu.vector_load_idx %arg7[%add3A_443, %add3A_416] : memref<324x128xf32, #tpu.memory_space<vmem>>[vector<16xi32>, vector<16xi32>], vector<16xf32>,
      %swap3A_445 = arith.constant 1 : i32
      %swap3A_446 = arith.constant 2 : i32
      %swap3A_447 = arith.index_cast %swap3A_445 : i32 to index
      %swap3A_448 = arith.index_cast %swap3A_446 : i32 to index
      %swap3A_449 = arith.constant 80 : index
      %swap3A_450 = tpu.vector_load %arg10[%swap3A_447, %swap3A_448, %swap3A_449] {strides = array<i32>} : memref<6x4x128xf32, #tpu.memory_space<vmem>>, vector<16xf32>,
      tpu.vector_store %arg10[%swap3A_447, %swap3A_448, %swap3A_449], %gather3A_444 {strides = array<i32>} : memref<6x4x128xf32, #tpu.memory_space<vmem>>, vector<16xf32>,
      %add3A_451 = arith.constant 243 : i32
      %add3A_452 = vector.broadcast %add3A_451 : i32 to vector<16xi32>
      %add3A_453 = arith.addi %get3A_420, %add3A_452 : vector<16xi32>
      %gather3A_454 = tpu.vector_load_idx %arg7[%add3A_453, %add3A_416] : memref<324x128xf32, #tpu.memory_space<vmem>>[vector<16xi32>, vector<16xi32>], vector<16xf32>,
      %swap3A_455 = arith.constant 1 : i32
      %swap3A_456 = arith.constant 3 : i32
      %swap3A_457 = arith.index_cast %swap3A_455 : i32 to index
      %swap3A_458 = arith.index_cast %swap3A_456 : i32 to index
      %swap3A_459 = arith.constant 80 : index
      %swap3A_460 = tpu.vector_load %arg10[%swap3A_457, %swap3A_458, %swap3A_459] {strides = array<i32>} : memref<6x4x128xf32, #tpu.memory_space<vmem>>, vector<16xf32>,
      tpu.vector_store %arg10[%swap3A_457, %swap3A_458, %swap3A_459], %gather3A_454 {strides = array<i32>} : memref<6x4x128xf32, #tpu.memory_space<vmem>>, vector<16xf32>,
      %add3A_461 = arith.constant 96 : i32
      %add3A_462 = vector.broadcast %add3A_461 : i32 to vector<16xi32>
      %add3A_463 = arith.addi %add3A_462, %iota3A : vector<16xi32>
      %get3A_464 = arith.constant 1 : i32
      %get3A_465 = arith.index_cast %get3A_464 : i32 to index
      %get3A_466 = arith.constant 96 : index
      %get3A_467 = tpu.vector_load %arg9[%get3A_465, %get3A_466] {strides = array<i32>} : memref<6x128xi32, #tpu.memory_space<vmem>>, vector<16xi32>,
      %add3A_468 = arith.constant 0 : i32
      %add3A_469 = vector.broadcast %add3A_468 : i32 to vector<16xi32>
      %add3A_470 = arith.addi %get3A_467, %add3A_469 : vector<16xi32>
      %gather3A_471 = tpu.vector_load_idx %arg7[%add3A_470, %add3A_463] : memref<324x128xf32, #tpu.memory_space<vmem>>[vector<16xi32>, vector<16xi32>], vector<16xf32>,
      %swap3A_472 = arith.constant 1 : i32
      %swap3A_473 = arith.constant 0 : i32
      %swap3A_474 = arith.index_cast %swap3A_472 : i32 to index
      %swap3A_475 = arith.index_cast %swap3A_473 : i32 to index
      %swap3A_476 = arith.constant 96 : index
      %swap3A_477 = tpu.vector_load %arg10[%swap3A_474, %swap3A_475, %swap3A_476] {strides = array<i32>} : memref<6x4x128xf32, #tpu.memory_space<vmem>>, vector<16xf32>,
      tpu.vector_store %arg10[%swap3A_474, %swap3A_475, %swap3A_476], %gather3A_471 {strides = array<i32>} : memref<6x4x128xf32, #tpu.memory_space<vmem>>, vector<16xf32>,
      %add3A_478 = arith.constant 81 : i32
      %add3A_479 = vector.broadcast %add3A_478 : i32 to vector<16xi32>
      %add3A_480 = arith.addi %get3A_467, %add3A_479 : vector<16xi32>
      %gather3A_481 = tpu.vector_load_idx %arg7[%add3A_480, %add3A_463] : memref<324x128xf32, #tpu.memory_space<vmem>>[vector<16xi32>, vector<16xi32>], vector<16xf32>,
      %swap3A_482 = arith.constant 1 : i32
      %swap3A_483 = arith.constant 1 : i32
      %swap3A_484 = arith.index_cast %swap3A_482 : i32 to index
      %swap3A_485 = arith.index_cast %swap3A_483 : i32 to index
      %swap3A_486 = arith.constant 96 : index
      %swap3A_487 = tpu.vector_load %arg10[%swap3A_484, %swap3A_485, %swap3A_486] {strides = array<i32>} : memref<6x4x128xf32, #tpu.memory_space<vmem>>, vector<16xf32>,
      tpu.vector_store %arg10[%swap3A_484, %swap3A_485, %swap3A_486], %gather3A_481 {strides = array<i32>} : memref<6x4x128xf32, #tpu.memory_space<vmem>>, vector<16xf32>,
      %add3A_488 = arith.constant 162 : i32
      %add3A_489 = vector.broadcast %add3A_488 : i32 to vector<16xi32>
      %add3A_490 = arith.addi %get3A_467, %add3A_489 : vector<16xi32>
      %gather3A_491 = tpu.vector_load_idx %arg7[%add3A_490, %add3A_463] : memref<324x128xf32, #tpu.memory_space<vmem>>[vector<16xi32>, vector<16xi32>], vector<16xf32>,
      %swap3A_492 = arith.constant 1 : i32
      %swap3A_493 = arith.constant 2 : i32
      %swap3A_494 = arith.index_cast %swap3A_492 : i32 to index
      %swap3A_495 = arith.index_cast %swap3A_493 : i32 to index
      %swap3A_496 = arith.constant 96 : index
      %swap3A_497 = tpu.vector_load %arg10[%swap3A_494, %swap3A_495, %swap3A_496] {strides = array<i32>} : memref<6x4x128xf32, #tpu.memory_space<vmem>>, vector<16xf32>,
      tpu.vector_store %arg10[%swap3A_494, %swap3A_495, %swap3A_496], %gather3A_491 {strides = array<i32>} : memref<6x4x128xf32, #tpu.memory_space<vmem>>, vector<16xf32>,
      %add3A_498 = arith.constant 243 : i32
      %add3A_499 = vector.broadcast %add3A_498 : i32 to vector<16xi32>
      %add3A_500 = arith.addi %get3A_467, %add3A_499 : vector<16xi32>
      %gather3A_501 = tpu.vector_load_idx %arg7[%add3A_500, %add3A_463] : memref<324x128xf32, #tpu.memory_space<vmem>>[vector<16xi32>, vector<16xi32>], vector<16xf32>,
      %swap3A_502 = arith.constant 1 : i32
      %swap3A_503 = arith.constant 3 : i32
      %swap3A_504 = arith.index_cast %swap3A_502 : i32 to index
      %swap3A_505 = arith.index_cast %swap3A_503 : i32 to index
      %swap3A_506 = arith.constant 96 : index
      %swap3A_507 = tpu.vector_load %arg10[%swap3A_504, %swap3A_505, %swap3A_506] {strides = array<i32>} : memref<6x4x128xf32, #tpu.memory_space<vmem>>, vector<16xf32>,
      tpu.vector_store %arg10[%swap3A_504, %swap3A_505, %swap3A_506], %gather3A_501 {strides = array<i32>} : memref<6x4x128xf32, #tpu.memory_space<vmem>>, vector<16xf32>,
      %add3A_508 = arith.constant 112 : i32
      %add3A_509 = vector.broadcast %add3A_508 : i32 to vector<16xi32>
      %add3A_510 = arith.addi %add3A_509, %iota3A : vector<16xi32>
      %get3A_511 = arith.constant 1 : i32
      %get3A_512 = arith.index_cast %get3A_511 : i32 to index
      %get3A_513 = arith.constant 112 : index
      %get3A_514 = tpu.vector_load %arg9[%get3A_512, %get3A_513] {strides = array<i32>} : memref<6x128xi32, #tpu.memory_space<vmem>>, vector<16xi32>,
      %add3A_515 = arith.constant 0 : i32
      %add3A_516 = vector.broadcast %add3A_515 : i32 to vector<16xi32>
      %add3A_517 = arith.addi %get3A_514, %add3A_516 : vector<16xi32>
      %gather3A_518 = tpu.vector_load_idx %arg7[%add3A_517, %add3A_510] : memref<324x128xf32, #tpu.memory_space<vmem>>[vector<16xi32>, vector<16xi32>], vector<16xf32>,
      %swap3A_519 = arith.constant 1 : i32
      %swap3A_520 = arith.constant 0 : i32
      %swap3A_521 = arith.index_cast %swap3A_519 : i32 to index
      %swap3A_522 = arith.index_cast %swap3A_520 : i32 to index
      %swap3A_523 = arith.constant 112 : index
      %swap3A_524 = tpu.vector_load %arg10[%swap3A_521, %swap3A_522, %swap3A_523] {strides = array<i32>} : memref<6x4x128xf32, #tpu.memory_space<vmem>>, vector<16xf32>,
      tpu.vector_store %arg10[%swap3A_521, %swap3A_522, %swap3A_523], %gather3A_518 {strides = array<i32>} : memref<6x4x128xf32, #tpu.memory_space<vmem>>, vector<16xf32>,
      %add3A_525 = arith.constant 81 : i32
      %add3A_526 = vector.broadcast %add3A_525 : i32 to vector<16xi32>
      %add3A_527 = arith.addi %get3A_514, %add3A_526 : vector<16xi32>
      %gather3A_528 = tpu.vector_load_idx %arg7[%add3A_527, %add3A_510] : memref<324x128xf32, #tpu.memory_space<vmem>>[vector<16xi32>, vector<16xi32>], vector<16xf32>,
      %swap3A_529 = arith.constant 1 : i32
      %swap3A_530 = arith.constant 1 : i32
      %swap3A_531 = arith.index_cast %swap3A_529 : i32 to index
      %swap3A_532 = arith.index_cast %swap3A_530 : i32 to index
      %swap3A_533 = arith.constant 112 : index
      %swap3A_534 = tpu.vector_load %arg10[%swap3A_531, %swap3A_532, %swap3A_533] {strides = array<i32>} : memref<6x4x128xf32, #tpu.memory_space<vmem>>, vector<16xf32>,
      tpu.vector_store %arg10[%swap3A_531, %swap3A_532, %swap3A_533], %gather3A_528 {strides = array<i32>} : memref<6x4x128xf32, #tpu.memory_space<vmem>>, vector<16xf32>,
      %add3A_535 = arith.constant 162 : i32
      %add3A_536 = vector.broadcast %add3A_535 : i32 to vector<16xi32>
      %add3A_537 = arith.addi %get3A_514, %add3A_536 : vector<16xi32>
      %gather3A_538 = tpu.vector_load_idx %arg7[%add3A_537, %add3A_510] : memref<324x128xf32, #tpu.memory_space<vmem>>[vector<16xi32>, vector<16xi32>], vector<16xf32>,
      %swap3A_539 = arith.constant 1 : i32
      %swap3A_540 = arith.constant 2 : i32
      %swap3A_541 = arith.index_cast %swap3A_539 : i32 to index
      %swap3A_542 = arith.index_cast %swap3A_540 : i32 to index
      %swap3A_543 = arith.constant 112 : index
      %swap3A_544 = tpu.vector_load %arg10[%swap3A_541, %swap3A_542, %swap3A_543] {strides = array<i32>} : memref<6x4x128xf32, #tpu.memory_space<vmem>>, vector<16xf32>,
      tpu.vector_store %arg10[%swap3A_541, %swap3A_542, %swap3A_543], %gather3A_538 {strides = array<i32>} : memref<6x4x128xf32, #tpu.memory_space<vmem>>, vector<16xf32>,
      %add3A_545 = arith.constant 243 : i32
      %add3A_546 = vector.broadcast %add3A_545 : i32 to vector<16xi32>
      %add3A_547 = arith.addi %get3A_514, %add3A_546 : vector<16xi32>
      %gather3A_548 = tpu.vector_load_idx %arg7[%add3A_547, %add3A_510] : memref<324x128xf32, #tpu.memory_space<vmem>>[vector<16xi32>, vector<16xi32>], vector<16xf32>,
      %swap3A_549 = arith.constant 1 : i32
      %swap3A_550 = arith.constant 3 : i32
      %swap3A_551 = arith.index_cast %swap3A_549 : i32 to index
      %swap3A_552 = arith.index_cast %swap3A_550 : i32 to index
      %swap3A_553 = arith.constant 112 : index
      %swap3A_554 = tpu.vector_load %arg10[%swap3A_551, %swap3A_552, %swap3A_553] {strides = array<i32>} : memref<6x4x128xf32, #tpu.memory_space<vmem>>, vector<16xf32>,
      tpu.vector_store %arg10[%swap3A_551, %swap3A_552, %swap3A_553], %gather3A_548 {strides = array<i32>} : memref<6x4x128xf32, #tpu.memory_space<vmem>>, vector<16xf32>,
      %mul3A_555 = arith.constant 128 : i32
      %mul3A_556 = arith.muli %mul3A_555, %add3A_90 : i32
      %dma_start3A = arith.constant 1 : i32
      %dma_start3A_557 = arith.constant 0 : i32
      %dma_start3A_558 = arith.constant 0 : i32
      %dma_start3A_559 = tpu.memref_slice %arg10[%dma_start3A, %dma_start3A_557, %dma_start3A_558] : memref<6x4x128xf32, #tpu.memory_space<vmem>> -> memref<1x4x128xf32, #tpu.memory_space<vmem>>
      %dma_start3A_560 = tpu.memref_squeeze %dma_start3A_559 : memref<1x4x128xf32, #tpu.memory_space<vmem>> -> memref<4x128xf32, #tpu.memory_space<vmem>>
      %dma_start3A_561 = arith.constant 0 : i32
      %dma_start3A_562 = tpu.memref_slice %arg4[%dma_start3A_561, %mul3A_556] : memref<4x20096xf32, #tpu.memory_space<hbm>> -> memref<4x128xf32, #tpu.memory_space<hbm>>
      %dma_start3A_563 = arith.constant 0 : i32
      %dma_start3A_564 = tpu.memref_slice %arg4[%dma_start3A_563, %mul3A_556] : memref<4x20096xf32, #tpu.memory_space<hbm>> -> memref<4x128xf32, #tpu.memory_space<hbm>>
      %dma_start3A_565 = arith.constant 0 : i32
      %dma_start3A_566 = arith.constant 0 : i32
      %dma_start3A_567 = tpu.memref_slice %arg10[%dma_start3A, %dma_start3A_565, %dma_start3A_566] : memref<6x4x128xf32, #tpu.memory_space<vmem>> -> memref<1x4x128xf32, #tpu.memory_space<vmem>>
      %dma_start3A_568 = tpu.memref_squeeze %dma_start3A_567 : memref<1x4x128xf32, #tpu.memory_space<vmem>> -> memref<4x128xf32, #tpu.memory_space<vmem>>
      tpu.enqueue_dma source(%dma_start3A_568 : memref<4x128xf32, #tpu.memory_space<vmem>>) target(%dma_start3A_564 : memref<4x128xf32, #tpu.memory_space<hbm>>) target_semaphore(%arg14 : memref<!tpu.dma_semaphore, #tpu.memory_space<semaphore_mem>>)
      %mul3A_569 = arith.constant 128 : i32
      %mul3A_570 = arith.muli %mul3A_569, %add3A_90 : i32
      %dma_start3A_571 = arith.constant 1 : i32
      %dma_start3A_572 = arith.constant 0 : i32
      %dma_start3A_573 = tpu.memref_slice %arg9[%dma_start3A_571, %dma_start3A_572] : memref<6x128xi32, #tpu.memory_space<vmem>> -> memref<1x128xi32, #tpu.memory_space<vmem>>
      %dma_start3A_574 = tpu.memref_squeeze %dma_start3A_573 : memref<1x128xi32, #tpu.memory_space<vmem>> -> memref<128xi32, #tpu.memory_space<vmem>>
      %dma_start3A_575 = tpu.memref_slice %arg5[%mul3A_570] : memref<20000xi32, #tpu.memory_space<hbm>> -> memref<128xi32, #tpu.memory_space<hbm>>
      %dma_start3A_576 = tpu.memref_slice %arg5[%mul3A_570] : memref<20000xi32, #tpu.memory_space<hbm>> -> memref<128xi32, #tpu.memory_space<hbm>>
      %dma_start3A_577 = arith.constant 0 : i32
      %dma_start3A_578 = tpu.memref_slice %arg9[%dma_start3A_571, %dma_start3A_577] : memref<6x128xi32, #tpu.memory_space<vmem>> -> memref<1x128xi32, #tpu.memory_space<vmem>>
      %dma_start3A_579 = tpu.memref_squeeze %dma_start3A_578 : memref<1x128xi32, #tpu.memory_space<vmem>> -> memref<128xi32, #tpu.memory_space<vmem>>
      tpu.enqueue_dma source(%dma_start3A_579 : memref<128xi32, #tpu.memory_space<vmem>>) target(%dma_start3A_576 : memref<128xi32, #tpu.memory_space<hbm>>) target_semaphore(%arg14 : memref<!tpu.dma_semaphore, #tpu.memory_space<semaphore_mem>>)
    } else {
    }
    %add3A_103 = arith.constant 64 : i32
    %add3A_104 = arith.addi %add3A, %add3A_103 : i32
    %add3A_105 = arith.constant 96 : i32
    %add3A_106 = arith.addi %add3A, %add3A_105 : i32
    %lt3A_107 = arith.constant 156 : i32
    %lt3A_108 = arith.cmpi slt, %add3A_106, %lt3A_107 : i32
    %convert_element_type3A_109 = arith.extui %lt3A_108 : i1 to i32
    %cond3A_110 = arith.constant 0 : i32
    %cond3A_111 = arith.cmpi ne, %convert_element_type3A_109, %cond3A_110 : i32
    scf.if %cond3A_111 {
      %mul3A_177 = arith.constant 128 : i32
      %mul3A_178 = arith.muli %mul3A_177, %add3A_106 : i32
      %dma_start3A = arith.constant 0 : i32
      %dma_start3A_179 = tpu.memref_slice %arg2[%dma_start3A, %mul3A_178] : memref<324x20000xf32, #tpu.memory_space<hbm>> -> memref<324x128xf32, #tpu.memory_space<hbm>>
      %dma_start3A_180 = arith.constant 0 : i32
      %dma_start3A_181 = tpu.memref_slice %arg2[%dma_start3A_180, %mul3A_178] : memref<324x20000xf32, #tpu.memory_space<hbm>> -> memref<324x128xf32, #tpu.memory_space<hbm>>
      tpu.enqueue_dma source(%dma_start3A_181 : memref<324x128xf32, #tpu.memory_space<hbm>>) target(%arg7 : memref<324x128xf32, #tpu.memory_space<vmem>>) target_semaphore(%arg12 : memref<!tpu.dma_semaphore, #tpu.memory_space<semaphore_mem>>)
    } else {
    }
    %lt3A_112 = arith.constant 156 : i32
    %lt3A_113 = arith.cmpi slt, %add3A_104, %lt3A_112 : i32
    %convert_element_type3A_114 = arith.extui %lt3A_113 : i1 to i32
    %cond3A_115 = arith.constant 0 : i32
    %cond3A_116 = arith.cmpi ne, %convert_element_type3A_114, %cond3A_115 : i32
    scf.if %cond3A_116 {
      %mul3A_177 = arith.constant 128 : i32
      %mul3A_178 = arith.muli %mul3A_177, %add3A_104 : i32
      %dma_wait3A = arith.constant 0 : i32
      %dma_wait3A_179 = tpu.memref_slice %arg2[%dma_wait3A, %mul3A_178] : memref<324x20000xf32, #tpu.memory_space<hbm>> -> memref<324x128xf32, #tpu.memory_space<hbm>>
      %dma_wait3A_180 = arith.constant 0 : i32
      %dma_wait3A_181 = tpu.memref_slice %arg2[%dma_wait3A_180, %mul3A_178] : memref<324x20000xf32, #tpu.memory_space<hbm>> -> memref<324x128xf32, #tpu.memory_space<hbm>>
      tpu.wait_dma2 semaphore(%arg11 : memref<!tpu.dma_semaphore, #tpu.memory_space<semaphore_mem>>) src(%dma_wait3A_181 : memref<324x128xf32, #tpu.memory_space<hbm>>) dst(%arg6 : memref<324x128xf32, #tpu.memory_space<vmem>>)
      %add3A_182 = arith.constant 0 : i32
      %add3A_183 = vector.broadcast %add3A_182 : i32 to vector<16xi32>
      %add3A_184 = arith.addi %add3A_183, %iota3A : vector<16xi32>
      %get3A = arith.constant 2 : i32
      %get3A_185 = arith.index_cast %get3A : i32 to index
      %get3A_186 = arith.constant 0 : index
      %get3A_187 = tpu.vector_load %arg9[%get3A_185, %get3A_186] {strides = array<i32>} : memref<6x128xi32, #tpu.memory_space<vmem>>, vector<16xi32>,
      %add3A_188 = arith.constant 0 : i32
      %add3A_189 = vector.broadcast %add3A_188 : i32 to vector<16xi32>
      %add3A_190 = arith.addi %get3A_187, %add3A_189 : vector<16xi32>
      %gather3A = tpu.vector_load_idx %arg6[%add3A_190, %add3A_184] : memref<324x128xf32, #tpu.memory_space<vmem>>[vector<16xi32>, vector<16xi32>], vector<16xf32>,
      %swap3A = arith.constant 2 : i32
      %swap3A_191 = arith.constant 0 : i32
      %swap3A_192 = arith.index_cast %swap3A : i32 to index
      %swap3A_193 = arith.index_cast %swap3A_191 : i32 to index
      %swap3A_194 = arith.constant 0 : index
      %swap3A_195 = tpu.vector_load %arg10[%swap3A_192, %swap3A_193, %swap3A_194] {strides = array<i32>} : memref<6x4x128xf32, #tpu.memory_space<vmem>>, vector<16xf32>,
      tpu.vector_store %arg10[%swap3A_192, %swap3A_193, %swap3A_194], %gather3A {strides = array<i32>} : memref<6x4x128xf32, #tpu.memory_space<vmem>>, vector<16xf32>,
      %add3A_196 = arith.constant 81 : i32
      %add3A_197 = vector.broadcast %add3A_196 : i32 to vector<16xi32>
      %add3A_198 = arith.addi %get3A_187, %add3A_197 : vector<16xi32>
      %gather3A_199 = tpu.vector_load_idx %arg6[%add3A_198, %add3A_184] : memref<324x128xf32, #tpu.memory_space<vmem>>[vector<16xi32>, vector<16xi32>], vector<16xf32>,
      %swap3A_200 = arith.constant 2 : i32
      %swap3A_201 = arith.constant 1 : i32
      %swap3A_202 = arith.index_cast %swap3A_200 : i32 to index
      %swap3A_203 = arith.index_cast %swap3A_201 : i32 to index
      %swap3A_204 = arith.constant 0 : index
      %swap3A_205 = tpu.vector_load %arg10[%swap3A_202, %swap3A_203, %swap3A_204] {strides = array<i32>} : memref<6x4x128xf32, #tpu.memory_space<vmem>>, vector<16xf32>,
      tpu.vector_store %arg10[%swap3A_202, %swap3A_203, %swap3A_204], %gather3A_199 {strides = array<i32>} : memref<6x4x128xf32, #tpu.memory_space<vmem>>, vector<16xf32>,
      %add3A_206 = arith.constant 162 : i32
      %add3A_207 = vector.broadcast %add3A_206 : i32 to vector<16xi32>
      %add3A_208 = arith.addi %get3A_187, %add3A_207 : vector<16xi32>
      %gather3A_209 = tpu.vector_load_idx %arg6[%add3A_208, %add3A_184] : memref<324x128xf32, #tpu.memory_space<vmem>>[vector<16xi32>, vector<16xi32>], vector<16xf32>,
      %swap3A_210 = arith.constant 2 : i32
      %swap3A_211 = arith.constant 2 : i32
      %swap3A_212 = arith.index_cast %swap3A_210 : i32 to index
      %swap3A_213 = arith.index_cast %swap3A_211 : i32 to index
      %swap3A_214 = arith.constant 0 : index
      %swap3A_215 = tpu.vector_load %arg10[%swap3A_212, %swap3A_213, %swap3A_214] {strides = array<i32>} : memref<6x4x128xf32, #tpu.memory_space<vmem>>, vector<16xf32>,
      tpu.vector_store %arg10[%swap3A_212, %swap3A_213, %swap3A_214], %gather3A_209 {strides = array<i32>} : memref<6x4x128xf32, #tpu.memory_space<vmem>>, vector<16xf32>,
      %add3A_216 = arith.constant 243 : i32
      %add3A_217 = vector.broadcast %add3A_216 : i32 to vector<16xi32>
      %add3A_218 = arith.addi %get3A_187, %add3A_217 : vector<16xi32>
      %gather3A_219 = tpu.vector_load_idx %arg6[%add3A_218, %add3A_184] : memref<324x128xf32, #tpu.memory_space<vmem>>[vector<16xi32>, vector<16xi32>], vector<16xf32>,
      %swap3A_220 = arith.constant 2 : i32
      %swap3A_221 = arith.constant 3 : i32
      %swap3A_222 = arith.index_cast %swap3A_220 : i32 to index
      %swap3A_223 = arith.index_cast %swap3A_221 : i32 to index
      %swap3A_224 = arith.constant 0 : index
      %swap3A_225 = tpu.vector_load %arg10[%swap3A_222, %swap3A_223, %swap3A_224] {strides = array<i32>} : memref<6x4x128xf32, #tpu.memory_space<vmem>>, vector<16xf32>,
      tpu.vector_store %arg10[%swap3A_222, %swap3A_223, %swap3A_224], %gather3A_219 {strides = array<i32>} : memref<6x4x128xf32, #tpu.memory_space<vmem>>, vector<16xf32>,
      %add3A_226 = arith.constant 16 : i32
      %add3A_227 = vector.broadcast %add3A_226 : i32 to vector<16xi32>
      %add3A_228 = arith.addi %add3A_227, %iota3A : vector<16xi32>
      %get3A_229 = arith.constant 2 : i32
      %get3A_230 = arith.index_cast %get3A_229 : i32 to index
      %get3A_231 = arith.constant 16 : index
      %get3A_232 = tpu.vector_load %arg9[%get3A_230, %get3A_231] {strides = array<i32>} : memref<6x128xi32, #tpu.memory_space<vmem>>, vector<16xi32>,
      %add3A_233 = arith.constant 0 : i32
      %add3A_234 = vector.broadcast %add3A_233 : i32 to vector<16xi32>
      %add3A_235 = arith.addi %get3A_232, %add3A_234 : vector<16xi32>
      %gather3A_236 = tpu.vector_load_idx %arg6[%add3A_235, %add3A_228] : memref<324x128xf32, #tpu.memory_space<vmem>>[vector<16xi32>, vector<16xi32>], vector<16xf32>,
      %swap3A_237 = arith.constant 2 : i32
      %swap3A_238 = arith.constant 0 : i32
      %swap3A_239 = arith.index_cast %swap3A_237 : i32 to index
      %swap3A_240 = arith.index_cast %swap3A_238 : i32 to index
      %swap3A_241 = arith.constant 16 : index
      %swap3A_242 = tpu.vector_load %arg10[%swap3A_239, %swap3A_240, %swap3A_241] {strides = array<i32>} : memref<6x4x128xf32, #tpu.memory_space<vmem>>, vector<16xf32>,
      tpu.vector_store %arg10[%swap3A_239, %swap3A_240, %swap3A_241], %gather3A_236 {strides = array<i32>} : memref<6x4x128xf32, #tpu.memory_space<vmem>>, vector<16xf32>,
      %add3A_243 = arith.constant 81 : i32
      %add3A_244 = vector.broadcast %add3A_243 : i32 to vector<16xi32>
      %add3A_245 = arith.addi %get3A_232, %add3A_244 : vector<16xi32>
      %gather3A_246 = tpu.vector_load_idx %arg6[%add3A_245, %add3A_228] : memref<324x128xf32, #tpu.memory_space<vmem>>[vector<16xi32>, vector<16xi32>], vector<16xf32>,
      %swap3A_247 = arith.constant 2 : i32
      %swap3A_248 = arith.constant 1 : i32
      %swap3A_249 = arith.index_cast %swap3A_247 : i32 to index
      %swap3A_250 = arith.index_cast %swap3A_248 : i32 to index
      %swap3A_251 = arith.constant 16 : index
      %swap3A_252 = tpu.vector_load %arg10[%swap3A_249, %swap3A_250, %swap3A_251] {strides = array<i32>} : memref<6x4x128xf32, #tpu.memory_space<vmem>>, vector<16xf32>,
      tpu.vector_store %arg10[%swap3A_249, %swap3A_250, %swap3A_251], %gather3A_246 {strides = array<i32>} : memref<6x4x128xf32, #tpu.memory_space<vmem>>, vector<16xf32>,
      %add3A_253 = arith.constant 162 : i32
      %add3A_254 = vector.broadcast %add3A_253 : i32 to vector<16xi32>
      %add3A_255 = arith.addi %get3A_232, %add3A_254 : vector<16xi32>
      %gather3A_256 = tpu.vector_load_idx %arg6[%add3A_255, %add3A_228] : memref<324x128xf32, #tpu.memory_space<vmem>>[vector<16xi32>, vector<16xi32>], vector<16xf32>,
      %swap3A_257 = arith.constant 2 : i32
      %swap3A_258 = arith.constant 2 : i32
      %swap3A_259 = arith.index_cast %swap3A_257 : i32 to index
      %swap3A_260 = arith.index_cast %swap3A_258 : i32 to index
      %swap3A_261 = arith.constant 16 : index
      %swap3A_262 = tpu.vector_load %arg10[%swap3A_259, %swap3A_260, %swap3A_261] {strides = array<i32>} : memref<6x4x128xf32, #tpu.memory_space<vmem>>, vector<16xf32>,
      tpu.vector_store %arg10[%swap3A_259, %swap3A_260, %swap3A_261], %gather3A_256 {strides = array<i32>} : memref<6x4x128xf32, #tpu.memory_space<vmem>>, vector<16xf32>,
      %add3A_263 = arith.constant 243 : i32
      %add3A_264 = vector.broadcast %add3A_263 : i32 to vector<16xi32>
      %add3A_265 = arith.addi %get3A_232, %add3A_264 : vector<16xi32>
      %gather3A_266 = tpu.vector_load_idx %arg6[%add3A_265, %add3A_228] : memref<324x128xf32, #tpu.memory_space<vmem>>[vector<16xi32>, vector<16xi32>], vector<16xf32>,
      %swap3A_267 = arith.constant 2 : i32
      %swap3A_268 = arith.constant 3 : i32
      %swap3A_269 = arith.index_cast %swap3A_267 : i32 to index
      %swap3A_270 = arith.index_cast %swap3A_268 : i32 to index
      %swap3A_271 = arith.constant 16 : index
      %swap3A_272 = tpu.vector_load %arg10[%swap3A_269, %swap3A_270, %swap3A_271] {strides = array<i32>} : memref<6x4x128xf32, #tpu.memory_space<vmem>>, vector<16xf32>,
      tpu.vector_store %arg10[%swap3A_269, %swap3A_270, %swap3A_271], %gather3A_266 {strides = array<i32>} : memref<6x4x128xf32, #tpu.memory_space<vmem>>, vector<16xf32>,
      %add3A_273 = arith.constant 32 : i32
      %add3A_274 = vector.broadcast %add3A_273 : i32 to vector<16xi32>
      %add3A_275 = arith.addi %add3A_274, %iota3A : vector<16xi32>
      %get3A_276 = arith.constant 2 : i32
      %get3A_277 = arith.index_cast %get3A_276 : i32 to index
      %get3A_278 = arith.constant 32 : index
      %get3A_279 = tpu.vector_load %arg9[%get3A_277, %get3A_278] {strides = array<i32>} : memref<6x128xi32, #tpu.memory_space<vmem>>, vector<16xi32>,
      %add3A_280 = arith.constant 0 : i32
      %add3A_281 = vector.broadcast %add3A_280 : i32 to vector<16xi32>
      %add3A_282 = arith.addi %get3A_279, %add3A_281 : vector<16xi32>
      %gather3A_283 = tpu.vector_load_idx %arg6[%add3A_282, %add3A_275] : memref<324x128xf32, #tpu.memory_space<vmem>>[vector<16xi32>, vector<16xi32>], vector<16xf32>,
      %swap3A_284 = arith.constant 2 : i32
      %swap3A_285 = arith.constant 0 : i32
      %swap3A_286 = arith.index_cast %swap3A_284 : i32 to index
      %swap3A_287 = arith.index_cast %swap3A_285 : i32 to index
      %swap3A_288 = arith.constant 32 : index
      %swap3A_289 = tpu.vector_load %arg10[%swap3A_286, %swap3A_287, %swap3A_288] {strides = array<i32>} : memref<6x4x128xf32, #tpu.memory_space<vmem>>, vector<16xf32>,
      tpu.vector_store %arg10[%swap3A_286, %swap3A_287, %swap3A_288], %gather3A_283 {strides = array<i32>} : memref<6x4x128xf32, #tpu.memory_space<vmem>>, vector<16xf32>,
      %add3A_290 = arith.constant 81 : i32
      %add3A_291 = vector.broadcast %add3A_290 : i32 to vector<16xi32>
      %add3A_292 = arith.addi %get3A_279, %add3A_291 : vector<16xi32>
      %gather3A_293 = tpu.vector_load_idx %arg6[%add3A_292, %add3A_275] : memref<324x128xf32, #tpu.memory_space<vmem>>[vector<16xi32>, vector<16xi32>], vector<16xf32>,
      %swap3A_294 = arith.constant 2 : i32
      %swap3A_295 = arith.constant 1 : i32
      %swap3A_296 = arith.index_cast %swap3A_294 : i32 to index
      %swap3A_297 = arith.index_cast %swap3A_295 : i32 to index
      %swap3A_298 = arith.constant 32 : index
      %swap3A_299 = tpu.vector_load %arg10[%swap3A_296, %swap3A_297, %swap3A_298] {strides = array<i32>} : memref<6x4x128xf32, #tpu.memory_space<vmem>>, vector<16xf32>,
      tpu.vector_store %arg10[%swap3A_296, %swap3A_297, %swap3A_298], %gather3A_293 {strides = array<i32>} : memref<6x4x128xf32, #tpu.memory_space<vmem>>, vector<16xf32>,
      %add3A_300 = arith.constant 162 : i32
      %add3A_301 = vector.broadcast %add3A_300 : i32 to vector<16xi32>
      %add3A_302 = arith.addi %get3A_279, %add3A_301 : vector<16xi32>
      %gather3A_303 = tpu.vector_load_idx %arg6[%add3A_302, %add3A_275] : memref<324x128xf32, #tpu.memory_space<vmem>>[vector<16xi32>, vector<16xi32>], vector<16xf32>,
      %swap3A_304 = arith.constant 2 : i32
      %swap3A_305 = arith.constant 2 : i32
      %swap3A_306 = arith.index_cast %swap3A_304 : i32 to index
      %swap3A_307 = arith.index_cast %swap3A_305 : i32 to index
      %swap3A_308 = arith.constant 32 : index
      %swap3A_309 = tpu.vector_load %arg10[%swap3A_306, %swap3A_307, %swap3A_308] {strides = array<i32>} : memref<6x4x128xf32, #tpu.memory_space<vmem>>, vector<16xf32>,
      tpu.vector_store %arg10[%swap3A_306, %swap3A_307, %swap3A_308], %gather3A_303 {strides = array<i32>} : memref<6x4x128xf32, #tpu.memory_space<vmem>>, vector<16xf32>,
      %add3A_310 = arith.constant 243 : i32
      %add3A_311 = vector.broadcast %add3A_310 : i32 to vector<16xi32>
      %add3A_312 = arith.addi %get3A_279, %add3A_311 : vector<16xi32>
      %gather3A_313 = tpu.vector_load_idx %arg6[%add3A_312, %add3A_275] : memref<324x128xf32, #tpu.memory_space<vmem>>[vector<16xi32>, vector<16xi32>], vector<16xf32>,
      %swap3A_314 = arith.constant 2 : i32
      %swap3A_315 = arith.constant 3 : i32
      %swap3A_316 = arith.index_cast %swap3A_314 : i32 to index
      %swap3A_317 = arith.index_cast %swap3A_315 : i32 to index
      %swap3A_318 = arith.constant 32 : index
      %swap3A_319 = tpu.vector_load %arg10[%swap3A_316, %swap3A_317, %swap3A_318] {strides = array<i32>} : memref<6x4x128xf32, #tpu.memory_space<vmem>>, vector<16xf32>,
      tpu.vector_store %arg10[%swap3A_316, %swap3A_317, %swap3A_318], %gather3A_313 {strides = array<i32>} : memref<6x4x128xf32, #tpu.memory_space<vmem>>, vector<16xf32>,
      %add3A_320 = arith.constant 48 : i32
      %add3A_321 = vector.broadcast %add3A_320 : i32 to vector<16xi32>
      %add3A_322 = arith.addi %add3A_321, %iota3A : vector<16xi32>
      %get3A_323 = arith.constant 2 : i32
      %get3A_324 = arith.index_cast %get3A_323 : i32 to index
      %get3A_325 = arith.constant 48 : index
      %get3A_326 = tpu.vector_load %arg9[%get3A_324, %get3A_325] {strides = array<i32>} : memref<6x128xi32, #tpu.memory_space<vmem>>, vector<16xi32>,
      %add3A_327 = arith.constant 0 : i32
      %add3A_328 = vector.broadcast %add3A_327 : i32 to vector<16xi32>
      %add3A_329 = arith.addi %get3A_326, %add3A_328 : vector<16xi32>
      %gather3A_330 = tpu.vector_load_idx %arg6[%add3A_329, %add3A_322] : memref<324x128xf32, #tpu.memory_space<vmem>>[vector<16xi32>, vector<16xi32>], vector<16xf32>,
      %swap3A_331 = arith.constant 2 : i32
      %swap3A_332 = arith.constant 0 : i32
      %swap3A_333 = arith.index_cast %swap3A_331 : i32 to index
      %swap3A_334 = arith.index_cast %swap3A_332 : i32 to index
      %swap3A_335 = arith.constant 48 : index
      %swap3A_336 = tpu.vector_load %arg10[%swap3A_333, %swap3A_334, %swap3A_335] {strides = array<i32>} : memref<6x4x128xf32, #tpu.memory_space<vmem>>, vector<16xf32>,
      tpu.vector_store %arg10[%swap3A_333, %swap3A_334, %swap3A_335], %gather3A_330 {strides = array<i32>} : memref<6x4x128xf32, #tpu.memory_space<vmem>>, vector<16xf32>,
      %add3A_337 = arith.constant 81 : i32
      %add3A_338 = vector.broadcast %add3A_337 : i32 to vector<16xi32>
      %add3A_339 = arith.addi %get3A_326, %add3A_338 : vector<16xi32>
      %gather3A_340 = tpu.vector_load_idx %arg6[%add3A_339, %add3A_322] : memref<324x128xf32, #tpu.memory_space<vmem>>[vector<16xi32>, vector<16xi32>], vector<16xf32>,
      %swap3A_341 = arith.constant 2 : i32
      %swap3A_342 = arith.constant 1 : i32
      %swap3A_343 = arith.index_cast %swap3A_341 : i32 to index
      %swap3A_344 = arith.index_cast %swap3A_342 : i32 to index
      %swap3A_345 = arith.constant 48 : index
      %swap3A_346 = tpu.vector_load %arg10[%swap3A_343, %swap3A_344, %swap3A_345] {strides = array<i32>} : memref<6x4x128xf32, #tpu.memory_space<vmem>>, vector<16xf32>,
      tpu.vector_store %arg10[%swap3A_343, %swap3A_344, %swap3A_345], %gather3A_340 {strides = array<i32>} : memref<6x4x128xf32, #tpu.memory_space<vmem>>, vector<16xf32>,
      %add3A_347 = arith.constant 162 : i32
      %add3A_348 = vector.broadcast %add3A_347 : i32 to vector<16xi32>
      %add3A_349 = arith.addi %get3A_326, %add3A_348 : vector<16xi32>
      %gather3A_350 = tpu.vector_load_idx %arg6[%add3A_349, %add3A_322] : memref<324x128xf32, #tpu.memory_space<vmem>>[vector<16xi32>, vector<16xi32>], vector<16xf32>,
      %swap3A_351 = arith.constant 2 : i32
      %swap3A_352 = arith.constant 2 : i32
      %swap3A_353 = arith.index_cast %swap3A_351 : i32 to index
      %swap3A_354 = arith.index_cast %swap3A_352 : i32 to index
      %swap3A_355 = arith.constant 48 : index
      %swap3A_356 = tpu.vector_load %arg10[%swap3A_353, %swap3A_354, %swap3A_355] {strides = array<i32>} : memref<6x4x128xf32, #tpu.memory_space<vmem>>, vector<16xf32>,
      tpu.vector_store %arg10[%swap3A_353, %swap3A_354, %swap3A_355], %gather3A_350 {strides = array<i32>} : memref<6x4x128xf32, #tpu.memory_space<vmem>>, vector<16xf32>,
      %add3A_357 = arith.constant 243 : i32
      %add3A_358 = vector.broadcast %add3A_357 : i32 to vector<16xi32>
      %add3A_359 = arith.addi %get3A_326, %add3A_358 : vector<16xi32>
      %gather3A_360 = tpu.vector_load_idx %arg6[%add3A_359, %add3A_322] : memref<324x128xf32, #tpu.memory_space<vmem>>[vector<16xi32>, vector<16xi32>], vector<16xf32>,
      %swap3A_361 = arith.constant 2 : i32
      %swap3A_362 = arith.constant 3 : i32
      %swap3A_363 = arith.index_cast %swap3A_361 : i32 to index
      %swap3A_364 = arith.index_cast %swap3A_362 : i32 to index
      %swap3A_365 = arith.constant 48 : index
      %swap3A_366 = tpu.vector_load %arg10[%swap3A_363, %swap3A_364, %swap3A_365] {strides = array<i32>} : memref<6x4x128xf32, #tpu.memory_space<vmem>>, vector<16xf32>,
      tpu.vector_store %arg10[%swap3A_363, %swap3A_364, %swap3A_365], %gather3A_360 {strides = array<i32>} : memref<6x4x128xf32, #tpu.memory_space<vmem>>, vector<16xf32>,
      %add3A_367 = arith.constant 64 : i32
      %add3A_368 = vector.broadcast %add3A_367 : i32 to vector<16xi32>
      %add3A_369 = arith.addi %add3A_368, %iota3A : vector<16xi32>
      %get3A_370 = arith.constant 2 : i32
      %get3A_371 = arith.index_cast %get3A_370 : i32 to index
      %get3A_372 = arith.constant 64 : index
      %get3A_373 = tpu.vector_load %arg9[%get3A_371, %get3A_372] {strides = array<i32>} : memref<6x128xi32, #tpu.memory_space<vmem>>, vector<16xi32>,
      %add3A_374 = arith.constant 0 : i32
      %add3A_375 = vector.broadcast %add3A_374 : i32 to vector<16xi32>
      %add3A_376 = arith.addi %get3A_373, %add3A_375 : vector<16xi32>
      %gather3A_377 = tpu.vector_load_idx %arg6[%add3A_376, %add3A_369] : memref<324x128xf32, #tpu.memory_space<vmem>>[vector<16xi32>, vector<16xi32>], vector<16xf32>,
      %swap3A_378 = arith.constant 2 : i32
      %swap3A_379 = arith.constant 0 : i32
      %swap3A_380 = arith.index_cast %swap3A_378 : i32 to index
      %swap3A_381 = arith.index_cast %swap3A_379 : i32 to index
      %swap3A_382 = arith.constant 64 : index
      %swap3A_383 = tpu.vector_load %arg10[%swap3A_380, %swap3A_381, %swap3A_382] {strides = array<i32>} : memref<6x4x128xf32, #tpu.memory_space<vmem>>, vector<16xf32>,
      tpu.vector_store %arg10[%swap3A_380, %swap3A_381, %swap3A_382], %gather3A_377 {strides = array<i32>} : memref<6x4x128xf32, #tpu.memory_space<vmem>>, vector<16xf32>,
      %add3A_384 = arith.constant 81 : i32
      %add3A_385 = vector.broadcast %add3A_384 : i32 to vector<16xi32>
      %add3A_386 = arith.addi %get3A_373, %add3A_385 : vector<16xi32>
      %gather3A_387 = tpu.vector_load_idx %arg6[%add3A_386, %add3A_369] : memref<324x128xf32, #tpu.memory_space<vmem>>[vector<16xi32>, vector<16xi32>], vector<16xf32>,
      %swap3A_388 = arith.constant 2 : i32
      %swap3A_389 = arith.constant 1 : i32
      %swap3A_390 = arith.index_cast %swap3A_388 : i32 to index
      %swap3A_391 = arith.index_cast %swap3A_389 : i32 to index
      %swap3A_392 = arith.constant 64 : index
      %swap3A_393 = tpu.vector_load %arg10[%swap3A_390, %swap3A_391, %swap3A_392] {strides = array<i32>} : memref<6x4x128xf32, #tpu.memory_space<vmem>>, vector<16xf32>,
      tpu.vector_store %arg10[%swap3A_390, %swap3A_391, %swap3A_392], %gather3A_387 {strides = array<i32>} : memref<6x4x128xf32, #tpu.memory_space<vmem>>, vector<16xf32>,
      %add3A_394 = arith.constant 162 : i32
      %add3A_395 = vector.broadcast %add3A_394 : i32 to vector<16xi32>
      %add3A_396 = arith.addi %get3A_373, %add3A_395 : vector<16xi32>
      %gather3A_397 = tpu.vector_load_idx %arg6[%add3A_396, %add3A_369] : memref<324x128xf32, #tpu.memory_space<vmem>>[vector<16xi32>, vector<16xi32>], vector<16xf32>,
      %swap3A_398 = arith.constant 2 : i32
      %swap3A_399 = arith.constant 2 : i32
      %swap3A_400 = arith.index_cast %swap3A_398 : i32 to index
      %swap3A_401 = arith.index_cast %swap3A_399 : i32 to index
      %swap3A_402 = arith.constant 64 : index
      %swap3A_403 = tpu.vector_load %arg10[%swap3A_400, %swap3A_401, %swap3A_402] {strides = array<i32>} : memref<6x4x128xf32, #tpu.memory_space<vmem>>, vector<16xf32>,
      tpu.vector_store %arg10[%swap3A_400, %swap3A_401, %swap3A_402], %gather3A_397 {strides = array<i32>} : memref<6x4x128xf32, #tpu.memory_space<vmem>>, vector<16xf32>,
      %add3A_404 = arith.constant 243 : i32
      %add3A_405 = vector.broadcast %add3A_404 : i32 to vector<16xi32>
      %add3A_406 = arith.addi %get3A_373, %add3A_405 : vector<16xi32>
      %gather3A_407 = tpu.vector_load_idx %arg6[%add3A_406, %add3A_369] : memref<324x128xf32, #tpu.memory_space<vmem>>[vector<16xi32>, vector<16xi32>], vector<16xf32>,
      %swap3A_408 = arith.constant 2 : i32
      %swap3A_409 = arith.constant 3 : i32
      %swap3A_410 = arith.index_cast %swap3A_408 : i32 to index
      %swap3A_411 = arith.index_cast %swap3A_409 : i32 to index
      %swap3A_412 = arith.constant 64 : index
      %swap3A_413 = tpu.vector_load %arg10[%swap3A_410, %swap3A_411, %swap3A_412] {strides = array<i32>} : memref<6x4x128xf32, #tpu.memory_space<vmem>>, vector<16xf32>,
      tpu.vector_store %arg10[%swap3A_410, %swap3A_411, %swap3A_412], %gather3A_407 {strides = array<i32>} : memref<6x4x128xf32, #tpu.memory_space<vmem>>, vector<16xf32>,
      %add3A_414 = arith.constant 80 : i32
      %add3A_415 = vector.broadcast %add3A_414 : i32 to vector<16xi32>
      %add3A_416 = arith.addi %add3A_415, %iota3A : vector<16xi32>
      %get3A_417 = arith.constant 2 : i32
      %get3A_418 = arith.index_cast %get3A_417 : i32 to index
      %get3A_419 = arith.constant 80 : index
      %get3A_420 = tpu.vector_load %arg9[%get3A_418, %get3A_419] {strides = array<i32>} : memref<6x128xi32, #tpu.memory_space<vmem>>, vector<16xi32>,
      %add3A_421 = arith.constant 0 : i32
      %add3A_422 = vector.broadcast %add3A_421 : i32 to vector<16xi32>
      %add3A_423 = arith.addi %get3A_420, %add3A_422 : vector<16xi32>
      %gather3A_424 = tpu.vector_load_idx %arg6[%add3A_423, %add3A_416] : memref<324x128xf32, #tpu.memory_space<vmem>>[vector<16xi32>, vector<16xi32>], vector<16xf32>,
      %swap3A_425 = arith.constant 2 : i32
      %swap3A_426 = arith.constant 0 : i32
      %swap3A_427 = arith.index_cast %swap3A_425 : i32 to index
      %swap3A_428 = arith.index_cast %swap3A_426 : i32 to index
      %swap3A_429 = arith.constant 80 : index
      %swap3A_430 = tpu.vector_load %arg10[%swap3A_427, %swap3A_428, %swap3A_429] {strides = array<i32>} : memref<6x4x128xf32, #tpu.memory_space<vmem>>, vector<16xf32>,
      tpu.vector_store %arg10[%swap3A_427, %swap3A_428, %swap3A_429], %gather3A_424 {strides = array<i32>} : memref<6x4x128xf32, #tpu.memory_space<vmem>>, vector<16xf32>,
      %add3A_431 = arith.constant 81 : i32
      %add3A_432 = vector.broadcast %add3A_431 : i32 to vector<16xi32>
      %add3A_433 = arith.addi %get3A_420, %add3A_432 : vector<16xi32>
      %gather3A_434 = tpu.vector_load_idx %arg6[%add3A_433, %add3A_416] : memref<324x128xf32, #tpu.memory_space<vmem>>[vector<16xi32>, vector<16xi32>], vector<16xf32>,
      %swap3A_435 = arith.constant 2 : i32
      %swap3A_436 = arith.constant 1 : i32
      %swap3A_437 = arith.index_cast %swap3A_435 : i32 to index
      %swap3A_438 = arith.index_cast %swap3A_436 : i32 to index
      %swap3A_439 = arith.constant 80 : index
      %swap3A_440 = tpu.vector_load %arg10[%swap3A_437, %swap3A_438, %swap3A_439] {strides = array<i32>} : memref<6x4x128xf32, #tpu.memory_space<vmem>>, vector<16xf32>,
      tpu.vector_store %arg10[%swap3A_437, %swap3A_438, %swap3A_439], %gather3A_434 {strides = array<i32>} : memref<6x4x128xf32, #tpu.memory_space<vmem>>, vector<16xf32>,
      %add3A_441 = arith.constant 162 : i32
      %add3A_442 = vector.broadcast %add3A_441 : i32 to vector<16xi32>
      %add3A_443 = arith.addi %get3A_420, %add3A_442 : vector<16xi32>
      %gather3A_444 = tpu.vector_load_idx %arg6[%add3A_443, %add3A_416] : memref<324x128xf32, #tpu.memory_space<vmem>>[vector<16xi32>, vector<16xi32>], vector<16xf32>,
      %swap3A_445 = arith.constant 2 : i32
      %swap3A_446 = arith.constant 2 : i32
      %swap3A_447 = arith.index_cast %swap3A_445 : i32 to index
      %swap3A_448 = arith.index_cast %swap3A_446 : i32 to index
      %swap3A_449 = arith.constant 80 : index
      %swap3A_450 = tpu.vector_load %arg10[%swap3A_447, %swap3A_448, %swap3A_449] {strides = array<i32>} : memref<6x4x128xf32, #tpu.memory_space<vmem>>, vector<16xf32>,
      tpu.vector_store %arg10[%swap3A_447, %swap3A_448, %swap3A_449], %gather3A_444 {strides = array<i32>} : memref<6x4x128xf32, #tpu.memory_space<vmem>>, vector<16xf32>,
      %add3A_451 = arith.constant 243 : i32
      %add3A_452 = vector.broadcast %add3A_451 : i32 to vector<16xi32>
      %add3A_453 = arith.addi %get3A_420, %add3A_452 : vector<16xi32>
      %gather3A_454 = tpu.vector_load_idx %arg6[%add3A_453, %add3A_416] : memref<324x128xf32, #tpu.memory_space<vmem>>[vector<16xi32>, vector<16xi32>], vector<16xf32>,
      %swap3A_455 = arith.constant 2 : i32
      %swap3A_456 = arith.constant 3 : i32
      %swap3A_457 = arith.index_cast %swap3A_455 : i32 to index
      %swap3A_458 = arith.index_cast %swap3A_456 : i32 to index
      %swap3A_459 = arith.constant 80 : index
      %swap3A_460 = tpu.vector_load %arg10[%swap3A_457, %swap3A_458, %swap3A_459] {strides = array<i32>} : memref<6x4x128xf32, #tpu.memory_space<vmem>>, vector<16xf32>,
      tpu.vector_store %arg10[%swap3A_457, %swap3A_458, %swap3A_459], %gather3A_454 {strides = array<i32>} : memref<6x4x128xf32, #tpu.memory_space<vmem>>, vector<16xf32>,
      %add3A_461 = arith.constant 96 : i32
      %add3A_462 = vector.broadcast %add3A_461 : i32 to vector<16xi32>
      %add3A_463 = arith.addi %add3A_462, %iota3A : vector<16xi32>
      %get3A_464 = arith.constant 2 : i32
      %get3A_465 = arith.index_cast %get3A_464 : i32 to index
      %get3A_466 = arith.constant 96 : index
      %get3A_467 = tpu.vector_load %arg9[%get3A_465, %get3A_466] {strides = array<i32>} : memref<6x128xi32, #tpu.memory_space<vmem>>, vector<16xi32>,
      %add3A_468 = arith.constant 0 : i32
      %add3A_469 = vector.broadcast %add3A_468 : i32 to vector<16xi32>
      %add3A_470 = arith.addi %get3A_467, %add3A_469 : vector<16xi32>
      %gather3A_471 = tpu.vector_load_idx %arg6[%add3A_470, %add3A_463] : memref<324x128xf32, #tpu.memory_space<vmem>>[vector<16xi32>, vector<16xi32>], vector<16xf32>,
      %swap3A_472 = arith.constant 2 : i32
      %swap3A_473 = arith.constant 0 : i32
      %swap3A_474 = arith.index_cast %swap3A_472 : i32 to index
      %swap3A_475 = arith.index_cast %swap3A_473 : i32 to index
      %swap3A_476 = arith.constant 96 : index
      %swap3A_477 = tpu.vector_load %arg10[%swap3A_474, %swap3A_475, %swap3A_476] {strides = array<i32>} : memref<6x4x128xf32, #tpu.memory_space<vmem>>, vector<16xf32>,
      tpu.vector_store %arg10[%swap3A_474, %swap3A_475, %swap3A_476], %gather3A_471 {strides = array<i32>} : memref<6x4x128xf32, #tpu.memory_space<vmem>>, vector<16xf32>,
      %add3A_478 = arith.constant 81 : i32
      %add3A_479 = vector.broadcast %add3A_478 : i32 to vector<16xi32>
      %add3A_480 = arith.addi %get3A_467, %add3A_479 : vector<16xi32>
      %gather3A_481 = tpu.vector_load_idx %arg6[%add3A_480, %add3A_463] : memref<324x128xf32, #tpu.memory_space<vmem>>[vector<16xi32>, vector<16xi32>], vector<16xf32>,
      %swap3A_482 = arith.constant 2 : i32
      %swap3A_483 = arith.constant 1 : i32
      %swap3A_484 = arith.index_cast %swap3A_482 : i32 to index
      %swap3A_485 = arith.index_cast %swap3A_483 : i32 to index
      %swap3A_486 = arith.constant 96 : index
      %swap3A_487 = tpu.vector_load %arg10[%swap3A_484, %swap3A_485, %swap3A_486] {strides = array<i32>} : memref<6x4x128xf32, #tpu.memory_space<vmem>>, vector<16xf32>,
      tpu.vector_store %arg10[%swap3A_484, %swap3A_485, %swap3A_486], %gather3A_481 {strides = array<i32>} : memref<6x4x128xf32, #tpu.memory_space<vmem>>, vector<16xf32>,
      %add3A_488 = arith.constant 162 : i32
      %add3A_489 = vector.broadcast %add3A_488 : i32 to vector<16xi32>
      %add3A_490 = arith.addi %get3A_467, %add3A_489 : vector<16xi32>
      %gather3A_491 = tpu.vector_load_idx %arg6[%add3A_490, %add3A_463] : memref<324x128xf32, #tpu.memory_space<vmem>>[vector<16xi32>, vector<16xi32>], vector<16xf32>,
      %swap3A_492 = arith.constant 2 : i32
      %swap3A_493 = arith.constant 2 : i32
      %swap3A_494 = arith.index_cast %swap3A_492 : i32 to index
      %swap3A_495 = arith.index_cast %swap3A_493 : i32 to index
      %swap3A_496 = arith.constant 96 : index
      %swap3A_497 = tpu.vector_load %arg10[%swap3A_494, %swap3A_495, %swap3A_496] {strides = array<i32>} : memref<6x4x128xf32, #tpu.memory_space<vmem>>, vector<16xf32>,
      tpu.vector_store %arg10[%swap3A_494, %swap3A_495, %swap3A_496], %gather3A_491 {strides = array<i32>} : memref<6x4x128xf32, #tpu.memory_space<vmem>>, vector<16xf32>,
      %add3A_498 = arith.constant 243 : i32
      %add3A_499 = vector.broadcast %add3A_498 : i32 to vector<16xi32>
      %add3A_500 = arith.addi %get3A_467, %add3A_499 : vector<16xi32>
      %gather3A_501 = tpu.vector_load_idx %arg6[%add3A_500, %add3A_463] : memref<324x128xf32, #tpu.memory_space<vmem>>[vector<16xi32>, vector<16xi32>], vector<16xf32>,
      %swap3A_502 = arith.constant 2 : i32
      %swap3A_503 = arith.constant 3 : i32
      %swap3A_504 = arith.index_cast %swap3A_502 : i32 to index
      %swap3A_505 = arith.index_cast %swap3A_503 : i32 to index
      %swap3A_506 = arith.constant 96 : index
      %swap3A_507 = tpu.vector_load %arg10[%swap3A_504, %swap3A_505, %swap3A_506] {strides = array<i32>} : memref<6x4x128xf32, #tpu.memory_space<vmem>>, vector<16xf32>,
      tpu.vector_store %arg10[%swap3A_504, %swap3A_505, %swap3A_506], %gather3A_501 {strides = array<i32>} : memref<6x4x128xf32, #tpu.memory_space<vmem>>, vector<16xf32>,
      %add3A_508 = arith.constant 112 : i32
      %add3A_509 = vector.broadcast %add3A_508 : i32 to vector<16xi32>
      %add3A_510 = arith.addi %add3A_509, %iota3A : vector<16xi32>
      %get3A_511 = arith.constant 2 : i32
      %get3A_512 = arith.index_cast %get3A_511 : i32 to index
      %get3A_513 = arith.constant 112 : index
      %get3A_514 = tpu.vector_load %arg9[%get3A_512, %get3A_513] {strides = array<i32>} : memref<6x128xi32, #tpu.memory_space<vmem>>, vector<16xi32>,
      %add3A_515 = arith.constant 0 : i32
      %add3A_516 = vector.broadcast %add3A_515 : i32 to vector<16xi32>
      %add3A_517 = arith.addi %get3A_514, %add3A_516 : vector<16xi32>
      %gather3A_518 = tpu.vector_load_idx %arg6[%add3A_517, %add3A_510] : memref<324x128xf32, #tpu.memory_space<vmem>>[vector<16xi32>, vector<16xi32>], vector<16xf32>,
      %swap3A_519 = arith.constant 2 : i32
      %swap3A_520 = arith.constant 0 : i32
      %swap3A_521 = arith.index_cast %swap3A_519 : i32 to index
      %swap3A_522 = arith.index_cast %swap3A_520 : i32 to index
      %swap3A_523 = arith.constant 112 : index
      %swap3A_524 = tpu.vector_load %arg10[%swap3A_521, %swap3A_522, %swap3A_523] {strides = array<i32>} : memref<6x4x128xf32, #tpu.memory_space<vmem>>, vector<16xf32>,
      tpu.vector_store %arg10[%swap3A_521, %swap3A_522, %swap3A_523], %gather3A_518 {strides = array<i32>} : memref<6x4x128xf32, #tpu.memory_space<vmem>>, vector<16xf32>,
      %add3A_525 = arith.constant 81 : i32
      %add3A_526 = vector.broadcast %add3A_525 : i32 to vector<16xi32>
      %add3A_527 = arith.addi %get3A_514, %add3A_526 : vector<16xi32>
      %gather3A_528 = tpu.vector_load_idx %arg6[%add3A_527, %add3A_510] : memref<324x128xf32, #tpu.memory_space<vmem>>[vector<16xi32>, vector<16xi32>], vector<16xf32>,
      %swap3A_529 = arith.constant 2 : i32
      %swap3A_530 = arith.constant 1 : i32
      %swap3A_531 = arith.index_cast %swap3A_529 : i32 to index
      %swap3A_532 = arith.index_cast %swap3A_530 : i32 to index
      %swap3A_533 = arith.constant 112 : index
      %swap3A_534 = tpu.vector_load %arg10[%swap3A_531, %swap3A_532, %swap3A_533] {strides = array<i32>} : memref<6x4x128xf32, #tpu.memory_space<vmem>>, vector<16xf32>,
      tpu.vector_store %arg10[%swap3A_531, %swap3A_532, %swap3A_533], %gather3A_528 {strides = array<i32>} : memref<6x4x128xf32, #tpu.memory_space<vmem>>, vector<16xf32>,
      %add3A_535 = arith.constant 162 : i32
      %add3A_536 = vector.broadcast %add3A_535 : i32 to vector<16xi32>
      %add3A_537 = arith.addi %get3A_514, %add3A_536 : vector<16xi32>
      %gather3A_538 = tpu.vector_load_idx %arg6[%add3A_537, %add3A_510] : memref<324x128xf32, #tpu.memory_space<vmem>>[vector<16xi32>, vector<16xi32>], vector<16xf32>,
      %swap3A_539 = arith.constant 2 : i32
      %swap3A_540 = arith.constant 2 : i32
      %swap3A_541 = arith.index_cast %swap3A_539 : i32 to index
      %swap3A_542 = arith.index_cast %swap3A_540 : i32 to index
      %swap3A_543 = arith.constant 112 : index
      %swap3A_544 = tpu.vector_load %arg10[%swap3A_541, %swap3A_542, %swap3A_543] {strides = array<i32>} : memref<6x4x128xf32, #tpu.memory_space<vmem>>, vector<16xf32>,
      tpu.vector_store %arg10[%swap3A_541, %swap3A_542, %swap3A_543], %gather3A_538 {strides = array<i32>} : memref<6x4x128xf32, #tpu.memory_space<vmem>>, vector<16xf32>,
      %add3A_545 = arith.constant 243 : i32
      %add3A_546 = vector.broadcast %add3A_545 : i32 to vector<16xi32>
      %add3A_547 = arith.addi %get3A_514, %add3A_546 : vector<16xi32>
      %gather3A_548 = tpu.vector_load_idx %arg6[%add3A_547, %add3A_510] : memref<324x128xf32, #tpu.memory_space<vmem>>[vector<16xi32>, vector<16xi32>], vector<16xf32>,
      %swap3A_549 = arith.constant 2 : i32
      %swap3A_550 = arith.constant 3 : i32
      %swap3A_551 = arith.index_cast %swap3A_549 : i32 to index
      %swap3A_552 = arith.index_cast %swap3A_550 : i32 to index
      %swap3A_553 = arith.constant 112 : index
      %swap3A_554 = tpu.vector_load %arg10[%swap3A_551, %swap3A_552, %swap3A_553] {strides = array<i32>} : memref<6x4x128xf32, #tpu.memory_space<vmem>>, vector<16xf32>,
      tpu.vector_store %arg10[%swap3A_551, %swap3A_552, %swap3A_553], %gather3A_548 {strides = array<i32>} : memref<6x4x128xf32, #tpu.memory_space<vmem>>, vector<16xf32>,
      %mul3A_555 = arith.constant 128 : i32
      %mul3A_556 = arith.muli %mul3A_555, %add3A_104 : i32
      %dma_start3A = arith.constant 2 : i32
      %dma_start3A_557 = arith.constant 0 : i32
      %dma_start3A_558 = arith.constant 0 : i32
      %dma_start3A_559 = tpu.memref_slice %arg10[%dma_start3A, %dma_start3A_557, %dma_start3A_558] : memref<6x4x128xf32, #tpu.memory_space<vmem>> -> memref<1x4x128xf32, #tpu.memory_space<vmem>>
      %dma_start3A_560 = tpu.memref_squeeze %dma_start3A_559 : memref<1x4x128xf32, #tpu.memory_space<vmem>> -> memref<4x128xf32, #tpu.memory_space<vmem>>
      %dma_start3A_561 = arith.constant 0 : i32
      %dma_start3A_562 = tpu.memref_slice %arg4[%dma_start3A_561, %mul3A_556] : memref<4x20096xf32, #tpu.memory_space<hbm>> -> memref<4x128xf32, #tpu.memory_space<hbm>>
      %dma_start3A_563 = arith.constant 0 : i32
      %dma_start3A_564 = tpu.memref_slice %arg4[%dma_start3A_563, %mul3A_556] : memref<4x20096xf32, #tpu.memory_space<hbm>> -> memref<4x128xf32, #tpu.memory_space<hbm>>
      %dma_start3A_565 = arith.constant 0 : i32
      %dma_start3A_566 = arith.constant 0 : i32
      %dma_start3A_567 = tpu.memref_slice %arg10[%dma_start3A, %dma_start3A_565, %dma_start3A_566] : memref<6x4x128xf32, #tpu.memory_space<vmem>> -> memref<1x4x128xf32, #tpu.memory_space<vmem>>
      %dma_start3A_568 = tpu.memref_squeeze %dma_start3A_567 : memref<1x4x128xf32, #tpu.memory_space<vmem>> -> memref<4x128xf32, #tpu.memory_space<vmem>>
      tpu.enqueue_dma source(%dma_start3A_568 : memref<4x128xf32, #tpu.memory_space<vmem>>) target(%dma_start3A_564 : memref<4x128xf32, #tpu.memory_space<hbm>>) target_semaphore(%arg14 : memref<!tpu.dma_semaphore, #tpu.memory_space<semaphore_mem>>)
      %mul3A_569 = arith.constant 128 : i32
      %mul3A_570 = arith.muli %mul3A_569, %add3A_104 : i32
      %dma_start3A_571 = arith.constant 2 : i32
      %dma_start3A_572 = arith.constant 0 : i32
      %dma_start3A_573 = tpu.memref_slice %arg9[%dma_start3A_571, %dma_start3A_572] : memref<6x128xi32, #tpu.memory_space<vmem>> -> memref<1x128xi32, #tpu.memory_space<vmem>>
      %dma_start3A_574 = tpu.memref_squeeze %dma_start3A_573 : memref<1x128xi32, #tpu.memory_space<vmem>> -> memref<128xi32, #tpu.memory_space<vmem>>
      %dma_start3A_575 = tpu.memref_slice %arg5[%mul3A_570] : memref<20000xi32, #tpu.memory_space<hbm>> -> memref<128xi32, #tpu.memory_space<hbm>>
      %dma_start3A_576 = tpu.memref_slice %arg5[%mul3A_570] : memref<20000xi32, #tpu.memory_space<hbm>> -> memref<128xi32, #tpu.memory_space<hbm>>
      %dma_start3A_577 = arith.constant 0 : i32
      %dma_start3A_578 = tpu.memref_slice %arg9[%dma_start3A_571, %dma_start3A_577] : memref<6x128xi32, #tpu.memory_space<vmem>> -> memref<1x128xi32, #tpu.memory_space<vmem>>
      %dma_start3A_579 = tpu.memref_squeeze %dma_start3A_578 : memref<1x128xi32, #tpu.memory_space<vmem>> -> memref<128xi32, #tpu.memory_space<vmem>>
      tpu.enqueue_dma source(%dma_start3A_579 : memref<128xi32, #tpu.memory_space<vmem>>) target(%dma_start3A_576 : memref<128xi32, #tpu.memory_space<hbm>>) target_semaphore(%arg14 : memref<!tpu.dma_semaphore, #tpu.memory_space<semaphore_mem>>)
    } else {
    }
    %add3A_117 = arith.constant 96 : i32
    %add3A_118 = arith.addi %add3A, %add3A_117 : i32
    %add3A_119 = arith.constant 128 : i32
    %add3A_120 = arith.addi %add3A, %add3A_119 : i32
    %lt3A_121 = arith.constant 156 : i32
    %lt3A_122 = arith.cmpi slt, %add3A_120, %lt3A_121 : i32
    %convert_element_type3A_123 = arith.extui %lt3A_122 : i1 to i32
    %cond3A_124 = arith.constant 0 : i32
    %cond3A_125 = arith.cmpi ne, %convert_element_type3A_123, %cond3A_124 : i32
    scf.if %cond3A_125 {
      %mul3A_177 = arith.constant 128 : i32
      %mul3A_178 = arith.muli %mul3A_177, %add3A_120 : i32
      %dma_start3A = arith.constant 0 : i32
      %dma_start3A_179 = tpu.memref_slice %arg2[%dma_start3A, %mul3A_178] : memref<324x20000xf32, #tpu.memory_space<hbm>> -> memref<324x128xf32, #tpu.memory_space<hbm>>
      %dma_start3A_180 = arith.constant 0 : i32
      %dma_start3A_181 = tpu.memref_slice %arg2[%dma_start3A_180, %mul3A_178] : memref<324x20000xf32, #tpu.memory_space<hbm>> -> memref<324x128xf32, #tpu.memory_space<hbm>>
      tpu.enqueue_dma source(%dma_start3A_181 : memref<324x128xf32, #tpu.memory_space<hbm>>) target(%arg6 : memref<324x128xf32, #tpu.memory_space<vmem>>) target_semaphore(%arg11 : memref<!tpu.dma_semaphore, #tpu.memory_space<semaphore_mem>>)
    } else {
    }
    %lt3A_126 = arith.constant 156 : i32
    %lt3A_127 = arith.cmpi slt, %add3A_118, %lt3A_126 : i32
    %convert_element_type3A_128 = arith.extui %lt3A_127 : i1 to i32
    %cond3A_129 = arith.constant 0 : i32
    %cond3A_130 = arith.cmpi ne, %convert_element_type3A_128, %cond3A_129 : i32
    scf.if %cond3A_130 {
      %mul3A_177 = arith.constant 128 : i32
      %mul3A_178 = arith.muli %mul3A_177, %add3A_118 : i32
      %dma_wait3A = arith.constant 0 : i32
      %dma_wait3A_179 = tpu.memref_slice %arg2[%dma_wait3A, %mul3A_178] : memref<324x20000xf32, #tpu.memory_space<hbm>> -> memref<324x128xf32, #tpu.memory_space<hbm>>
      %dma_wait3A_180 = arith.constant 0 : i32
      %dma_wait3A_181 = tpu.memref_slice %arg2[%dma_wait3A_180, %mul3A_178] : memref<324x20000xf32, #tpu.memory_space<hbm>> -> memref<324x128xf32, #tpu.memory_space<hbm>>
      tpu.wait_dma2 semaphore(%arg12 : memref<!tpu.dma_semaphore, #tpu.memory_space<semaphore_mem>>) src(%dma_wait3A_181 : memref<324x128xf32, #tpu.memory_space<hbm>>) dst(%arg7 : memref<324x128xf32, #tpu.memory_space<vmem>>)
      %add3A_182 = arith.constant 0 : i32
      %add3A_183 = vector.broadcast %add3A_182 : i32 to vector<16xi32>
      %add3A_184 = arith.addi %add3A_183, %iota3A : vector<16xi32>
      %get3A = arith.constant 3 : i32
      %get3A_185 = arith.index_cast %get3A : i32 to index
      %get3A_186 = arith.constant 0 : index
      %get3A_187 = tpu.vector_load %arg9[%get3A_185, %get3A_186] {strides = array<i32>} : memref<6x128xi32, #tpu.memory_space<vmem>>, vector<16xi32>,
      %add3A_188 = arith.constant 0 : i32
      %add3A_189 = vector.broadcast %add3A_188 : i32 to vector<16xi32>
      %add3A_190 = arith.addi %get3A_187, %add3A_189 : vector<16xi32>
      %gather3A = tpu.vector_load_idx %arg7[%add3A_190, %add3A_184] : memref<324x128xf32, #tpu.memory_space<vmem>>[vector<16xi32>, vector<16xi32>], vector<16xf32>,
      %swap3A = arith.constant 3 : i32
      %swap3A_191 = arith.constant 0 : i32
      %swap3A_192 = arith.index_cast %swap3A : i32 to index
      %swap3A_193 = arith.index_cast %swap3A_191 : i32 to index
      %swap3A_194 = arith.constant 0 : index
      %swap3A_195 = tpu.vector_load %arg10[%swap3A_192, %swap3A_193, %swap3A_194] {strides = array<i32>} : memref<6x4x128xf32, #tpu.memory_space<vmem>>, vector<16xf32>,
      tpu.vector_store %arg10[%swap3A_192, %swap3A_193, %swap3A_194], %gather3A {strides = array<i32>} : memref<6x4x128xf32, #tpu.memory_space<vmem>>, vector<16xf32>,
      %add3A_196 = arith.constant 81 : i32
      %add3A_197 = vector.broadcast %add3A_196 : i32 to vector<16xi32>
      %add3A_198 = arith.addi %get3A_187, %add3A_197 : vector<16xi32>
      %gather3A_199 = tpu.vector_load_idx %arg7[%add3A_198, %add3A_184] : memref<324x128xf32, #tpu.memory_space<vmem>>[vector<16xi32>, vector<16xi32>], vector<16xf32>,
      %swap3A_200 = arith.constant 3 : i32
      %swap3A_201 = arith.constant 1 : i32
      %swap3A_202 = arith.index_cast %swap3A_200 : i32 to index
      %swap3A_203 = arith.index_cast %swap3A_201 : i32 to index
      %swap3A_204 = arith.constant 0 : index
      %swap3A_205 = tpu.vector_load %arg10[%swap3A_202, %swap3A_203, %swap3A_204] {strides = array<i32>} : memref<6x4x128xf32, #tpu.memory_space<vmem>>, vector<16xf32>,
      tpu.vector_store %arg10[%swap3A_202, %swap3A_203, %swap3A_204], %gather3A_199 {strides = array<i32>} : memref<6x4x128xf32, #tpu.memory_space<vmem>>, vector<16xf32>,
      %add3A_206 = arith.constant 162 : i32
      %add3A_207 = vector.broadcast %add3A_206 : i32 to vector<16xi32>
      %add3A_208 = arith.addi %get3A_187, %add3A_207 : vector<16xi32>
      %gather3A_209 = tpu.vector_load_idx %arg7[%add3A_208, %add3A_184] : memref<324x128xf32, #tpu.memory_space<vmem>>[vector<16xi32>, vector<16xi32>], vector<16xf32>,
      %swap3A_210 = arith.constant 3 : i32
      %swap3A_211 = arith.constant 2 : i32
      %swap3A_212 = arith.index_cast %swap3A_210 : i32 to index
      %swap3A_213 = arith.index_cast %swap3A_211 : i32 to index
      %swap3A_214 = arith.constant 0 : index
      %swap3A_215 = tpu.vector_load %arg10[%swap3A_212, %swap3A_213, %swap3A_214] {strides = array<i32>} : memref<6x4x128xf32, #tpu.memory_space<vmem>>, vector<16xf32>,
      tpu.vector_store %arg10[%swap3A_212, %swap3A_213, %swap3A_214], %gather3A_209 {strides = array<i32>} : memref<6x4x128xf32, #tpu.memory_space<vmem>>, vector<16xf32>,
      %add3A_216 = arith.constant 243 : i32
      %add3A_217 = vector.broadcast %add3A_216 : i32 to vector<16xi32>
      %add3A_218 = arith.addi %get3A_187, %add3A_217 : vector<16xi32>
      %gather3A_219 = tpu.vector_load_idx %arg7[%add3A_218, %add3A_184] : memref<324x128xf32, #tpu.memory_space<vmem>>[vector<16xi32>, vector<16xi32>], vector<16xf32>,
      %swap3A_220 = arith.constant 3 : i32
      %swap3A_221 = arith.constant 3 : i32
      %swap3A_222 = arith.index_cast %swap3A_220 : i32 to index
      %swap3A_223 = arith.index_cast %swap3A_221 : i32 to index
      %swap3A_224 = arith.constant 0 : index
      %swap3A_225 = tpu.vector_load %arg10[%swap3A_222, %swap3A_223, %swap3A_224] {strides = array<i32>} : memref<6x4x128xf32, #tpu.memory_space<vmem>>, vector<16xf32>,
      tpu.vector_store %arg10[%swap3A_222, %swap3A_223, %swap3A_224], %gather3A_219 {strides = array<i32>} : memref<6x4x128xf32, #tpu.memory_space<vmem>>, vector<16xf32>,
      %add3A_226 = arith.constant 16 : i32
      %add3A_227 = vector.broadcast %add3A_226 : i32 to vector<16xi32>
      %add3A_228 = arith.addi %add3A_227, %iota3A : vector<16xi32>
      %get3A_229 = arith.constant 3 : i32
      %get3A_230 = arith.index_cast %get3A_229 : i32 to index
      %get3A_231 = arith.constant 16 : index
      %get3A_232 = tpu.vector_load %arg9[%get3A_230, %get3A_231] {strides = array<i32>} : memref<6x128xi32, #tpu.memory_space<vmem>>, vector<16xi32>,
      %add3A_233 = arith.constant 0 : i32
      %add3A_234 = vector.broadcast %add3A_233 : i32 to vector<16xi32>
      %add3A_235 = arith.addi %get3A_232, %add3A_234 : vector<16xi32>
      %gather3A_236 = tpu.vector_load_idx %arg7[%add3A_235, %add3A_228] : memref<324x128xf32, #tpu.memory_space<vmem>>[vector<16xi32>, vector<16xi32>], vector<16xf32>,
      %swap3A_237 = arith.constant 3 : i32
      %swap3A_238 = arith.constant 0 : i32
      %swap3A_239 = arith.index_cast %swap3A_237 : i32 to index
      %swap3A_240 = arith.index_cast %swap3A_238 : i32 to index
      %swap3A_241 = arith.constant 16 : index
      %swap3A_242 = tpu.vector_load %arg10[%swap3A_239, %swap3A_240, %swap3A_241] {strides = array<i32>} : memref<6x4x128xf32, #tpu.memory_space<vmem>>, vector<16xf32>,
      tpu.vector_store %arg10[%swap3A_239, %swap3A_240, %swap3A_241], %gather3A_236 {strides = array<i32>} : memref<6x4x128xf32, #tpu.memory_space<vmem>>, vector<16xf32>,
      %add3A_243 = arith.constant 81 : i32
      %add3A_244 = vector.broadcast %add3A_243 : i32 to vector<16xi32>
      %add3A_245 = arith.addi %get3A_232, %add3A_244 : vector<16xi32>
      %gather3A_246 = tpu.vector_load_idx %arg7[%add3A_245, %add3A_228] : memref<324x128xf32, #tpu.memory_space<vmem>>[vector<16xi32>, vector<16xi32>], vector<16xf32>,
      %swap3A_247 = arith.constant 3 : i32
      %swap3A_248 = arith.constant 1 : i32
      %swap3A_249 = arith.index_cast %swap3A_247 : i32 to index
      %swap3A_250 = arith.index_cast %swap3A_248 : i32 to index
      %swap3A_251 = arith.constant 16 : index
      %swap3A_252 = tpu.vector_load %arg10[%swap3A_249, %swap3A_250, %swap3A_251] {strides = array<i32>} : memref<6x4x128xf32, #tpu.memory_space<vmem>>, vector<16xf32>,
      tpu.vector_store %arg10[%swap3A_249, %swap3A_250, %swap3A_251], %gather3A_246 {strides = array<i32>} : memref<6x4x128xf32, #tpu.memory_space<vmem>>, vector<16xf32>,
      %add3A_253 = arith.constant 162 : i32
      %add3A_254 = vector.broadcast %add3A_253 : i32 to vector<16xi32>
      %add3A_255 = arith.addi %get3A_232, %add3A_254 : vector<16xi32>
      %gather3A_256 = tpu.vector_load_idx %arg7[%add3A_255, %add3A_228] : memref<324x128xf32, #tpu.memory_space<vmem>>[vector<16xi32>, vector<16xi32>], vector<16xf32>,
      %swap3A_257 = arith.constant 3 : i32
      %swap3A_258 = arith.constant 2 : i32
      %swap3A_259 = arith.index_cast %swap3A_257 : i32 to index
      %swap3A_260 = arith.index_cast %swap3A_258 : i32 to index
      %swap3A_261 = arith.constant 16 : index
      %swap3A_262 = tpu.vector_load %arg10[%swap3A_259, %swap3A_260, %swap3A_261] {strides = array<i32>} : memref<6x4x128xf32, #tpu.memory_space<vmem>>, vector<16xf32>,
      tpu.vector_store %arg10[%swap3A_259, %swap3A_260, %swap3A_261], %gather3A_256 {strides = array<i32>} : memref<6x4x128xf32, #tpu.memory_space<vmem>>, vector<16xf32>,
      %add3A_263 = arith.constant 243 : i32
      %add3A_264 = vector.broadcast %add3A_263 : i32 to vector<16xi32>
      %add3A_265 = arith.addi %get3A_232, %add3A_264 : vector<16xi32>
      %gather3A_266 = tpu.vector_load_idx %arg7[%add3A_265, %add3A_228] : memref<324x128xf32, #tpu.memory_space<vmem>>[vector<16xi32>, vector<16xi32>], vector<16xf32>,
      %swap3A_267 = arith.constant 3 : i32
      %swap3A_268 = arith.constant 3 : i32
      %swap3A_269 = arith.index_cast %swap3A_267 : i32 to index
      %swap3A_270 = arith.index_cast %swap3A_268 : i32 to index
      %swap3A_271 = arith.constant 16 : index
      %swap3A_272 = tpu.vector_load %arg10[%swap3A_269, %swap3A_270, %swap3A_271] {strides = array<i32>} : memref<6x4x128xf32, #tpu.memory_space<vmem>>, vector<16xf32>,
      tpu.vector_store %arg10[%swap3A_269, %swap3A_270, %swap3A_271], %gather3A_266 {strides = array<i32>} : memref<6x4x128xf32, #tpu.memory_space<vmem>>, vector<16xf32>,
      %add3A_273 = arith.constant 32 : i32
      %add3A_274 = vector.broadcast %add3A_273 : i32 to vector<16xi32>
      %add3A_275 = arith.addi %add3A_274, %iota3A : vector<16xi32>
      %get3A_276 = arith.constant 3 : i32
      %get3A_277 = arith.index_cast %get3A_276 : i32 to index
      %get3A_278 = arith.constant 32 : index
      %get3A_279 = tpu.vector_load %arg9[%get3A_277, %get3A_278] {strides = array<i32>} : memref<6x128xi32, #tpu.memory_space<vmem>>, vector<16xi32>,
      %add3A_280 = arith.constant 0 : i32
      %add3A_281 = vector.broadcast %add3A_280 : i32 to vector<16xi32>
      %add3A_282 = arith.addi %get3A_279, %add3A_281 : vector<16xi32>
      %gather3A_283 = tpu.vector_load_idx %arg7[%add3A_282, %add3A_275] : memref<324x128xf32, #tpu.memory_space<vmem>>[vector<16xi32>, vector<16xi32>], vector<16xf32>,
      %swap3A_284 = arith.constant 3 : i32
      %swap3A_285 = arith.constant 0 : i32
      %swap3A_286 = arith.index_cast %swap3A_284 : i32 to index
      %swap3A_287 = arith.index_cast %swap3A_285 : i32 to index
      %swap3A_288 = arith.constant 32 : index
      %swap3A_289 = tpu.vector_load %arg10[%swap3A_286, %swap3A_287, %swap3A_288] {strides = array<i32>} : memref<6x4x128xf32, #tpu.memory_space<vmem>>, vector<16xf32>,
      tpu.vector_store %arg10[%swap3A_286, %swap3A_287, %swap3A_288], %gather3A_283 {strides = array<i32>} : memref<6x4x128xf32, #tpu.memory_space<vmem>>, vector<16xf32>,
      %add3A_290 = arith.constant 81 : i32
      %add3A_291 = vector.broadcast %add3A_290 : i32 to vector<16xi32>
      %add3A_292 = arith.addi %get3A_279, %add3A_291 : vector<16xi32>
      %gather3A_293 = tpu.vector_load_idx %arg7[%add3A_292, %add3A_275] : memref<324x128xf32, #tpu.memory_space<vmem>>[vector<16xi32>, vector<16xi32>], vector<16xf32>,
      %swap3A_294 = arith.constant 3 : i32
      %swap3A_295 = arith.constant 1 : i32
      %swap3A_296 = arith.index_cast %swap3A_294 : i32 to index
      %swap3A_297 = arith.index_cast %swap3A_295 : i32 to index
      %swap3A_298 = arith.constant 32 : index
      %swap3A_299 = tpu.vector_load %arg10[%swap3A_296, %swap3A_297, %swap3A_298] {strides = array<i32>} : memref<6x4x128xf32, #tpu.memory_space<vmem>>, vector<16xf32>,
      tpu.vector_store %arg10[%swap3A_296, %swap3A_297, %swap3A_298], %gather3A_293 {strides = array<i32>} : memref<6x4x128xf32, #tpu.memory_space<vmem>>, vector<16xf32>,
      %add3A_300 = arith.constant 162 : i32
      %add3A_301 = vector.broadcast %add3A_300 : i32 to vector<16xi32>
      %add3A_302 = arith.addi %get3A_279, %add3A_301 : vector<16xi32>
      %gather3A_303 = tpu.vector_load_idx %arg7[%add3A_302, %add3A_275] : memref<324x128xf32, #tpu.memory_space<vmem>>[vector<16xi32>, vector<16xi32>], vector<16xf32>,
      %swap3A_304 = arith.constant 3 : i32
      %swap3A_305 = arith.constant 2 : i32
      %swap3A_306 = arith.index_cast %swap3A_304 : i32 to index
      %swap3A_307 = arith.index_cast %swap3A_305 : i32 to index
      %swap3A_308 = arith.constant 32 : index
      %swap3A_309 = tpu.vector_load %arg10[%swap3A_306, %swap3A_307, %swap3A_308] {strides = array<i32>} : memref<6x4x128xf32, #tpu.memory_space<vmem>>, vector<16xf32>,
      tpu.vector_store %arg10[%swap3A_306, %swap3A_307, %swap3A_308], %gather3A_303 {strides = array<i32>} : memref<6x4x128xf32, #tpu.memory_space<vmem>>, vector<16xf32>,
      %add3A_310 = arith.constant 243 : i32
      %add3A_311 = vector.broadcast %add3A_310 : i32 to vector<16xi32>
      %add3A_312 = arith.addi %get3A_279, %add3A_311 : vector<16xi32>
      %gather3A_313 = tpu.vector_load_idx %arg7[%add3A_312, %add3A_275] : memref<324x128xf32, #tpu.memory_space<vmem>>[vector<16xi32>, vector<16xi32>], vector<16xf32>,
      %swap3A_314 = arith.constant 3 : i32
      %swap3A_315 = arith.constant 3 : i32
      %swap3A_316 = arith.index_cast %swap3A_314 : i32 to index
      %swap3A_317 = arith.index_cast %swap3A_315 : i32 to index
      %swap3A_318 = arith.constant 32 : index
      %swap3A_319 = tpu.vector_load %arg10[%swap3A_316, %swap3A_317, %swap3A_318] {strides = array<i32>} : memref<6x4x128xf32, #tpu.memory_space<vmem>>, vector<16xf32>,
      tpu.vector_store %arg10[%swap3A_316, %swap3A_317, %swap3A_318], %gather3A_313 {strides = array<i32>} : memref<6x4x128xf32, #tpu.memory_space<vmem>>, vector<16xf32>,
      %add3A_320 = arith.constant 48 : i32
      %add3A_321 = vector.broadcast %add3A_320 : i32 to vector<16xi32>
      %add3A_322 = arith.addi %add3A_321, %iota3A : vector<16xi32>
      %get3A_323 = arith.constant 3 : i32
      %get3A_324 = arith.index_cast %get3A_323 : i32 to index
      %get3A_325 = arith.constant 48 : index
      %get3A_326 = tpu.vector_load %arg9[%get3A_324, %get3A_325] {strides = array<i32>} : memref<6x128xi32, #tpu.memory_space<vmem>>, vector<16xi32>,
      %add3A_327 = arith.constant 0 : i32
      %add3A_328 = vector.broadcast %add3A_327 : i32 to vector<16xi32>
      %add3A_329 = arith.addi %get3A_326, %add3A_328 : vector<16xi32>
      %gather3A_330 = tpu.vector_load_idx %arg7[%add3A_329, %add3A_322] : memref<324x128xf32, #tpu.memory_space<vmem>>[vector<16xi32>, vector<16xi32>], vector<16xf32>,
      %swap3A_331 = arith.constant 3 : i32
      %swap3A_332 = arith.constant 0 : i32
      %swap3A_333 = arith.index_cast %swap3A_331 : i32 to index
      %swap3A_334 = arith.index_cast %swap3A_332 : i32 to index
      %swap3A_335 = arith.constant 48 : index
      %swap3A_336 = tpu.vector_load %arg10[%swap3A_333, %swap3A_334, %swap3A_335] {strides = array<i32>} : memref<6x4x128xf32, #tpu.memory_space<vmem>>, vector<16xf32>,
      tpu.vector_store %arg10[%swap3A_333, %swap3A_334, %swap3A_335], %gather3A_330 {strides = array<i32>} : memref<6x4x128xf32, #tpu.memory_space<vmem>>, vector<16xf32>,
      %add3A_337 = arith.constant 81 : i32
      %add3A_338 = vector.broadcast %add3A_337 : i32 to vector<16xi32>
      %add3A_339 = arith.addi %get3A_326, %add3A_338 : vector<16xi32>
      %gather3A_340 = tpu.vector_load_idx %arg7[%add3A_339, %add3A_322] : memref<324x128xf32, #tpu.memory_space<vmem>>[vector<16xi32>, vector<16xi32>], vector<16xf32>,
      %swap3A_341 = arith.constant 3 : i32
      %swap3A_342 = arith.constant 1 : i32
      %swap3A_343 = arith.index_cast %swap3A_341 : i32 to index
      %swap3A_344 = arith.index_cast %swap3A_342 : i32 to index
      %swap3A_345 = arith.constant 48 : index
      %swap3A_346 = tpu.vector_load %arg10[%swap3A_343, %swap3A_344, %swap3A_345] {strides = array<i32>} : memref<6x4x128xf32, #tpu.memory_space<vmem>>, vector<16xf32>,
      tpu.vector_store %arg10[%swap3A_343, %swap3A_344, %swap3A_345], %gather3A_340 {strides = array<i32>} : memref<6x4x128xf32, #tpu.memory_space<vmem>>, vector<16xf32>,
      %add3A_347 = arith.constant 162 : i32
      %add3A_348 = vector.broadcast %add3A_347 : i32 to vector<16xi32>
      %add3A_349 = arith.addi %get3A_326, %add3A_348 : vector<16xi32>
      %gather3A_350 = tpu.vector_load_idx %arg7[%add3A_349, %add3A_322] : memref<324x128xf32, #tpu.memory_space<vmem>>[vector<16xi32>, vector<16xi32>], vector<16xf32>,
      %swap3A_351 = arith.constant 3 : i32
      %swap3A_352 = arith.constant 2 : i32
      %swap3A_353 = arith.index_cast %swap3A_351 : i32 to index
      %swap3A_354 = arith.index_cast %swap3A_352 : i32 to index
      %swap3A_355 = arith.constant 48 : index
      %swap3A_356 = tpu.vector_load %arg10[%swap3A_353, %swap3A_354, %swap3A_355] {strides = array<i32>} : memref<6x4x128xf32, #tpu.memory_space<vmem>>, vector<16xf32>,
      tpu.vector_store %arg10[%swap3A_353, %swap3A_354, %swap3A_355], %gather3A_350 {strides = array<i32>} : memref<6x4x128xf32, #tpu.memory_space<vmem>>, vector<16xf32>,
      %add3A_357 = arith.constant 243 : i32
      %add3A_358 = vector.broadcast %add3A_357 : i32 to vector<16xi32>
      %add3A_359 = arith.addi %get3A_326, %add3A_358 : vector<16xi32>
      %gather3A_360 = tpu.vector_load_idx %arg7[%add3A_359, %add3A_322] : memref<324x128xf32, #tpu.memory_space<vmem>>[vector<16xi32>, vector<16xi32>], vector<16xf32>,
      %swap3A_361 = arith.constant 3 : i32
      %swap3A_362 = arith.constant 3 : i32
      %swap3A_363 = arith.index_cast %swap3A_361 : i32 to index
      %swap3A_364 = arith.index_cast %swap3A_362 : i32 to index
      %swap3A_365 = arith.constant 48 : index
      %swap3A_366 = tpu.vector_load %arg10[%swap3A_363, %swap3A_364, %swap3A_365] {strides = array<i32>} : memref<6x4x128xf32, #tpu.memory_space<vmem>>, vector<16xf32>,
      tpu.vector_store %arg10[%swap3A_363, %swap3A_364, %swap3A_365], %gather3A_360 {strides = array<i32>} : memref<6x4x128xf32, #tpu.memory_space<vmem>>, vector<16xf32>,
      %add3A_367 = arith.constant 64 : i32
      %add3A_368 = vector.broadcast %add3A_367 : i32 to vector<16xi32>
      %add3A_369 = arith.addi %add3A_368, %iota3A : vector<16xi32>
      %get3A_370 = arith.constant 3 : i32
      %get3A_371 = arith.index_cast %get3A_370 : i32 to index
      %get3A_372 = arith.constant 64 : index
      %get3A_373 = tpu.vector_load %arg9[%get3A_371, %get3A_372] {strides = array<i32>} : memref<6x128xi32, #tpu.memory_space<vmem>>, vector<16xi32>,
      %add3A_374 = arith.constant 0 : i32
      %add3A_375 = vector.broadcast %add3A_374 : i32 to vector<16xi32>
      %add3A_376 = arith.addi %get3A_373, %add3A_375 : vector<16xi32>
      %gather3A_377 = tpu.vector_load_idx %arg7[%add3A_376, %add3A_369] : memref<324x128xf32, #tpu.memory_space<vmem>>[vector<16xi32>, vector<16xi32>], vector<16xf32>,
      %swap3A_378 = arith.constant 3 : i32
      %swap3A_379 = arith.constant 0 : i32
      %swap3A_380 = arith.index_cast %swap3A_378 : i32 to index
      %swap3A_381 = arith.index_cast %swap3A_379 : i32 to index
      %swap3A_382 = arith.constant 64 : index
      %swap3A_383 = tpu.vector_load %arg10[%swap3A_380, %swap3A_381, %swap3A_382] {strides = array<i32>} : memref<6x4x128xf32, #tpu.memory_space<vmem>>, vector<16xf32>,
      tpu.vector_store %arg10[%swap3A_380, %swap3A_381, %swap3A_382], %gather3A_377 {strides = array<i32>} : memref<6x4x128xf32, #tpu.memory_space<vmem>>, vector<16xf32>,
      %add3A_384 = arith.constant 81 : i32
      %add3A_385 = vector.broadcast %add3A_384 : i32 to vector<16xi32>
      %add3A_386 = arith.addi %get3A_373, %add3A_385 : vector<16xi32>
      %gather3A_387 = tpu.vector_load_idx %arg7[%add3A_386, %add3A_369] : memref<324x128xf32, #tpu.memory_space<vmem>>[vector<16xi32>, vector<16xi32>], vector<16xf32>,
      %swap3A_388 = arith.constant 3 : i32
      %swap3A_389 = arith.constant 1 : i32
      %swap3A_390 = arith.index_cast %swap3A_388 : i32 to index
      %swap3A_391 = arith.index_cast %swap3A_389 : i32 to index
      %swap3A_392 = arith.constant 64 : index
      %swap3A_393 = tpu.vector_load %arg10[%swap3A_390, %swap3A_391, %swap3A_392] {strides = array<i32>} : memref<6x4x128xf32, #tpu.memory_space<vmem>>, vector<16xf32>,
      tpu.vector_store %arg10[%swap3A_390, %swap3A_391, %swap3A_392], %gather3A_387 {strides = array<i32>} : memref<6x4x128xf32, #tpu.memory_space<vmem>>, vector<16xf32>,
      %add3A_394 = arith.constant 162 : i32
      %add3A_395 = vector.broadcast %add3A_394 : i32 to vector<16xi32>
      %add3A_396 = arith.addi %get3A_373, %add3A_395 : vector<16xi32>
      %gather3A_397 = tpu.vector_load_idx %arg7[%add3A_396, %add3A_369] : memref<324x128xf32, #tpu.memory_space<vmem>>[vector<16xi32>, vector<16xi32>], vector<16xf32>,
      %swap3A_398 = arith.constant 3 : i32
      %swap3A_399 = arith.constant 2 : i32
      %swap3A_400 = arith.index_cast %swap3A_398 : i32 to index
      %swap3A_401 = arith.index_cast %swap3A_399 : i32 to index
      %swap3A_402 = arith.constant 64 : index
      %swap3A_403 = tpu.vector_load %arg10[%swap3A_400, %swap3A_401, %swap3A_402] {strides = array<i32>} : memref<6x4x128xf32, #tpu.memory_space<vmem>>, vector<16xf32>,
      tpu.vector_store %arg10[%swap3A_400, %swap3A_401, %swap3A_402], %gather3A_397 {strides = array<i32>} : memref<6x4x128xf32, #tpu.memory_space<vmem>>, vector<16xf32>,
      %add3A_404 = arith.constant 243 : i32
      %add3A_405 = vector.broadcast %add3A_404 : i32 to vector<16xi32>
      %add3A_406 = arith.addi %get3A_373, %add3A_405 : vector<16xi32>
      %gather3A_407 = tpu.vector_load_idx %arg7[%add3A_406, %add3A_369] : memref<324x128xf32, #tpu.memory_space<vmem>>[vector<16xi32>, vector<16xi32>], vector<16xf32>,
      %swap3A_408 = arith.constant 3 : i32
      %swap3A_409 = arith.constant 3 : i32
      %swap3A_410 = arith.index_cast %swap3A_408 : i32 to index
      %swap3A_411 = arith.index_cast %swap3A_409 : i32 to index
      %swap3A_412 = arith.constant 64 : index
      %swap3A_413 = tpu.vector_load %arg10[%swap3A_410, %swap3A_411, %swap3A_412] {strides = array<i32>} : memref<6x4x128xf32, #tpu.memory_space<vmem>>, vector<16xf32>,
      tpu.vector_store %arg10[%swap3A_410, %swap3A_411, %swap3A_412], %gather3A_407 {strides = array<i32>} : memref<6x4x128xf32, #tpu.memory_space<vmem>>, vector<16xf32>,
      %add3A_414 = arith.constant 80 : i32
      %add3A_415 = vector.broadcast %add3A_414 : i32 to vector<16xi32>
      %add3A_416 = arith.addi %add3A_415, %iota3A : vector<16xi32>
      %get3A_417 = arith.constant 3 : i32
      %get3A_418 = arith.index_cast %get3A_417 : i32 to index
      %get3A_419 = arith.constant 80 : index
      %get3A_420 = tpu.vector_load %arg9[%get3A_418, %get3A_419] {strides = array<i32>} : memref<6x128xi32, #tpu.memory_space<vmem>>, vector<16xi32>,
      %add3A_421 = arith.constant 0 : i32
      %add3A_422 = vector.broadcast %add3A_421 : i32 to vector<16xi32>
      %add3A_423 = arith.addi %get3A_420, %add3A_422 : vector<16xi32>
      %gather3A_424 = tpu.vector_load_idx %arg7[%add3A_423, %add3A_416] : memref<324x128xf32, #tpu.memory_space<vmem>>[vector<16xi32>, vector<16xi32>], vector<16xf32>,
      %swap3A_425 = arith.constant 3 : i32
      %swap3A_426 = arith.constant 0 : i32
      %swap3A_427 = arith.index_cast %swap3A_425 : i32 to index
      %swap3A_428 = arith.index_cast %swap3A_426 : i32 to index
      %swap3A_429 = arith.constant 80 : index
      %swap3A_430 = tpu.vector_load %arg10[%swap3A_427, %swap3A_428, %swap3A_429] {strides = array<i32>} : memref<6x4x128xf32, #tpu.memory_space<vmem>>, vector<16xf32>,
      tpu.vector_store %arg10[%swap3A_427, %swap3A_428, %swap3A_429], %gather3A_424 {strides = array<i32>} : memref<6x4x128xf32, #tpu.memory_space<vmem>>, vector<16xf32>,
      %add3A_431 = arith.constant 81 : i32
      %add3A_432 = vector.broadcast %add3A_431 : i32 to vector<16xi32>
      %add3A_433 = arith.addi %get3A_420, %add3A_432 : vector<16xi32>
      %gather3A_434 = tpu.vector_load_idx %arg7[%add3A_433, %add3A_416] : memref<324x128xf32, #tpu.memory_space<vmem>>[vector<16xi32>, vector<16xi32>], vector<16xf32>,
      %swap3A_435 = arith.constant 3 : i32
      %swap3A_436 = arith.constant 1 : i32
      %swap3A_437 = arith.index_cast %swap3A_435 : i32 to index
      %swap3A_438 = arith.index_cast %swap3A_436 : i32 to index
      %swap3A_439 = arith.constant 80 : index
      %swap3A_440 = tpu.vector_load %arg10[%swap3A_437, %swap3A_438, %swap3A_439] {strides = array<i32>} : memref<6x4x128xf32, #tpu.memory_space<vmem>>, vector<16xf32>,
      tpu.vector_store %arg10[%swap3A_437, %swap3A_438, %swap3A_439], %gather3A_434 {strides = array<i32>} : memref<6x4x128xf32, #tpu.memory_space<vmem>>, vector<16xf32>,
      %add3A_441 = arith.constant 162 : i32
      %add3A_442 = vector.broadcast %add3A_441 : i32 to vector<16xi32>
      %add3A_443 = arith.addi %get3A_420, %add3A_442 : vector<16xi32>
      %gather3A_444 = tpu.vector_load_idx %arg7[%add3A_443, %add3A_416] : memref<324x128xf32, #tpu.memory_space<vmem>>[vector<16xi32>, vector<16xi32>], vector<16xf32>,
      %swap3A_445 = arith.constant 3 : i32
      %swap3A_446 = arith.constant 2 : i32
      %swap3A_447 = arith.index_cast %swap3A_445 : i32 to index
      %swap3A_448 = arith.index_cast %swap3A_446 : i32 to index
      %swap3A_449 = arith.constant 80 : index
      %swap3A_450 = tpu.vector_load %arg10[%swap3A_447, %swap3A_448, %swap3A_449] {strides = array<i32>} : memref<6x4x128xf32, #tpu.memory_space<vmem>>, vector<16xf32>,
      tpu.vector_store %arg10[%swap3A_447, %swap3A_448, %swap3A_449], %gather3A_444 {strides = array<i32>} : memref<6x4x128xf32, #tpu.memory_space<vmem>>, vector<16xf32>,
      %add3A_451 = arith.constant 243 : i32
      %add3A_452 = vector.broadcast %add3A_451 : i32 to vector<16xi32>
      %add3A_453 = arith.addi %get3A_420, %add3A_452 : vector<16xi32>
      %gather3A_454 = tpu.vector_load_idx %arg7[%add3A_453, %add3A_416] : memref<324x128xf32, #tpu.memory_space<vmem>>[vector<16xi32>, vector<16xi32>], vector<16xf32>,
      %swap3A_455 = arith.constant 3 : i32
      %swap3A_456 = arith.constant 3 : i32
      %swap3A_457 = arith.index_cast %swap3A_455 : i32 to index
      %swap3A_458 = arith.index_cast %swap3A_456 : i32 to index
      %swap3A_459 = arith.constant 80 : index
      %swap3A_460 = tpu.vector_load %arg10[%swap3A_457, %swap3A_458, %swap3A_459] {strides = array<i32>} : memref<6x4x128xf32, #tpu.memory_space<vmem>>, vector<16xf32>,
      tpu.vector_store %arg10[%swap3A_457, %swap3A_458, %swap3A_459], %gather3A_454 {strides = array<i32>} : memref<6x4x128xf32, #tpu.memory_space<vmem>>, vector<16xf32>,
      %add3A_461 = arith.constant 96 : i32
      %add3A_462 = vector.broadcast %add3A_461 : i32 to vector<16xi32>
      %add3A_463 = arith.addi %add3A_462, %iota3A : vector<16xi32>
      %get3A_464 = arith.constant 3 : i32
      %get3A_465 = arith.index_cast %get3A_464 : i32 to index
      %get3A_466 = arith.constant 96 : index
      %get3A_467 = tpu.vector_load %arg9[%get3A_465, %get3A_466] {strides = array<i32>} : memref<6x128xi32, #tpu.memory_space<vmem>>, vector<16xi32>,
      %add3A_468 = arith.constant 0 : i32
      %add3A_469 = vector.broadcast %add3A_468 : i32 to vector<16xi32>
      %add3A_470 = arith.addi %get3A_467, %add3A_469 : vector<16xi32>
      %gather3A_471 = tpu.vector_load_idx %arg7[%add3A_470, %add3A_463] : memref<324x128xf32, #tpu.memory_space<vmem>>[vector<16xi32>, vector<16xi32>], vector<16xf32>,
      %swap3A_472 = arith.constant 3 : i32
      %swap3A_473 = arith.constant 0 : i32
      %swap3A_474 = arith.index_cast %swap3A_472 : i32 to index
      %swap3A_475 = arith.index_cast %swap3A_473 : i32 to index
      %swap3A_476 = arith.constant 96 : index
      %swap3A_477 = tpu.vector_load %arg10[%swap3A_474, %swap3A_475, %swap3A_476] {strides = array<i32>} : memref<6x4x128xf32, #tpu.memory_space<vmem>>, vector<16xf32>,
      tpu.vector_store %arg10[%swap3A_474, %swap3A_475, %swap3A_476], %gather3A_471 {strides = array<i32>} : memref<6x4x128xf32, #tpu.memory_space<vmem>>, vector<16xf32>,
      %add3A_478 = arith.constant 81 : i32
      %add3A_479 = vector.broadcast %add3A_478 : i32 to vector<16xi32>
      %add3A_480 = arith.addi %get3A_467, %add3A_479 : vector<16xi32>
      %gather3A_481 = tpu.vector_load_idx %arg7[%add3A_480, %add3A_463] : memref<324x128xf32, #tpu.memory_space<vmem>>[vector<16xi32>, vector<16xi32>], vector<16xf32>,
      %swap3A_482 = arith.constant 3 : i32
      %swap3A_483 = arith.constant 1 : i32
      %swap3A_484 = arith.index_cast %swap3A_482 : i32 to index
      %swap3A_485 = arith.index_cast %swap3A_483 : i32 to index
      %swap3A_486 = arith.constant 96 : index
      %swap3A_487 = tpu.vector_load %arg10[%swap3A_484, %swap3A_485, %swap3A_486] {strides = array<i32>} : memref<6x4x128xf32, #tpu.memory_space<vmem>>, vector<16xf32>,
      tpu.vector_store %arg10[%swap3A_484, %swap3A_485, %swap3A_486], %gather3A_481 {strides = array<i32>} : memref<6x4x128xf32, #tpu.memory_space<vmem>>, vector<16xf32>,
      %add3A_488 = arith.constant 162 : i32
      %add3A_489 = vector.broadcast %add3A_488 : i32 to vector<16xi32>
      %add3A_490 = arith.addi %get3A_467, %add3A_489 : vector<16xi32>
      %gather3A_491 = tpu.vector_load_idx %arg7[%add3A_490, %add3A_463] : memref<324x128xf32, #tpu.memory_space<vmem>>[vector<16xi32>, vector<16xi32>], vector<16xf32>,
      %swap3A_492 = arith.constant 3 : i32
      %swap3A_493 = arith.constant 2 : i32
      %swap3A_494 = arith.index_cast %swap3A_492 : i32 to index
      %swap3A_495 = arith.index_cast %swap3A_493 : i32 to index
      %swap3A_496 = arith.constant 96 : index
      %swap3A_497 = tpu.vector_load %arg10[%swap3A_494, %swap3A_495, %swap3A_496] {strides = array<i32>} : memref<6x4x128xf32, #tpu.memory_space<vmem>>, vector<16xf32>,
      tpu.vector_store %arg10[%swap3A_494, %swap3A_495, %swap3A_496], %gather3A_491 {strides = array<i32>} : memref<6x4x128xf32, #tpu.memory_space<vmem>>, vector<16xf32>,
      %add3A_498 = arith.constant 243 : i32
      %add3A_499 = vector.broadcast %add3A_498 : i32 to vector<16xi32>
      %add3A_500 = arith.addi %get3A_467, %add3A_499 : vector<16xi32>
      %gather3A_501 = tpu.vector_load_idx %arg7[%add3A_500, %add3A_463] : memref<324x128xf32, #tpu.memory_space<vmem>>[vector<16xi32>, vector<16xi32>], vector<16xf32>,
      %swap3A_502 = arith.constant 3 : i32
      %swap3A_503 = arith.constant 3 : i32
      %swap3A_504 = arith.index_cast %swap3A_502 : i32 to index
      %swap3A_505 = arith.index_cast %swap3A_503 : i32 to index
      %swap3A_506 = arith.constant 96 : index
      %swap3A_507 = tpu.vector_load %arg10[%swap3A_504, %swap3A_505, %swap3A_506] {strides = array<i32>} : memref<6x4x128xf32, #tpu.memory_space<vmem>>, vector<16xf32>,
      tpu.vector_store %arg10[%swap3A_504, %swap3A_505, %swap3A_506], %gather3A_501 {strides = array<i32>} : memref<6x4x128xf32, #tpu.memory_space<vmem>>, vector<16xf32>,
      %add3A_508 = arith.constant 112 : i32
      %add3A_509 = vector.broadcast %add3A_508 : i32 to vector<16xi32>
      %add3A_510 = arith.addi %add3A_509, %iota3A : vector<16xi32>
      %get3A_511 = arith.constant 3 : i32
      %get3A_512 = arith.index_cast %get3A_511 : i32 to index
      %get3A_513 = arith.constant 112 : index
      %get3A_514 = tpu.vector_load %arg9[%get3A_512, %get3A_513] {strides = array<i32>} : memref<6x128xi32, #tpu.memory_space<vmem>>, vector<16xi32>,
      %add3A_515 = arith.constant 0 : i32
      %add3A_516 = vector.broadcast %add3A_515 : i32 to vector<16xi32>
      %add3A_517 = arith.addi %get3A_514, %add3A_516 : vector<16xi32>
      %gather3A_518 = tpu.vector_load_idx %arg7[%add3A_517, %add3A_510] : memref<324x128xf32, #tpu.memory_space<vmem>>[vector<16xi32>, vector<16xi32>], vector<16xf32>,
      %swap3A_519 = arith.constant 3 : i32
      %swap3A_520 = arith.constant 0 : i32
      %swap3A_521 = arith.index_cast %swap3A_519 : i32 to index
      %swap3A_522 = arith.index_cast %swap3A_520 : i32 to index
      %swap3A_523 = arith.constant 112 : index
      %swap3A_524 = tpu.vector_load %arg10[%swap3A_521, %swap3A_522, %swap3A_523] {strides = array<i32>} : memref<6x4x128xf32, #tpu.memory_space<vmem>>, vector<16xf32>,
      tpu.vector_store %arg10[%swap3A_521, %swap3A_522, %swap3A_523], %gather3A_518 {strides = array<i32>} : memref<6x4x128xf32, #tpu.memory_space<vmem>>, vector<16xf32>,
      %add3A_525 = arith.constant 81 : i32
      %add3A_526 = vector.broadcast %add3A_525 : i32 to vector<16xi32>
      %add3A_527 = arith.addi %get3A_514, %add3A_526 : vector<16xi32>
      %gather3A_528 = tpu.vector_load_idx %arg7[%add3A_527, %add3A_510] : memref<324x128xf32, #tpu.memory_space<vmem>>[vector<16xi32>, vector<16xi32>], vector<16xf32>,
      %swap3A_529 = arith.constant 3 : i32
      %swap3A_530 = arith.constant 1 : i32
      %swap3A_531 = arith.index_cast %swap3A_529 : i32 to index
      %swap3A_532 = arith.index_cast %swap3A_530 : i32 to index
      %swap3A_533 = arith.constant 112 : index
      %swap3A_534 = tpu.vector_load %arg10[%swap3A_531, %swap3A_532, %swap3A_533] {strides = array<i32>} : memref<6x4x128xf32, #tpu.memory_space<vmem>>, vector<16xf32>,
      tpu.vector_store %arg10[%swap3A_531, %swap3A_532, %swap3A_533], %gather3A_528 {strides = array<i32>} : memref<6x4x128xf32, #tpu.memory_space<vmem>>, vector<16xf32>,
      %add3A_535 = arith.constant 162 : i32
      %add3A_536 = vector.broadcast %add3A_535 : i32 to vector<16xi32>
      %add3A_537 = arith.addi %get3A_514, %add3A_536 : vector<16xi32>
      %gather3A_538 = tpu.vector_load_idx %arg7[%add3A_537, %add3A_510] : memref<324x128xf32, #tpu.memory_space<vmem>>[vector<16xi32>, vector<16xi32>], vector<16xf32>,
      %swap3A_539 = arith.constant 3 : i32
      %swap3A_540 = arith.constant 2 : i32
      %swap3A_541 = arith.index_cast %swap3A_539 : i32 to index
      %swap3A_542 = arith.index_cast %swap3A_540 : i32 to index
      %swap3A_543 = arith.constant 112 : index
      %swap3A_544 = tpu.vector_load %arg10[%swap3A_541, %swap3A_542, %swap3A_543] {strides = array<i32>} : memref<6x4x128xf32, #tpu.memory_space<vmem>>, vector<16xf32>,
      tpu.vector_store %arg10[%swap3A_541, %swap3A_542, %swap3A_543], %gather3A_538 {strides = array<i32>} : memref<6x4x128xf32, #tpu.memory_space<vmem>>, vector<16xf32>,
      %add3A_545 = arith.constant 243 : i32
      %add3A_546 = vector.broadcast %add3A_545 : i32 to vector<16xi32>
      %add3A_547 = arith.addi %get3A_514, %add3A_546 : vector<16xi32>
      %gather3A_548 = tpu.vector_load_idx %arg7[%add3A_547, %add3A_510] : memref<324x128xf32, #tpu.memory_space<vmem>>[vector<16xi32>, vector<16xi32>], vector<16xf32>,
      %swap3A_549 = arith.constant 3 : i32
      %swap3A_550 = arith.constant 3 : i32
      %swap3A_551 = arith.index_cast %swap3A_549 : i32 to index
      %swap3A_552 = arith.index_cast %swap3A_550 : i32 to index
      %swap3A_553 = arith.constant 112 : index
      %swap3A_554 = tpu.vector_load %arg10[%swap3A_551, %swap3A_552, %swap3A_553] {strides = array<i32>} : memref<6x4x128xf32, #tpu.memory_space<vmem>>, vector<16xf32>,
      tpu.vector_store %arg10[%swap3A_551, %swap3A_552, %swap3A_553], %gather3A_548 {strides = array<i32>} : memref<6x4x128xf32, #tpu.memory_space<vmem>>, vector<16xf32>,
      %mul3A_555 = arith.constant 128 : i32
      %mul3A_556 = arith.muli %mul3A_555, %add3A_118 : i32
      %dma_start3A = arith.constant 3 : i32
      %dma_start3A_557 = arith.constant 0 : i32
      %dma_start3A_558 = arith.constant 0 : i32
      %dma_start3A_559 = tpu.memref_slice %arg10[%dma_start3A, %dma_start3A_557, %dma_start3A_558] : memref<6x4x128xf32, #tpu.memory_space<vmem>> -> memref<1x4x128xf32, #tpu.memory_space<vmem>>
      %dma_start3A_560 = tpu.memref_squeeze %dma_start3A_559 : memref<1x4x128xf32, #tpu.memory_space<vmem>> -> memref<4x128xf32, #tpu.memory_space<vmem>>
      %dma_start3A_561 = arith.constant 0 : i32
      %dma_start3A_562 = tpu.memref_slice %arg4[%dma_start3A_561, %mul3A_556] : memref<4x20096xf32, #tpu.memory_space<hbm>> -> memref<4x128xf32, #tpu.memory_space<hbm>>
      %dma_start3A_563 = arith.constant 0 : i32
      %dma_start3A_564 = tpu.memref_slice %arg4[%dma_start3A_563, %mul3A_556] : memref<4x20096xf32, #tpu.memory_space<hbm>> -> memref<4x128xf32, #tpu.memory_space<hbm>>
      %dma_start3A_565 = arith.constant 0 : i32
      %dma_start3A_566 = arith.constant 0 : i32
      %dma_start3A_567 = tpu.memref_slice %arg10[%dma_start3A, %dma_start3A_565, %dma_start3A_566] : memref<6x4x128xf32, #tpu.memory_space<vmem>> -> memref<1x4x128xf32, #tpu.memory_space<vmem>>
      %dma_start3A_568 = tpu.memref_squeeze %dma_start3A_567 : memref<1x4x128xf32, #tpu.memory_space<vmem>> -> memref<4x128xf32, #tpu.memory_space<vmem>>
      tpu.enqueue_dma source(%dma_start3A_568 : memref<4x128xf32, #tpu.memory_space<vmem>>) target(%dma_start3A_564 : memref<4x128xf32, #tpu.memory_space<hbm>>) target_semaphore(%arg14 : memref<!tpu.dma_semaphore, #tpu.memory_space<semaphore_mem>>)
      %mul3A_569 = arith.constant 128 : i32
      %mul3A_570 = arith.muli %mul3A_569, %add3A_118 : i32
      %dma_start3A_571 = arith.constant 3 : i32
      %dma_start3A_572 = arith.constant 0 : i32
      %dma_start3A_573 = tpu.memref_slice %arg9[%dma_start3A_571, %dma_start3A_572] : memref<6x128xi32, #tpu.memory_space<vmem>> -> memref<1x128xi32, #tpu.memory_space<vmem>>
      %dma_start3A_574 = tpu.memref_squeeze %dma_start3A_573 : memref<1x128xi32, #tpu.memory_space<vmem>> -> memref<128xi32, #tpu.memory_space<vmem>>
      %dma_start3A_575 = tpu.memref_slice %arg5[%mul3A_570] : memref<20000xi32, #tpu.memory_space<hbm>> -> memref<128xi32, #tpu.memory_space<hbm>>
      %dma_start3A_576 = tpu.memref_slice %arg5[%mul3A_570] : memref<20000xi32, #tpu.memory_space<hbm>> -> memref<128xi32, #tpu.memory_space<hbm>>
      %dma_start3A_577 = arith.constant 0 : i32
      %dma_start3A_578 = tpu.memref_slice %arg9[%dma_start3A_571, %dma_start3A_577] : memref<6x128xi32, #tpu.memory_space<vmem>> -> memref<1x128xi32, #tpu.memory_space<vmem>>
      %dma_start3A_579 = tpu.memref_squeeze %dma_start3A_578 : memref<1x128xi32, #tpu.memory_space<vmem>> -> memref<128xi32, #tpu.memory_space<vmem>>
      tpu.enqueue_dma source(%dma_start3A_579 : memref<128xi32, #tpu.memory_space<vmem>>) target(%dma_start3A_576 : memref<128xi32, #tpu.memory_space<hbm>>) target_semaphore(%arg14 : memref<!tpu.dma_semaphore, #tpu.memory_space<semaphore_mem>>)
    } else {
    }
    %add3A_131 = arith.constant 128 : i32
    %add3A_132 = arith.addi %add3A, %add3A_131 : i32
    %lt3A_133 = arith.constant 156 : i32
    %lt3A_134 = arith.cmpi slt, %add3A_132, %lt3A_133 : i32
    %convert_element_type3A_135 = arith.extui %lt3A_134 : i1 to i32
    %cond3A_136 = arith.constant 0 : i32
    %cond3A_137 = arith.cmpi ne, %convert_element_type3A_135, %cond3A_136 : i32
    scf.if %cond3A_137 {
      %mul3A_177 = arith.constant 128 : i32
      %mul3A_178 = arith.muli %mul3A_177, %add3A_132 : i32
      %dma_wait3A = arith.constant 0 : i32
      %dma_wait3A_179 = tpu.memref_slice %arg2[%dma_wait3A, %mul3A_178] : memref<324x20000xf32, #tpu.memory_space<hbm>> -> memref<324x128xf32, #tpu.memory_space<hbm>>
      %dma_wait3A_180 = arith.constant 0 : i32
      %dma_wait3A_181 = tpu.memref_slice %arg2[%dma_wait3A_180, %mul3A_178] : memref<324x20000xf32, #tpu.memory_space<hbm>> -> memref<324x128xf32, #tpu.memory_space<hbm>>
      tpu.wait_dma2 semaphore(%arg11 : memref<!tpu.dma_semaphore, #tpu.memory_space<semaphore_mem>>) src(%dma_wait3A_181 : memref<324x128xf32, #tpu.memory_space<hbm>>) dst(%arg6 : memref<324x128xf32, #tpu.memory_space<vmem>>)
      %add3A_182 = arith.constant 0 : i32
      %add3A_183 = vector.broadcast %add3A_182 : i32 to vector<16xi32>
      %add3A_184 = arith.addi %add3A_183, %iota3A : vector<16xi32>
      %get3A = arith.constant 4 : i32
      %get3A_185 = arith.index_cast %get3A : i32 to index
      %get3A_186 = arith.constant 0 : index
      %get3A_187 = tpu.vector_load %arg9[%get3A_185, %get3A_186] {strides = array<i32>} : memref<6x128xi32, #tpu.memory_space<vmem>>, vector<16xi32>,
      %add3A_188 = arith.constant 0 : i32
      %add3A_189 = vector.broadcast %add3A_188 : i32 to vector<16xi32>
      %add3A_190 = arith.addi %get3A_187, %add3A_189 : vector<16xi32>
      %gather3A = tpu.vector_load_idx %arg6[%add3A_190, %add3A_184] : memref<324x128xf32, #tpu.memory_space<vmem>>[vector<16xi32>, vector<16xi32>], vector<16xf32>,
      %swap3A = arith.constant 4 : i32
      %swap3A_191 = arith.constant 0 : i32
      %swap3A_192 = arith.index_cast %swap3A : i32 to index
      %swap3A_193 = arith.index_cast %swap3A_191 : i32 to index
      %swap3A_194 = arith.constant 0 : index
      %swap3A_195 = tpu.vector_load %arg10[%swap3A_192, %swap3A_193, %swap3A_194] {strides = array<i32>} : memref<6x4x128xf32, #tpu.memory_space<vmem>>, vector<16xf32>,
      tpu.vector_store %arg10[%swap3A_192, %swap3A_193, %swap3A_194], %gather3A {strides = array<i32>} : memref<6x4x128xf32, #tpu.memory_space<vmem>>, vector<16xf32>,
      %add3A_196 = arith.constant 81 : i32
      %add3A_197 = vector.broadcast %add3A_196 : i32 to vector<16xi32>
      %add3A_198 = arith.addi %get3A_187, %add3A_197 : vector<16xi32>
      %gather3A_199 = tpu.vector_load_idx %arg6[%add3A_198, %add3A_184] : memref<324x128xf32, #tpu.memory_space<vmem>>[vector<16xi32>, vector<16xi32>], vector<16xf32>,
      %swap3A_200 = arith.constant 4 : i32
      %swap3A_201 = arith.constant 1 : i32
      %swap3A_202 = arith.index_cast %swap3A_200 : i32 to index
      %swap3A_203 = arith.index_cast %swap3A_201 : i32 to index
      %swap3A_204 = arith.constant 0 : index
      %swap3A_205 = tpu.vector_load %arg10[%swap3A_202, %swap3A_203, %swap3A_204] {strides = array<i32>} : memref<6x4x128xf32, #tpu.memory_space<vmem>>, vector<16xf32>,
      tpu.vector_store %arg10[%swap3A_202, %swap3A_203, %swap3A_204], %gather3A_199 {strides = array<i32>} : memref<6x4x128xf32, #tpu.memory_space<vmem>>, vector<16xf32>,
      %add3A_206 = arith.constant 162 : i32
      %add3A_207 = vector.broadcast %add3A_206 : i32 to vector<16xi32>
      %add3A_208 = arith.addi %get3A_187, %add3A_207 : vector<16xi32>
      %gather3A_209 = tpu.vector_load_idx %arg6[%add3A_208, %add3A_184] : memref<324x128xf32, #tpu.memory_space<vmem>>[vector<16xi32>, vector<16xi32>], vector<16xf32>,
      %swap3A_210 = arith.constant 4 : i32
      %swap3A_211 = arith.constant 2 : i32
      %swap3A_212 = arith.index_cast %swap3A_210 : i32 to index
      %swap3A_213 = arith.index_cast %swap3A_211 : i32 to index
      %swap3A_214 = arith.constant 0 : index
      %swap3A_215 = tpu.vector_load %arg10[%swap3A_212, %swap3A_213, %swap3A_214] {strides = array<i32>} : memref<6x4x128xf32, #tpu.memory_space<vmem>>, vector<16xf32>,
      tpu.vector_store %arg10[%swap3A_212, %swap3A_213, %swap3A_214], %gather3A_209 {strides = array<i32>} : memref<6x4x128xf32, #tpu.memory_space<vmem>>, vector<16xf32>,
      %add3A_216 = arith.constant 243 : i32
      %add3A_217 = vector.broadcast %add3A_216 : i32 to vector<16xi32>
      %add3A_218 = arith.addi %get3A_187, %add3A_217 : vector<16xi32>
      %gather3A_219 = tpu.vector_load_idx %arg6[%add3A_218, %add3A_184] : memref<324x128xf32, #tpu.memory_space<vmem>>[vector<16xi32>, vector<16xi32>], vector<16xf32>,
      %swap3A_220 = arith.constant 4 : i32
      %swap3A_221 = arith.constant 3 : i32
      %swap3A_222 = arith.index_cast %swap3A_220 : i32 to index
      %swap3A_223 = arith.index_cast %swap3A_221 : i32 to index
      %swap3A_224 = arith.constant 0 : index
      %swap3A_225 = tpu.vector_load %arg10[%swap3A_222, %swap3A_223, %swap3A_224] {strides = array<i32>} : memref<6x4x128xf32, #tpu.memory_space<vmem>>, vector<16xf32>,
      tpu.vector_store %arg10[%swap3A_222, %swap3A_223, %swap3A_224], %gather3A_219 {strides = array<i32>} : memref<6x4x128xf32, #tpu.memory_space<vmem>>, vector<16xf32>,
      %add3A_226 = arith.constant 16 : i32
      %add3A_227 = vector.broadcast %add3A_226 : i32 to vector<16xi32>
      %add3A_228 = arith.addi %add3A_227, %iota3A : vector<16xi32>
      %get3A_229 = arith.constant 4 : i32
      %get3A_230 = arith.index_cast %get3A_229 : i32 to index
      %get3A_231 = arith.constant 16 : index
      %get3A_232 = tpu.vector_load %arg9[%get3A_230, %get3A_231] {strides = array<i32>} : memref<6x128xi32, #tpu.memory_space<vmem>>, vector<16xi32>,
      %add3A_233 = arith.constant 0 : i32
      %add3A_234 = vector.broadcast %add3A_233 : i32 to vector<16xi32>
      %add3A_235 = arith.addi %get3A_232, %add3A_234 : vector<16xi32>
      %gather3A_236 = tpu.vector_load_idx %arg6[%add3A_235, %add3A_228] : memref<324x128xf32, #tpu.memory_space<vmem>>[vector<16xi32>, vector<16xi32>], vector<16xf32>,
      %swap3A_237 = arith.constant 4 : i32
      %swap3A_238 = arith.constant 0 : i32
      %swap3A_239 = arith.index_cast %swap3A_237 : i32 to index
      %swap3A_240 = arith.index_cast %swap3A_238 : i32 to index
      %swap3A_241 = arith.constant 16 : index
      %swap3A_242 = tpu.vector_load %arg10[%swap3A_239, %swap3A_240, %swap3A_241] {strides = array<i32>} : memref<6x4x128xf32, #tpu.memory_space<vmem>>, vector<16xf32>,
      tpu.vector_store %arg10[%swap3A_239, %swap3A_240, %swap3A_241], %gather3A_236 {strides = array<i32>} : memref<6x4x128xf32, #tpu.memory_space<vmem>>, vector<16xf32>,
      %add3A_243 = arith.constant 81 : i32
      %add3A_244 = vector.broadcast %add3A_243 : i32 to vector<16xi32>
      %add3A_245 = arith.addi %get3A_232, %add3A_244 : vector<16xi32>
      %gather3A_246 = tpu.vector_load_idx %arg6[%add3A_245, %add3A_228] : memref<324x128xf32, #tpu.memory_space<vmem>>[vector<16xi32>, vector<16xi32>], vector<16xf32>,
      %swap3A_247 = arith.constant 4 : i32
      %swap3A_248 = arith.constant 1 : i32
      %swap3A_249 = arith.index_cast %swap3A_247 : i32 to index
      %swap3A_250 = arith.index_cast %swap3A_248 : i32 to index
      %swap3A_251 = arith.constant 16 : index
      %swap3A_252 = tpu.vector_load %arg10[%swap3A_249, %swap3A_250, %swap3A_251] {strides = array<i32>} : memref<6x4x128xf32, #tpu.memory_space<vmem>>, vector<16xf32>,
      tpu.vector_store %arg10[%swap3A_249, %swap3A_250, %swap3A_251], %gather3A_246 {strides = array<i32>} : memref<6x4x128xf32, #tpu.memory_space<vmem>>, vector<16xf32>,
      %add3A_253 = arith.constant 162 : i32
      %add3A_254 = vector.broadcast %add3A_253 : i32 to vector<16xi32>
      %add3A_255 = arith.addi %get3A_232, %add3A_254 : vector<16xi32>
      %gather3A_256 = tpu.vector_load_idx %arg6[%add3A_255, %add3A_228] : memref<324x128xf32, #tpu.memory_space<vmem>>[vector<16xi32>, vector<16xi32>], vector<16xf32>,
      %swap3A_257 = arith.constant 4 : i32
      %swap3A_258 = arith.constant 2 : i32
      %swap3A_259 = arith.index_cast %swap3A_257 : i32 to index
      %swap3A_260 = arith.index_cast %swap3A_258 : i32 to index
      %swap3A_261 = arith.constant 16 : index
      %swap3A_262 = tpu.vector_load %arg10[%swap3A_259, %swap3A_260, %swap3A_261] {strides = array<i32>} : memref<6x4x128xf32, #tpu.memory_space<vmem>>, vector<16xf32>,
      tpu.vector_store %arg10[%swap3A_259, %swap3A_260, %swap3A_261], %gather3A_256 {strides = array<i32>} : memref<6x4x128xf32, #tpu.memory_space<vmem>>, vector<16xf32>,
      %add3A_263 = arith.constant 243 : i32
      %add3A_264 = vector.broadcast %add3A_263 : i32 to vector<16xi32>
      %add3A_265 = arith.addi %get3A_232, %add3A_264 : vector<16xi32>
      %gather3A_266 = tpu.vector_load_idx %arg6[%add3A_265, %add3A_228] : memref<324x128xf32, #tpu.memory_space<vmem>>[vector<16xi32>, vector<16xi32>], vector<16xf32>,
      %swap3A_267 = arith.constant 4 : i32
      %swap3A_268 = arith.constant 3 : i32
      %swap3A_269 = arith.index_cast %swap3A_267 : i32 to index
      %swap3A_270 = arith.index_cast %swap3A_268 : i32 to index
      %swap3A_271 = arith.constant 16 : index
      %swap3A_272 = tpu.vector_load %arg10[%swap3A_269, %swap3A_270, %swap3A_271] {strides = array<i32>} : memref<6x4x128xf32, #tpu.memory_space<vmem>>, vector<16xf32>,
      tpu.vector_store %arg10[%swap3A_269, %swap3A_270, %swap3A_271], %gather3A_266 {strides = array<i32>} : memref<6x4x128xf32, #tpu.memory_space<vmem>>, vector<16xf32>,
      %add3A_273 = arith.constant 32 : i32
      %add3A_274 = vector.broadcast %add3A_273 : i32 to vector<16xi32>
      %add3A_275 = arith.addi %add3A_274, %iota3A : vector<16xi32>
      %get3A_276 = arith.constant 4 : i32
      %get3A_277 = arith.index_cast %get3A_276 : i32 to index
      %get3A_278 = arith.constant 32 : index
      %get3A_279 = tpu.vector_load %arg9[%get3A_277, %get3A_278] {strides = array<i32>} : memref<6x128xi32, #tpu.memory_space<vmem>>, vector<16xi32>,
      %add3A_280 = arith.constant 0 : i32
      %add3A_281 = vector.broadcast %add3A_280 : i32 to vector<16xi32>
      %add3A_282 = arith.addi %get3A_279, %add3A_281 : vector<16xi32>
      %gather3A_283 = tpu.vector_load_idx %arg6[%add3A_282, %add3A_275] : memref<324x128xf32, #tpu.memory_space<vmem>>[vector<16xi32>, vector<16xi32>], vector<16xf32>,
      %swap3A_284 = arith.constant 4 : i32
      %swap3A_285 = arith.constant 0 : i32
      %swap3A_286 = arith.index_cast %swap3A_284 : i32 to index
      %swap3A_287 = arith.index_cast %swap3A_285 : i32 to index
      %swap3A_288 = arith.constant 32 : index
      %swap3A_289 = tpu.vector_load %arg10[%swap3A_286, %swap3A_287, %swap3A_288] {strides = array<i32>} : memref<6x4x128xf32, #tpu.memory_space<vmem>>, vector<16xf32>,
      tpu.vector_store %arg10[%swap3A_286, %swap3A_287, %swap3A_288], %gather3A_283 {strides = array<i32>} : memref<6x4x128xf32, #tpu.memory_space<vmem>>, vector<16xf32>,
      %add3A_290 = arith.constant 81 : i32
      %add3A_291 = vector.broadcast %add3A_290 : i32 to vector<16xi32>
      %add3A_292 = arith.addi %get3A_279, %add3A_291 : vector<16xi32>
      %gather3A_293 = tpu.vector_load_idx %arg6[%add3A_292, %add3A_275] : memref<324x128xf32, #tpu.memory_space<vmem>>[vector<16xi32>, vector<16xi32>], vector<16xf32>,
      %swap3A_294 = arith.constant 4 : i32
      %swap3A_295 = arith.constant 1 : i32
      %swap3A_296 = arith.index_cast %swap3A_294 : i32 to index
      %swap3A_297 = arith.index_cast %swap3A_295 : i32 to index
      %swap3A_298 = arith.constant 32 : index
      %swap3A_299 = tpu.vector_load %arg10[%swap3A_296, %swap3A_297, %swap3A_298] {strides = array<i32>} : memref<6x4x128xf32, #tpu.memory_space<vmem>>, vector<16xf32>,
      tpu.vector_store %arg10[%swap3A_296, %swap3A_297, %swap3A_298], %gather3A_293 {strides = array<i32>} : memref<6x4x128xf32, #tpu.memory_space<vmem>>, vector<16xf32>,
      %add3A_300 = arith.constant 162 : i32
      %add3A_301 = vector.broadcast %add3A_300 : i32 to vector<16xi32>
      %add3A_302 = arith.addi %get3A_279, %add3A_301 : vector<16xi32>
      %gather3A_303 = tpu.vector_load_idx %arg6[%add3A_302, %add3A_275] : memref<324x128xf32, #tpu.memory_space<vmem>>[vector<16xi32>, vector<16xi32>], vector<16xf32>,
      %swap3A_304 = arith.constant 4 : i32
      %swap3A_305 = arith.constant 2 : i32
      %swap3A_306 = arith.index_cast %swap3A_304 : i32 to index
      %swap3A_307 = arith.index_cast %swap3A_305 : i32 to index
      %swap3A_308 = arith.constant 32 : index
      %swap3A_309 = tpu.vector_load %arg10[%swap3A_306, %swap3A_307, %swap3A_308] {strides = array<i32>} : memref<6x4x128xf32, #tpu.memory_space<vmem>>, vector<16xf32>,
      tpu.vector_store %arg10[%swap3A_306, %swap3A_307, %swap3A_308], %gather3A_303 {strides = array<i32>} : memref<6x4x128xf32, #tpu.memory_space<vmem>>, vector<16xf32>,
      %add3A_310 = arith.constant 243 : i32
      %add3A_311 = vector.broadcast %add3A_310 : i32 to vector<16xi32>
      %add3A_312 = arith.addi %get3A_279, %add3A_311 : vector<16xi32>
      %gather3A_313 = tpu.vector_load_idx %arg6[%add3A_312, %add3A_275] : memref<324x128xf32, #tpu.memory_space<vmem>>[vector<16xi32>, vector<16xi32>], vector<16xf32>,
      %swap3A_314 = arith.constant 4 : i32
      %swap3A_315 = arith.constant 3 : i32
      %swap3A_316 = arith.index_cast %swap3A_314 : i32 to index
      %swap3A_317 = arith.index_cast %swap3A_315 : i32 to index
      %swap3A_318 = arith.constant 32 : index
      %swap3A_319 = tpu.vector_load %arg10[%swap3A_316, %swap3A_317, %swap3A_318] {strides = array<i32>} : memref<6x4x128xf32, #tpu.memory_space<vmem>>, vector<16xf32>,
      tpu.vector_store %arg10[%swap3A_316, %swap3A_317, %swap3A_318], %gather3A_313 {strides = array<i32>} : memref<6x4x128xf32, #tpu.memory_space<vmem>>, vector<16xf32>,
      %add3A_320 = arith.constant 48 : i32
      %add3A_321 = vector.broadcast %add3A_320 : i32 to vector<16xi32>
      %add3A_322 = arith.addi %add3A_321, %iota3A : vector<16xi32>
      %get3A_323 = arith.constant 4 : i32
      %get3A_324 = arith.index_cast %get3A_323 : i32 to index
      %get3A_325 = arith.constant 48 : index
      %get3A_326 = tpu.vector_load %arg9[%get3A_324, %get3A_325] {strides = array<i32>} : memref<6x128xi32, #tpu.memory_space<vmem>>, vector<16xi32>,
      %add3A_327 = arith.constant 0 : i32
      %add3A_328 = vector.broadcast %add3A_327 : i32 to vector<16xi32>
      %add3A_329 = arith.addi %get3A_326, %add3A_328 : vector<16xi32>
      %gather3A_330 = tpu.vector_load_idx %arg6[%add3A_329, %add3A_322] : memref<324x128xf32, #tpu.memory_space<vmem>>[vector<16xi32>, vector<16xi32>], vector<16xf32>,
      %swap3A_331 = arith.constant 4 : i32
      %swap3A_332 = arith.constant 0 : i32
      %swap3A_333 = arith.index_cast %swap3A_331 : i32 to index
      %swap3A_334 = arith.index_cast %swap3A_332 : i32 to index
      %swap3A_335 = arith.constant 48 : index
      %swap3A_336 = tpu.vector_load %arg10[%swap3A_333, %swap3A_334, %swap3A_335] {strides = array<i32>} : memref<6x4x128xf32, #tpu.memory_space<vmem>>, vector<16xf32>,
      tpu.vector_store %arg10[%swap3A_333, %swap3A_334, %swap3A_335], %gather3A_330 {strides = array<i32>} : memref<6x4x128xf32, #tpu.memory_space<vmem>>, vector<16xf32>,
      %add3A_337 = arith.constant 81 : i32
      %add3A_338 = vector.broadcast %add3A_337 : i32 to vector<16xi32>
      %add3A_339 = arith.addi %get3A_326, %add3A_338 : vector<16xi32>
      %gather3A_340 = tpu.vector_load_idx %arg6[%add3A_339, %add3A_322] : memref<324x128xf32, #tpu.memory_space<vmem>>[vector<16xi32>, vector<16xi32>], vector<16xf32>,
      %swap3A_341 = arith.constant 4 : i32
      %swap3A_342 = arith.constant 1 : i32
      %swap3A_343 = arith.index_cast %swap3A_341 : i32 to index
      %swap3A_344 = arith.index_cast %swap3A_342 : i32 to index
      %swap3A_345 = arith.constant 48 : index
      %swap3A_346 = tpu.vector_load %arg10[%swap3A_343, %swap3A_344, %swap3A_345] {strides = array<i32>} : memref<6x4x128xf32, #tpu.memory_space<vmem>>, vector<16xf32>,
      tpu.vector_store %arg10[%swap3A_343, %swap3A_344, %swap3A_345], %gather3A_340 {strides = array<i32>} : memref<6x4x128xf32, #tpu.memory_space<vmem>>, vector<16xf32>,
      %add3A_347 = arith.constant 162 : i32
      %add3A_348 = vector.broadcast %add3A_347 : i32 to vector<16xi32>
      %add3A_349 = arith.addi %get3A_326, %add3A_348 : vector<16xi32>
      %gather3A_350 = tpu.vector_load_idx %arg6[%add3A_349, %add3A_322] : memref<324x128xf32, #tpu.memory_space<vmem>>[vector<16xi32>, vector<16xi32>], vector<16xf32>,
      %swap3A_351 = arith.constant 4 : i32
      %swap3A_352 = arith.constant 2 : i32
      %swap3A_353 = arith.index_cast %swap3A_351 : i32 to index
      %swap3A_354 = arith.index_cast %swap3A_352 : i32 to index
      %swap3A_355 = arith.constant 48 : index
      %swap3A_356 = tpu.vector_load %arg10[%swap3A_353, %swap3A_354, %swap3A_355] {strides = array<i32>} : memref<6x4x128xf32, #tpu.memory_space<vmem>>, vector<16xf32>,
      tpu.vector_store %arg10[%swap3A_353, %swap3A_354, %swap3A_355], %gather3A_350 {strides = array<i32>} : memref<6x4x128xf32, #tpu.memory_space<vmem>>, vector<16xf32>,
      %add3A_357 = arith.constant 243 : i32
      %add3A_358 = vector.broadcast %add3A_357 : i32 to vector<16xi32>
      %add3A_359 = arith.addi %get3A_326, %add3A_358 : vector<16xi32>
      %gather3A_360 = tpu.vector_load_idx %arg6[%add3A_359, %add3A_322] : memref<324x128xf32, #tpu.memory_space<vmem>>[vector<16xi32>, vector<16xi32>], vector<16xf32>,
      %swap3A_361 = arith.constant 4 : i32
      %swap3A_362 = arith.constant 3 : i32
      %swap3A_363 = arith.index_cast %swap3A_361 : i32 to index
      %swap3A_364 = arith.index_cast %swap3A_362 : i32 to index
      %swap3A_365 = arith.constant 48 : index
      %swap3A_366 = tpu.vector_load %arg10[%swap3A_363, %swap3A_364, %swap3A_365] {strides = array<i32>} : memref<6x4x128xf32, #tpu.memory_space<vmem>>, vector<16xf32>,
      tpu.vector_store %arg10[%swap3A_363, %swap3A_364, %swap3A_365], %gather3A_360 {strides = array<i32>} : memref<6x4x128xf32, #tpu.memory_space<vmem>>, vector<16xf32>,
      %add3A_367 = arith.constant 64 : i32
      %add3A_368 = vector.broadcast %add3A_367 : i32 to vector<16xi32>
      %add3A_369 = arith.addi %add3A_368, %iota3A : vector<16xi32>
      %get3A_370 = arith.constant 4 : i32
      %get3A_371 = arith.index_cast %get3A_370 : i32 to index
      %get3A_372 = arith.constant 64 : index
      %get3A_373 = tpu.vector_load %arg9[%get3A_371, %get3A_372] {strides = array<i32>} : memref<6x128xi32, #tpu.memory_space<vmem>>, vector<16xi32>,
      %add3A_374 = arith.constant 0 : i32
      %add3A_375 = vector.broadcast %add3A_374 : i32 to vector<16xi32>
      %add3A_376 = arith.addi %get3A_373, %add3A_375 : vector<16xi32>
      %gather3A_377 = tpu.vector_load_idx %arg6[%add3A_376, %add3A_369] : memref<324x128xf32, #tpu.memory_space<vmem>>[vector<16xi32>, vector<16xi32>], vector<16xf32>,
      %swap3A_378 = arith.constant 4 : i32
      %swap3A_379 = arith.constant 0 : i32
      %swap3A_380 = arith.index_cast %swap3A_378 : i32 to index
      %swap3A_381 = arith.index_cast %swap3A_379 : i32 to index
      %swap3A_382 = arith.constant 64 : index
      %swap3A_383 = tpu.vector_load %arg10[%swap3A_380, %swap3A_381, %swap3A_382] {strides = array<i32>} : memref<6x4x128xf32, #tpu.memory_space<vmem>>, vector<16xf32>,
      tpu.vector_store %arg10[%swap3A_380, %swap3A_381, %swap3A_382], %gather3A_377 {strides = array<i32>} : memref<6x4x128xf32, #tpu.memory_space<vmem>>, vector<16xf32>,
      %add3A_384 = arith.constant 81 : i32
      %add3A_385 = vector.broadcast %add3A_384 : i32 to vector<16xi32>
      %add3A_386 = arith.addi %get3A_373, %add3A_385 : vector<16xi32>
      %gather3A_387 = tpu.vector_load_idx %arg6[%add3A_386, %add3A_369] : memref<324x128xf32, #tpu.memory_space<vmem>>[vector<16xi32>, vector<16xi32>], vector<16xf32>,
      %swap3A_388 = arith.constant 4 : i32
      %swap3A_389 = arith.constant 1 : i32
      %swap3A_390 = arith.index_cast %swap3A_388 : i32 to index
      %swap3A_391 = arith.index_cast %swap3A_389 : i32 to index
      %swap3A_392 = arith.constant 64 : index
      %swap3A_393 = tpu.vector_load %arg10[%swap3A_390, %swap3A_391, %swap3A_392] {strides = array<i32>} : memref<6x4x128xf32, #tpu.memory_space<vmem>>, vector<16xf32>,
      tpu.vector_store %arg10[%swap3A_390, %swap3A_391, %swap3A_392], %gather3A_387 {strides = array<i32>} : memref<6x4x128xf32, #tpu.memory_space<vmem>>, vector<16xf32>,
      %add3A_394 = arith.constant 162 : i32
      %add3A_395 = vector.broadcast %add3A_394 : i32 to vector<16xi32>
      %add3A_396 = arith.addi %get3A_373, %add3A_395 : vector<16xi32>
      %gather3A_397 = tpu.vector_load_idx %arg6[%add3A_396, %add3A_369] : memref<324x128xf32, #tpu.memory_space<vmem>>[vector<16xi32>, vector<16xi32>], vector<16xf32>,
      %swap3A_398 = arith.constant 4 : i32
      %swap3A_399 = arith.constant 2 : i32
      %swap3A_400 = arith.index_cast %swap3A_398 : i32 to index
      %swap3A_401 = arith.index_cast %swap3A_399 : i32 to index
      %swap3A_402 = arith.constant 64 : index
      %swap3A_403 = tpu.vector_load %arg10[%swap3A_400, %swap3A_401, %swap3A_402] {strides = array<i32>} : memref<6x4x128xf32, #tpu.memory_space<vmem>>, vector<16xf32>,
      tpu.vector_store %arg10[%swap3A_400, %swap3A_401, %swap3A_402], %gather3A_397 {strides = array<i32>} : memref<6x4x128xf32, #tpu.memory_space<vmem>>, vector<16xf32>,
      %add3A_404 = arith.constant 243 : i32
      %add3A_405 = vector.broadcast %add3A_404 : i32 to vector<16xi32>
      %add3A_406 = arith.addi %get3A_373, %add3A_405 : vector<16xi32>
      %gather3A_407 = tpu.vector_load_idx %arg6[%add3A_406, %add3A_369] : memref<324x128xf32, #tpu.memory_space<vmem>>[vector<16xi32>, vector<16xi32>], vector<16xf32>,
      %swap3A_408 = arith.constant 4 : i32
      %swap3A_409 = arith.constant 3 : i32
      %swap3A_410 = arith.index_cast %swap3A_408 : i32 to index
      %swap3A_411 = arith.index_cast %swap3A_409 : i32 to index
      %swap3A_412 = arith.constant 64 : index
      %swap3A_413 = tpu.vector_load %arg10[%swap3A_410, %swap3A_411, %swap3A_412] {strides = array<i32>} : memref<6x4x128xf32, #tpu.memory_space<vmem>>, vector<16xf32>,
      tpu.vector_store %arg10[%swap3A_410, %swap3A_411, %swap3A_412], %gather3A_407 {strides = array<i32>} : memref<6x4x128xf32, #tpu.memory_space<vmem>>, vector<16xf32>,
      %add3A_414 = arith.constant 80 : i32
      %add3A_415 = vector.broadcast %add3A_414 : i32 to vector<16xi32>
      %add3A_416 = arith.addi %add3A_415, %iota3A : vector<16xi32>
      %get3A_417 = arith.constant 4 : i32
      %get3A_418 = arith.index_cast %get3A_417 : i32 to index
      %get3A_419 = arith.constant 80 : index
      %get3A_420 = tpu.vector_load %arg9[%get3A_418, %get3A_419] {strides = array<i32>} : memref<6x128xi32, #tpu.memory_space<vmem>>, vector<16xi32>,
      %add3A_421 = arith.constant 0 : i32
      %add3A_422 = vector.broadcast %add3A_421 : i32 to vector<16xi32>
      %add3A_423 = arith.addi %get3A_420, %add3A_422 : vector<16xi32>
      %gather3A_424 = tpu.vector_load_idx %arg6[%add3A_423, %add3A_416] : memref<324x128xf32, #tpu.memory_space<vmem>>[vector<16xi32>, vector<16xi32>], vector<16xf32>,
      %swap3A_425 = arith.constant 4 : i32
      %swap3A_426 = arith.constant 0 : i32
      %swap3A_427 = arith.index_cast %swap3A_425 : i32 to index
      %swap3A_428 = arith.index_cast %swap3A_426 : i32 to index
      %swap3A_429 = arith.constant 80 : index
      %swap3A_430 = tpu.vector_load %arg10[%swap3A_427, %swap3A_428, %swap3A_429] {strides = array<i32>} : memref<6x4x128xf32, #tpu.memory_space<vmem>>, vector<16xf32>,
      tpu.vector_store %arg10[%swap3A_427, %swap3A_428, %swap3A_429], %gather3A_424 {strides = array<i32>} : memref<6x4x128xf32, #tpu.memory_space<vmem>>, vector<16xf32>,
      %add3A_431 = arith.constant 81 : i32
      %add3A_432 = vector.broadcast %add3A_431 : i32 to vector<16xi32>
      %add3A_433 = arith.addi %get3A_420, %add3A_432 : vector<16xi32>
      %gather3A_434 = tpu.vector_load_idx %arg6[%add3A_433, %add3A_416] : memref<324x128xf32, #tpu.memory_space<vmem>>[vector<16xi32>, vector<16xi32>], vector<16xf32>,
      %swap3A_435 = arith.constant 4 : i32
      %swap3A_436 = arith.constant 1 : i32
      %swap3A_437 = arith.index_cast %swap3A_435 : i32 to index
      %swap3A_438 = arith.index_cast %swap3A_436 : i32 to index
      %swap3A_439 = arith.constant 80 : index
      %swap3A_440 = tpu.vector_load %arg10[%swap3A_437, %swap3A_438, %swap3A_439] {strides = array<i32>} : memref<6x4x128xf32, #tpu.memory_space<vmem>>, vector<16xf32>,
      tpu.vector_store %arg10[%swap3A_437, %swap3A_438, %swap3A_439], %gather3A_434 {strides = array<i32>} : memref<6x4x128xf32, #tpu.memory_space<vmem>>, vector<16xf32>,
      %add3A_441 = arith.constant 162 : i32
      %add3A_442 = vector.broadcast %add3A_441 : i32 to vector<16xi32>
      %add3A_443 = arith.addi %get3A_420, %add3A_442 : vector<16xi32>
      %gather3A_444 = tpu.vector_load_idx %arg6[%add3A_443, %add3A_416] : memref<324x128xf32, #tpu.memory_space<vmem>>[vector<16xi32>, vector<16xi32>], vector<16xf32>,
      %swap3A_445 = arith.constant 4 : i32
      %swap3A_446 = arith.constant 2 : i32
      %swap3A_447 = arith.index_cast %swap3A_445 : i32 to index
      %swap3A_448 = arith.index_cast %swap3A_446 : i32 to index
      %swap3A_449 = arith.constant 80 : index
      %swap3A_450 = tpu.vector_load %arg10[%swap3A_447, %swap3A_448, %swap3A_449] {strides = array<i32>} : memref<6x4x128xf32, #tpu.memory_space<vmem>>, vector<16xf32>,
      tpu.vector_store %arg10[%swap3A_447, %swap3A_448, %swap3A_449], %gather3A_444 {strides = array<i32>} : memref<6x4x128xf32, #tpu.memory_space<vmem>>, vector<16xf32>,
      %add3A_451 = arith.constant 243 : i32
      %add3A_452 = vector.broadcast %add3A_451 : i32 to vector<16xi32>
      %add3A_453 = arith.addi %get3A_420, %add3A_452 : vector<16xi32>
      %gather3A_454 = tpu.vector_load_idx %arg6[%add3A_453, %add3A_416] : memref<324x128xf32, #tpu.memory_space<vmem>>[vector<16xi32>, vector<16xi32>], vector<16xf32>,
      %swap3A_455 = arith.constant 4 : i32
      %swap3A_456 = arith.constant 3 : i32
      %swap3A_457 = arith.index_cast %swap3A_455 : i32 to index
      %swap3A_458 = arith.index_cast %swap3A_456 : i32 to index
      %swap3A_459 = arith.constant 80 : index
      %swap3A_460 = tpu.vector_load %arg10[%swap3A_457, %swap3A_458, %swap3A_459] {strides = array<i32>} : memref<6x4x128xf32, #tpu.memory_space<vmem>>, vector<16xf32>,
      tpu.vector_store %arg10[%swap3A_457, %swap3A_458, %swap3A_459], %gather3A_454 {strides = array<i32>} : memref<6x4x128xf32, #tpu.memory_space<vmem>>, vector<16xf32>,
      %add3A_461 = arith.constant 96 : i32
      %add3A_462 = vector.broadcast %add3A_461 : i32 to vector<16xi32>
      %add3A_463 = arith.addi %add3A_462, %iota3A : vector<16xi32>
      %get3A_464 = arith.constant 4 : i32
      %get3A_465 = arith.index_cast %get3A_464 : i32 to index
      %get3A_466 = arith.constant 96 : index
      %get3A_467 = tpu.vector_load %arg9[%get3A_465, %get3A_466] {strides = array<i32>} : memref<6x128xi32, #tpu.memory_space<vmem>>, vector<16xi32>,
      %add3A_468 = arith.constant 0 : i32
      %add3A_469 = vector.broadcast %add3A_468 : i32 to vector<16xi32>
      %add3A_470 = arith.addi %get3A_467, %add3A_469 : vector<16xi32>
      %gather3A_471 = tpu.vector_load_idx %arg6[%add3A_470, %add3A_463] : memref<324x128xf32, #tpu.memory_space<vmem>>[vector<16xi32>, vector<16xi32>], vector<16xf32>,
      %swap3A_472 = arith.constant 4 : i32
      %swap3A_473 = arith.constant 0 : i32
      %swap3A_474 = arith.index_cast %swap3A_472 : i32 to index
      %swap3A_475 = arith.index_cast %swap3A_473 : i32 to index
      %swap3A_476 = arith.constant 96 : index
      %swap3A_477 = tpu.vector_load %arg10[%swap3A_474, %swap3A_475, %swap3A_476] {strides = array<i32>} : memref<6x4x128xf32, #tpu.memory_space<vmem>>, vector<16xf32>,
      tpu.vector_store %arg10[%swap3A_474, %swap3A_475, %swap3A_476], %gather3A_471 {strides = array<i32>} : memref<6x4x128xf32, #tpu.memory_space<vmem>>, vector<16xf32>,
      %add3A_478 = arith.constant 81 : i32
      %add3A_479 = vector.broadcast %add3A_478 : i32 to vector<16xi32>
      %add3A_480 = arith.addi %get3A_467, %add3A_479 : vector<16xi32>
      %gather3A_481 = tpu.vector_load_idx %arg6[%add3A_480, %add3A_463] : memref<324x128xf32, #tpu.memory_space<vmem>>[vector<16xi32>, vector<16xi32>], vector<16xf32>,
      %swap3A_482 = arith.constant 4 : i32
      %swap3A_483 = arith.constant 1 : i32
      %swap3A_484 = arith.index_cast %swap3A_482 : i32 to index
      %swap3A_485 = arith.index_cast %swap3A_483 : i32 to index
      %swap3A_486 = arith.constant 96 : index
      %swap3A_487 = tpu.vector_load %arg10[%swap3A_484, %swap3A_485, %swap3A_486] {strides = array<i32>} : memref<6x4x128xf32, #tpu.memory_space<vmem>>, vector<16xf32>,
      tpu.vector_store %arg10[%swap3A_484, %swap3A_485, %swap3A_486], %gather3A_481 {strides = array<i32>} : memref<6x4x128xf32, #tpu.memory_space<vmem>>, vector<16xf32>,
      %add3A_488 = arith.constant 162 : i32
      %add3A_489 = vector.broadcast %add3A_488 : i32 to vector<16xi32>
      %add3A_490 = arith.addi %get3A_467, %add3A_489 : vector<16xi32>
      %gather3A_491 = tpu.vector_load_idx %arg6[%add3A_490, %add3A_463] : memref<324x128xf32, #tpu.memory_space<vmem>>[vector<16xi32>, vector<16xi32>], vector<16xf32>,
      %swap3A_492 = arith.constant 4 : i32
      %swap3A_493 = arith.constant 2 : i32
      %swap3A_494 = arith.index_cast %swap3A_492 : i32 to index
      %swap3A_495 = arith.index_cast %swap3A_493 : i32 to index
      %swap3A_496 = arith.constant 96 : index
      %swap3A_497 = tpu.vector_load %arg10[%swap3A_494, %swap3A_495, %swap3A_496] {strides = array<i32>} : memref<6x4x128xf32, #tpu.memory_space<vmem>>, vector<16xf32>,
      tpu.vector_store %arg10[%swap3A_494, %swap3A_495, %swap3A_496], %gather3A_491 {strides = array<i32>} : memref<6x4x128xf32, #tpu.memory_space<vmem>>, vector<16xf32>,
      %add3A_498 = arith.constant 243 : i32
      %add3A_499 = vector.broadcast %add3A_498 : i32 to vector<16xi32>
      %add3A_500 = arith.addi %get3A_467, %add3A_499 : vector<16xi32>
      %gather3A_501 = tpu.vector_load_idx %arg6[%add3A_500, %add3A_463] : memref<324x128xf32, #tpu.memory_space<vmem>>[vector<16xi32>, vector<16xi32>], vector<16xf32>,
      %swap3A_502 = arith.constant 4 : i32
      %swap3A_503 = arith.constant 3 : i32
      %swap3A_504 = arith.index_cast %swap3A_502 : i32 to index
      %swap3A_505 = arith.index_cast %swap3A_503 : i32 to index
      %swap3A_506 = arith.constant 96 : index
      %swap3A_507 = tpu.vector_load %arg10[%swap3A_504, %swap3A_505, %swap3A_506] {strides = array<i32>} : memref<6x4x128xf32, #tpu.memory_space<vmem>>, vector<16xf32>,
      tpu.vector_store %arg10[%swap3A_504, %swap3A_505, %swap3A_506], %gather3A_501 {strides = array<i32>} : memref<6x4x128xf32, #tpu.memory_space<vmem>>, vector<16xf32>,
      %add3A_508 = arith.constant 112 : i32
      %add3A_509 = vector.broadcast %add3A_508 : i32 to vector<16xi32>
      %add3A_510 = arith.addi %add3A_509, %iota3A : vector<16xi32>
      %get3A_511 = arith.constant 4 : i32
      %get3A_512 = arith.index_cast %get3A_511 : i32 to index
      %get3A_513 = arith.constant 112 : index
      %get3A_514 = tpu.vector_load %arg9[%get3A_512, %get3A_513] {strides = array<i32>} : memref<6x128xi32, #tpu.memory_space<vmem>>, vector<16xi32>,
      %add3A_515 = arith.constant 0 : i32
      %add3A_516 = vector.broadcast %add3A_515 : i32 to vector<16xi32>
      %add3A_517 = arith.addi %get3A_514, %add3A_516 : vector<16xi32>
      %gather3A_518 = tpu.vector_load_idx %arg6[%add3A_517, %add3A_510] : memref<324x128xf32, #tpu.memory_space<vmem>>[vector<16xi32>, vector<16xi32>], vector<16xf32>,
      %swap3A_519 = arith.constant 4 : i32
      %swap3A_520 = arith.constant 0 : i32
      %swap3A_521 = arith.index_cast %swap3A_519 : i32 to index
      %swap3A_522 = arith.index_cast %swap3A_520 : i32 to index
      %swap3A_523 = arith.constant 112 : index
      %swap3A_524 = tpu.vector_load %arg10[%swap3A_521, %swap3A_522, %swap3A_523] {strides = array<i32>} : memref<6x4x128xf32, #tpu.memory_space<vmem>>, vector<16xf32>,
      tpu.vector_store %arg10[%swap3A_521, %swap3A_522, %swap3A_523], %gather3A_518 {strides = array<i32>} : memref<6x4x128xf32, #tpu.memory_space<vmem>>, vector<16xf32>,
      %add3A_525 = arith.constant 81 : i32
      %add3A_526 = vector.broadcast %add3A_525 : i32 to vector<16xi32>
      %add3A_527 = arith.addi %get3A_514, %add3A_526 : vector<16xi32>
      %gather3A_528 = tpu.vector_load_idx %arg6[%add3A_527, %add3A_510] : memref<324x128xf32, #tpu.memory_space<vmem>>[vector<16xi32>, vector<16xi32>], vector<16xf32>,
      %swap3A_529 = arith.constant 4 : i32
      %swap3A_530 = arith.constant 1 : i32
      %swap3A_531 = arith.index_cast %swap3A_529 : i32 to index
      %swap3A_532 = arith.index_cast %swap3A_530 : i32 to index
      %swap3A_533 = arith.constant 112 : index
      %swap3A_534 = tpu.vector_load %arg10[%swap3A_531, %swap3A_532, %swap3A_533] {strides = array<i32>} : memref<6x4x128xf32, #tpu.memory_space<vmem>>, vector<16xf32>,
      tpu.vector_store %arg10[%swap3A_531, %swap3A_532, %swap3A_533], %gather3A_528 {strides = array<i32>} : memref<6x4x128xf32, #tpu.memory_space<vmem>>, vector<16xf32>,
      %add3A_535 = arith.constant 162 : i32
      %add3A_536 = vector.broadcast %add3A_535 : i32 to vector<16xi32>
      %add3A_537 = arith.addi %get3A_514, %add3A_536 : vector<16xi32>
      %gather3A_538 = tpu.vector_load_idx %arg6[%add3A_537, %add3A_510] : memref<324x128xf32, #tpu.memory_space<vmem>>[vector<16xi32>, vector<16xi32>], vector<16xf32>,
      %swap3A_539 = arith.constant 4 : i32
      %swap3A_540 = arith.constant 2 : i32
      %swap3A_541 = arith.index_cast %swap3A_539 : i32 to index
      %swap3A_542 = arith.index_cast %swap3A_540 : i32 to index
      %swap3A_543 = arith.constant 112 : index
      %swap3A_544 = tpu.vector_load %arg10[%swap3A_541, %swap3A_542, %swap3A_543] {strides = array<i32>} : memref<6x4x128xf32, #tpu.memory_space<vmem>>, vector<16xf32>,
      tpu.vector_store %arg10[%swap3A_541, %swap3A_542, %swap3A_543], %gather3A_538 {strides = array<i32>} : memref<6x4x128xf32, #tpu.memory_space<vmem>>, vector<16xf32>,
      %add3A_545 = arith.constant 243 : i32
      %add3A_546 = vector.broadcast %add3A_545 : i32 to vector<16xi32>
      %add3A_547 = arith.addi %get3A_514, %add3A_546 : vector<16xi32>
      %gather3A_548 = tpu.vector_load_idx %arg6[%add3A_547, %add3A_510] : memref<324x128xf32, #tpu.memory_space<vmem>>[vector<16xi32>, vector<16xi32>], vector<16xf32>,
      %swap3A_549 = arith.constant 4 : i32
      %swap3A_550 = arith.constant 3 : i32
      %swap3A_551 = arith.index_cast %swap3A_549 : i32 to index
      %swap3A_552 = arith.index_cast %swap3A_550 : i32 to index
      %swap3A_553 = arith.constant 112 : index
      %swap3A_554 = tpu.vector_load %arg10[%swap3A_551, %swap3A_552, %swap3A_553] {strides = array<i32>} : memref<6x4x128xf32, #tpu.memory_space<vmem>>, vector<16xf32>,
      tpu.vector_store %arg10[%swap3A_551, %swap3A_552, %swap3A_553], %gather3A_548 {strides = array<i32>} : memref<6x4x128xf32, #tpu.memory_space<vmem>>, vector<16xf32>,
      %mul3A_555 = arith.constant 128 : i32
      %mul3A_556 = arith.muli %mul3A_555, %add3A_132 : i32
      %dma_start3A = arith.constant 4 : i32
      %dma_start3A_557 = arith.constant 0 : i32
      %dma_start3A_558 = arith.constant 0 : i32
      %dma_start3A_559 = tpu.memref_slice %arg10[%dma_start3A, %dma_start3A_557, %dma_start3A_558] : memref<6x4x128xf32, #tpu.memory_space<vmem>> -> memref<1x4x128xf32, #tpu.memory_space<vmem>>
      %dma_start3A_560 = tpu.memref_squeeze %dma_start3A_559 : memref<1x4x128xf32, #tpu.memory_space<vmem>> -> memref<4x128xf32, #tpu.memory_space<vmem>>
      %dma_start3A_561 = arith.constant 0 : i32
      %dma_start3A_562 = tpu.memref_slice %arg4[%dma_start3A_561, %mul3A_556] : memref<4x20096xf32, #tpu.memory_space<hbm>> -> memref<4x128xf32, #tpu.memory_space<hbm>>
      %dma_start3A_563 = arith.constant 0 : i32
      %dma_start3A_564 = tpu.memref_slice %arg4[%dma_start3A_563, %mul3A_556] : memref<4x20096xf32, #tpu.memory_space<hbm>> -> memref<4x128xf32, #tpu.memory_space<hbm>>
      %dma_start3A_565 = arith.constant 0 : i32
      %dma_start3A_566 = arith.constant 0 : i32
      %dma_start3A_567 = tpu.memref_slice %arg10[%dma_start3A, %dma_start3A_565, %dma_start3A_566] : memref<6x4x128xf32, #tpu.memory_space<vmem>> -> memref<1x4x128xf32, #tpu.memory_space<vmem>>
      %dma_start3A_568 = tpu.memref_squeeze %dma_start3A_567 : memref<1x4x128xf32, #tpu.memory_space<vmem>> -> memref<4x128xf32, #tpu.memory_space<vmem>>
      tpu.enqueue_dma source(%dma_start3A_568 : memref<4x128xf32, #tpu.memory_space<vmem>>) target(%dma_start3A_564 : memref<4x128xf32, #tpu.memory_space<hbm>>) target_semaphore(%arg14 : memref<!tpu.dma_semaphore, #tpu.memory_space<semaphore_mem>>)
      %mul3A_569 = arith.constant 128 : i32
      %mul3A_570 = arith.muli %mul3A_569, %add3A_132 : i32
      %dma_start3A_571 = arith.constant 4 : i32
      %dma_start3A_572 = arith.constant 0 : i32
      %dma_start3A_573 = tpu.memref_slice %arg9[%dma_start3A_571, %dma_start3A_572] : memref<6x128xi32, #tpu.memory_space<vmem>> -> memref<1x128xi32, #tpu.memory_space<vmem>>
      %dma_start3A_574 = tpu.memref_squeeze %dma_start3A_573 : memref<1x128xi32, #tpu.memory_space<vmem>> -> memref<128xi32, #tpu.memory_space<vmem>>
      %dma_start3A_575 = tpu.memref_slice %arg5[%mul3A_570] : memref<20000xi32, #tpu.memory_space<hbm>> -> memref<128xi32, #tpu.memory_space<hbm>>
      %dma_start3A_576 = tpu.memref_slice %arg5[%mul3A_570] : memref<20000xi32, #tpu.memory_space<hbm>> -> memref<128xi32, #tpu.memory_space<hbm>>
      %dma_start3A_577 = arith.constant 0 : i32
      %dma_start3A_578 = tpu.memref_slice %arg9[%dma_start3A_571, %dma_start3A_577] : memref<6x128xi32, #tpu.memory_space<vmem>> -> memref<1x128xi32, #tpu.memory_space<vmem>>
      %dma_start3A_579 = tpu.memref_squeeze %dma_start3A_578 : memref<1x128xi32, #tpu.memory_space<vmem>> -> memref<128xi32, #tpu.memory_space<vmem>>
      tpu.enqueue_dma source(%dma_start3A_579 : memref<128xi32, #tpu.memory_space<vmem>>) target(%dma_start3A_576 : memref<128xi32, #tpu.memory_space<hbm>>) target_semaphore(%arg14 : memref<!tpu.dma_semaphore, #tpu.memory_space<semaphore_mem>>)
    } else {
    }
    %eq3A = arith.constant 28 : i32
    %eq3A_138 = arith.cmpi eq, %add3A, %eq3A : i32
    %convert_element_type3A_139 = arith.extui %eq3A_138 : i1 to i32
    %cond3A_140 = arith.constant 0 : i32
    %cond3A_141 = arith.cmpi ne, %convert_element_type3A_139, %cond3A_140 : i32
    scf.if %cond3A_141 {
      "tpu.region"() ({
        %run_scoped3A_272 = tpu.sem_alloc : memref<!tpu.dma_semaphore, #tpu.memory_space<semaphore_mem>>
        %dma_start3A = arith.constant 0 : i32
        %dma_start3A_273 = arith.constant 19968 : i32
        %dma_start3A_274 = tpu.memref_slice %arg2[%dma_start3A, %dma_start3A_273] : memref<324x20000xf32, #tpu.memory_space<hbm>> -> memref<324x32xf32, #tpu.memory_space<hbm>>
        %dma_start3A_275 = arith.constant 0 : i32
        %dma_start3A_276 = arith.constant 19968 : i32
        %dma_start3A_277 = tpu.memref_slice %arg2[%dma_start3A_275, %dma_start3A_276] : memref<324x20000xf32, #tpu.memory_space<hbm>> -> memref<324x32xf32, #tpu.memory_space<hbm>>
        tpu.enqueue_dma source(%dma_start3A_277 : memref<324x32xf32, #tpu.memory_space<hbm>>) target(%arg8 : memref<324x32xf32, #tpu.memory_space<vmem>>) target_semaphore(%run_scoped3A_272 : memref<!tpu.dma_semaphore, #tpu.memory_space<semaphore_mem>>)
        %dma_wait3A = arith.constant 0 : i32
        %dma_wait3A_278 = arith.constant 19968 : i32
        %dma_wait3A_279 = tpu.memref_slice %arg2[%dma_wait3A, %dma_wait3A_278] : memref<324x20000xf32, #tpu.memory_space<hbm>> -> memref<324x32xf32, #tpu.memory_space<hbm>>
        %dma_wait3A_280 = arith.constant 0 : i32
        %dma_wait3A_281 = arith.constant 19968 : i32
        %dma_wait3A_282 = tpu.memref_slice %arg2[%dma_wait3A_280, %dma_wait3A_281] : memref<324x20000xf32, #tpu.memory_space<hbm>> -> memref<324x32xf32, #tpu.memory_space<hbm>>
        tpu.wait_dma2 semaphore(%run_scoped3A_272 : memref<!tpu.dma_semaphore, #tpu.memory_space<semaphore_mem>>) src(%dma_wait3A_282 : memref<324x32xf32, #tpu.memory_space<hbm>>) dst(%arg8 : memref<324x32xf32, #tpu.memory_space<vmem>>)
        tpu.yield
      }) : () -> ()
      %run_scoped3A = arith.constant 1 : i32
      %run_scoped3A_177 = arith.constant 0 : i32
      %run_scoped3A_178 = arith.constant 5 : i32
      "tpu.region"() ({
        %run_scoped3A_272 = tpu.sem_alloc : memref<!tpu.dma_semaphore, #tpu.memory_space<semaphore_mem>>
        %dma_start3A = arith.constant 0 : i32
        %dma_start3A_273 = tpu.memref_slice %arg9[%run_scoped3A_178, %dma_start3A] : memref<6x128xi32, #tpu.memory_space<vmem>> -> memref<1x128xi32, #tpu.memory_space<vmem>>
        %dma_start3A_274 = tpu.memref_squeeze %dma_start3A_273 : memref<1x128xi32, #tpu.memory_space<vmem>> -> memref<128xi32, #tpu.memory_space<vmem>>
        %dma_start3A_275 = arith.constant 9728 : i32
        %dma_start3A_276 = tpu.memref_slice %arg3[%run_scoped3A, %run_scoped3A_177, %dma_start3A_275] : memref<2x1x10240xi32, #tpu.memory_space<hbm>> -> memref<1x1x128xi32, #tpu.memory_space<hbm>>
        %dma_start3A_277 = tpu.memref_squeeze %dma_start3A_276 : memref<1x1x128xi32, #tpu.memory_space<hbm>> -> memref<128xi32, #tpu.memory_space<hbm>>
        %dma_start3A_278 = arith.constant 0 : i32
        %dma_start3A_279 = tpu.memref_slice %arg9[%run_scoped3A_178, %dma_start3A_278] : memref<6x128xi32, #tpu.memory_space<vmem>> -> memref<1x128xi32, #tpu.memory_space<vmem>>
        %dma_start3A_280 = tpu.memref_squeeze %dma_start3A_279 : memref<1x128xi32, #tpu.memory_space<vmem>> -> memref<128xi32, #tpu.memory_space<vmem>>
        %dma_start3A_281 = arith.constant 9728 : i32
        %dma_start3A_282 = tpu.memref_slice %arg3[%run_scoped3A, %run_scoped3A_177, %dma_start3A_281] : memref<2x1x10240xi32, #tpu.memory_space<hbm>> -> memref<1x1x128xi32, #tpu.memory_space<hbm>>
        %dma_start3A_283 = tpu.memref_squeeze %dma_start3A_282 : memref<1x1x128xi32, #tpu.memory_space<hbm>> -> memref<128xi32, #tpu.memory_space<hbm>>
        tpu.enqueue_dma source(%dma_start3A_283 : memref<128xi32, #tpu.memory_space<hbm>>) target(%dma_start3A_280 : memref<128xi32, #tpu.memory_space<vmem>>) target_semaphore(%run_scoped3A_272 : memref<!tpu.dma_semaphore, #tpu.memory_space<semaphore_mem>>)
        %dma_wait3A = arith.constant 0 : i32
        %dma_wait3A_284 = tpu.memref_slice %arg9[%run_scoped3A_178, %dma_wait3A] : memref<6x128xi32, #tpu.memory_space<vmem>> -> memref<1x128xi32, #tpu.memory_space<vmem>>
        %dma_wait3A_285 = tpu.memref_squeeze %dma_wait3A_284 : memref<1x128xi32, #tpu.memory_space<vmem>> -> memref<128xi32, #tpu.memory_space<vmem>>
        %dma_wait3A_286 = arith.constant 9728 : i32
        %dma_wait3A_287 = tpu.memref_slice %arg3[%run_scoped3A, %run_scoped3A_177, %dma_wait3A_286] : memref<2x1x10240xi32, #tpu.memory_space<hbm>> -> memref<1x1x128xi32, #tpu.memory_space<hbm>>
        %dma_wait3A_288 = tpu.memref_squeeze %dma_wait3A_287 : memref<1x1x128xi32, #tpu.memory_space<hbm>> -> memref<128xi32, #tpu.memory_space<hbm>>
        %dma_wait3A_289 = arith.constant 0 : i32
        %dma_wait3A_290 = tpu.memref_slice %arg9[%run_scoped3A_178, %dma_wait3A_289] : memref<6x128xi32, #tpu.memory_space<vmem>> -> memref<1x128xi32, #tpu.memory_space<vmem>>
        %dma_wait3A_291 = tpu.memref_squeeze %dma_wait3A_290 : memref<1x128xi32, #tpu.memory_space<vmem>> -> memref<128xi32, #tpu.memory_space<vmem>>
        %dma_wait3A_292 = arith.constant 9728 : i32
        %dma_wait3A_293 = tpu.memref_slice %arg3[%run_scoped3A, %run_scoped3A_177, %dma_wait3A_292] : memref<2x1x10240xi32, #tpu.memory_space<hbm>> -> memref<1x1x128xi32, #tpu.memory_space<hbm>>
        %dma_wait3A_294 = tpu.memref_squeeze %dma_wait3A_293 : memref<1x1x128xi32, #tpu.memory_space<hbm>> -> memref<128xi32, #tpu.memory_space<hbm>>
        tpu.wait_dma2 semaphore(%run_scoped3A_272 : memref<!tpu.dma_semaphore, #tpu.memory_space<semaphore_mem>>) src(%dma_wait3A_294 : memref<128xi32, #tpu.memory_space<hbm>>) dst(%dma_wait3A_291 : memref<128xi32, #tpu.memory_space<vmem>>)
        tpu.yield
      }) : () -> ()
      %add3A_179 = arith.constant 0 : i32
      %add3A_180 = vector.broadcast %add3A_179 : i32 to vector<16xi32>
      %add3A_181 = arith.addi %add3A_180, %iota3A : vector<16xi32>
      %get3A = arith.constant 5 : i32
      %get3A_182 = arith.index_cast %get3A : i32 to index
      %get3A_183 = arith.constant 0 : index
      %get3A_184 = tpu.vector_load %arg9[%get3A_182, %get3A_183] {strides = array<i32>} : memref<6x128xi32, #tpu.memory_space<vmem>>, vector<16xi32>,
      %add3A_185 = arith.constant 0 : i32
      %add3A_186 = vector.broadcast %add3A_185 : i32 to vector<16xi32>
      %add3A_187 = arith.addi %get3A_184, %add3A_186 : vector<16xi32>
      %gather3A = tpu.vector_load_idx %arg8[%add3A_187, %add3A_181] : memref<324x32xf32, #tpu.memory_space<vmem>>[vector<16xi32>, vector<16xi32>], vector<16xf32>,
      %swap3A = arith.constant 5 : i32
      %swap3A_188 = arith.constant 0 : i32
      %swap3A_189 = arith.index_cast %swap3A : i32 to index
      %swap3A_190 = arith.index_cast %swap3A_188 : i32 to index
      %swap3A_191 = arith.constant 0 : index
      %swap3A_192 = tpu.vector_load %arg10[%swap3A_189, %swap3A_190, %swap3A_191] {strides = array<i32>} : memref<6x4x128xf32, #tpu.memory_space<vmem>>, vector<16xf32>,
      tpu.vector_store %arg10[%swap3A_189, %swap3A_190, %swap3A_191], %gather3A {strides = array<i32>} : memref<6x4x128xf32, #tpu.memory_space<vmem>>, vector<16xf32>,
      %add3A_193 = arith.constant 81 : i32
      %add3A_194 = vector.broadcast %add3A_193 : i32 to vector<16xi32>
      %add3A_195 = arith.addi %get3A_184, %add3A_194 : vector<16xi32>
      %gather3A_196 = tpu.vector_load_idx %arg8[%add3A_195, %add3A_181] : memref<324x32xf32, #tpu.memory_space<vmem>>[vector<16xi32>, vector<16xi32>], vector<16xf32>,
      %swap3A_197 = arith.constant 5 : i32
      %swap3A_198 = arith.constant 1 : i32
      %swap3A_199 = arith.index_cast %swap3A_197 : i32 to index
      %swap3A_200 = arith.index_cast %swap3A_198 : i32 to index
      %swap3A_201 = arith.constant 0 : index
      %swap3A_202 = tpu.vector_load %arg10[%swap3A_199, %swap3A_200, %swap3A_201] {strides = array<i32>} : memref<6x4x128xf32, #tpu.memory_space<vmem>>, vector<16xf32>,
      tpu.vector_store %arg10[%swap3A_199, %swap3A_200, %swap3A_201], %gather3A_196 {strides = array<i32>} : memref<6x4x128xf32, #tpu.memory_space<vmem>>, vector<16xf32>,
      %add3A_203 = arith.constant 162 : i32
      %add3A_204 = vector.broadcast %add3A_203 : i32 to vector<16xi32>
      %add3A_205 = arith.addi %get3A_184, %add3A_204 : vector<16xi32>
      %gather3A_206 = tpu.vector_load_idx %arg8[%add3A_205, %add3A_181] : memref<324x32xf32, #tpu.memory_space<vmem>>[vector<16xi32>, vector<16xi32>], vector<16xf32>,
      %swap3A_207 = arith.constant 5 : i32
      %swap3A_208 = arith.constant 2 : i32
      %swap3A_209 = arith.index_cast %swap3A_207 : i32 to index
      %swap3A_210 = arith.index_cast %swap3A_208 : i32 to index
      %swap3A_211 = arith.constant 0 : index
      %swap3A_212 = tpu.vector_load %arg10[%swap3A_209, %swap3A_210, %swap3A_211] {strides = array<i32>} : memref<6x4x128xf32, #tpu.memory_space<vmem>>, vector<16xf32>,
      tpu.vector_store %arg10[%swap3A_209, %swap3A_210, %swap3A_211], %gather3A_206 {strides = array<i32>} : memref<6x4x128xf32, #tpu.memory_space<vmem>>, vector<16xf32>,
      %add3A_213 = arith.constant 243 : i32
      %add3A_214 = vector.broadcast %add3A_213 : i32 to vector<16xi32>
      %add3A_215 = arith.addi %get3A_184, %add3A_214 : vector<16xi32>
      %gather3A_216 = tpu.vector_load_idx %arg8[%add3A_215, %add3A_181] : memref<324x32xf32, #tpu.memory_space<vmem>>[vector<16xi32>, vector<16xi32>], vector<16xf32>,
      %swap3A_217 = arith.constant 5 : i32
      %swap3A_218 = arith.constant 3 : i32
      %swap3A_219 = arith.index_cast %swap3A_217 : i32 to index
      %swap3A_220 = arith.index_cast %swap3A_218 : i32 to index
      %swap3A_221 = arith.constant 0 : index
      %swap3A_222 = tpu.vector_load %arg10[%swap3A_219, %swap3A_220, %swap3A_221] {strides = array<i32>} : memref<6x4x128xf32, #tpu.memory_space<vmem>>, vector<16xf32>,
      tpu.vector_store %arg10[%swap3A_219, %swap3A_220, %swap3A_221], %gather3A_216 {strides = array<i32>} : memref<6x4x128xf32, #tpu.memory_space<vmem>>, vector<16xf32>,
      %add3A_223 = arith.constant 16 : i32
      %add3A_224 = vector.broadcast %add3A_223 : i32 to vector<16xi32>
      %add3A_225 = arith.addi %add3A_224, %iota3A : vector<16xi32>
      %get3A_226 = arith.constant 5 : i32
      %get3A_227 = arith.index_cast %get3A_226 : i32 to index
      %get3A_228 = arith.constant 16 : index
      %get3A_229 = tpu.vector_load %arg9[%get3A_227, %get3A_228] {strides = array<i32>} : memref<6x128xi32, #tpu.memory_space<vmem>>, vector<16xi32>,
      %add3A_230 = arith.constant 0 : i32
      %add3A_231 = vector.broadcast %add3A_230 : i32 to vector<16xi32>
      %add3A_232 = arith.addi %get3A_229, %add3A_231 : vector<16xi32>
      %gather3A_233 = tpu.vector_load_idx %arg8[%add3A_232, %add3A_225] : memref<324x32xf32, #tpu.memory_space<vmem>>[vector<16xi32>, vector<16xi32>], vector<16xf32>,
      %swap3A_234 = arith.constant 5 : i32
      %swap3A_235 = arith.constant 0 : i32
      %swap3A_236 = arith.index_cast %swap3A_234 : i32 to index
      %swap3A_237 = arith.index_cast %swap3A_235 : i32 to index
      %swap3A_238 = arith.constant 16 : index
      %swap3A_239 = tpu.vector_load %arg10[%swap3A_236, %swap3A_237, %swap3A_238] {strides = array<i32>} : memref<6x4x128xf32, #tpu.memory_space<vmem>>, vector<16xf32>,
      tpu.vector_store %arg10[%swap3A_236, %swap3A_237, %swap3A_238], %gather3A_233 {strides = array<i32>} : memref<6x4x128xf32, #tpu.memory_space<vmem>>, vector<16xf32>,
      %add3A_240 = arith.constant 81 : i32
      %add3A_241 = vector.broadcast %add3A_240 : i32 to vector<16xi32>
      %add3A_242 = arith.addi %get3A_229, %add3A_241 : vector<16xi32>
      %gather3A_243 = tpu.vector_load_idx %arg8[%add3A_242, %add3A_225] : memref<324x32xf32, #tpu.memory_space<vmem>>[vector<16xi32>, vector<16xi32>], vector<16xf32>,
      %swap3A_244 = arith.constant 5 : i32
      %swap3A_245 = arith.constant 1 : i32
      %swap3A_246 = arith.index_cast %swap3A_244 : i32 to index
      %swap3A_247 = arith.index_cast %swap3A_245 : i32 to index
      %swap3A_248 = arith.constant 16 : index
      %swap3A_249 = tpu.vector_load %arg10[%swap3A_246, %swap3A_247, %swap3A_248] {strides = array<i32>} : memref<6x4x128xf32, #tpu.memory_space<vmem>>, vector<16xf32>,
      tpu.vector_store %arg10[%swap3A_246, %swap3A_247, %swap3A_248], %gather3A_243 {strides = array<i32>} : memref<6x4x128xf32, #tpu.memory_space<vmem>>, vector<16xf32>,
      %add3A_250 = arith.constant 162 : i32
      %add3A_251 = vector.broadcast %add3A_250 : i32 to vector<16xi32>
      %add3A_252 = arith.addi %get3A_229, %add3A_251 : vector<16xi32>
      %gather3A_253 = tpu.vector_load_idx %arg8[%add3A_252, %add3A_225] : memref<324x32xf32, #tpu.memory_space<vmem>>[vector<16xi32>, vector<16xi32>], vector<16xf32>,
      %swap3A_254 = arith.constant 5 : i32
      %swap3A_255 = arith.constant 2 : i32
      %swap3A_256 = arith.index_cast %swap3A_254 : i32 to index
      %swap3A_257 = arith.index_cast %swap3A_255 : i32 to index
      %swap3A_258 = arith.constant 16 : index
      %swap3A_259 = tpu.vector_load %arg10[%swap3A_256, %swap3A_257, %swap3A_258] {strides = array<i32>} : memref<6x4x128xf32, #tpu.memory_space<vmem>>, vector<16xf32>,
      tpu.vector_store %arg10[%swap3A_256, %swap3A_257, %swap3A_258], %gather3A_253 {strides = array<i32>} : memref<6x4x128xf32, #tpu.memory_space<vmem>>, vector<16xf32>,
      %add3A_260 = arith.constant 243 : i32
      %add3A_261 = vector.broadcast %add3A_260 : i32 to vector<16xi32>
      %add3A_262 = arith.addi %get3A_229, %add3A_261 : vector<16xi32>
      %gather3A_263 = tpu.vector_load_idx %arg8[%add3A_262, %add3A_225] : memref<324x32xf32, #tpu.memory_space<vmem>>[vector<16xi32>, vector<16xi32>], vector<16xf32>,
      %swap3A_264 = arith.constant 5 : i32
      %swap3A_265 = arith.constant 3 : i32
      %swap3A_266 = arith.index_cast %swap3A_264 : i32 to index
      %swap3A_267 = arith.index_cast %swap3A_265 : i32 to index
      %swap3A_268 = arith.constant 16 : index
      %swap3A_269 = tpu.vector_load %arg10[%swap3A_266, %swap3A_267, %swap3A_268] {strides = array<i32>} : memref<6x4x128xf32, #tpu.memory_space<vmem>>, vector<16xf32>,
      tpu.vector_store %arg10[%swap3A_266, %swap3A_267, %swap3A_268], %gather3A_263 {strides = array<i32>} : memref<6x4x128xf32, #tpu.memory_space<vmem>>, vector<16xf32>,
      %run_scoped3A_270 = arith.constant 5 : i32
      "tpu.region"() ({
        %run_scoped3A_272 = tpu.sem_alloc : memref<!tpu.dma_semaphore, #tpu.memory_space<semaphore_mem>>
        %dma_start3A = arith.constant 0 : i32
        %dma_start3A_273 = arith.constant 0 : i32
        %dma_start3A_274 = tpu.memref_slice %arg10[%run_scoped3A_270, %dma_start3A, %dma_start3A_273] : memref<6x4x128xf32, #tpu.memory_space<vmem>> -> memref<1x4x128xf32, #tpu.memory_space<vmem>>
        %dma_start3A_275 = tpu.memref_squeeze %dma_start3A_274 : memref<1x4x128xf32, #tpu.memory_space<vmem>> -> memref<4x128xf32, #tpu.memory_space<vmem>>
        %dma_start3A_276 = arith.constant 0 : i32
        %dma_start3A_277 = arith.constant 19968 : i32
        %dma_start3A_278 = tpu.memref_slice %arg4[%dma_start3A_276, %dma_start3A_277] : memref<4x20096xf32, #tpu.memory_space<hbm>> -> memref<4x128xf32, #tpu.memory_space<hbm>>
        %dma_start3A_279 = arith.constant 0 : i32
        %dma_start3A_280 = arith.constant 19968 : i32
        %dma_start3A_281 = tpu.memref_slice %arg4[%dma_start3A_279, %dma_start3A_280] : memref<4x20096xf32, #tpu.memory_space<hbm>> -> memref<4x128xf32, #tpu.memory_space<hbm>>
        %dma_start3A_282 = arith.constant 0 : i32
        %dma_start3A_283 = arith.constant 0 : i32
        %dma_start3A_284 = tpu.memref_slice %arg10[%run_scoped3A_270, %dma_start3A_282, %dma_start3A_283] : memref<6x4x128xf32, #tpu.memory_space<vmem>> -> memref<1x4x128xf32, #tpu.memory_space<vmem>>
        %dma_start3A_285 = tpu.memref_squeeze %dma_start3A_284 : memref<1x4x128xf32, #tpu.memory_space<vmem>> -> memref<4x128xf32, #tpu.memory_space<vmem>>
        tpu.enqueue_dma source(%dma_start3A_285 : memref<4x128xf32, #tpu.memory_space<vmem>>) target(%dma_start3A_281 : memref<4x128xf32, #tpu.memory_space<hbm>>) target_semaphore(%run_scoped3A_272 : memref<!tpu.dma_semaphore, #tpu.memory_space<semaphore_mem>>)
        %dma_wait3A = arith.constant 0 : i32
        %dma_wait3A_286 = arith.constant 0 : i32
        %dma_wait3A_287 = tpu.memref_slice %arg10[%run_scoped3A_270, %dma_wait3A, %dma_wait3A_286] : memref<6x4x128xf32, #tpu.memory_space<vmem>> -> memref<1x4x128xf32, #tpu.memory_space<vmem>>
        %dma_wait3A_288 = tpu.memref_squeeze %dma_wait3A_287 : memref<1x4x128xf32, #tpu.memory_space<vmem>> -> memref<4x128xf32, #tpu.memory_space<vmem>>
        %dma_wait3A_289 = arith.constant 0 : i32
        %dma_wait3A_290 = arith.constant 19968 : i32
        %dma_wait3A_291 = tpu.memref_slice %arg4[%dma_wait3A_289, %dma_wait3A_290] : memref<4x20096xf32, #tpu.memory_space<hbm>> -> memref<4x128xf32, #tpu.memory_space<hbm>>
        %dma_wait3A_292 = arith.constant 0 : i32
        %dma_wait3A_293 = arith.constant 19968 : i32
        %dma_wait3A_294 = tpu.memref_slice %arg4[%dma_wait3A_292, %dma_wait3A_293] : memref<4x20096xf32, #tpu.memory_space<hbm>> -> memref<4x128xf32, #tpu.memory_space<hbm>>
        %dma_wait3A_295 = arith.constant 0 : i32
        %dma_wait3A_296 = arith.constant 0 : i32
        %dma_wait3A_297 = tpu.memref_slice %arg10[%run_scoped3A_270, %dma_wait3A_295, %dma_wait3A_296] : memref<6x4x128xf32, #tpu.memory_space<vmem>> -> memref<1x4x128xf32, #tpu.memory_space<vmem>>
        %dma_wait3A_298 = tpu.memref_squeeze %dma_wait3A_297 : memref<1x4x128xf32, #tpu.memory_space<vmem>> -> memref<4x128xf32, #tpu.memory_space<vmem>>
        tpu.wait_dma2 semaphore(%run_scoped3A_272 : memref<!tpu.dma_semaphore, #tpu.memory_space<semaphore_mem>>) src(%dma_wait3A_298 : memref<4x128xf32, #tpu.memory_space<vmem>>) dst(%dma_wait3A_294 : memref<4x128xf32, #tpu.memory_space<hbm>>)
        tpu.yield
      }) : () -> ()
      %run_scoped3A_271 = arith.constant 5 : i32
      "tpu.region"() ({
        %run_scoped3A_272 = tpu.sem_alloc : memref<!tpu.dma_semaphore, #tpu.memory_space<semaphore_mem>>
        %dma_start3A = arith.constant 0 : i32
        %dma_start3A_273 = tpu.memref_slice %arg9[%run_scoped3A_271, %dma_start3A] : memref<6x128xi32, #tpu.memory_space<vmem>> -> memref<1x32xi32, #tpu.memory_space<vmem>>
        %dma_start3A_274 = tpu.memref_squeeze %dma_start3A_273 : memref<1x32xi32, #tpu.memory_space<vmem>> -> memref<32xi32, #tpu.memory_space<vmem>>
        %dma_start3A_275 = arith.constant 19968 : i32
        %dma_start3A_276 = tpu.memref_slice %arg5[%dma_start3A_275] : memref<20000xi32, #tpu.memory_space<hbm>> -> memref<32xi32, #tpu.memory_space<hbm>>
        %dma_start3A_277 = arith.constant 19968 : i32
        %dma_start3A_278 = tpu.memref_slice %arg5[%dma_start3A_277] : memref<20000xi32, #tpu.memory_space<hbm>> -> memref<32xi32, #tpu.memory_space<hbm>>
        %dma_start3A_279 = arith.constant 0 : i32
        %dma_start3A_280 = tpu.memref_slice %arg9[%run_scoped3A_271, %dma_start3A_279] : memref<6x128xi32, #tpu.memory_space<vmem>> -> memref<1x32xi32, #tpu.memory_space<vmem>>
        %dma_start3A_281 = tpu.memref_squeeze %dma_start3A_280 : memref<1x32xi32, #tpu.memory_space<vmem>> -> memref<32xi32, #tpu.memory_space<vmem>>
        tpu.enqueue_dma source(%dma_start3A_281 : memref<32xi32, #tpu.memory_space<vmem>>) target(%dma_start3A_278 : memref<32xi32, #tpu.memory_space<hbm>>) target_semaphore(%run_scoped3A_272 : memref<!tpu.dma_semaphore, #tpu.memory_space<semaphore_mem>>)
        %dma_wait3A = arith.constant 0 : i32
        %dma_wait3A_282 = tpu.memref_slice %arg9[%run_scoped3A_271, %dma_wait3A] : memref<6x128xi32, #tpu.memory_space<vmem>> -> memref<1x32xi32, #tpu.memory_space<vmem>>
        %dma_wait3A_283 = tpu.memref_squeeze %dma_wait3A_282 : memref<1x32xi32, #tpu.memory_space<vmem>> -> memref<32xi32, #tpu.memory_space<vmem>>
        %dma_wait3A_284 = arith.constant 19968 : i32
        %dma_wait3A_285 = tpu.memref_slice %arg5[%dma_wait3A_284] : memref<20000xi32, #tpu.memory_space<hbm>> -> memref<32xi32, #tpu.memory_space<hbm>>
        %dma_wait3A_286 = arith.constant 19968 : i32
        %dma_wait3A_287 = tpu.memref_slice %arg5[%dma_wait3A_286] : memref<20000xi32, #tpu.memory_space<hbm>> -> memref<32xi32, #tpu.memory_space<hbm>>
        %dma_wait3A_288 = arith.constant 0 : i32
        %dma_wait3A_289 = tpu.memref_slice %arg9[%run_scoped3A_271, %dma_wait3A_288] : memref<6x128xi32, #tpu.memory_space<vmem>> -> memref<1x32xi32, #tpu.memory_space<vmem>>
        %dma_wait3A_290 = tpu.memref_squeeze %dma_wait3A_289 : memref<1x32xi32, #tpu.memory_space<vmem>> -> memref<32xi32, #tpu.memory_space<vmem>>
        tpu.wait_dma2 semaphore(%run_scoped3A_272 : memref<!tpu.dma_semaphore, #tpu.memory_space<semaphore_mem>>) src(%dma_wait3A_290 : memref<32xi32, #tpu.memory_space<vmem>>) dst(%dma_wait3A_287 : memref<32xi32, #tpu.memory_space<hbm>>)
        tpu.yield
      }) : () -> ()
    } else {
    }
    %add3A_142 = arith.constant 0 : i32
    %add3A_143 = arith.addi %add3A, %add3A_142 : i32
    %lt3A_144 = arith.constant 156 : i32
    %lt3A_145 = arith.cmpi slt, %add3A_143, %lt3A_144 : i32
    %convert_element_type3A_146 = arith.extui %lt3A_145 : i1 to i32
    %cond3A_147 = arith.constant 0 : i32
    %cond3A_148 = arith.cmpi ne, %convert_element_type3A_146, %cond3A_147 : i32
    scf.if %cond3A_148 {
      %mul3A_177 = arith.constant 128 : i32
      %mul3A_178 = arith.muli %mul3A_177, %add3A_143 : i32
      %dma_wait3A = arith.constant 0 : i32
      %dma_wait3A_179 = arith.constant 0 : i32
      %dma_wait3A_180 = arith.constant 0 : i32
      %dma_wait3A_181 = tpu.memref_slice %arg10[%dma_wait3A, %dma_wait3A_179, %dma_wait3A_180] : memref<6x4x128xf32, #tpu.memory_space<vmem>> -> memref<1x4x128xf32, #tpu.memory_space<vmem>>
      %dma_wait3A_182 = tpu.memref_squeeze %dma_wait3A_181 : memref<1x4x128xf32, #tpu.memory_space<vmem>> -> memref<4x128xf32, #tpu.memory_space<vmem>>
      %dma_wait3A_183 = arith.constant 0 : i32
      %dma_wait3A_184 = tpu.memref_slice %arg4[%dma_wait3A_183, %mul3A_178] : memref<4x20096xf32, #tpu.memory_space<hbm>> -> memref<4x128xf32, #tpu.memory_space<hbm>>
      %dma_wait3A_185 = arith.constant 0 : i32
      %dma_wait3A_186 = tpu.memref_slice %arg4[%dma_wait3A_185, %mul3A_178] : memref<4x20096xf32, #tpu.memory_space<hbm>> -> memref<4x128xf32, #tpu.memory_space<hbm>>
      %dma_wait3A_187 = arith.constant 0 : i32
      %dma_wait3A_188 = arith.constant 0 : i32
      %dma_wait3A_189 = tpu.memref_slice %arg10[%dma_wait3A, %dma_wait3A_187, %dma_wait3A_188] : memref<6x4x128xf32, #tpu.memory_space<vmem>> -> memref<1x4x128xf32, #tpu.memory_space<vmem>>
      %dma_wait3A_190 = tpu.memref_squeeze %dma_wait3A_189 : memref<1x4x128xf32, #tpu.memory_space<vmem>> -> memref<4x128xf32, #tpu.memory_space<vmem>>
      tpu.wait_dma2 semaphore(%arg14 : memref<!tpu.dma_semaphore, #tpu.memory_space<semaphore_mem>>) src(%dma_wait3A_190 : memref<4x128xf32, #tpu.memory_space<vmem>>) dst(%dma_wait3A_186 : memref<4x128xf32, #tpu.memory_space<hbm>>)
      %mul3A_191 = arith.constant 128 : i32
      %mul3A_192 = arith.muli %mul3A_191, %add3A_143 : i32
      %dma_wait3A_193 = arith.constant 0 : i32
      %dma_wait3A_194 = arith.constant 0 : i32
      %dma_wait3A_195 = tpu.memref_slice %arg9[%dma_wait3A_193, %dma_wait3A_194] : memref<6x128xi32, #tpu.memory_space<vmem>> -> memref<1x128xi32, #tpu.memory_space<vmem>>
      %dma_wait3A_196 = tpu.memref_squeeze %dma_wait3A_195 : memref<1x128xi32, #tpu.memory_space<vmem>> -> memref<128xi32, #tpu.memory_space<vmem>>
      %dma_wait3A_197 = tpu.memref_slice %arg5[%mul3A_192] : memref<20000xi32, #tpu.memory_space<hbm>> -> memref<128xi32, #tpu.memory_space<hbm>>
      %dma_wait3A_198 = tpu.memref_slice %arg5[%mul3A_192] : memref<20000xi32, #tpu.memory_space<hbm>> -> memref<128xi32, #tpu.memory_space<hbm>>
      %dma_wait3A_199 = arith.constant 0 : i32
      %dma_wait3A_200 = tpu.memref_slice %arg9[%dma_wait3A_193, %dma_wait3A_199] : memref<6x128xi32, #tpu.memory_space<vmem>> -> memref<1x128xi32, #tpu.memory_space<vmem>>
      %dma_wait3A_201 = tpu.memref_squeeze %dma_wait3A_200 : memref<1x128xi32, #tpu.memory_space<vmem>> -> memref<128xi32, #tpu.memory_space<vmem>>
      tpu.wait_dma2 semaphore(%arg14 : memref<!tpu.dma_semaphore, #tpu.memory_space<semaphore_mem>>) src(%dma_wait3A_201 : memref<128xi32, #tpu.memory_space<vmem>>) dst(%dma_wait3A_198 : memref<128xi32, #tpu.memory_space<hbm>>)
    } else {
    }
    %add3A_149 = arith.constant 32 : i32
    %add3A_150 = arith.addi %add3A, %add3A_149 : i32
    %lt3A_151 = arith.constant 156 : i32
    %lt3A_152 = arith.cmpi slt, %add3A_150, %lt3A_151 : i32
    %convert_element_type3A_153 = arith.extui %lt3A_152 : i1 to i32
    %cond3A_154 = arith.constant 0 : i32
    %cond3A_155 = arith.cmpi ne, %convert_element_type3A_153, %cond3A_154 : i32
    scf.if %cond3A_155 {
      %mul3A_177 = arith.constant 128 : i32
      %mul3A_178 = arith.muli %mul3A_177, %add3A_150 : i32
      %dma_wait3A = arith.constant 1 : i32
      %dma_wait3A_179 = arith.constant 0 : i32
      %dma_wait3A_180 = arith.constant 0 : i32
      %dma_wait3A_181 = tpu.memref_slice %arg10[%dma_wait3A, %dma_wait3A_179, %dma_wait3A_180] : memref<6x4x128xf32, #tpu.memory_space<vmem>> -> memref<1x4x128xf32, #tpu.memory_space<vmem>>
      %dma_wait3A_182 = tpu.memref_squeeze %dma_wait3A_181 : memref<1x4x128xf32, #tpu.memory_space<vmem>> -> memref<4x128xf32, #tpu.memory_space<vmem>>
      %dma_wait3A_183 = arith.constant 0 : i32
      %dma_wait3A_184 = tpu.memref_slice %arg4[%dma_wait3A_183, %mul3A_178] : memref<4x20096xf32, #tpu.memory_space<hbm>> -> memref<4x128xf32, #tpu.memory_space<hbm>>
      %dma_wait3A_185 = arith.constant 0 : i32
      %dma_wait3A_186 = tpu.memref_slice %arg4[%dma_wait3A_185, %mul3A_178] : memref<4x20096xf32, #tpu.memory_space<hbm>> -> memref<4x128xf32, #tpu.memory_space<hbm>>
      %dma_wait3A_187 = arith.constant 0 : i32
      %dma_wait3A_188 = arith.constant 0 : i32
      %dma_wait3A_189 = tpu.memref_slice %arg10[%dma_wait3A, %dma_wait3A_187, %dma_wait3A_188] : memref<6x4x128xf32, #tpu.memory_space<vmem>> -> memref<1x4x128xf32, #tpu.memory_space<vmem>>
      %dma_wait3A_190 = tpu.memref_squeeze %dma_wait3A_189 : memref<1x4x128xf32, #tpu.memory_space<vmem>> -> memref<4x128xf32, #tpu.memory_space<vmem>>
      tpu.wait_dma2 semaphore(%arg14 : memref<!tpu.dma_semaphore, #tpu.memory_space<semaphore_mem>>) src(%dma_wait3A_190 : memref<4x128xf32, #tpu.memory_space<vmem>>) dst(%dma_wait3A_186 : memref<4x128xf32, #tpu.memory_space<hbm>>)
      %mul3A_191 = arith.constant 128 : i32
      %mul3A_192 = arith.muli %mul3A_191, %add3A_150 : i32
      %dma_wait3A_193 = arith.constant 1 : i32
      %dma_wait3A_194 = arith.constant 0 : i32
      %dma_wait3A_195 = tpu.memref_slice %arg9[%dma_wait3A_193, %dma_wait3A_194] : memref<6x128xi32, #tpu.memory_space<vmem>> -> memref<1x128xi32, #tpu.memory_space<vmem>>
      %dma_wait3A_196 = tpu.memref_squeeze %dma_wait3A_195 : memref<1x128xi32, #tpu.memory_space<vmem>> -> memref<128xi32, #tpu.memory_space<vmem>>
      %dma_wait3A_197 = tpu.memref_slice %arg5[%mul3A_192] : memref<20000xi32, #tpu.memory_space<hbm>> -> memref<128xi32, #tpu.memory_space<hbm>>
      %dma_wait3A_198 = tpu.memref_slice %arg5[%mul3A_192] : memref<20000xi32, #tpu.memory_space<hbm>> -> memref<128xi32, #tpu.memory_space<hbm>>
      %dma_wait3A_199 = arith.constant 0 : i32
      %dma_wait3A_200 = tpu.memref_slice %arg9[%dma_wait3A_193, %dma_wait3A_199] : memref<6x128xi32, #tpu.memory_space<vmem>> -> memref<1x128xi32, #tpu.memory_space<vmem>>
      %dma_wait3A_201 = tpu.memref_squeeze %dma_wait3A_200 : memref<1x128xi32, #tpu.memory_space<vmem>> -> memref<128xi32, #tpu.memory_space<vmem>>
      tpu.wait_dma2 semaphore(%arg14 : memref<!tpu.dma_semaphore, #tpu.memory_space<semaphore_mem>>) src(%dma_wait3A_201 : memref<128xi32, #tpu.memory_space<vmem>>) dst(%dma_wait3A_198 : memref<128xi32, #tpu.memory_space<hbm>>)
    } else {
    }
    %add3A_156 = arith.constant 64 : i32
    %add3A_157 = arith.addi %add3A, %add3A_156 : i32
    %lt3A_158 = arith.constant 156 : i32
    %lt3A_159 = arith.cmpi slt, %add3A_157, %lt3A_158 : i32
    %convert_element_type3A_160 = arith.extui %lt3A_159 : i1 to i32
    %cond3A_161 = arith.constant 0 : i32
    %cond3A_162 = arith.cmpi ne, %convert_element_type3A_160, %cond3A_161 : i32
    scf.if %cond3A_162 {
      %mul3A_177 = arith.constant 128 : i32
      %mul3A_178 = arith.muli %mul3A_177, %add3A_157 : i32
      %dma_wait3A = arith.constant 2 : i32
      %dma_wait3A_179 = arith.constant 0 : i32
      %dma_wait3A_180 = arith.constant 0 : i32
      %dma_wait3A_181 = tpu.memref_slice %arg10[%dma_wait3A, %dma_wait3A_179, %dma_wait3A_180] : memref<6x4x128xf32, #tpu.memory_space<vmem>> -> memref<1x4x128xf32, #tpu.memory_space<vmem>>
      %dma_wait3A_182 = tpu.memref_squeeze %dma_wait3A_181 : memref<1x4x128xf32, #tpu.memory_space<vmem>> -> memref<4x128xf32, #tpu.memory_space<vmem>>
      %dma_wait3A_183 = arith.constant 0 : i32
      %dma_wait3A_184 = tpu.memref_slice %arg4[%dma_wait3A_183, %mul3A_178] : memref<4x20096xf32, #tpu.memory_space<hbm>> -> memref<4x128xf32, #tpu.memory_space<hbm>>
      %dma_wait3A_185 = arith.constant 0 : i32
      %dma_wait3A_186 = tpu.memref_slice %arg4[%dma_wait3A_185, %mul3A_178] : memref<4x20096xf32, #tpu.memory_space<hbm>> -> memref<4x128xf32, #tpu.memory_space<hbm>>
      %dma_wait3A_187 = arith.constant 0 : i32
      %dma_wait3A_188 = arith.constant 0 : i32
      %dma_wait3A_189 = tpu.memref_slice %arg10[%dma_wait3A, %dma_wait3A_187, %dma_wait3A_188] : memref<6x4x128xf32, #tpu.memory_space<vmem>> -> memref<1x4x128xf32, #tpu.memory_space<vmem>>
      %dma_wait3A_190 = tpu.memref_squeeze %dma_wait3A_189 : memref<1x4x128xf32, #tpu.memory_space<vmem>> -> memref<4x128xf32, #tpu.memory_space<vmem>>
      tpu.wait_dma2 semaphore(%arg14 : memref<!tpu.dma_semaphore, #tpu.memory_space<semaphore_mem>>) src(%dma_wait3A_190 : memref<4x128xf32, #tpu.memory_space<vmem>>) dst(%dma_wait3A_186 : memref<4x128xf32, #tpu.memory_space<hbm>>)
      %mul3A_191 = arith.constant 128 : i32
      %mul3A_192 = arith.muli %mul3A_191, %add3A_157 : i32
      %dma_wait3A_193 = arith.constant 2 : i32
      %dma_wait3A_194 = arith.constant 0 : i32
      %dma_wait3A_195 = tpu.memref_slice %arg9[%dma_wait3A_193, %dma_wait3A_194] : memref<6x128xi32, #tpu.memory_space<vmem>> -> memref<1x128xi32, #tpu.memory_space<vmem>>
      %dma_wait3A_196 = tpu.memref_squeeze %dma_wait3A_195 : memref<1x128xi32, #tpu.memory_space<vmem>> -> memref<128xi32, #tpu.memory_space<vmem>>
      %dma_wait3A_197 = tpu.memref_slice %arg5[%mul3A_192] : memref<20000xi32, #tpu.memory_space<hbm>> -> memref<128xi32, #tpu.memory_space<hbm>>
      %dma_wait3A_198 = tpu.memref_slice %arg5[%mul3A_192] : memref<20000xi32, #tpu.memory_space<hbm>> -> memref<128xi32, #tpu.memory_space<hbm>>
      %dma_wait3A_199 = arith.constant 0 : i32
      %dma_wait3A_200 = tpu.memref_slice %arg9[%dma_wait3A_193, %dma_wait3A_199] : memref<6x128xi32, #tpu.memory_space<vmem>> -> memref<1x128xi32, #tpu.memory_space<vmem>>
      %dma_wait3A_201 = tpu.memref_squeeze %dma_wait3A_200 : memref<1x128xi32, #tpu.memory_space<vmem>> -> memref<128xi32, #tpu.memory_space<vmem>>
      tpu.wait_dma2 semaphore(%arg14 : memref<!tpu.dma_semaphore, #tpu.memory_space<semaphore_mem>>) src(%dma_wait3A_201 : memref<128xi32, #tpu.memory_space<vmem>>) dst(%dma_wait3A_198 : memref<128xi32, #tpu.memory_space<hbm>>)
    } else {
    }
    %add3A_163 = arith.constant 96 : i32
    %add3A_164 = arith.addi %add3A, %add3A_163 : i32
    %lt3A_165 = arith.constant 156 : i32
    %lt3A_166 = arith.cmpi slt, %add3A_164, %lt3A_165 : i32
    %convert_element_type3A_167 = arith.extui %lt3A_166 : i1 to i32
    %cond3A_168 = arith.constant 0 : i32
    %cond3A_169 = arith.cmpi ne, %convert_element_type3A_167, %cond3A_168 : i32
    scf.if %cond3A_169 {
      %mul3A_177 = arith.constant 128 : i32
      %mul3A_178 = arith.muli %mul3A_177, %add3A_164 : i32
      %dma_wait3A = arith.constant 3 : i32
      %dma_wait3A_179 = arith.constant 0 : i32
      %dma_wait3A_180 = arith.constant 0 : i32
      %dma_wait3A_181 = tpu.memref_slice %arg10[%dma_wait3A, %dma_wait3A_179, %dma_wait3A_180] : memref<6x4x128xf32, #tpu.memory_space<vmem>> -> memref<1x4x128xf32, #tpu.memory_space<vmem>>
      %dma_wait3A_182 = tpu.memref_squeeze %dma_wait3A_181 : memref<1x4x128xf32, #tpu.memory_space<vmem>> -> memref<4x128xf32, #tpu.memory_space<vmem>>
      %dma_wait3A_183 = arith.constant 0 : i32
      %dma_wait3A_184 = tpu.memref_slice %arg4[%dma_wait3A_183, %mul3A_178] : memref<4x20096xf32, #tpu.memory_space<hbm>> -> memref<4x128xf32, #tpu.memory_space<hbm>>
      %dma_wait3A_185 = arith.constant 0 : i32
      %dma_wait3A_186 = tpu.memref_slice %arg4[%dma_wait3A_185, %mul3A_178] : memref<4x20096xf32, #tpu.memory_space<hbm>> -> memref<4x128xf32, #tpu.memory_space<hbm>>
      %dma_wait3A_187 = arith.constant 0 : i32
      %dma_wait3A_188 = arith.constant 0 : i32
      %dma_wait3A_189 = tpu.memref_slice %arg10[%dma_wait3A, %dma_wait3A_187, %dma_wait3A_188] : memref<6x4x128xf32, #tpu.memory_space<vmem>> -> memref<1x4x128xf32, #tpu.memory_space<vmem>>
      %dma_wait3A_190 = tpu.memref_squeeze %dma_wait3A_189 : memref<1x4x128xf32, #tpu.memory_space<vmem>> -> memref<4x128xf32, #tpu.memory_space<vmem>>
      tpu.wait_dma2 semaphore(%arg14 : memref<!tpu.dma_semaphore, #tpu.memory_space<semaphore_mem>>) src(%dma_wait3A_190 : memref<4x128xf32, #tpu.memory_space<vmem>>) dst(%dma_wait3A_186 : memref<4x128xf32, #tpu.memory_space<hbm>>)
      %mul3A_191 = arith.constant 128 : i32
      %mul3A_192 = arith.muli %mul3A_191, %add3A_164 : i32
      %dma_wait3A_193 = arith.constant 3 : i32
      %dma_wait3A_194 = arith.constant 0 : i32
      %dma_wait3A_195 = tpu.memref_slice %arg9[%dma_wait3A_193, %dma_wait3A_194] : memref<6x128xi32, #tpu.memory_space<vmem>> -> memref<1x128xi32, #tpu.memory_space<vmem>>
      %dma_wait3A_196 = tpu.memref_squeeze %dma_wait3A_195 : memref<1x128xi32, #tpu.memory_space<vmem>> -> memref<128xi32, #tpu.memory_space<vmem>>
      %dma_wait3A_197 = tpu.memref_slice %arg5[%mul3A_192] : memref<20000xi32, #tpu.memory_space<hbm>> -> memref<128xi32, #tpu.memory_space<hbm>>
      %dma_wait3A_198 = tpu.memref_slice %arg5[%mul3A_192] : memref<20000xi32, #tpu.memory_space<hbm>> -> memref<128xi32, #tpu.memory_space<hbm>>
      %dma_wait3A_199 = arith.constant 0 : i32
      %dma_wait3A_200 = tpu.memref_slice %arg9[%dma_wait3A_193, %dma_wait3A_199] : memref<6x128xi32, #tpu.memory_space<vmem>> -> memref<1x128xi32, #tpu.memory_space<vmem>>
      %dma_wait3A_201 = tpu.memref_squeeze %dma_wait3A_200 : memref<1x128xi32, #tpu.memory_space<vmem>> -> memref<128xi32, #tpu.memory_space<vmem>>
      tpu.wait_dma2 semaphore(%arg14 : memref<!tpu.dma_semaphore, #tpu.memory_space<semaphore_mem>>) src(%dma_wait3A_201 : memref<128xi32, #tpu.memory_space<vmem>>) dst(%dma_wait3A_198 : memref<128xi32, #tpu.memory_space<hbm>>)
    } else {
    }
    %add3A_170 = arith.constant 128 : i32
    %add3A_171 = arith.addi %add3A, %add3A_170 : i32
    %lt3A_172 = arith.constant 156 : i32
    %lt3A_173 = arith.cmpi slt, %add3A_171, %lt3A_172 : i32
    %convert_element_type3A_174 = arith.extui %lt3A_173 : i1 to i32
    %cond3A_175 = arith.constant 0 : i32
    %cond3A_176 = arith.cmpi ne, %convert_element_type3A_174, %cond3A_175 : i32
    scf.if %cond3A_176 {
      %mul3A_177 = arith.constant 128 : i32
      %mul3A_178 = arith.muli %mul3A_177, %add3A_171 : i32
      %dma_wait3A = arith.constant 4 : i32
      %dma_wait3A_179 = arith.constant 0 : i32
      %dma_wait3A_180 = arith.constant 0 : i32
      %dma_wait3A_181 = tpu.memref_slice %arg10[%dma_wait3A, %dma_wait3A_179, %dma_wait3A_180] : memref<6x4x128xf32, #tpu.memory_space<vmem>> -> memref<1x4x128xf32, #tpu.memory_space<vmem>>
      %dma_wait3A_182 = tpu.memref_squeeze %dma_wait3A_181 : memref<1x4x128xf32, #tpu.memory_space<vmem>> -> memref<4x128xf32, #tpu.memory_space<vmem>>
      %dma_wait3A_183 = arith.constant 0 : i32
      %dma_wait3A_184 = tpu.memref_slice %arg4[%dma_wait3A_183, %mul3A_178] : memref<4x20096xf32, #tpu.memory_space<hbm>> -> memref<4x128xf32, #tpu.memory_space<hbm>>
      %dma_wait3A_185 = arith.constant 0 : i32
      %dma_wait3A_186 = tpu.memref_slice %arg4[%dma_wait3A_185, %mul3A_178] : memref<4x20096xf32, #tpu.memory_space<hbm>> -> memref<4x128xf32, #tpu.memory_space<hbm>>
      %dma_wait3A_187 = arith.constant 0 : i32
      %dma_wait3A_188 = arith.constant 0 : i32
      %dma_wait3A_189 = tpu.memref_slice %arg10[%dma_wait3A, %dma_wait3A_187, %dma_wait3A_188] : memref<6x4x128xf32, #tpu.memory_space<vmem>> -> memref<1x4x128xf32, #tpu.memory_space<vmem>>
      %dma_wait3A_190 = tpu.memref_squeeze %dma_wait3A_189 : memref<1x4x128xf32, #tpu.memory_space<vmem>> -> memref<4x128xf32, #tpu.memory_space<vmem>>
      tpu.wait_dma2 semaphore(%arg14 : memref<!tpu.dma_semaphore, #tpu.memory_space<semaphore_mem>>) src(%dma_wait3A_190 : memref<4x128xf32, #tpu.memory_space<vmem>>) dst(%dma_wait3A_186 : memref<4x128xf32, #tpu.memory_space<hbm>>)
      %mul3A_191 = arith.constant 128 : i32
      %mul3A_192 = arith.muli %mul3A_191, %add3A_171 : i32
      %dma_wait3A_193 = arith.constant 4 : i32
      %dma_wait3A_194 = arith.constant 0 : i32
      %dma_wait3A_195 = tpu.memref_slice %arg9[%dma_wait3A_193, %dma_wait3A_194] : memref<6x128xi32, #tpu.memory_space<vmem>> -> memref<1x128xi32, #tpu.memory_space<vmem>>
      %dma_wait3A_196 = tpu.memref_squeeze %dma_wait3A_195 : memref<1x128xi32, #tpu.memory_space<vmem>> -> memref<128xi32, #tpu.memory_space<vmem>>
      %dma_wait3A_197 = tpu.memref_slice %arg5[%mul3A_192] : memref<20000xi32, #tpu.memory_space<hbm>> -> memref<128xi32, #tpu.memory_space<hbm>>
      %dma_wait3A_198 = tpu.memref_slice %arg5[%mul3A_192] : memref<20000xi32, #tpu.memory_space<hbm>> -> memref<128xi32, #tpu.memory_space<hbm>>
      %dma_wait3A_199 = arith.constant 0 : i32
      %dma_wait3A_200 = tpu.memref_slice %arg9[%dma_wait3A_193, %dma_wait3A_199] : memref<6x128xi32, #tpu.memory_space<vmem>> -> memref<1x128xi32, #tpu.memory_space<vmem>>
      %dma_wait3A_201 = tpu.memref_squeeze %dma_wait3A_200 : memref<1x128xi32, #tpu.memory_space<vmem>> -> memref<128xi32, #tpu.memory_space<vmem>>
      tpu.wait_dma2 semaphore(%arg14 : memref<!tpu.dma_semaphore, #tpu.memory_space<semaphore_mem>>) src(%dma_wait3A_201 : memref<128xi32, #tpu.memory_space<vmem>>) dst(%dma_wait3A_198 : memref<128xi32, #tpu.memory_space<hbm>>)
    } else {
    }
    return
  }
}

module attributes {stable_mosaic.version = 14 : i64} {
  func.func @_k3_decode(%arg0: memref<4x20096xf32, #tpu.memory_space<vmem>>, %arg1: memref<4x20000xf32, #tpu.memory_space<vmem>>, %arg2: memref<4x20000xf32, #tpu.memory_space<vmem>>) attributes {dimension_semantics = [], scalar_prefetch = 0 : i64, scratch_operands = 0 : i64, tpu.core_type = #tpu.core_type<tc>} {
    %get3A = arith.constant 0 : index
    %get3A_0 = arith.constant 0 : index
    %get3A_1 = vector.load %arg0[%get3A, %get3A_0] : memref<4x20096xf32, #tpu.memory_space<vmem>>, vector<4x20000xf32>
    %get3A_2 = arith.constant 0 : index
    %get3A_3 = arith.constant 0 : index
    %get3A_4 = vector.load %arg1[%get3A_2, %get3A_3] : memref<4x20000xf32, #tpu.memory_space<vmem>>, vector<4x20000xf32>
    %slice3A = vector.extract_strided_slice %get3A_1 {offsets = [0, 0], sizes = [1, 20000], strides = [1, 1]} : vector<4x20000xf32> to vector<1x20000xf32>
    %mul3A = arith.constant 1.000000e-01 : f32
    %mul3A_5 = vector.broadcast %mul3A : f32 to vector<1x20000xf32>
    %mul3A_6 = arith.mulf %slice3A, %mul3A_5 : vector<1x20000xf32>
    %slice3A_7 = vector.extract_strided_slice %get3A_1 {offsets = [1, 0], sizes = [1, 20000], strides = [1, 1]} : vector<4x20000xf32> to vector<1x20000xf32>
    %mul3A_8 = arith.constant 1.000000e-01 : f32
    %mul3A_9 = vector.broadcast %mul3A_8 : f32 to vector<1x20000xf32>
    %mul3A_10 = arith.mulf %slice3A_7, %mul3A_9 : vector<1x20000xf32>
    %slice3A_11 = vector.extract_strided_slice %get3A_1 {offsets = [2, 0], sizes = [1, 20000], strides = [1, 1]} : vector<4x20000xf32> to vector<1x20000xf32>
    %mul3A_12 = arith.constant 2.000000e-01 : f32
    %mul3A_13 = vector.broadcast %mul3A_12 : f32 to vector<1x20000xf32>
    %mul3A_14 = arith.mulf %slice3A_11, %mul3A_13 : vector<1x20000xf32>
    %slice3A_15 = vector.extract_strided_slice %get3A_1 {offsets = [3, 0], sizes = [1, 20000], strides = [1, 1]} : vector<4x20000xf32> to vector<1x20000xf32>
    %mul3A_16 = arith.constant 2.000000e-01 : f32
    %mul3A_17 = vector.broadcast %mul3A_16 : f32 to vector<1x20000xf32>
    %mul3A_18 = arith.mulf %slice3A_15, %mul3A_17 : vector<1x20000xf32>
    %slice3A_19 = vector.extract_strided_slice %get3A_4 {offsets = [0, 0], sizes = [1, 20000], strides = [1, 1]} : vector<4x20000xf32> to vector<1x20000xf32>
    %slice3A_20 = vector.extract_strided_slice %get3A_4 {offsets = [1, 0], sizes = [1, 20000], strides = [1, 1]} : vector<4x20000xf32> to vector<1x20000xf32>
    %slice3A_21 = vector.extract_strided_slice %get3A_4 {offsets = [2, 0], sizes = [1, 20000], strides = [1, 1]} : vector<4x20000xf32> to vector<1x20000xf32>
    %slice3A_22 = vector.extract_strided_slice %get3A_4 {offsets = [3, 0], sizes = [1, 20000], strides = [1, 1]} : vector<4x20000xf32> to vector<1x20000xf32>
    %add3A = arith.addf %slice3A_19, %slice3A_21 : vector<1x20000xf32>
    %mul3A_23 = arith.constant 5.000000e-01 : f32
    %mul3A_24 = vector.broadcast %mul3A_23 : f32 to vector<1x20000xf32>
    %mul3A_25 = arith.mulf %add3A, %mul3A_24 : vector<1x20000xf32>
    %add3A_26 = arith.addf %slice3A_20, %slice3A_22 : vector<1x20000xf32>
    %mul3A_27 = arith.constant 5.000000e-01 : f32
    %mul3A_28 = vector.broadcast %mul3A_27 : f32 to vector<1x20000xf32>
    %mul3A_29 = arith.mulf %add3A_26, %mul3A_28 : vector<1x20000xf32>
    %sub3A = arith.subf %slice3A_21, %slice3A_19 : vector<1x20000xf32>
    %add3A_30 = arith.constant 1.000000e+00 : f32
    %add3A_31 = vector.broadcast %add3A_30 : f32 to vector<1x20000xf32>
    %add3A_32 = arith.addf %sub3A, %add3A_31 : vector<1x20000xf32>
    %sub3A_33 = arith.subf %slice3A_22, %slice3A_20 : vector<1x20000xf32>
    %add3A_34 = arith.constant 1.000000e+00 : f32
    %add3A_35 = vector.broadcast %add3A_34 : f32 to vector<1x20000xf32>
    %add3A_36 = arith.addf %sub3A_33, %add3A_35 : vector<1x20000xf32>
    %mul3A_37 = arith.mulf %add3A_32, %mul3A_6 : vector<1x20000xf32>
    %add3A_38 = arith.addf %mul3A_25, %mul3A_37 : vector<1x20000xf32>
    %mul3A_39 = arith.mulf %add3A_36, %mul3A_10 : vector<1x20000xf32>
    %add3A_40 = arith.addf %mul3A_29, %mul3A_39 : vector<1x20000xf32>
    %exp3A = math.exp %mul3A_14 : vector<1x20000xf32>
    %mul3A_41 = arith.mulf %add3A_32, %exp3A : vector<1x20000xf32>
    %exp3A_42 = math.exp %mul3A_18 : vector<1x20000xf32>
    %mul3A_43 = arith.mulf %add3A_36, %exp3A_42 : vector<1x20000xf32>
    %sub3A_44 = arith.constant 1.000000e+00 : f32
    %sub3A_45 = vector.broadcast %sub3A_44 : f32 to vector<1x20000xf32>
    %sub3A_46 = arith.subf %mul3A_41, %sub3A_45 : vector<1x20000xf32>
    %mul3A_47 = arith.constant 5.000000e-01 : f32
    %mul3A_48 = vector.broadcast %mul3A_47 : f32 to vector<1x20000xf32>
    %mul3A_49 = arith.mulf %sub3A_46, %mul3A_48 : vector<1x20000xf32>
    %sub3A_50 = arith.constant 1.000000e+00 : f32
    %sub3A_51 = vector.broadcast %sub3A_50 : f32 to vector<1x20000xf32>
    %sub3A_52 = arith.subf %mul3A_43, %sub3A_51 : vector<1x20000xf32>
    %mul3A_53 = arith.constant 5.000000e-01 : f32
    %mul3A_54 = vector.broadcast %mul3A_53 : f32 to vector<1x20000xf32>
    %mul3A_55 = arith.mulf %sub3A_52, %mul3A_54 : vector<1x20000xf32>
    %sub3A_56 = arith.subf %add3A_38, %mul3A_49 : vector<1x20000xf32>
    %sub3A_57 = arith.subf %add3A_40, %mul3A_55 : vector<1x20000xf32>
    %add3A_58 = arith.addf %add3A_38, %mul3A_49 : vector<1x20000xf32>
    %add3A_59 = arith.addf %add3A_40, %mul3A_55 : vector<1x20000xf32>
    %concatenate3A = tpu.concatenate %sub3A_56, %sub3A_57, %add3A_58, %add3A_59 in 0 : vector<1x20000xf32>, vector<1x20000xf32>, vector<1x20000xf32>, vector<1x20000xf32> -> vector<4x20000xf32>
    %swap3A = arith.constant 0 : index
    %swap3A_60 = arith.constant 0 : index
    %swap3A_61 = vector.load %arg2[%swap3A, %swap3A_60] : memref<4x20000xf32, #tpu.memory_space<vmem>>, vector<4x20000xf32>
    tpu.vector_store %arg2[%swap3A, %swap3A_60], %concatenate3A {strides = array<i32>} : memref<4x20000xf32, #tpu.memory_space<vmem>>, vector<4x20000xf32>,
    return
  }
}

module attributes {stable_mosaic.version = 14 : i64} {
  func.func @_k1b_softmax(%arg0: i32, %arg1: memref<81x10240xf32, #tpu.memory_space<vmem>>, %arg2: memref<81x10240xf32, #tpu.memory_space<vmem>>) attributes {dimension_semantics = [#tpu.dimension_semantics<arbitrary>], iteration_bounds = array<i64: 2>, scalar_prefetch = 0 : i64, scratch_operands = 0 : i64, tpu.core_type = #tpu.core_type<tc>, window_params = [{transform_indices = @transform_0, window_bounds = array<i64: 81, 10240>}, {transform_indices = @transform_1, window_bounds = array<i64: 81, 10240>}]} {
    %get3A = arith.constant 0 : index
    %get3A_0 = arith.constant 0 : index
    %get3A_1 = vector.load %arg1[%get3A, %get3A_0] : memref<81x10240xf32, #tpu.memory_space<vmem>>, vector<81x10240xf32>
    %reduce_max3A = arith.constant dense<0xFF800000> : vector<10240xf32>
    %reduce_max3A_2 = vector.multi_reduction <maximumf>, %get3A_1, %reduce_max3A [0] : vector<81x10240xf32> to vector<10240xf32>
    %broadcast_in_dim3A = vector.shape_cast %reduce_max3A_2 : vector<10240xf32> to vector<1x10240xf32>
    %sub3A = vector.broadcast %broadcast_in_dim3A : vector<1x10240xf32> to vector<81x10240xf32>
    %sub3A_3 = arith.subf %get3A_1, %sub3A : vector<81x10240xf32>
    %exp3A = math.exp %sub3A_3 : vector<81x10240xf32>
    %reduce_sum3A = arith.constant dense<0.000000e+00> : vector<10240xf32>
    %reduce_sum3A_4 = vector.multi_reduction <add>, %exp3A, %reduce_sum3A [0] : vector<81x10240xf32> to vector<10240xf32>
    %broadcast_in_dim3A_5 = vector.shape_cast %reduce_sum3A_4 : vector<10240xf32> to vector<1x10240xf32>
    %div3A = vector.broadcast %broadcast_in_dim3A_5 : vector<1x10240xf32> to vector<81x10240xf32>
    %div3A_6 = arith.divf %exp3A, %div3A : vector<81x10240xf32>
    %swap3A = arith.constant 0 : index
    %swap3A_7 = arith.constant 0 : index
    %swap3A_8 = vector.load %arg2[%swap3A, %swap3A_7] : memref<81x10240xf32, #tpu.memory_space<vmem>>, vector<81x10240xf32>
    tpu.vector_store %arg2[%swap3A, %swap3A_7], %div3A_6 {strides = array<i32>} : memref<81x10240xf32, #tpu.memory_space<vmem>>, vector<81x10240xf32>,
    return
  }
  func.func @transform_0(%arg0: i32) -> (i32, i32) {
    %c0_i32 = arith.constant 0 : i32
    %c0_i32_0 = arith.constant 0 : i32
    return %c0_i32, %arg0 : i32, i32
  }
  func.func @transform_1(%arg0: i32) -> (i32, i32) {
    %c0_i32 = arith.constant 0 : i32
    %c0_i32_0 = arith.constant 0 : i32
    return %c0_i32, %arg0 : i32, i32
  }
}

module attributes {stable_mosaic.version = 14 : i64} {
  func.func @_k1a_argmax(%arg0: i32, %arg1: memref<81x10240xf32, #tpu.memory_space<vmem>>, %arg2: memref<1x1x10240xi32, #tpu.memory_space<vmem>>) attributes {dimension_semantics = [#tpu.dimension_semantics<arbitrary>], iteration_bounds = array<i64: 2>, scalar_prefetch = 0 : i64, scratch_operands = 0 : i64, tpu.core_type = #tpu.core_type<tc>, window_params = [{transform_indices = @transform_0, window_bounds = array<i64: 81, 10240>}, {transform_indices = @transform_1, window_bounds = array<i64: 1, 1, 10240>}]} {
    %get3A = arith.constant 0 : index
    %get3A_0 = arith.constant 0 : index
    %get3A_1 = vector.load %arg1[%get3A, %get3A_0] : memref<81x10240xf32, #tpu.memory_space<vmem>>, vector<81x10240xf32>
    %reduce_max3A = arith.constant dense<0xFF800000> : vector<10240xf32>
    %reduce_max3A_2 = vector.multi_reduction <maximumf>, %get3A_1, %reduce_max3A [0] : vector<81x10240xf32> to vector<10240xf32>
    %broadcast_in_dim3A = vector.shape_cast %reduce_max3A_2 : vector<10240xf32> to vector<1x10240xf32>
    %iota3A = tpu.iota {dimensions = array<i32: 0>} : vector<81x10240xi32>
    %eq3A = vector.broadcast %broadcast_in_dim3A : vector<1x10240xf32> to vector<81x10240xf32>
    %eq3A_3 = arith.cmpf oeq, %get3A_1, %eq3A : vector<81x10240xf32>
    %jit3A = arith.constant 81 : i32
    %broadcast_in_dim3A_4 = vector.broadcast %jit3A : i32 to vector<81x10240xi32>
    %select_n3A = arith.select %eq3A_3, %iota3A, %broadcast_in_dim3A_4 : vector<81x10240xi1>, vector<81x10240xi32>
    %reduce_min3A = arith.constant dense<2147483647> : vector<10240xi32>
    %reduce_min3A_5 = vector.multi_reduction <minsi>, %select_n3A, %reduce_min3A [0] : vector<81x10240xi32> to vector<10240xi32>
    %reshape3A = vector.shape_cast %reduce_min3A_5 : vector<10240xi32> to vector<1x1x10240xi32>
    %swap3A = arith.constant 0 : index
    %swap3A_6 = arith.constant 0 : index
    %swap3A_7 = arith.constant 0 : index
    %swap3A_8 = vector.load %arg2[%swap3A, %swap3A_6, %swap3A_7] : memref<1x1x10240xi32, #tpu.memory_space<vmem>>, vector<1x1x10240xi32>
    tpu.vector_store %arg2[%swap3A, %swap3A_6, %swap3A_7], %reshape3A {strides = array<i32>} : memref<1x1x10240xi32, #tpu.memory_space<vmem>>, vector<1x1x10240xi32>,
    return
  }
  func.func @transform_0(%arg0: i32) -> (i32, i32) {
    %c0_i32 = arith.constant 0 : i32
    %c0_i32_0 = arith.constant 0 : i32
    return %c0_i32, %arg0 : i32, i32
  }
  func.func @transform_1(%arg0: i32) -> (i32, i32, i32) {
    %c0_i32 = arith.constant 0 : i32
    %c0_i32_0 = arith.constant 0 : i32
    %c0_i32_1 = arith.constant 0 : i32
    return %arg0, %c0_i32, %c0_i32_0 : i32, i32, i32
  }
}

</mosaic_0001>

<sc_bundles>
// kernel: kernel.6.cloned.1.call-start
scs
__scs_entry_jumppad:
0x0: {  	(pc) =	sbr.rel $0x88, $3  }
0x1: {  	(tag) =	ssettag $0x0;
	lr =	simm.s32 $0x1  }
0x2: {  	[smem:$0x3F9E] =	sst lr;
	_ =	strace $0xD0000000  }
0x3: {  	_ = 	snop  }
0x4: {  	_ = 	snop  }
0x5: {  	_ = 	snop  }
0x6: {  	_ = 	snop  }
0x7: {  	_ = 	snop  }
__scs_overlays_trampoline_lowered:
0x8: {  	[smem:$0x3FAD] =	sst s0  }
0x9: {  	[smem:$0x3FAE] =	sst s1  }
0xa: {  	[smem:$0x3FAF] =	sst s2  }
0xb: {  	[smem:$0x3FB0] =	sst s3  }
0xc: {  	[smem:$0x3FB1] =	sst s4  }
0xd: {  	[smem:$0x3FB2] =	sst s5  }
0xe: {  	[smem:$0x3FB3] =	sst s6  }
0xf: {  	[smem:$0x3FB4] =	sst s7  }
0x10: {  	[smem:$0x3FB5] =	sst s8  }
0x11: {  	[smem:$0x3FB6] =	sst s9;
	s0 =	simm.s32 @!p0 $0x0  }
0x12: {  	s1 =	sld [smem:$0x3F9C];
	s0 =	simm.s32 @p0 $0x1  }
0x13: {  	[smem:$0x3FB7] =	sst s0;
	s0 =	simm.s32 @!p1 $0x0  }
0x14: {  	s2 =	sld [smem:$0x3F9B];
	s0 =	simm.s32 @p1 $0x1  }
0x15: {  	[smem:$0x3FB8] =	sst s0;
	s0 =	simm.s32 @!p2 $0x0  }
0x16: {  	s3 =	sld [smem:$0x3FDB];
	s0 =	simm.s32 @p2 $0x1  }
0x17: {  	s4 =	simm.s32 $0x1BF5;
	[smem:$0x3FBA] =	sst s0  }
0x18: {  	s0 =	sld [smem:$0x3F9D];
	_ =	swait.ge [sflag:s4], $0x0  }
0x19: {  	s7 =	sld [smem:$0x3F9E]  }
0x1a: {  	s8 =	sadd.s32 $0xFFFFE003, lr  }
0x1b: {  	s9 =	sadd.s32 $0xFFFFFEF7, lr;
	s5 =	simm.s32 $0xFFFFFFFF;
	p2 =	slt.u32 s8, $0xFFFFF086  }
0x1c: {  	p1 =	slt.u32 s9, $0xF7A;
	s5 =	simm.s32 @!p2 $0x0  }
0x1d: {  	s5 =	simm.s32 @p1 $0x1;
	p0 =	seq.s32 s7, s2  }
0x1e: {  	s7 =	smul.u32 @!p0 $0xF7A, s2;
	p2 =	seq.s32 @!p0 s5, $0x0  }
0x1f: {  	s9 =	smul.u32 $0xF7A, s1;
	s8 =	simm.s32 @!p0 $0x1BF5;
	p2 =	por !p2, p0  }
0x20: {  	[sflag:s8] =	ssyncset.s32 @!p0 $0xFFFFF086;
	s6 =	sadd.s32 @!p0 s3, s7;
	s7 =	simm.s32 @!p0 $0x108  }
0x21: {  	s3 =	sadd.s32 s3, s9;
	s6 =	sadd.s32 @!p0 $0x88, s6;
	s7 =	simm.s32 @p2 $0x1082  }
0x22: {  	[simem:s7], [sflag:s8] =	dma.local @!p0 [hbm:s6], $0xF7A  }
0x23: {  	s9 =	sor.u32 $0xD0000000, s2;
	s6 =	simm.s32 $0x108;
	_ =	swait.ge @!p0 [sflag:s8], $0x0  }
0x24: {  	s3 =	sadd.s32 $0x88, s3;
	s6 =	simm.s32 @!p1 $0x1082;
	[sflag:s4] =	ssyncset.s32 $0xFFFFF086  }
0x25: {  	[simem:s6], [sflag:s4] =	dma.local [hbm:s3], $0xF7A  }
0x26: {  	[smem:$0x3F9E] =	sst s1;
	(tag) =	ssettag s2;
	_ =	strace s9  }
0x27: {  	s1 =	sld [smem:$0x3FAE]  }
0x28: {  	s2 =	sld [smem:$0x3FAF]  }
0x29: {  	s4 =	sld [smem:$0x3FB1]  }
0x2a: {  	p0 =	seq.s32 s5, $0x0;
	s5 =	sld [smem:$0x3FB2]  }
0x2b: {  	s6 =	sld [smem:$0x3FB3]  }
0x2c: {  	s7 =	sld [smem:$0x3FB4]  }
0x2d: {  	s3 =	simm.s32 $0x108;
	s8 =	sld [smem:$0x3FB5]  }
0x2e: {  	s3 =	simm.s32 @!p0 $0x1082;
	s9 =	sld [smem:$0x3FB6]  }
0x2f: {  	lr =	sadd.s32 s0, s3;
	s0 =	sld [smem:$0x3FAD]  }
0x30: {  	s3 =	sld [smem:$0x3FB0]  }
0x31: {  	[smem:$0x3FB9] =	sst s10  }
0x32: {  	s10 =	sld [smem:$0x3FB7];
	_ =	sdelay $0x3  }
0x33: {  	p0 =	seq.s32 s10, $0x1;
	s10 =	sld [smem:$0x3FB9];
	_ =	sdelay $0x3  }
0x34: {  	[smem:$0x3FB9] =	sst s10  }
0x35: {  	s10 =	sld [smem:$0x3FB8];
	_ =	sdelay $0x3  }
0x36: {  	p1 =	seq.s32 s10, $0x1;
	s10 =	sld [smem:$0x3FB9];
	_ =	sdelay $0x3  }
0x37: {  	[smem:$0x3FB9] =	sst s10  }
0x38: {  	s10 =	sld [smem:$0x3FBA]  }
0x39: {  	_ = 	snop;
	(pc) =	sbr.ind lr, $3  }
0x3a: {  	_ = 	snop  }
0x3b: {  	_ = 	snop  }
0x3c: {  	p2 =	seq.s32 s10, $0x1;
	s10 =	sld [smem:$0x3FB9]  }
0x3d: {  	_ =	shalt  }
0x3e: {  	_ =	shalt  }
0x3f: {  	_ =	shalt  }
0x40: {  	_ =	shalt  }
0x41: {  	_ =	shalt  }
0x42: {  	_ =	shalt  }
0x43: {  	_ =	shalt  }
0x44: {  	_ =	shalt  }
0x45: {  	_ =	shalt  }
0x46: {  	_ =	shalt  }
0x47: {  	_ =	shalt  }
0x48: {  	_ =	shalt  }
0x49: {  	_ =	shalt  }
0x4a: {  	_ =	shalt  }
0x4b: {  	_ =	shalt  }
0x4c: {  	_ =	shalt  }
0x4d: {  	_ =	shalt  }
0x4e: {  	_ =	shalt  }
0x4f: {  	_ =	shalt  }
0x50: {  	_ =	shalt  }
0x51: {  	_ =	shalt  }
0x52: {  	_ =	shalt  }
0x53: {  	_ =	shalt  }
0x54: {  	_ =	shalt  }
0x55: {  	_ =	shalt  }
0x56: {  	_ =	shalt  }
0x57: {  	_ =	shalt  }
0x58: {  	_ =	shalt  }
0x59: {  	_ =	shalt  }
0x5a: {  	_ =	shalt  }
0x5b: {  	_ =	shalt  }
0x5c: {  	_ =	shalt  }
0x5d: {  	_ =	shalt  }
0x5e: {  	_ =	shalt  }
0x5f: {  	_ =	shalt  }
0x60: {  	_ =	shalt  }
0x61: {  	_ =	shalt  }
0x62: {  	_ =	shalt  }
0x63: {  	_ =	shalt  }
0x64: {  	_ =	shalt  }
0x65: {  	_ =	shalt  }
0x66: {  	_ =	shalt  }
0x67: {  	_ =	shalt  }
0x68: {  	_ =	shalt  }
0x69: {  	_ =	shalt  }
0x6a: {  	_ =	shalt  }
0x6b: {  	_ =	shalt  }
0x6c: {  	_ =	shalt  }
0x6d: {  	_ =	shalt  }
0x6e: {  	_ =	shalt  }
0x6f: {  	_ =	shalt  }
0x70: {  	_ =	shalt  }
0x71: {  	_ =	shalt  }
0x72: {  	_ =	shalt  }
0x73: {  	_ =	shalt  }
0x74: {  	_ =	shalt  }
0x75: {  	_ =	shalt  }
0x76: {  	_ =	shalt  }
0x77: {  	_ =	shalt  }
0x78: {  	_ =	shalt  }
0x79: {  	_ =	shalt  }
0x7a: {  	_ =	shalt  }
0x7b: {  	_ =	shalt  }
0x7c: {  	_ =	shalt  }
0x7d: {  	_ =	shalt  }
0x7e: {  	_ =	shalt  }
0x7f: {  	_ =	shalt  }
0x80: {  	_ =	shalt  }
0x81: {  	_ =	shalt  }
0x82: {  	_ =	shalt  }
0x83: {  	_ =	shalt  }
0x84: {  	_ =	shalt  }
0x85: {  	_ =	shalt  }
0x86: {  	_ =	shalt  }
0x87: {  	_ =	shalt  }
.Lfunc_end0:
.L_simem_size_0:
called_computation_lowered:
.L_overlay_start_0:
0x88: {  	s2 =	sld [smem:$0x3FD9]  }
0x89: {  	s3 =	sld [smem:$0x3FFE];
	_ =	sdelay $0x1  }
0x8a: {  	s1 =	srdreg.scid  }
0x8b: {  	s0 =	sand.u32 $0x1, s1  }
0x8c: {  	s14 =	sshll.u32 s0, $0xA;
	s2 =	sadd.s32 s3, s2  }
0x8d: {  	s2 =	sadd.s32 s2, s14  }
0x8e: {  	[smem:$0x3FC5] =	sst s2  }
0x8f: {  	_ = 	snop  }
0x90: {  	s2 =	sld [smem:$0x3FD0];
	_ =	sdelay $0x2  }
0x91: {  	s4 =	simm.s32 $0xA;
	s5 =	simm.s32 $0x10;
	s15 =	sld [smem:$0x3FC7]  }
0x92: {  	[smem:s5], [sflag:s4] =	dma.local [hbm:s2], $0x1  }
0x93: {  	_ =	swait.eq [sflag:s4], $0x1  }
0x94: {  	[sflag:s4] =	ssyncset.done $0x0  }
0x95: {  	s16 =	sld [smem:$0x10];
	[sflag:s4] =	ssyncadd.s32 $0xFFFFFFFF  }
0x96: {  	s17 =	sld [smem:$0x12];
	(tm) =	ssettm $0x1  }
0x97: {  	s18 =	sld [smem:$0x3FFB];
	_ =	sdelay $0x3  }
0x98: {  	_ =	strace s18  }
0x99: {  	s5 =	sld [smem:$0x3FFC];
	_ =	sdelay $0x3  }
0x9a: {  	_ =	strace s5  }
0x9b: {  	s5 =	sld [smem:$0x3FFD];
	_ =	sdelay $0x3  }
0x9c: {  	_ =	strace s5  }
0x9d: {  	_ =	strace $0x8FFFFFFF  }
0x9e: {  	s19 =	sld [smem:$0x3FDB];
	_ =	sdelay $0x1  }
0x9f: {  	s6 =	simm.s32 $_scs_section_size  }
0xa0: {  	s7 =	simm.s32 $_size__tile_overlayer_lowered;
	s8 =	simm.s32 $_tile_overlayer_lowered  }
0xa1: {  	s22 =	simm.s32 $0x1BFF;
	s21 =	sshll.u32 s8, $0x1;
	s5 =	sadd.s32 s6, s19  }
0xa2: {  	s9 =	simm.s32 $0x0;
	s20 =	sshll.u32 s7, $0x1;
	s7 =	sadd.s32 s21, s5  }
0xa3: {  	[timem:s9], [sflag:s22] =	dma.local [hbm:s7], s20  }
0xa4: {  	_ =	swait.ge [sflag:s22], s20  }
0xa5: {  	s6 =	ssub.s32 $0x0, s20;
	[sflag:s22] =	ssyncset.done $0x0  }
0xa6: {  	[sflag:s22] =	ssyncadd.s32 s6;
	_ =	sdelay $0x1  }
0xa7: {  	s23 =	simm.s32 $0x1B8B  }
0xa8: {  	_ =	swait.ge [sflag:s23], $0x1  }
0xa9: {  	[sflag:s23] =	ssyncset.done $0x0  }
0xaa: {  	s25 =	simm.s32 $0x1B8E;
	s24 =	sld [smem:$0x3FFE];
	[sflag:s23] =	ssyncadd.s32 $0xFFFFFFFF  }
0xab: {  	s26 =	simm.s32 $execute0_lowered;
	[smem:$0x3FD2] =	sst s25  }
0xac: {  	s7 =	sshll.u32 s26, $0x1;
	_ =	strace $0x80000046;
	[dreg:$0x1] =	wrdreg $0xFFFFFFFF  }
0xad: {  	s28 =	simm.s32 $_size_execute0_lowered;
	s5 =	sadd.s32 s5, s7;
	[dreg:$0x0] =	wrdreg $0x0  }
0xae: {  	s7 =	sshll.u32 s28, $0x1;
	[dreg:$0x2] =	wrdreg s5  }
0xaf: {  	[dreg:$0x3] =	wrdreg s7  }
0xb0: {  	[dreg:$0x4] =	wrdreg $0xC0  }
0xb1: {  	_ =	task [dreg:s9], $0x5FFFF  }
0xb2: {  	[dreg:$0x1] =	wrdreg $0xFFFFFFFF  }
0xb3: {  	[dreg:$0x0] =	wrdreg $0x60  }
0xb4: {  	[dreg:$0x2] =	wrdreg s15  }
0xb5: {  	[dreg:$0x3] =	wrdreg s24  }
0xb6: {  	[dreg:$0x4] =	wrdreg s16  }
0xb7: {  	[dreg:$0x5] =	wrdreg s17  }
0xb8: {  	[dreg:$0x6] =	wrdreg $0x9  }
0xb9: {  	_ =	task.clear_ibuf [dreg:s9], $0x7FFFF;
	_ =	strace $0x90000046  }
0xba: {  	s29 =	simm.s32 $0x9;
	_ =	strace $0x80000048  }
0xbb: {  	_ =	swait.ge [sflag:s29], $0x1  }
0xbc: {  	[sflag:s29] =	ssyncadd.s32 $0xFFFFFFFF  }
0xbd: {  	_ =	strace $0x90000048  }
0xbe: {  	_ =	sfence  }
0xbf: {  	s30 =	sld [smem:$0x0];
	_ =	sdelay $0x2  }
0xc0: {  	s31 =	sshll.u32 s1, $0xD;
	s1 =	sshrl.u32 s1, $0x2  }
0xc1: {  	s3 =	sand.u32 $0x4000, s31;
	s1 =	sadd.s32 s1, s30  }
0xc2: {  	s0 =	sor.u32 s3, s0;
	s1 =	sshll.u32 s1, $0x11  }
0xc3: {  	s0 =	sor.u32 s1, s0  }
0xc4: {  	s0 =	sadd.s32 $0x8F2B, s0  }
0xc5: {  	[sflag:s0] =	ssyncadd.remote.s32 $0x1  }
0xc6: {  	_ =	sfence.sel $0xFFFF  }
0xc7: {  	[dreg:$0x0] =	wrdreg $0xFFFFFFFF;
	(pc) =	sbr.abs _section_cstart, $3  }
0xc8: {  	[dreg:$0x1] =	wrdreg $0xFFFFFFFF  }
0xc9: {  	_ =	task.clear_ibuf [dreg:s9], $0x2FFFF;
	_ =	strace $0x9FFFFFFF  }
0xca: {  	(tm) =	ssettm $0x7FFFFFFF  }
0xcb: {  	_ =	shalt  }
tec
execute0_lowered:
.L_overlay_start_1:
0x0: {  	(tag) =	ssettag $0x1  }
0x1: {  	s3 =	rddreg [dreg:$0x0]  }
0x2: {  	s4 =	rddreg [dreg:$0x1]  }
0x3: {  	s0 =	rddreg [dreg:$0x2]  }
0x4: {  	s1 =	rddreg [dreg:$0x3]  }
0x5: {  	s2 =	simm.s32 $0x0;
	s5 =	srdreg.scid;
	s16 =	stileid.u32  }
0x6: {  	s30 =	simm.s32 $0x400;
	s31 =	simm.s32 $0x27400;
	[smem:$0x7FF] =	sst s2  }
0x7: {  	s5 =	sand.u32 $0x1, s5;
	s6 =	sshll.u32 s16, $0x1;
	s15 =	sadd.s32 $0x1000, s4  }
0x8: {  	_ =	strace $0x80000047;
	s7 =	ssub.s32 $0x2, s5;
	s5 =	sor.u32 s5, s6  }
0x9: {  	s8 =	sshrl.u32 s7, $0x1;
	s9 =	sshll.u32 s5, $0x7;
	s10 =	sshll.u32 s5, $0x4  }
0xa: {  	s13 =	sor.u32 $0x20, s5;
	s21 =	sor.u32 $0x80, s5;
	s7 =	ssub.s32 s7, s8  }
0xb: {  	s22 =	sadd.s32 s3, s9;
	s8 =	sor.u32 $0x40, s5;
	s9 =	simm.s32 $0x2800  }
0xc: {  	s14 =	sadd.s32 s15, s10;
	s18 =	sadd.s32 s10, s4;
	s20 =	sshll.u32 s13, $0x7  }
0xd: {  	s10 =	sadd.s32 s1, s10;
	s24 =	sshll.u32 s13, $0x6;
	p0 =	sgt.u32 s8, $0x4F  }
0xe: {  	s11 =	sshll.u32 s8, $0x7;
	p1 =	slt.u32 s8, $0x50;
	[dreg:$0x5] =	wrdreg s14  }
0xf: {  	s14 =	sshll.u32 s13, $0x4;
	s19 =	sadd.s32 $0x1600, s18;
	[dreg:$0xb] =	wrdreg s10  }
0x10: {  	s10 =	sadd.s32 s0, s24;
	s26 =	sshll.u32 s8, $0x6;
	s8 =	sshll.u32 s8, $0x4  }
0x11: {  	s24 =	sshll.u32 s21, $0x6;
	s28 =	smax.u32 s7, $0x1;
	s29 =	sadd.s32 $0xC4400, s22  }
0x12: {  	s7 =	simm.s32 $0x14400;
	s12 =	sadd.s32 $0xFFFFD800, s11;
	[dreg:$0x8] =	wrdreg s19  }
0x13: {  	s9 =	simm.s32 @!p0 $0x0;
	s17 =	sadd.s32 s15, s14;
	[dreg:$0xc] =	wrdreg s10  }
0x14: {  	p0 =	sne.s32 s5, $0x1C;
	s19 =	sshll.u32 s21, $0x7;
	s8 =	sadd.s32 s1, s8  }
0x15: {  	s10 =	simm.s32 $0x2;
	s12 =	smov.u32 @p1 s11;
	[dreg:$0x6] =	wrdreg s17  }
0x16: {  	s17 =	sadd.s32 s1, s14;
	[dreg:$0xf] =	wrdreg s8;
	p1 =	sgt.u32 s16, $0xD  }
0x17: {  	s8 =	simm.s32 $0x1;
	s9 =	sadd.s32 s12, s9;
	s12 =	sadd.s32 $0x1800, s18  }
0x18: {  	[dreg:$0xd] =	wrdreg s17;
	s18 =	sadd.s32 s0, s26;
	s26 =	sshll.u32 s21, $0x4  }
0x19: {  	v0 =	vlaneseq.u32;
	s17 =	smov.u32 s22;
	s21 =	simm.s32 $0x1EC80;
	s22 =	simm.s32 $0x1ED00  }
0x1a: {  	v1 =	vor.u32 $0x2880, v0;
	s9 =	sshrl.u32 s9, $0x3;
	[dreg:$0x9] =	wrdreg s12;
	s12 =	sadd.s32 s3, s11  }
0x1b: {  	v2 =	vor.u32 $0x5100, v0;
	v3 =	vor.u32 $0x7980, v0;
	v4 =	vor.u32 $0x10, v0;
	[dreg:$0xe] =	wrdreg s18;
	s18 =	sadd.s32 s3, s19;
	s6 =	sadd.s32 s15, s9  }
0x1c: {  	v5 =	vor.u32 $0x2890, v0;
	v6 =	vor.u32 $0x5110, v0;
	v7 =	vor.u32 $0x7990, v0;
	s15 =	sshll.u32 s5, $0x6;
	s9 =	sadd.s32 s3, s20;
	[dreg:$0x7] =	wrdreg s6  }
0x1d: {  	v8 =	vor.u32 $0x20, v0;
	v9 =	vor.u32 $0x28A0, v0;
	v10 =	vor.u32 $0x5120, v0;
	s6 =	sor.u32 $0x60, s5;
	s23 =	sadd.s32 s0, s15;
	s5 =	sadd.s32 s1, s26  }
0x1e: {  	v11 =	vor.u32 $0x79A0, v0;
	v12 =	vor.u32 $0x30, v0;
	v13 =	vor.u32 $0x28B0, v0;
	s26 =	sadd.s32 $0x9C0, s1;
	[dreg:$0xa] =	wrdreg s23;
	s25 =	sshll.u32 s6, $0x7  }
0x1f: {  	v14 =	vor.u32 $0x5130, v0;
	v15 =	vor.u32 $0x79B0, v0;
	v16 =	vor.u32 $0x40, v0;
	s20 =	sshll.u32 s6, $0x6;
	s23 =	sshll.u32 s6, $0x4;
	[dreg:$0x11] =	wrdreg s5  }
.Ltmp0:
0x20: {  	v17 =	vor.u32 $0x28C0, v0;
	v18 =	vor.u32 $0x5140, v0;
	v19 =	vor.u32 $0x79C0, v0;
	s5 =	simm.s32 $0x3;
	s6 =	simm.s32 $0xA400;
	(pc) =	sbr.rel .LBB2_1-.Ltmp0, $4  }
0x21: {  	v20 =	vor.u32 $0x50, v0;
	v21 =	vor.u32 $0x28D0, v0;
	v22 =	vor.u32 $0x5150, v0;
	s15 =	sadd.s32 s3, s25;
	s19 =	sadd.s32 s0, s20;
	s20 =	sadd.s32 s1, s23  }
0x22: {  	v23 =	vor.u32 $0x79D0, v0;
	v24 =	vor.u32 $0x60, v0;
	v25 =	vor.u32 $0x28E0, v0;
	s25 =	sadd.s32 s0, s24;
	s23 =	sadd.s32 $0x4E00, s3;
	s24 =	sadd.s32 $0x19C0, s4  }
0x23: {  	v26 =	vor.u32 $0x5160, v0;
	v27 =	vor.u32 $0x79E0, v0;
	v28 =	vor.u32 $0x70, v0;
	s1 =	simm.s32 $0x1EC00;
	s4 =	simm.s32 $0x1ED80;
	s3 =	simm.s32 $0x4  }
0x24: {  	v29 =	vor.u32 $0x28F0, v0;
	v30 =	vor.u32 $0x5170, v0;
	v31 =	vor.u32 $0x79F0, v0;
	[dreg:$0x10] =	wrdreg s25;
	s25 =	sadd.s32 $0x2700, s0;
	s0 =	simm.s32 $0xA000  }
.LBB2_3:
0x25: {  	s11 =	simm.s32 @!p0 $0x400;
	s13 =	simm.s32 @!p0 $0x27400;
	s14 =	simm.s32 @!p0 $0x14800  }
0x26: {  	[tilespmem:s14], [sflag:$0x5] =	stream.strided.gather @!p0 [hbm4b:s23+s11], $0xA000, s13, s11, $0x38;
	[tilespmem:$0x1FC00] =	vst v63  }
0x27: {  	s16 =	simm.s32 @!p0 $0x1E800;
	s11 =	sadd.s32 @!p0 $0xC4400, s23;
	s13 =	simm.s32 @!p0 $0x0  }
0x28: {  	[tilespmem:s16], [sflag:$0x5] =	stream.linear.gather @!p0 [hbm4b:s11+s13], $0x200, $0x38;
	[tilespmem:$0x1FC00] =	vst v63  }
0x29: {  	s11 =	simm.s32 @!p0 $0x5  }
0x2a: {  	_ =	swait.ge @!p0 [sflag:s11], $0xA200  }
0x2b: {  	[sflag:s11] =	ssyncset.done @!p0 $0x0  }
0x2c: {  	s16 =	simm.s32 @!p0 $0x1EE80;
	[sflag:s11] =	ssyncadd.s32 @!p0 $0xFFFF5E00  }
0x2d: {  	[tilespmem:s16], [sflag:$0x5] =	stream.linear.gather @!p0 [hbm4b:s24+s13], $0x80, $0x38;
	[tilespmem:$0x1FC00] =	vst v63  }
0x2e: {  	_ =	swait.ge @!p0 [sflag:s11], $0x80  }
0x2f: {  	[sflag:s11] =	ssyncset.done @!p0 $0x0  }
0x30: {  	[sflag:s11] =	ssyncadd.s32 @!p0 $0xFFFFFF80  }
0x31: {  	v32 =	vld @!p0 [tilespmem:$0x1EE80];
	_ =	sdelay $0x4  }
0x32: {  	v33 =	vlaneseq.u32 @!p0;
	v32 =	vshll.u32 @!p0 v32, $0x7  }
0x33: {  	v34 =	vor.u32 @!p0 v33, v32;
	_ =	sdelay $0x4  }
0x34: {  	v35 =	vor.u32 @!p0 $0x2880, v33;
	v34 =	vld.idx.msk @!p0 [tilespmem:v34+s14+$0x0], $0xffff  }
0x35: {  	v35 =	vadd.s32 @!p0 v35, v32;
	_ =	sdelay $0x3  }
0x36: {  	[tilespmem:$0x1FA00] =	vst @!p0 v34  }
0x37: {  	v34 =	vld.idx.msk @!p0 [tilespmem:v35+s14+$0x0], $0xffff;
	v35 =	vor.u32 @!p0 $0x5100, v33  }
0x38: {  	v35 =	vadd.s32 @!p0 v35, v32;
	_ =	sdelay $0x3  }
0x39: {  	[tilespmem:$0x1FA80] =	vst @!p0 v34  }
0x3a: {  	v34 =	vld.idx.msk @!p0 [tilespmem:v35+s14+$0x0], $0xffff;
	v35 =	vor.u32 @!p0 $0x7980, v33  }
0x3b: {  	v32 =	vadd.s32 @!p0 v35, v32;
	v35 =	vld @!p0 [tilespmem:$0x1EE90];
	_ =	sdelay $0x3  }
0x3c: {  	[tilespmem:$0x1FB00] =	vst @!p0 v34  }
0x3d: {  	v32 =	vld.idx.msk @!p0 [tilespmem:v32+s14+$0x0], $0xffff;
	v34 =	vshll.u32 @!p0 v35, $0x7;
	v35 =	vor.u32 @!p0 $0x10, v33  }
0x3e: {  	v35 =	vor.u32 @!p0 v35, v34;
	_ =	sdelay $0x3  }
0x3f: {  	[tilespmem:$0x1FB80] =	vst @!p0 v32  }
0x40: {  	v32 =	vld.idx.msk @!p0 [tilespmem:v35+s14+$0x0], $0xffff;
	v35 =	vor.u32 @!p0 $0x2890, v33  }
0x41: {  	v35 =	vadd.s32 @!p0 v35, v34;
	_ =	sdelay $0x3  }
0x42: {  	[tilespmem:$0x1FA10] =	vst @!p0 v32  }
0x43: {  	v32 =	vld.idx.msk @!p0 [tilespmem:v35+s14+$0x0], $0xffff;
	v35 =	vor.u32 @!p0 $0x5110, v33  }
0x44: {  	v35 =	vadd.s32 @!p0 v35, v34;
	_ =	sdelay $0x3  }
0x45: {  	[tilespmem:$0x1FA90] =	vst @!p0 v32  }
0x46: {  	v33 =	vor.u32 @!p0 $0x7990, v33;
	v32 =	vld.idx.msk @!p0 [tilespmem:v35+s14+$0x0], $0xffff  }
0x47: {  	v33 =	vadd.s32 @!p0 v33, v34;
	_ =	sdelay $0x3  }
0x48: {  	[tilespmem:$0x1FB10] =	vst @!p0 v32  }
0x49: {  	v32 =	vld.idx.msk @!p0 [tilespmem:v33+s14+$0x0], $0xffff;
	_ =	sdelay $0x4  }
0x4a: {  	s14 =	simm.s32 @!p0 $0x1FA00;
	[tilespmem:$0x1FB90] =	vst @!p0 v32  }
0x4b: {  	[hbm4b:s25+s13] =	stream.linear.scatter @!p0 [tilespmem:s14], [sflag:$0x5], $0x200, $0x38;
	[tilespmem:$0x1FC00] =	vst v63  }
0x4c: {  	_ =	swait.ge @!p0 [sflag:s11], $0x200  }
0x4d: {  	[sflag:s11] =	ssyncset.done @!p0 $0x0  }
0x4e: {  	[sflag:s11] =	ssyncadd.s32 @!p0 $0xFFFFFE00  }
0x4f: {  	[hbm4b:s26+s13] =	stream.linear.scatter @!p0 [tilespmem:s16], [sflag:$0x5], $0x20, $0x38;
	[tilespmem:$0x1FC00] =	vst v63  }
0x50: {  	_ =	swait.ge @!p0 [sflag:s11], $0x20  }
0x51: {  	[sflag:s11] =	ssyncset.done @!p0 $0x0  }
0x52: {  	[sflag:s11] =	ssyncadd.s32 @!p0 $0xFFFFFFE0  }
0x53: {  	_ =	swait.ge [sflag:s3], $0x200  }
0x54: {  	[sflag:s3] =	ssyncset.done $0x0  }
0x55: {  	[sflag:s3] =	ssyncadd.s32 $0xFFFFFE00  }
0x56: {  	_ =	swait.ge [sflag:s3], $0x80  }
0x57: {  	[sflag:s3] =	ssyncset.done $0x0  }
0x58: {  	[sflag:s3] =	ssyncadd.s32 $0xFFFFFF80  }
0x59: {  	_ =	swait.ge [sflag:s3], $0x200  }
0x5a: {  	[sflag:s3] =	ssyncset.done $0x0  }
0x5b: {  	[sflag:s3] =	ssyncadd.s32 $0xFFFFFE00  }
0x5c: {  	_ =	swait.ge [sflag:s3], $0x80  }
0x5d: {  	[sflag:s3] =	ssyncset.done $0x0  }
0x5e: {  	[sflag:s3] =	ssyncadd.s32 $0xFFFFFF80  }
0x5f: {  	_ =	swait.ge [sflag:s3], $0x200  }
0x60: {  	[sflag:s3] =	ssyncset.done $0x0  }
0x61: {  	[sflag:s3] =	ssyncadd.s32 $0xFFFFFE00  }
0x62: {  	_ =	swait.ge [sflag:s3], $0x80  }
0x63: {  	[sflag:s3] =	ssyncset.done $0x0  }
0x64: {  	[sflag:s3] =	ssyncadd.s32 $0xFFFFFF80  }
0x65: {  	_ =	swait.ge [sflag:s3], $0x200  }
0x66: {  	[sflag:s3] =	ssyncset.done $0x0  }
0x67: {  	[sflag:s3] =	ssyncadd.s32 $0xFFFFFE00  }
0x68: {  	_ =	swait.ge [sflag:s3], $0x80  }
0x69: {  	[sflag:s3] =	ssyncset.done $0x0  }
0x6a: {  	s28 =	sadd.s32 $0xFFFFFFFF, s28;
	s11 =	simm.s32 @!p1 $0x4;
	[sflag:s3] =	ssyncadd.s32 $0xFFFFFF80  }
0x6b: {  	p2 =	sne.s32 s28, $0x0;
	_ =	swait.ge @!p1 [sflag:s11], $0x200  }
.Ltmp1:
0x6c: {  	[sflag:s11] =	ssyncset.done @!p1 $0x0;
	(pc) =	sbr.rel @!p2 .LBB2_4-.Ltmp1, $4  }
0x6d: {  	[sflag:s11] =	ssyncadd.s32 @!p1 $0xFFFFFE00  }
0x6e: {  	_ =	swait.ge @!p1 [sflag:s11], $0x80  }
0x6f: {  	[sflag:s11] =	ssyncset.done @!p1 $0x0  }
0x70: {  	[sflag:s11] =	ssyncadd.s32 @!p1 $0xFFFFFF80  }
.LBB2_1:
0x71: {  	[tilespmem:s2], [sflag:$0x1] =	stream.strided.gather [hbm4b:s17+s30], $0xA000, s31, s30, $0x38;
	[tilespmem:$0x1FC00] =	vst v63  }
0x72: {  	_ = 	snop  }
0x73: {  	[tilespmem:s0], [sflag:$0x1] =	stream.linear.gather [hbm4b:s29+s2], $0x200, $0x38;
	[tilespmem:$0x1FC00] =	vst v63  }
0x74: {  	s11 =	rddreg [dreg:$0x5]  }
0x75: {  	[tilespmem:s1], [sflag:$0x3] =	stream.linear.gather [hbm4b:s11+s2], $0x80, $0x38;
	[tilespmem:$0x1FC00] =	vst v63  }
0x76: {  	s16 =	rddreg [dreg:$0x6]  }
0x77: {  	[tilespmem:s21], [sflag:$0x3] =	stream.linear.gather [hbm4b:s16+s2], $0x80, $0x38;
	[tilespmem:$0x1FC00] =	vst v63  }
0x78: {  	s13 =	rddreg [dreg:$0x7]  }
0x79: {  	[tilespmem:s22], [sflag:$0x3] =	stream.linear.gather [hbm4b:s13+s2], $0x80, $0x38;
	[tilespmem:$0x1FC00] =	vst v63  }
0x7a: {  	s14 =	rddreg [dreg:$0x8]  }
0x7b: {  	[tilespmem:s4], [sflag:$0x3] =	stream.linear.gather [hbm4b:s14+s2], $0x80, $0x38;
	[tilespmem:$0x1FC00] =	vst v63  }
0x7c: {  	s11 =	simm.s32 @!p1 $0x0;
	s13 =	simm.s32 @!p1 $0x1EE00;
	s14 =	rddreg [dreg:$0x9]  }
0x7d: {  	[tilespmem:s13], [sflag:$0x3] =	stream.linear.gather @!p1 [hbm4b:s14+s11], $0x80, $0x38;
	[tilespmem:$0x1FC00] =	vst v63  }
0x7e: {  	_ =	swait.ge [sflag:s5], $0x80  }
0x7f: {  	[sflag:s5] =	ssyncset.done $0x0  }
0x80: {  	[sflag:s5] =	ssyncadd.s32 $0xFFFFFF80  }
0x81: {  	_ =	swait.ge [sflag:s5], $0x80  }
0x82: {  	[sflag:s5] =	ssyncset.done $0x0  }
0x83: {  	[sflag:s5] =	ssyncadd.s32 $0xFFFFFF80  }
0x84: {  	_ =	swait.ge [sflag:s5], $0x80  }
0x85: {  	[sflag:s5] =	ssyncset.done $0x0  }
0x86: {  	[sflag:s5] =	ssyncadd.s32 $0xFFFFFF80  }
0x87: {  	_ =	swait.ge [sflag:s5], $0x80  }
0x88: {  	[sflag:s5] =	ssyncset.done $0x0  }
0x89: {  	s13 =	simm.s32 @!p1 $0x3;
	[sflag:s5] =	ssyncadd.s32 $0xFFFFFF80  }
0x8a: {  	_ =	swait.ge @!p1 [sflag:s13], $0x80  }
0x8b: {  	[sflag:s13] =	ssyncset.done @!p1 $0x0  }
0x8c: {  	[sflag:s13] =	ssyncadd.s32 @!p1 $0xFFFFFF80  }
0x8d: {  	[tilespmem:s6], [sflag:$0x2] =	stream.strided.gather [hbm4b:s9+s30], $0xA000, s31, s30, $0x38;
	[tilespmem:$0x1FC00] =	vst v63  }
0x8e: {  	s16 =	sadd.s32 $0xC4400, s9  }
0x8f: {  	[tilespmem:s7], [sflag:$0x2] =	stream.linear.gather [hbm4b:s16+s2], $0x200, $0x38;
	[tilespmem:$0x1FC00] =	vst v63  }
0x90: {  	_ =	swait.ge [sflag:s8], $0xA200  }
0x91: {  	[sflag:s8] =	ssyncset.done $0x0  }
0x92: {  	[sflag:s8] =	ssyncadd.s32 $0xFFFF5E00  }
0x93: {  	v32 =	vld [tilespmem:$0x1EC00];
	_ =	sdelay $0x4  }
0x94: {  	v32 =	vshll.u32 v32, $0x7  }
0x95: {  	v33 =	vor.u32 v0, v32;
	_ =	sdelay $0x4  }
0x96: {  	v33 =	vld.idx.msk [tilespmem:v33+s2+$0x0], $0xffff  }
0x97: {  	v34 =	vadd.s32 v1, v32;
	_ =	sdelay $0x3  }
0x98: {  	[tilespmem:$0x1F000] =	vst v33  }
0x99: {  	v33 =	vld.idx.msk [tilespmem:v34+s2+$0x0], $0xffff  }
0x9a: {  	v51 =	vadd.s32 v2, v32;
	_ =	sdelay $0x3  }
0x9b: {  	[tilespmem:$0x1F080] =	vst v33  }
0x9c: {  	v33 =	vld.idx.msk [tilespmem:v51+s2+$0x0], $0xffff  }
0x9d: {  	v52 =	vld [tilespmem:$0x1EC10];
	v32 =	vadd.s32 v3, v32;
	_ =	sdelay $0x3  }
0x9e: {  	[tilespmem:$0x1F100] =	vst v33  }
0x9f: {  	v53 =	vshll.u32 v52, $0x7;
	v32 =	vld.idx.msk [tilespmem:v32+s2+$0x0], $0xffff  }
0xa0: {  	v34 =	vor.u32 v4, v53;
	_ =	sdelay $0x3  }
0xa1: {  	[tilespmem:$0x1F180] =	vst v32  }
0xa2: {  	v32 =	vld.idx.msk [tilespmem:v34+s2+$0x0], $0xffff  }
0xa3: {  	v54 =	vadd.s32 v5, v53;
	_ =	sdelay $0x3  }
0xa4: {  	[tilespmem:$0x1F010] =	vst v32  }
0xa5: {  	v32 =	vld.idx.msk [tilespmem:v54+s2+$0x0], $0xffff  }
0xa6: {  	v55 =	vadd.s32 v6, v53;
	_ =	sdelay $0x3  }
0xa7: {  	[tilespmem:$0x1F090] =	vst v32  }
0xa8: {  	v32 =	vld.idx.msk [tilespmem:v55+s2+$0x0], $0xffff  }
0xa9: {  	v56 =	vld [tilespmem:$0x1EC20];
	v33 =	vadd.s32 v7, v53;
	_ =	sdelay $0x3  }
0xaa: {  	[tilespmem:$0x1F110] =	vst v32  }
0xab: {  	v57 =	vshll.u32 v56, $0x7;
	v32 =	vld.idx.msk [tilespmem:v33+s2+$0x0], $0xffff  }
0xac: {  	v34 =	vor.u32 v8, v57;
	_ =	sdelay $0x3  }
0xad: {  	[tilespmem:$0x1F190] =	vst v32  }
0xae: {  	v32 =	vld.idx.msk [tilespmem:v34+s2+$0x0], $0xffff  }
0xaf: {  	v58 =	vadd.s32 v9, v57;
	_ =	sdelay $0x3  }
0xb0: {  	[tilespmem:$0x1F020] =	vst v32  }
0xb1: {  	v32 =	vld.idx.msk [tilespmem:v58+s2+$0x0], $0xffff  }
0xb2: {  	v59 =	vadd.s32 v10, v57;
	_ =	sdelay $0x3  }
0xb3: {  	[tilespmem:$0x1F0A0] =	vst v32  }
0xb4: {  	v32 =	vld.idx.msk [tilespmem:v59+s2+$0x0], $0xffff  }
0xb5: {  	v60 =	vld [tilespmem:$0x1EC30];
	v33 =	vadd.s32 v11, v57;
	_ =	sdelay $0x3  }
0xb6: {  	[tilespmem:$0x1F120] =	vst v32  }
0xb7: {  	v61 =	vshll.u32 v60, $0x7;
	v32 =	vld.idx.msk [tilespmem:v33+s2+$0x0], $0xffff  }
0xb8: {  	v34 =	vor.u32 v12, v61;
	_ =	sdelay $0x3  }
0xb9: {  	[tilespmem:$0x1F1A0] =	vst v32  }
0xba: {  	v32 =	vld.idx.msk [tilespmem:v34+s2+$0x0], $0xffff  }
0xbb: {  	v62 =	vadd.s32 v13, v61;
	_ =	sdelay $0x3  }
0xbc: {  	[tilespmem:$0x1F030] =	vst v32  }
0xbd: {  	v32 =	vld.idx.msk [tilespmem:v62+s2+$0x0], $0xffff  }
0xbe: {  	v63 =	vadd.s32 v14, v61;
	_ =	sdelay $0x3  }
0xbf: {  	[tilespmem:$0x1F0B0] =	vst v32  }
0xc0: {  	v32 =	vld.idx.msk [tilespmem:v63+s2+$0x0], $0xffff  }
0xc1: {  	v36 =	vld [tilespmem:$0x1EC40];
	v33 =	vadd.s32 v15, v61;
	_ =	sdelay $0x3  }
0xc2: {  	[tilespmem:$0x1F130] =	vst v32  }
0xc3: {  	v37 =	vshll.u32 v36, $0x7;
	v32 =	vld.idx.msk [tilespmem:v33+s2+$0x0], $0xffff  }
0xc4: {  	v34 =	vor.u32 v16, v37;
	_ =	sdelay $0x3  }
0xc5: {  	[tilespmem:$0x1F1B0] =	vst v32  }
0xc6: {  	v32 =	vld.idx.msk [tilespmem:v34+s2+$0x0], $0xffff  }
0xc7: {  	v38 =	vadd.s32 v17, v37;
	_ =	sdelay $0x3  }
0xc8: {  	[tilespmem:$0x1F040] =	vst v32  }
0xc9: {  	v32 =	vld.idx.msk [tilespmem:v38+s2+$0x0], $0xffff  }
0xca: {  	v39 =	vadd.s32 v18, v37;
	_ =	sdelay $0x3  }
0xcb: {  	[tilespmem:$0x1F0C0] =	vst v32  }
0xcc: {  	v32 =	vld.idx.msk [tilespmem:v39+s2+$0x0], $0xffff  }
0xcd: {  	v40 =	vld [tilespmem:$0x1EC50];
	v33 =	vadd.s32 v19, v37;
	_ =	sdelay $0x3  }
0xce: {  	[tilespmem:$0x1F140] =	vst v32  }
0xcf: {  	v41 =	vshll.u32 v40, $0x7;
	v32 =	vld.idx.msk [tilespmem:v33+s2+$0x0], $0xffff  }
0xd0: {  	v34 =	vor.u32 v20, v41;
	_ =	sdelay $0x3  }
0xd1: {  	[tilespmem:$0x1F1C0] =	vst v32  }
0xd2: {  	v32 =	vld.idx.msk [tilespmem:v34+s2+$0x0], $0xffff  }
0xd3: {  	v42 =	vadd.s32 v21, v41;
	_ =	sdelay $0x3  }
0xd4: {  	[tilespmem:$0x1F050] =	vst v32  }
0xd5: {  	v32 =	vld.idx.msk [tilespmem:v42+s2+$0x0], $0xffff  }
0xd6: {  	v43 =	vadd.s32 v22, v41;
	_ =	sdelay $0x3  }
0xd7: {  	[tilespmem:$0x1F0D0] =	vst v32  }
0xd8: {  	v32 =	vld.idx.msk [tilespmem:v43+s2+$0x0], $0xffff  }
0xd9: {  	v44 =	vld [tilespmem:$0x1EC60];
	v33 =	vadd.s32 v23, v41;
	_ =	sdelay $0x3  }
0xda: {  	[tilespmem:$0x1F150] =	vst v32  }
0xdb: {  	v45 =	vshll.u32 v44, $0x7;
	v32 =	vld.idx.msk [tilespmem:v33+s2+$0x0], $0xffff  }
0xdc: {  	v34 =	vor.u32 v24, v45;
	_ =	sdelay $0x3  }
0xdd: {  	[tilespmem:$0x1F1D0] =	vst v32  }
0xde: {  	v32 =	vld.idx.msk [tilespmem:v34+s2+$0x0], $0xffff  }
0xdf: {  	v46 =	vadd.s32 v25, v45;
	_ =	sdelay $0x3  }
0xe0: {  	[tilespmem:$0x1F060] =	vst v32  }
0xe1: {  	v32 =	vld.idx.msk [tilespmem:v46+s2+$0x0], $0xffff  }
0xe2: {  	v47 =	vadd.s32 v26, v45;
	_ =	sdelay $0x3  }
0xe3: {  	[tilespmem:$0x1F0E0] =	vst v32  }
0xe4: {  	v32 =	vld.idx.msk [tilespmem:v47+s2+$0x0], $0xffff  }
0xe5: {  	v48 =	vld [tilespmem:$0x1EC70];
	v33 =	vadd.s32 v27, v45;
	_ =	sdelay $0x3  }
0xe6: {  	[tilespmem:$0x1F160] =	vst v32  }
0xe7: {  	v49 =	vshll.u32 v48, $0x7;
	v32 =	vld.idx.msk [tilespmem:v33+s2+$0x0], $0xffff  }
0xe8: {  	v34 =	vor.u32 v28, v49;
	_ =	sdelay $0x3  }
0xe9: {  	[tilespmem:$0x1F1E0] =	vst v32  }
0xea: {  	v32 =	vld.idx.msk [tilespmem:v34+s2+$0x0], $0xffff  }
0xeb: {  	v50 =	vadd.s32 v29, v49;
	_ =	sdelay $0x3  }
0xec: {  	[tilespmem:$0x1F070] =	vst v32  }
0xed: {  	v32 =	vld.idx.msk [tilespmem:v50+s2+$0x0], $0xffff  }
0xee: {  	v51 =	vadd.s32 v30, v49;
	_ =	sdelay $0x3  }
0xef: {  	[tilespmem:$0x1F0F0] =	vst v32  }
0xf0: {  	v32 =	vld.idx.msk [tilespmem:v51+s2+$0x0], $0xffff  }
0xf1: {  	v33 =	vadd.s32 v31, v49;
	_ =	sdelay $0x3  }
0xf2: {  	[tilespmem:$0x1F170] =	vst v32  }
0xf3: {  	v32 =	vld.idx.msk [tilespmem:v33+s2+$0x0], $0xffff;
	_ =	sdelay $0x4  }
0xf4: {  	s16 =	simm.s32 $0x1F000;
	s14 =	rddreg [dreg:$0xa];
	[tilespmem:$0x1F1F0] =	vst v32  }
0xf5: {  	[hbm4b:s14+s2] =	stream.linear.scatter [tilespmem:s16], [sflag:$0x4], $0x200, $0x38;
	[tilespmem:$0x1FC00] =	vst v63  }
0xf6: {  	s14 =	rddreg [dreg:$0xb]  }
0xf7: {  	[hbm4b:s14+s2] =	stream.linear.scatter [tilespmem:s1], [sflag:$0x4], $0x80, $0x38;
	[tilespmem:$0x1FC00] =	vst v63  }
0xf8: {  	_ = 	snop  }
0xf9: {  	[tilespmem:s2], [sflag:$0x1] =	stream.strided.gather [hbm4b:s12+s30], $0xA000, s31, s30, $0x38;
	[tilespmem:$0x1FC00] =	vst v63  }
0xfa: {  	s16 =	sadd.s32 $0xC4400, s12  }
0xfb: {  	[tilespmem:s0], [sflag:$0x1] =	stream.linear.gather [hbm4b:s16+s2], $0x200, $0x38;
	[tilespmem:$0x1FC00] =	vst v63  }
0xfc: {  	_ =	swait.ge [sflag:s10], $0xA200  }
0xfd: {  	[sflag:s10] =	ssyncset.done $0x0  }
0xfe: {  	[sflag:s10] =	ssyncadd.s32 $0xFFFF5E00  }
0xff: {  	v52 =	vld [tilespmem:$0x1EC80];
	_ =	sdelay $0x4  }
0x100: {  	v32 =	vshll.u32 v52, $0x7  }
0x101: {  	v53 =	vor.u32 v0, v32;
	_ =	sdelay $0x4  }
0x102: {  	v33 =	vld.idx.msk [tilespmem:v53+s6+$0x0], $0xffff  }
0x103: {  	v54 =	vadd.s32 v1, v32;
	_ =	sdelay $0x3  }
0x104: {  	[tilespmem:$0x1F200] =	vst v33  }
0x105: {  	v33 =	vld.idx.msk [tilespmem:v54+s6+$0x0], $0xffff  }
0x106: {  	v55 =	vadd.s32 v2, v32;
	_ =	sdelay $0x3  }
0x107: {  	[tilespmem:$0x1F280] =	vst v33  }
0x108: {  	v33 =	vld.idx.msk [tilespmem:v55+s6+$0x0], $0xffff  }
0x109: {  	v56 =	vld [tilespmem:$0x1EC90];
	v32 =	vadd.s32 v3, v32;
	_ =	sdelay $0x3  }
0x10a: {  	[tilespmem:$0x1F300] =	vst v33  }
0x10b: {  	v57 =	vshll.u32 v56, $0x7;
	v32 =	vld.idx.msk [tilespmem:v32+s6+$0x0], $0xffff  }
0x10c: {  	v34 =	vor.u32 v4, v57;
	_ =	sdelay $0x3  }
0x10d: {  	[tilespmem:$0x1F380] =	vst v32  }
0x10e: {  	v32 =	vld.idx.msk [tilespmem:v34+s6+$0x0], $0xffff  }
0x10f: {  	v58 =	vadd.s32 v5, v57;
	_ =	sdelay $0x3  }
0x110: {  	[tilespmem:$0x1F210] =	vst v32  }
0x111: {  	v32 =	vld.idx.msk [tilespmem:v58+s6+$0x0], $0xffff  }
0x112: {  	v59 =	vadd.s32 v6, v57;
	_ =	sdelay $0x3  }
0x113: {  	[tilespmem:$0x1F290] =	vst v32  }
0x114: {  	v32 =	vld.idx.msk [tilespmem:v59+s6+$0x0], $0xffff  }
0x115: {  	v60 =	vld [tilespmem:$0x1ECA0];
	v33 =	vadd.s32 v7, v57;
	_ =	sdelay $0x3  }
0x116: {  	[tilespmem:$0x1F310] =	vst v32  }
0x117: {  	v61 =	vshll.u32 v60, $0x7;
	v32 =	vld.idx.msk [tilespmem:v33+s6+$0x0], $0xffff  }
0x118: {  	v34 =	vor.u32 v8, v61;
	_ =	sdelay $0x3  }
0x119: {  	[tilespmem:$0x1F390] =	vst v32  }
0x11a: {  	v32 =	vld.idx.msk [tilespmem:v34+s6+$0x0], $0xffff  }
0x11b: {  	v62 =	vadd.s32 v9, v61;
	_ =	sdelay $0x3  }
0x11c: {  	[tilespmem:$0x1F220] =	vst v32  }
0x11d: {  	v32 =	vld.idx.msk [tilespmem:v62+s6+$0x0], $0xffff  }
0x11e: {  	v63 =	vadd.s32 v10, v61;
	_ =	sdelay $0x3  }
0x11f: {  	[tilespmem:$0x1F2A0] =	vst v32  }
0x120: {  	v32 =	vld.idx.msk [tilespmem:v63+s6+$0x0], $0xffff  }
0x121: {  	v36 =	vld [tilespmem:$0x1ECB0];
	v33 =	vadd.s32 v11, v61;
	_ =	sdelay $0x3  }
0x122: {  	[tilespmem:$0x1F320] =	vst v32  }
0x123: {  	v37 =	vshll.u32 v36, $0x7;
	v32 =	vld.idx.msk [tilespmem:v33+s6+$0x0], $0xffff  }
0x124: {  	v34 =	vor.u32 v12, v37;
	_ =	sdelay $0x3  }
0x125: {  	[tilespmem:$0x1F3A0] =	vst v32  }
0x126: {  	v32 =	vld.idx.msk [tilespmem:v34+s6+$0x0], $0xffff  }
0x127: {  	v38 =	vadd.s32 v13, v37;
	_ =	sdelay $0x3  }
0x128: {  	[tilespmem:$0x1F230] =	vst v32  }
0x129: {  	v32 =	vld.idx.msk [tilespmem:v38+s6+$0x0], $0xffff  }
0x12a: {  	v39 =	vadd.s32 v14, v37;
	_ =	sdelay $0x3  }
0x12b: {  	[tilespmem:$0x1F2B0] =	vst v32  }
0x12c: {  	v32 =	vld.idx.msk [tilespmem:v39+s6+$0x0], $0xffff  }
0x12d: {  	v40 =	vld [tilespmem:$0x1ECC0];
	v33 =	vadd.s32 v15, v37;
	_ =	sdelay $0x3  }
0x12e: {  	[tilespmem:$0x1F330] =	vst v32  }
0x12f: {  	v41 =	vshll.u32 v40, $0x7;
	v32 =	vld.idx.msk [tilespmem:v33+s6+$0x0], $0xffff  }
0x130: {  	v34 =	vor.u32 v16, v41;
	_ =	sdelay $0x3  }
0x131: {  	[tilespmem:$0x1F3B0] =	vst v32  }
0x132: {  	v32 =	vld.idx.msk [tilespmem:v34+s6+$0x0], $0xffff  }
0x133: {  	v42 =	vadd.s32 v17, v41;
	_ =	sdelay $0x3  }
0x134: {  	[tilespmem:$0x1F240] =	vst v32  }
0x135: {  	v32 =	vld.idx.msk [tilespmem:v42+s6+$0x0], $0xffff  }
0x136: {  	v43 =	vadd.s32 v18, v41;
	_ =	sdelay $0x3  }
0x137: {  	[tilespmem:$0x1F2C0] =	vst v32  }
0x138: {  	v32 =	vld.idx.msk [tilespmem:v43+s6+$0x0], $0xffff  }
0x139: {  	v44 =	vld [tilespmem:$0x1ECD0];
	v33 =	vadd.s32 v19, v41;
	_ =	sdelay $0x3  }
0x13a: {  	[tilespmem:$0x1F340] =	vst v32  }
0x13b: {  	v45 =	vshll.u32 v44, $0x7;
	v32 =	vld.idx.msk [tilespmem:v33+s6+$0x0], $0xffff  }
0x13c: {  	v34 =	vor.u32 v20, v45;
	_ =	sdelay $0x3  }
0x13d: {  	[tilespmem:$0x1F3C0] =	vst v32  }
0x13e: {  	v32 =	vld.idx.msk [tilespmem:v34+s6+$0x0], $0xffff  }
0x13f: {  	v46 =	vadd.s32 v21, v45;
	_ =	sdelay $0x3  }
0x140: {  	[tilespmem:$0x1F250] =	vst v32  }
0x141: {  	v32 =	vld.idx.msk [tilespmem:v46+s6+$0x0], $0xffff  }
0x142: {  	v47 =	vadd.s32 v22, v45;
	_ =	sdelay $0x3  }
0x143: {  	[tilespmem:$0x1F2D0] =	vst v32  }
0x144: {  	v32 =	vld.idx.msk [tilespmem:v47+s6+$0x0], $0xffff  }
0x145: {  	v48 =	vld [tilespmem:$0x1ECE0];
	v33 =	vadd.s32 v23, v45;
	_ =	sdelay $0x3  }
0x146: {  	[tilespmem:$0x1F350] =	vst v32  }
0x147: {  	v49 =	vshll.u32 v48, $0x7;
	v32 =	vld.idx.msk [tilespmem:v33+s6+$0x0], $0xffff  }
0x148: {  	v34 =	vor.u32 v24, v49;
	_ =	sdelay $0x3  }
0x149: {  	[tilespmem:$0x1F3D0] =	vst v32  }
0x14a: {  	v32 =	vld.idx.msk [tilespmem:v34+s6+$0x0], $0xffff  }
0x14b: {  	v50 =	vadd.s32 v25, v49;
	_ =	sdelay $0x3  }
0x14c: {  	[tilespmem:$0x1F260] =	vst v32  }
0x14d: {  	v32 =	vld.idx.msk [tilespmem:v50+s6+$0x0], $0xffff  }
0x14e: {  	v51 =	vadd.s32 v26, v49;
	_ =	sdelay $0x3  }
0x14f: {  	[tilespmem:$0x1F2E0] =	vst v32  }
0x150: {  	v32 =	vld.idx.msk [tilespmem:v51+s6+$0x0], $0xffff  }
0x151: {  	v52 =	vld [tilespmem:$0x1ECF0];
	v33 =	vadd.s32 v27, v49;
	_ =	sdelay $0x3  }
0x152: {  	[tilespmem:$0x1F360] =	vst v32  }
0x153: {  	v53 =	vshll.u32 v52, $0x7;
	v32 =	vld.idx.msk [tilespmem:v33+s6+$0x0], $0xffff  }
0x154: {  	v34 =	vor.u32 v28, v53;
	_ =	sdelay $0x3  }
0x155: {  	[tilespmem:$0x1F3E0] =	vst v32  }
0x156: {  	v32 =	vld.idx.msk [tilespmem:v34+s6+$0x0], $0xffff  }
0x157: {  	v54 =	vadd.s32 v29, v53;
	_ =	sdelay $0x3  }
0x158: {  	[tilespmem:$0x1F270] =	vst v32  }
0x159: {  	v32 =	vld.idx.msk [tilespmem:v54+s6+$0x0], $0xffff  }
0x15a: {  	v55 =	vadd.s32 v30, v53;
	_ =	sdelay $0x3  }
0x15b: {  	[tilespmem:$0x1F2F0] =	vst v32  }
0x15c: {  	v32 =	vld.idx.msk [tilespmem:v55+s6+$0x0], $0xffff  }
0x15d: {  	v33 =	vadd.s32 v31, v53;
	_ =	sdelay $0x3  }
0x15e: {  	[tilespmem:$0x1F370] =	vst v32  }
0x15f: {  	v32 =	vld.idx.msk [tilespmem:v33+s6+$0x0], $0xffff;
	_ =	sdelay $0x4  }
0x160: {  	s16 =	simm.s32 $0x1F200;
	s14 =	rddreg [dreg:$0xc];
	[tilespmem:$0x1F3F0] =	vst v32  }
0x161: {  	[hbm4b:s14+s2] =	stream.linear.scatter [tilespmem:s16], [sflag:$0x4], $0x200, $0x38;
	[tilespmem:$0x1FC00] =	vst v63  }
0x162: {  	s14 =	rddreg [dreg:$0xd]  }
0x163: {  	[hbm4b:s14+s2] =	stream.linear.scatter [tilespmem:s21], [sflag:$0x4], $0x80, $0x38;
	[tilespmem:$0x1FC00] =	vst v63  }
0x164: {  	_ = 	snop  }
0x165: {  	[tilespmem:s6], [sflag:$0x2] =	stream.strided.gather [hbm4b:s15+s30], $0xA000, s31, s30, $0x38;
	[tilespmem:$0x1FC00] =	vst v63  }
0x166: {  	s16 =	sadd.s32 $0xC4400, s15  }
0x167: {  	[tilespmem:s7], [sflag:$0x2] =	stream.linear.gather [hbm4b:s16+s2], $0x200, $0x38;
	[tilespmem:$0x1FC00] =	vst v63  }
0x168: {  	_ =	swait.ge [sflag:s8], $0xA200  }
0x169: {  	[sflag:s8] =	ssyncset.done $0x0  }
0x16a: {  	[sflag:s8] =	ssyncadd.s32 $0xFFFF5E00  }
0x16b: {  	v56 =	vld [tilespmem:$0x1ED00];
	_ =	sdelay $0x4  }
0x16c: {  	v32 =	vshll.u32 v56, $0x7  }
0x16d: {  	v57 =	vor.u32 v0, v32;
	_ =	sdelay $0x4  }
0x16e: {  	v33 =	vld.idx.msk [tilespmem:v57+s2+$0x0], $0xffff  }
0x16f: {  	v58 =	vadd.s32 v1, v32;
	_ =	sdelay $0x3  }
0x170: {  	[tilespmem:$0x1F400] =	vst v33  }
0x171: {  	v33 =	vld.idx.msk [tilespmem:v58+s2+$0x0], $0xffff  }
0x172: {  	v59 =	vadd.s32 v2, v32;
	_ =	sdelay $0x3  }
0x173: {  	[tilespmem:$0x1F480] =	vst v33  }
0x174: {  	v33 =	vld.idx.msk [tilespmem:v59+s2+$0x0], $0xffff  }
0x175: {  	v60 =	vld [tilespmem:$0x1ED10];
	v32 =	vadd.s32 v3, v32;
	_ =	sdelay $0x3  }
0x176: {  	[tilespmem:$0x1F500] =	vst v33  }
0x177: {  	v61 =	vshll.u32 v60, $0x7;
	v32 =	vld.idx.msk [tilespmem:v32+s2+$0x0], $0xffff  }
0x178: {  	v34 =	vor.u32 v4, v61;
	_ =	sdelay $0x3  }
0x179: {  	[tilespmem:$0x1F580] =	vst v32  }
0x17a: {  	v32 =	vld.idx.msk [tilespmem:v34+s2+$0x0], $0xffff  }
0x17b: {  	v62 =	vadd.s32 v5, v61;
	_ =	sdelay $0x3  }
0x17c: {  	[tilespmem:$0x1F410] =	vst v32  }
0x17d: {  	v32 =	vld.idx.msk [tilespmem:v62+s2+$0x0], $0xffff  }
0x17e: {  	v63 =	vadd.s32 v6, v61;
	_ =	sdelay $0x3  }
0x17f: {  	[tilespmem:$0x1F490] =	vst v32  }
0x180: {  	v32 =	vld.idx.msk [tilespmem:v63+s2+$0x0], $0xffff  }
0x181: {  	v36 =	vld [tilespmem:$0x1ED20];
	v33 =	vadd.s32 v7, v61;
	_ =	sdelay $0x3  }
0x182: {  	[tilespmem:$0x1F510] =	vst v32  }
0x183: {  	v37 =	vshll.u32 v36, $0x7;
	v32 =	vld.idx.msk [tilespmem:v33+s2+$0x0], $0xffff  }
0x184: {  	v34 =	vor.u32 v8, v37;
	_ =	sdelay $0x3  }
0x185: {  	[tilespmem:$0x1F590] =	vst v32  }
0x186: {  	v32 =	vld.idx.msk [tilespmem:v34+s2+$0x0], $0xffff  }
0x187: {  	v38 =	vadd.s32 v9, v37;
	_ =	sdelay $0x3  }
0x188: {  	[tilespmem:$0x1F420] =	vst v32  }
0x189: {  	v32 =	vld.idx.msk [tilespmem:v38+s2+$0x0], $0xffff  }
0x18a: {  	v39 =	vadd.s32 v10, v37;
	_ =	sdelay $0x3  }
0x18b: {  	[tilespmem:$0x1F4A0] =	vst v32  }
0x18c: {  	v32 =	vld.idx.msk [tilespmem:v39+s2+$0x0], $0xffff  }
0x18d: {  	v40 =	vld [tilespmem:$0x1ED30];
	v33 =	vadd.s32 v11, v37;
	_ =	sdelay $0x3  }
0x18e: {  	[tilespmem:$0x1F520] =	vst v32  }
0x18f: {  	v41 =	vshll.u32 v40, $0x7;
	v32 =	vld.idx.msk [tilespmem:v33+s2+$0x0], $0xffff  }
0x190: {  	v34 =	vor.u32 v12, v41;
	_ =	sdelay $0x3  }
0x191: {  	[tilespmem:$0x1F5A0] =	vst v32  }
0x192: {  	v32 =	vld.idx.msk [tilespmem:v34+s2+$0x0], $0xffff  }
0x193: {  	v42 =	vadd.s32 v13, v41;
	_ =	sdelay $0x3  }
0x194: {  	[tilespmem:$0x1F430] =	vst v32  }
0x195: {  	v32 =	vld.idx.msk [tilespmem:v42+s2+$0x0], $0xffff  }
0x196: {  	v43 =	vadd.s32 v14, v41;
	_ =	sdelay $0x3  }
0x197: {  	[tilespmem:$0x1F4B0] =	vst v32  }
0x198: {  	v32 =	vld.idx.msk [tilespmem:v43+s2+$0x0], $0xffff  }
0x199: {  	v44 =	vld [tilespmem:$0x1ED40];
	v33 =	vadd.s32 v15, v41;
	_ =	sdelay $0x3  }
0x19a: {  	[tilespmem:$0x1F530] =	vst v32  }
0x19b: {  	v45 =	vshll.u32 v44, $0x7;
	v32 =	vld.idx.msk [tilespmem:v33+s2+$0x0], $0xffff  }
0x19c: {  	v34 =	vor.u32 v16, v45;
	_ =	sdelay $0x3  }
0x19d: {  	[tilespmem:$0x1F5B0] =	vst v32  }
0x19e: {  	v32 =	vld.idx.msk [tilespmem:v34+s2+$0x0], $0xffff  }
0x19f: {  	v46 =	vadd.s32 v17, v45;
	_ =	sdelay $0x3  }
0x1a0: {  	[tilespmem:$0x1F440] =	vst v32  }
0x1a1: {  	v32 =	vld.idx.msk [tilespmem:v46+s2+$0x0], $0xffff  }
0x1a2: {  	v47 =	vadd.s32 v18, v45;
	_ =	sdelay $0x3  }
0x1a3: {  	[tilespmem:$0x1F4C0] =	vst v32  }
0x1a4: {  	v32 =	vld.idx.msk [tilespmem:v47+s2+$0x0], $0xffff  }
0x1a5: {  	v48 =	vld [tilespmem:$0x1ED50];
	v33 =	vadd.s32 v19, v45;
	_ =	sdelay $0x3  }
0x1a6: {  	[tilespmem:$0x1F540] =	vst v32  }
0x1a7: {  	v49 =	vshll.u32 v48, $0x7;
	v32 =	vld.idx.msk [tilespmem:v33+s2+$0x0], $0xffff  }
0x1a8: {  	v34 =	vor.u32 v20, v49;
	_ =	sdelay $0x3  }
0x1a9: {  	[tilespmem:$0x1F5C0] =	vst v32  }
0x1aa: {  	v32 =	vld.idx.msk [tilespmem:v34+s2+$0x0], $0xffff  }
0x1ab: {  	v50 =	vadd.s32 v21, v49;
	_ =	sdelay $0x3  }
0x1ac: {  	[tilespmem:$0x1F450] =	vst v32  }
0x1ad: {  	v32 =	vld.idx.msk [tilespmem:v50+s2+$0x0], $0xffff  }
0x1ae: {  	v51 =	vadd.s32 v22, v49;
	_ =	sdelay $0x3  }
0x1af: {  	[tilespmem:$0x1F4D0] =	vst v32  }
0x1b0: {  	v32 =	vld.idx.msk [tilespmem:v51+s2+$0x0], $0xffff  }
0x1b1: {  	v52 =	vld [tilespmem:$0x1ED60];
	v33 =	vadd.s32 v23, v49;
	_ =	sdelay $0x3  }
0x1b2: {  	[tilespmem:$0x1F550] =	vst v32  }
0x1b3: {  	v53 =	vshll.u32 v52, $0x7;
	v32 =	vld.idx.msk [tilespmem:v33+s2+$0x0], $0xffff  }
0x1b4: {  	v34 =	vor.u32 v24, v53;
	_ =	sdelay $0x3  }
0x1b5: {  	[tilespmem:$0x1F5D0] =	vst v32  }
0x1b6: {  	v32 =	vld.idx.msk [tilespmem:v34+s2+$0x0], $0xffff  }
0x1b7: {  	v54 =	vadd.s32 v25, v53;
	_ =	sdelay $0x3  }
0x1b8: {  	[tilespmem:$0x1F460] =	vst v32  }
0x1b9: {  	v32 =	vld.idx.msk [tilespmem:v54+s2+$0x0], $0xffff  }
0x1ba: {  	v55 =	vadd.s32 v26, v53;
	_ =	sdelay $0x3  }
0x1bb: {  	[tilespmem:$0x1F4E0] =	vst v32  }
0x1bc: {  	v32 =	vld.idx.msk [tilespmem:v55+s2+$0x0], $0xffff  }
0x1bd: {  	v56 =	vld [tilespmem:$0x1ED70];
	v33 =	vadd.s32 v27, v53;
	_ =	sdelay $0x3  }
0x1be: {  	[tilespmem:$0x1F560] =	vst v32  }
0x1bf: {  	v57 =	vshll.u32 v56, $0x7;
	v32 =	vld.idx.msk [tilespmem:v33+s2+$0x0], $0xffff  }
0x1c0: {  	v34 =	vor.u32 v28, v57;
	_ =	sdelay $0x3  }
0x1c1: {  	[tilespmem:$0x1F5E0] =	vst v32  }
0x1c2: {  	v32 =	vld.idx.msk [tilespmem:v34+s2+$0x0], $0xffff  }
0x1c3: {  	v58 =	vadd.s32 v29, v57;
	_ =	sdelay $0x3  }
0x1c4: {  	[tilespmem:$0x1F470] =	vst v32  }
0x1c5: {  	v32 =	vld.idx.msk [tilespmem:v58+s2+$0x0], $0xffff  }
0x1c6: {  	v59 =	vadd.s32 v30, v57;
	_ =	sdelay $0x3  }
0x1c7: {  	[tilespmem:$0x1F4F0] =	vst v32  }
0x1c8: {  	v32 =	vld.idx.msk [tilespmem:v59+s2+$0x0], $0xffff  }
0x1c9: {  	v33 =	vadd.s32 v31, v57;
	_ =	sdelay $0x3  }
0x1ca: {  	[tilespmem:$0x1F570] =	vst v32  }
0x1cb: {  	v32 =	vld.idx.msk [tilespmem:v33+s2+$0x0], $0xffff;
	_ =	sdelay $0x4  }
0x1cc: {  	s16 =	simm.s32 $0x1F400;
	s14 =	rddreg [dreg:$0xe];
	[tilespmem:$0x1F5F0] =	vst v32  }
0x1cd: {  	[hbm4b:s14+s2] =	stream.linear.scatter [tilespmem:s16], [sflag:$0x4], $0x200, $0x38;
	[tilespmem:$0x1FC00] =	vst v63  }
0x1ce: {  	s14 =	rddreg [dreg:$0xf]  }
0x1cf: {  	[hbm4b:s14+s2] =	stream.linear.scatter [tilespmem:s22], [sflag:$0x4], $0x80, $0x38;
	[tilespmem:$0x1FC00] =	vst v63  }
0x1d0: {  	s13 =	simm.s32 @!p1 $0x400;
	s14 =	simm.s32 @!p1 $0x27400  }
0x1d1: {  	[tilespmem:s11], [sflag:$0x1] =	stream.strided.gather @!p1 [hbm4b:s18+s13], $0xA000, s14, s13, $0x38;
	[tilespmem:$0x1FC00] =	vst v63  }
0x1d2: {  	s13 =	sadd.s32 @!p1 $0xC4400, s18;
	s14 =	simm.s32 @!p1 $0xA000  }
0x1d3: {  	[tilespmem:s14], [sflag:$0x1] =	stream.linear.gather @!p1 [hbm4b:s13+s11], $0x200, $0x38;
	[tilespmem:$0x1FC00] =	vst v63  }
0x1d4: {  	_ =	swait.ge [sflag:s10], $0xA200  }
0x1d5: {  	[sflag:s10] =	ssyncset.done $0x0  }
0x1d6: {  	[sflag:s10] =	ssyncadd.s32 $0xFFFF5E00  }
0x1d7: {  	v60 =	vld [tilespmem:$0x1ED80];
	_ =	sdelay $0x4  }
0x1d8: {  	v32 =	vshll.u32 v60, $0x7  }
0x1d9: {  	v61 =	vor.u32 v0, v32;
	_ =	sdelay $0x4  }
0x1da: {  	v33 =	vld.idx.msk [tilespmem:v61+s6+$0x0], $0xffff  }
0x1db: {  	v62 =	vadd.s32 v1, v32;
	_ =	sdelay $0x3  }
0x1dc: {  	[tilespmem:$0x1F600] =	vst v33  }
0x1dd: {  	v33 =	vld.idx.msk [tilespmem:v62+s6+$0x0], $0xffff  }
0x1de: {  	v63 =	vadd.s32 v2, v32;
	_ =	sdelay $0x3  }
0x1df: {  	[tilespmem:$0x1F680] =	vst v33  }
0x1e0: {  	v33 =	vld.idx.msk [tilespmem:v63+s6+$0x0], $0xffff  }
0x1e1: {  	v36 =	vld [tilespmem:$0x1ED90];
	v32 =	vadd.s32 v3, v32;
	_ =	sdelay $0x3  }
0x1e2: {  	[tilespmem:$0x1F700] =	vst v33  }
0x1e3: {  	v37 =	vshll.u32 v36, $0x7;
	v32 =	vld.idx.msk [tilespmem:v32+s6+$0x0], $0xffff  }
0x1e4: {  	v34 =	vor.u32 v4, v37;
	_ =	sdelay $0x3  }
0x1e5: {  	[tilespmem:$0x1F780] =	vst v32  }
0x1e6: {  	v32 =	vld.idx.msk [tilespmem:v34+s6+$0x0], $0xffff  }
0x1e7: {  	v38 =	vadd.s32 v5, v37;
	_ =	sdelay $0x3  }
0x1e8: {  	[tilespmem:$0x1F610] =	vst v32  }
0x1e9: {  	v32 =	vld.idx.msk [tilespmem:v38+s6+$0x0], $0xffff  }
0x1ea: {  	v39 =	vadd.s32 v6, v37;
	_ =	sdelay $0x3  }
0x1eb: {  	[tilespmem:$0x1F690] =	vst v32  }
0x1ec: {  	v32 =	vld.idx.msk [tilespmem:v39+s6+$0x0], $0xffff  }
0x1ed: {  	v40 =	vld [tilespmem:$0x1EDA0];
	v33 =	vadd.s32 v7, v37;
	_ =	sdelay $0x3  }
0x1ee: {  	[tilespmem:$0x1F710] =	vst v32  }
0x1ef: {  	v41 =	vshll.u32 v40, $0x7;
	v32 =	vld.idx.msk [tilespmem:v33+s6+$0x0], $0xffff  }
0x1f0: {  	v34 =	vor.u32 v8, v41;
	_ =	sdelay $0x3  }
0x1f1: {  	[tilespmem:$0x1F790] =	vst v32  }
0x1f2: {  	v32 =	vld.idx.msk [tilespmem:v34+s6+$0x0], $0xffff  }
0x1f3: {  	v42 =	vadd.s32 v9, v41;
	_ =	sdelay $0x3  }
0x1f4: {  	[tilespmem:$0x1F620] =	vst v32  }
0x1f5: {  	v32 =	vld.idx.msk [tilespmem:v42+s6+$0x0], $0xffff  }
0x1f6: {  	v43 =	vadd.s32 v10, v41;
	_ =	sdelay $0x3  }
0x1f7: {  	[tilespmem:$0x1F6A0] =	vst v32  }
0x1f8: {  	v32 =	vld.idx.msk [tilespmem:v43+s6+$0x0], $0xffff  }
0x1f9: {  	v44 =	vld [tilespmem:$0x1EDB0];
	v33 =	vadd.s32 v11, v41;
	_ =	sdelay $0x3  }
0x1fa: {  	[tilespmem:$0x1F720] =	vst v32  }
0x1fb: {  	v45 =	vshll.u32 v44, $0x7;
	v32 =	vld.idx.msk [tilespmem:v33+s6+$0x0], $0xffff  }
0x1fc: {  	v34 =	vor.u32 v12, v45;
	_ =	sdelay $0x3  }
0x1fd: {  	[tilespmem:$0x1F7A0] =	vst v32  }
0x1fe: {  	v32 =	vld.idx.msk [tilespmem:v34+s6+$0x0], $0xffff  }
0x1ff: {  	v46 =	vadd.s32 v13, v45;
	_ =	sdelay $0x3  }
0x200: {  	[tilespmem:$0x1F630] =	vst v32  }
0x201: {  	v32 =	vld.idx.msk [tilespmem:v46+s6+$0x0], $0xffff  }
0x202: {  	v47 =	vadd.s32 v14, v45;
	_ =	sdelay $0x3  }
0x203: {  	[tilespmem:$0x1F6B0] =	vst v32  }
0x204: {  	v32 =	vld.idx.msk [tilespmem:v47+s6+$0x0], $0xffff  }
0x205: {  	v48 =	vld [tilespmem:$0x1EDC0];
	v33 =	vadd.s32 v15, v45;
	_ =	sdelay $0x3  }
0x206: {  	[tilespmem:$0x1F730] =	vst v32  }
0x207: {  	v49 =	vshll.u32 v48, $0x7;
	v32 =	vld.idx.msk [tilespmem:v33+s6+$0x0], $0xffff  }
0x208: {  	v34 =	vor.u32 v16, v49;
	_ =	sdelay $0x3  }
0x209: {  	[tilespmem:$0x1F7B0] =	vst v32  }
0x20a: {  	v32 =	vld.idx.msk [tilespmem:v34+s6+$0x0], $0xffff  }
0x20b: {  	v50 =	vadd.s32 v17, v49;
	_ =	sdelay $0x3  }
0x20c: {  	[tilespmem:$0x1F640] =	vst v32  }
0x20d: {  	v32 =	vld.idx.msk [tilespmem:v50+s6+$0x0], $0xffff  }
0x20e: {  	v51 =	vadd.s32 v18, v49;
	_ =	sdelay $0x3  }
0x20f: {  	[tilespmem:$0x1F6C0] =	vst v32  }
0x210: {  	v32 =	vld.idx.msk [tilespmem:v51+s6+$0x0], $0xffff  }
0x211: {  	v52 =	vld [tilespmem:$0x1EDD0];
	v33 =	vadd.s32 v19, v49;
	_ =	sdelay $0x3  }
0x212: {  	[tilespmem:$0x1F740] =	vst v32  }
0x213: {  	v53 =	vshll.u32 v52, $0x7;
	v32 =	vld.idx.msk [tilespmem:v33+s6+$0x0], $0xffff  }
0x214: {  	v34 =	vor.u32 v20, v53;
	_ =	sdelay $0x3  }
0x215: {  	[tilespmem:$0x1F7C0] =	vst v32  }
0x216: {  	v32 =	vld.idx.msk [tilespmem:v34+s6+$0x0], $0xffff  }
0x217: {  	v54 =	vadd.s32 v21, v53;
	_ =	sdelay $0x3  }
0x218: {  	[tilespmem:$0x1F650] =	vst v32  }
0x219: {  	v32 =	vld.idx.msk [tilespmem:v54+s6+$0x0], $0xffff  }
0x21a: {  	v55 =	vadd.s32 v22, v53;
	_ =	sdelay $0x3  }
0x21b: {  	[tilespmem:$0x1F6D0] =	vst v32  }
0x21c: {  	v32 =	vld.idx.msk [tilespmem:v55+s6+$0x0], $0xffff  }
0x21d: {  	v56 =	vld [tilespmem:$0x1EDE0];
	v33 =	vadd.s32 v23, v53;
	_ =	sdelay $0x3  }
0x21e: {  	[tilespmem:$0x1F750] =	vst v32  }
0x21f: {  	v57 =	vshll.u32 v56, $0x7;
	v32 =	vld.idx.msk [tilespmem:v33+s6+$0x0], $0xffff  }
0x220: {  	v34 =	vor.u32 v24, v57;
	_ =	sdelay $0x3  }
0x221: {  	[tilespmem:$0x1F7D0] =	vst v32  }
0x222: {  	v32 =	vld.idx.msk [tilespmem:v34+s6+$0x0], $0xffff  }
0x223: {  	v58 =	vadd.s32 v25, v57;
	_ =	sdelay $0x3  }
0x224: {  	[tilespmem:$0x1F660] =	vst v32  }
0x225: {  	v32 =	vld.idx.msk [tilespmem:v58+s6+$0x0], $0xffff  }
0x226: {  	v59 =	vadd.s32 v26, v57;
	_ =	sdelay $0x3  }
0x227: {  	[tilespmem:$0x1F6E0] =	vst v32  }
0x228: {  	v32 =	vld.idx.msk [tilespmem:v59+s6+$0x0], $0xffff  }
0x229: {  	v60 =	vld [tilespmem:$0x1EDF0];
	v33 =	vadd.s32 v27, v57;
	_ =	sdelay $0x3  }
0x22a: {  	[tilespmem:$0x1F760] =	vst v32  }
0x22b: {  	v61 =	vshll.u32 v60, $0x7;
	v32 =	vld.idx.msk [tilespmem:v33+s6+$0x0], $0xffff  }
0x22c: {  	v34 =	vor.u32 v28, v61;
	_ =	sdelay $0x3  }
0x22d: {  	[tilespmem:$0x1F7E0] =	vst v32  }
0x22e: {  	v32 =	vld.idx.msk [tilespmem:v34+s6+$0x0], $0xffff  }
0x22f: {  	v62 =	vadd.s32 v29, v61;
	_ =	sdelay $0x3  }
0x230: {  	[tilespmem:$0x1F670] =	vst v32  }
0x231: {  	v32 =	vld.idx.msk [tilespmem:v62+s6+$0x0], $0xffff  }
0x232: {  	v63 =	vadd.s32 v30, v61;
	_ =	sdelay $0x3  }
0x233: {  	[tilespmem:$0x1F6F0] =	vst v32  }
0x234: {  	v32 =	vld.idx.msk [tilespmem:v63+s6+$0x0], $0xffff  }
0x235: {  	v33 =	vadd.s32 v31, v61;
	_ =	sdelay $0x3  }
0x236: {  	[tilespmem:$0x1F770] =	vst v32  }
0x237: {  	v32 =	vld.idx.msk [tilespmem:v33+s6+$0x0], $0xffff;
	_ =	sdelay $0x3  }
.Ltmp2:
0x238: {  	_ = 	snop;
	(pc) =	sbr.rel @p1 .LBB2_3-.Ltmp2, $4  }
0x239: {  	s16 =	simm.s32 $0x1F600;
	[tilespmem:$0x1F7F0] =	vst v32  }
0x23a: {  	[hbm4b:s19+s2] =	stream.linear.scatter [tilespmem:s16], [sflag:$0x4], $0x200, $0x38;
	[tilespmem:$0x1FC00] =	vst v63  }
0x23b: {  	_ = 	snop  }
0x23c: {  	[hbm4b:s20+s2] =	stream.linear.scatter [tilespmem:s4], [sflag:$0x4], $0x80, $0x38;
	[tilespmem:$0x1FC00] =	vst v63  }
0x23d: {  	_ =	swait.ge [sflag:s8], $0xA200  }
0x23e: {  	[sflag:s8] =	ssyncset.done $0x0  }
0x23f: {  	[sflag:s8] =	ssyncadd.s32 $0xFFFF5E00  }
0x240: {  	v32 =	vld [tilespmem:$0x1EE00];
	_ =	sdelay $0x4  }
0x241: {  	v32 =	vshll.u32 v32, $0x7  }
0x242: {  	v33 =	vor.u32 v0, v32;
	_ =	sdelay $0x4  }
0x243: {  	v33 =	vld.idx.msk [tilespmem:v33+s2+$0x0], $0xffff  }
0x244: {  	v34 =	vadd.s32 v1, v32;
	_ =	sdelay $0x3  }
0x245: {  	[tilespmem:$0x1F800] =	vst v33  }
0x246: {  	v33 =	vld.idx.msk [tilespmem:v34+s2+$0x0], $0xffff  }
0x247: {  	v63 =	vadd.s32 v2, v32;
	_ =	sdelay $0x3  }
0x248: {  	[tilespmem:$0x1F880] =	vst v33  }
0x249: {  	v33 =	vld.idx.msk [tilespmem:v63+s2+$0x0], $0xffff  }
0x24a: {  	v36 =	vld [tilespmem:$0x1EE10];
	v32 =	vadd.s32 v3, v32;
	_ =	sdelay $0x3  }
0x24b: {  	[tilespmem:$0x1F900] =	vst v33  }
0x24c: {  	v37 =	vshll.u32 v36, $0x7;
	v32 =	vld.idx.msk [tilespmem:v32+s2+$0x0], $0xffff  }
0x24d: {  	v34 =	vor.u32 v4, v37;
	_ =	sdelay $0x3  }
0x24e: {  	[tilespmem:$0x1F980] =	vst v32  }
0x24f: {  	v32 =	vld.idx.msk [tilespmem:v34+s2+$0x0], $0xffff  }
0x250: {  	v38 =	vadd.s32 v5, v37;
	_ =	sdelay $0x3  }
0x251: {  	[tilespmem:$0x1F810] =	vst v32  }
0x252: {  	v32 =	vld.idx.msk [tilespmem:v38+s2+$0x0], $0xffff  }
0x253: {  	v39 =	vadd.s32 v6, v37;
	_ =	sdelay $0x3  }
0x254: {  	[tilespmem:$0x1F890] =	vst v32  }
0x255: {  	v32 =	vld.idx.msk [tilespmem:v39+s2+$0x0], $0xffff  }
0x256: {  	v40 =	vld [tilespmem:$0x1EE20];
	v33 =	vadd.s32 v7, v37;
	_ =	sdelay $0x3  }
0x257: {  	[tilespmem:$0x1F910] =	vst v32  }
0x258: {  	v41 =	vshll.u32 v40, $0x7;
	v32 =	vld.idx.msk [tilespmem:v33+s2+$0x0], $0xffff  }
0x259: {  	v34 =	vor.u32 v8, v41;
	_ =	sdelay $0x3  }
0x25a: {  	[tilespmem:$0x1F990] =	vst v32  }
0x25b: {  	v32 =	vld.idx.msk [tilespmem:v34+s2+$0x0], $0xffff  }
0x25c: {  	v42 =	vadd.s32 v9, v41;
	_ =	sdelay $0x3  }
0x25d: {  	[tilespmem:$0x1F820] =	vst v32  }
0x25e: {  	v32 =	vld.idx.msk [tilespmem:v42+s2+$0x0], $0xffff  }
0x25f: {  	v43 =	vadd.s32 v10, v41;
	_ =	sdelay $0x3  }
0x260: {  	[tilespmem:$0x1F8A0] =	vst v32  }
0x261: {  	v32 =	vld.idx.msk [tilespmem:v43+s2+$0x0], $0xffff  }
0x262: {  	v44 =	vld [tilespmem:$0x1EE30];
	v33 =	vadd.s32 v11, v41;
	_ =	sdelay $0x3  }
0x263: {  	[tilespmem:$0x1F920] =	vst v32  }
0x264: {  	v45 =	vshll.u32 v44, $0x7;
	v32 =	vld.idx.msk [tilespmem:v33+s2+$0x0], $0xffff  }
0x265: {  	v34 =	vor.u32 v12, v45;
	_ =	sdelay $0x3  }
0x266: {  	[tilespmem:$0x1F9A0] =	vst v32  }
0x267: {  	v32 =	vld.idx.msk [tilespmem:v34+s2+$0x0], $0xffff  }
0x268: {  	v46 =	vadd.s32 v13, v45;
	_ =	sdelay $0x3  }
0x269: {  	[tilespmem:$0x1F830] =	vst v32  }
0x26a: {  	v32 =	vld.idx.msk [tilespmem:v46+s2+$0x0], $0xffff  }
0x26b: {  	v47 =	vadd.s32 v14, v45;
	_ =	sdelay $0x3  }
0x26c: {  	[tilespmem:$0x1F8B0] =	vst v32  }
0x26d: {  	v32 =	vld.idx.msk [tilespmem:v47+s2+$0x0], $0xffff  }
0x26e: {  	v48 =	vld [tilespmem:$0x1EE40];
	v33 =	vadd.s32 v15, v45;
	_ =	sdelay $0x3  }
0x26f: {  	[tilespmem:$0x1F930] =	vst v32  }
0x270: {  	v49 =	vshll.u32 v48, $0x7;
	v32 =	vld.idx.msk [tilespmem:v33+s2+$0x0], $0xffff  }
0x271: {  	v34 =	vor.u32 v16, v49;
	_ =	sdelay $0x3  }
0x272: {  	[tilespmem:$0x1F9B0] =	vst v32  }
0x273: {  	v32 =	vld.idx.msk [tilespmem:v34+s2+$0x0], $0xffff  }
0x274: {  	v50 =	vadd.s32 v17, v49;
	_ =	sdelay $0x3  }
0x275: {  	[tilespmem:$0x1F840] =	vst v32  }
0x276: {  	v32 =	vld.idx.msk [tilespmem:v50+s2+$0x0], $0xffff  }
0x277: {  	v51 =	vadd.s32 v18, v49;
	_ =	sdelay $0x3  }
0x278: {  	[tilespmem:$0x1F8C0] =	vst v32  }
0x279: {  	v32 =	vld.idx.msk [tilespmem:v51+s2+$0x0], $0xffff  }
0x27a: {  	v52 =	vld [tilespmem:$0x1EE50];
	v33 =	vadd.s32 v19, v49;
	_ =	sdelay $0x3  }
0x27b: {  	[tilespmem:$0x1F940] =	vst v32  }
0x27c: {  	v53 =	vshll.u32 v52, $0x7;
	v32 =	vld.idx.msk [tilespmem:v33+s2+$0x0], $0xffff  }
0x27d: {  	v34 =	vor.u32 v20, v53;
	_ =	sdelay $0x3  }
0x27e: {  	[tilespmem:$0x1F9C0] =	vst v32  }
0x27f: {  	v32 =	vld.idx.msk [tilespmem:v34+s2+$0x0], $0xffff  }
0x280: {  	v54 =	vadd.s32 v21, v53;
	_ =	sdelay $0x3  }
0x281: {  	[tilespmem:$0x1F850] =	vst v32  }
0x282: {  	v32 =	vld.idx.msk [tilespmem:v54+s2+$0x0], $0xffff  }
0x283: {  	v55 =	vadd.s32 v22, v53;
	_ =	sdelay $0x3  }
0x284: {  	[tilespmem:$0x1F8D0] =	vst v32  }
0x285: {  	v32 =	vld.idx.msk [tilespmem:v55+s2+$0x0], $0xffff  }
0x286: {  	v56 =	vld [tilespmem:$0x1EE60];
	v33 =	vadd.s32 v23, v53;
	_ =	sdelay $0x3  }
0x287: {  	[tilespmem:$0x1F950] =	vst v32  }
0x288: {  	v57 =	vshll.u32 v56, $0x7;
	v32 =	vld.idx.msk [tilespmem:v33+s2+$0x0], $0xffff  }
0x289: {  	v34 =	vor.u32 v24, v57;
	_ =	sdelay $0x3  }
0x28a: {  	[tilespmem:$0x1F9D0] =	vst v32  }
0x28b: {  	v32 =	vld.idx.msk [tilespmem:v34+s2+$0x0], $0xffff  }
0x28c: {  	v58 =	vadd.s32 v25, v57;
	_ =	sdelay $0x3  }
0x28d: {  	[tilespmem:$0x1F860] =	vst v32  }
0x28e: {  	v32 =	vld.idx.msk [tilespmem:v58+s2+$0x0], $0xffff  }
0x28f: {  	v59 =	vadd.s32 v26, v57;
	_ =	sdelay $0x3  }
0x290: {  	[tilespmem:$0x1F8E0] =	vst v32  }
0x291: {  	v32 =	vld.idx.msk [tilespmem:v59+s2+$0x0], $0xffff  }
0x292: {  	v60 =	vld [tilespmem:$0x1EE70];
	v33 =	vadd.s32 v27, v57;
	_ =	sdelay $0x3  }
0x293: {  	[tilespmem:$0x1F960] =	vst v32  }
0x294: {  	v61 =	vshll.u32 v60, $0x7;
	v32 =	vld.idx.msk [tilespmem:v33+s2+$0x0], $0xffff  }
0x295: {  	v34 =	vor.u32 v28, v61;
	_ =	sdelay $0x3  }
0x296: {  	[tilespmem:$0x1F9E0] =	vst v32  }
0x297: {  	v32 =	vld.idx.msk [tilespmem:v34+s2+$0x0], $0xffff  }
0x298: {  	v62 =	vadd.s32 v29, v61;
	_ =	sdelay $0x3  }
0x299: {  	[tilespmem:$0x1F870] =	vst v32  }
0x29a: {  	v32 =	vld.idx.msk [tilespmem:v62+s2+$0x0], $0xffff  }
0x29b: {  	v63 =	vadd.s32 v30, v61;
	_ =	sdelay $0x3  }
0x29c: {  	[tilespmem:$0x1F8F0] =	vst v32  }
0x29d: {  	v32 =	vld.idx.msk [tilespmem:v63+s2+$0x0], $0xffff  }
0x29e: {  	v33 =	vadd.s32 v31, v61;
	_ =	sdelay $0x3  }
0x29f: {  	[tilespmem:$0x1F970] =	vst v32  }
0x2a0: {  	v32 =	vld.idx.msk [tilespmem:v33+s2+$0x0], $0xffff;
	_ =	sdelay $0x3  }
.Ltmp3:
0x2a1: {  	_ = 	snop;
	(pc) =	sbr.rel .LBB2_3-.Ltmp3, $4  }
0x2a2: {  	s13 =	simm.s32 $0x1F800;
	s11 =	rddreg [dreg:$0x10];
	[tilespmem:$0x1F9F0] =	vst v32  }
0x2a3: {  	[hbm4b:s11+s2] =	stream.linear.scatter [tilespmem:s13], [sflag:$0x4], $0x200, $0x38;
	[tilespmem:$0x1FC00] =	vst v63  }
0x2a4: {  	s16 =	simm.s32 $0x1EE00;
	s14 =	rddreg [dreg:$0x11]  }
0x2a5: {  	[hbm4b:s14+s2] =	stream.linear.scatter [tilespmem:s16], [sflag:$0x4], $0x80, $0x38;
	[tilespmem:$0x1FC00] =	vst v63  }
.LBB2_4:
0x2a6: {  	_ =	sfence.sel $0x180000  }
0x2a7: {  	[bflag:$0x0] =	sbarrier.arrive $0xFFFF  }
0x2a8: {  	_ =	strace $0x90000047  }
0x2a9: {  	s0 =	stileid.u32;
	[bflag:$0x2] =	sbarrier.arrive $0xFFFF  }
0x2aa: {  	p0 =	sne.s32 s0, $0x0;
	s0 =	rddreg [dreg:$0x4]  }
0x2ab: {  	s0 =	sadd.s32 @!p0 $0x100000, s0  }
0x2ac: {  	[sflag:s0] =	ssyncadd.tile.s32 @!p0 $0x1;
	_ =	shalt  }
.Lfunc_end2:
_tile_overlayer_lowered:
.L_overlay_start_2:
0x2ad: {  	(tag) =	ssettag $0x2  }
0x2ae: {  	s0 =	rddreg [dreg:$0x0];
	s2 =	stileid.u32  }
0x2af: {  	s1 =	rddreg [dreg:$0x1];
	p0 =	sne.s32 s2, $0x0  }
0x2b0: {  	s3 =	rddreg [dreg:$0x2];
	[bflag:$0x3] =	sbarrier.arrive $0xFFFF;
	s2 =	simm.s32 @!p0 $0x1C05  }
0x2b1: {  	[timem:s3], [sflag:s2] =	dma.local @!p0 [hbm:s0], s1  }
0x2b2: {  	s0 =	simm.s32 @!p0 $0x5  }
0x2b3: {  	_ =	swait.ge @!p0 [sflag:s0], s1  }
0x2b4: {  	s1 =	ssub.s32 @!p0 $0x0, s1;
	[sflag:s0] =	ssyncset.done @!p0 $0x0  }
0x2b5: {  	[sflag:s0] =	ssyncadd.s32 @!p0 s1  }
0x2b6: {  	[bflag:$0x3] =	sbarrier.arrive $0xFFFF  }
0x2b7: {  	_ =	shalt  }

</sc_bundles>
